<compile_context>
chip_gen: v7x
topology: tpu7x:2x2x1
jax: 0.10.2.dev20260603
libtpu: 0.0.44.dev20260713+nightly
codegen_flags: <defaults>
</compile_context>

<pallas_src>
import functools

import jax
import jax.numpy as jnp
from jax import lax
from jax.experimental import pallas as pl
from jax.experimental.pallas import tpu as pltpu
from jax.experimental.pallas import tpu_sc as plsc

N = 10000
E = 640000
NUM_GRAPHS = 64

NC = 2
NS = 16
NWORK = NC * NS
NP = 10240
ROWS_PER_SUB = NP // NS
W = 80
K = 5
NCHUNK = E // W
CHUNKS_PER_WORKER = NCHUNK // NWORK
GROUPS_PER_WORKER = CHUNKS_PER_WORKER // K

_MESH = plsc.VectorSubcoreMesh(core_axis_name="c", subcore_axis_name="s")
_SC_PARAMS = pltpu.CompilerParams(use_tc_tiling_on_sc=False)


def _sc_seg_sum(feat, src_r, dst_r, zeros, d):

  @functools.partial(
      pl.kernel,
      out_type=jax.ShapeDtypeStruct((NC, NP, d), jnp.float32),
      mesh=_MESH,
      scratch_types=[
          pltpu.VMEM_SHARED((NP, d), jnp.float32),
          pltpu.VMEM((2, K, W), jnp.int32),
          pltpu.VMEM((2, K, W), jnp.int32),
          pltpu.VMEM((2, K, W, d), jnp.float32),
          pltpu.SemaphoreType.DMA,
          pltpu.SemaphoreType.DMA,
      ],
      compiler_params=_SC_PARAMS,
  )
  def k(feat_hbm, src_hbm, dst_hbm, z_hbm, agg_out, acc, sidx, didx, rows,
        gsem0, gsem1):
    cid = lax.axis_index("c")
    sid = lax.axis_index("s")
    wid = sid * NC + cid
    r0 = sid * ROWS_PER_SUB
    wbase = wid * CHUNKS_PER_WORKER
    gsems = (gsem0, gsem1)

    pltpu.sync_copy(z_hbm.at[pl.ds(r0, ROWS_PER_SUB)],
                    acc.at[pl.ds(r0, ROWS_PER_SUB)])
    plsc.subcore_barrier()

    def load_and_fire(buf, row0):
      pltpu.sync_copy(src_hbm.at[pl.ds(row0, K)], sidx.at[buf])
      pltpu.sync_copy(dst_hbm.at[pl.ds(row0, K)], didx.at[buf])
      for j in range(K):
        pltpu.async_copy(feat_hbm.at[sidx.at[buf, j]], rows.at[buf, j],
                         gsems[buf])

    def drain_and_scatter(buf):
      for j in range(K):
        pltpu.make_async_copy(feat_hbm.at[sidx.at[buf, j]], rows.at[buf, j],
                              gsems[buf]).wait()
        pltpu.sync_copy(rows.at[buf, j], acc.at[didx.at[buf, j]], add=True)

    for buf in range(2):
      load_and_fire(buf, wbase + buf * K)

    @pl.loop(0, GROUPS_PER_WORKER // 2 - 1)
    def _(t):
      for buf in range(2):
        drain_and_scatter(buf)
        load_and_fire(buf, wbase + (2 * t + buf + 2) * K)

    for buf in range(2):
      drain_and_scatter(buf)

    plsc.subcore_barrier()
    pltpu.sync_copy(acc.at[pl.ds(r0, ROWS_PER_SUB)],
                    agg_out.at[cid, pl.ds(r0, ROWS_PER_SUB)])

  return k(feat, src_r, dst_r, zeros)


def _leaky(h):
  return jnp.where(h > 0, h, 0.01 * h)


def _tc_mlp1(x, w1, b1, w2, b2):

  def body(x_ref, w1_ref, b1_ref, w2_ref, b2_ref, o_ref):
    h = jnp.dot(x_ref[...], w1_ref[...], preferred_element_type=jnp.float32)
    h = jnp.maximum(h + b1_ref[...], 0.0)
    h = jnp.dot(h, w2_ref[...], preferred_element_type=jnp.float32)
    h = _leaky(h + b2_ref[...])
    o_ref[...] = jnp.concatenate(
        [h, jnp.ones((N, 16), jnp.float32)], axis=1)

  return pl.pallas_call(
      body, out_shape=jax.ShapeDtypeStruct((N, 80), jnp.float32)
  )(x, w1, b1, w2, b2)


def _tc_mid(aggp, h1p, s1wl, s1bl, s1wr, s2wl):

  def body(aggp_ref, h1_ref, wl_ref, bl_ref, wr_ref, w2l_ref,
           h2_ref, g2_ref, inv_ref):
    deg = aggp_ref[0, :N, 64:65] + aggp_ref[1, :N, 64:65]
    inv = 1.0 / jnp.maximum(deg, 1.0)
    inv_ref[...] = inv
    agg = (aggp_ref[0, :N, :64] + aggp_ref[1, :N, :64]) * inv
    h2 = jnp.dot(agg, wl_ref[...], preferred_element_type=jnp.float32)
    h2 = h2 + bl_ref[...]
    h2 = h2 + jnp.dot(h1_ref[:, :64], wr_ref[...],
                      preferred_element_type=jnp.float32)
    h2 = _leaky(h2)
    h2_ref[...] = h2
    g2_ref[...] = jnp.dot(h2, w2l_ref[...], preferred_element_type=jnp.float32)

  return pl.pallas_call(
      body,
      out_shape=[
          jax.ShapeDtypeStruct((N, 128), jnp.float32),
          jax.ShapeDtypeStruct((N, 64), jnp.float32),
          jax.ShapeDtypeStruct((N, 1), jnp.float32),
      ],
  )(aggp, h1p, s1wl, s1bl, s1wr, s2wl)


def _tc_final(agg2p, inv, h2, s2bl, s2wr, l2w1, l2b1, l2w2, l2b2, batch_row):
  def body(agg2p_ref, inv_ref, h2_ref, bl_ref, wr_ref, w1_ref, b1_ref,
           w2_ref, b2_ref, batch_ref, o_ref):
    t = (agg2p_ref[0, :N, :] + agg2p_ref[1, :N, :]) * inv_ref[...]
    t = t + bl_ref[...]
    t = t + jnp.dot(h2_ref[...], wr_ref[...],
                    preferred_element_type=jnp.float32)
    t = _leaky(t)
    t = jnp.dot(t, w1_ref[...], preferred_element_type=jnp.float32)
    t = jnp.maximum(t + b1_ref[...], 0.0)
    t = jnp.dot(t, w2_ref[...], preferred_element_type=jnp.float32)
    t = t + b2_ref[...]
    onehot_t = (lax.broadcasted_iota(jnp.int32, (NUM_GRAPHS, N), 0)
                == batch_ref[...]).astype(jnp.float32)
    o_ref[...] = jnp.dot(onehot_t, t, preferred_element_type=jnp.float32)

  return pl.pallas_call(
      body,
      out_shape=jax.ShapeDtypeStruct((NUM_GRAPHS, 10), jnp.float32),
  )(agg2p, inv, h2, s2bl, s2wr, l2w1, l2b1, l2w2, l2b2, batch_row)


def kernel(x, edge_index, edge_weight, batch,
           l1w1, l1b1, l1w2, l1b2,
           s1wl, s1bl, s1wr,
           s2wl, s2bl, s2wr,
           l2w1, l2b1, l2w2, l2b2):
  src_r = edge_index[0].reshape(NCHUNK, W)
  dst_r = edge_index[1].reshape(NCHUNK, W)
  z80 = jnp.zeros((NP, 80), jnp.float32)
  z64 = jnp.zeros((NP, 64), jnp.float32)

  h1p = _tc_mlp1(x, l1w1, l1b1.reshape(1, -1), l1w2, l1b2.reshape(1, -1))
  aggp = _sc_seg_sum(h1p, src_r, dst_r, z80, 80)
  h2, g2, inv = _tc_mid(aggp, h1p, s1wl, s1bl.reshape(1, -1), s1wr, s2wl)
  agg2p = _sc_seg_sum(g2, src_r, dst_r, z64, 64)
  out = _tc_final(agg2p, inv, h2, s2bl.reshape(1, -1), s2wr,
                  l2w1, l2b1.reshape(1, -1), l2w2, l2b2.reshape(1, -1),
                  batch.reshape(1, N).astype(jnp.int32))
  return out

# --- scband reference (transcript-rebuilt; emitter-appended) ---
"""Pipeline reference for scband-gnnnet-65901978190155 (READ-ONLY COPY).

The authoritative reference and input builder live on the scoring server;
editing this copy changes nothing except your own understanding.
"""

import jax, jax.numpy as jnp
import numpy as np

N = 10000
E = 640000
F_IN = 128
NUM_CLASSES = 10
NUM_GRAPHS = 64


def _glorot(k, shape):
    fan_in, fan_out = shape[0], shape[1]
    lim = (6.0 / (fan_in + fan_out)) ** 0.5
    return jax.random.uniform(k, shape, jnp.float32, -lim, lim)


def setup_inputs(seed: int = 0) -> dict:
    key = jax.random.key(seed)
    ks = jax.random.split(key, 20)
    x = jax.random.normal(ks[0], (N, F_IN), dtype=jnp.float32)
    edge_index = jax.random.randint(ks[1], (2, E), 0, N, dtype=jnp.int32)
    edge_weight = jax.random.uniform(ks[2], (E,), dtype=jnp.float32)
    batch = jnp.sort(jax.random.randint(ks[3], (N,), 0, NUM_GRAPHS, dtype=jnp.int32))
    # lin_1: MLP([128, 32, 64])
    l1w1 = _glorot(ks[4], (F_IN, 32)); l1b1 = jnp.zeros((32,), jnp.float32)
    l1w2 = _glorot(ks[5], (32, 64)); l1b2 = jnp.zeros((64,), jnp.float32)
    # sage1: SAGEConv(64, 128): lin_l (aggregated, with bias), lin_r (root, no bias)
    s1wl = _glorot(ks[6], (64, 128)); s1bl = jnp.zeros((128,), jnp.float32)
    s1wr = _glorot(ks[7], (64, 128))
    # sage2: SAGEConv(128, 64)
    s2wl = _glorot(ks[8], (128, 64)); s2bl = jnp.zeros((64,), jnp.float32)
    s2wr = _glorot(ks[9], (128, 64))
    # lin_2: MLP([64, 32, 10])
    l2w1 = _glorot(ks[10], (64, 32)); l2b1 = jnp.zeros((32,), jnp.float32)
    l2w2 = _glorot(ks[11], (32, NUM_CLASSES)); l2b2 = jnp.zeros((NUM_CLASSES,), jnp.float32)
    return {
        'x': x, 'edge_index': edge_index, 'edge_weight': edge_weight, 'batch': batch,
        'l1w1': l1w1, 'l1b1': l1b1, 'l1w2': l1w2, 'l1b2': l1b2,
        's1wl': s1wl, 's1bl': s1bl, 's1wr': s1wr,
        's2wl': s2wl, 's2bl': s2bl, 's2wr': s2wr,
        'l2w1': l2w1, 'l2b1': l2b1, 'l2w2': l2w2, 'l2b2': l2b2,
    }


def reference(x, edge_index, edge_weight, batch,
              l1w1, l1b1, l1w2, l1b2,
              s1wl, s1bl, s1wr,
              s2wl, s2bl, s2wr,
              l2w1, l2b1, l2w2, l2b2):
    # edge_weight is accepted by the torch forward but unused
    def mlp(h, w1, b1, w2, b2):
        h = jnp.maximum(h @ w1 + b1, 0.0)  # Linear -> ReLU (BN at fresh running stats ~ identity in eval)
        return h @ w2 + b2                 # plain last layer

    def leaky_relu(h):
        return jnp.where(h > 0, h, 0.01 * h)

    src = edge_index[0]
    dst = edge_index[1]
    deg = jax.ops.segment_sum(jnp.ones((E,), jnp.float32), dst, num_segments=N)
    inv_deg = 1.0 / jnp.maximum(deg, 1.0)

    def sage(h, wl, bl, wr):
        msgs = h[src]                                   # gather from source nodes
        agg = jax.ops.segment_sum(msgs, dst, num_segments=N)  # scatter-add to dst
        agg = agg * inv_deg[:, None]                    # mean aggregation
        return agg @ wl + bl + h @ wr                   # lin_l(agg) + lin_r(x)

    h = mlp(x, l1w1, l1b1, l1w2, l1b2)
    h = leaky_relu(h)
    h = sage(h, s1wl, s1bl, s1wr)
    h = leaky_relu(h)
    # F.dropout(training=self.training) -> identity in eval mode
    h = sage(h, s2wl, s2bl, s2wr)
    h = leaky_relu(h)
    h = mlp(h, l2w1, l2b1, l2w2, l2b2)
    out = jax.ops.segment_sum(h, batch, num_segments=NUM_GRAPHS)  # global_add_pool
    return out

if __name__ == "__main__":
    import jax
    _d = setup_inputs()
    print(jax.jit(kernel)(*tuple(_d.values())))

</pallas_src>

<mosaic_0001>
#map = affine_map<(d0, d1) -> (0, 0)>
#map1 = affine_map<(d0, d1) -> (0, 0, 0)>
module attributes {stable_mosaic.version = 14 : i64} {
  func.func @k(%arg0: i32, %arg1: i32, %arg2: memref<10000x80xf32, #tpu.memory_space<hbm>>, %arg3: memref<8000x80xi32, #tpu.memory_space<hbm>>, %arg4: memref<8000x80xi32, #tpu.memory_space<hbm>>, %arg5: memref<10240x80xf32, #tpu.memory_space<hbm>>, %arg6: memref<2x10240x80xf32, #tpu.memory_space<hbm>>, %arg7: memref<10240x80xf32, #tpu.memory_space<vmem_shared>>, %arg8: memref<2x5x80xi32, #tpu.memory_space<vmem>>, %arg9: memref<2x5x80xi32, #tpu.memory_space<vmem>>, %arg10: memref<2x5x80x80xf32, #tpu.memory_space<vmem>>, %arg11: memref<!tpu.dma_semaphore, #tpu.memory_space<semaphore_mem>>, %arg12: memref<!tpu.dma_semaphore, #tpu.memory_space<semaphore_mem>>) attributes {dimension_semantics = [#tpu.dimension_semantics<core_parallel>, #tpu.dimension_semantics<subcore_parallel>], iteration_bounds = array<i64: 2, 16>, scalar_prefetch = 0 : i64, scratch_operands = 6 : i64, tpu.core_type = #tpu.core_type<sc_vector_subcore>, window_params = [{transform_indices = #map}, {transform_indices = #map}, {transform_indices = #map}, {transform_indices = #map}, {transform_indices = #map1}]} {
    %mul3A = arith.constant 2 : i32
    %mul3A_0 = arith.muli %arg1, %mul3A : i32
    %add3A = arith.addi %mul3A_0, %arg0 : i32
    %mul3A_1 = arith.constant 640 : i32
    %mul3A_2 = arith.muli %arg1, %mul3A_1 : i32
    %mul3A_3 = arith.constant 250 : i32
    %mul3A_4 = arith.muli %add3A, %mul3A_3 : i32
    "tpu.region"() ({
      %run_scoped3A_335 = tpu.sem_alloc : memref<!tpu.dma_semaphore, #tpu.memory_space<semaphore_mem>>
      %dma_start3A_336 = arith.constant 0 : i32
      %dma_start3A_337 = tpu.memref_slice %arg7[%mul3A_2, %dma_start3A_336] : memref<10240x80xf32, #tpu.memory_space<vmem_shared>> -> memref<640x80xf32, #tpu.memory_space<vmem_shared>>
      %dma_start3A_338 = arith.constant 0 : i32
      %dma_start3A_339 = tpu.memref_slice %arg5[%mul3A_2, %dma_start3A_338] : memref<10240x80xf32, #tpu.memory_space<hbm>> -> memref<640x80xf32, #tpu.memory_space<hbm>>
      tpu.enqueue_dma source(%dma_start3A_339 : memref<640x80xf32, #tpu.memory_space<hbm>>) target(%dma_start3A_337 : memref<640x80xf32, #tpu.memory_space<vmem_shared>>) target_semaphore(%run_scoped3A_335 : memref<!tpu.dma_semaphore, #tpu.memory_space<semaphore_mem>>)
      %dma_wait3A_340 = arith.constant 0 : i32
      %dma_wait3A_341 = tpu.memref_slice %arg7[%mul3A_2, %dma_wait3A_340] : memref<10240x80xf32, #tpu.memory_space<vmem_shared>> -> memref<640x80xf32, #tpu.memory_space<vmem_shared>>
      %dma_wait3A_342 = arith.constant 0 : i32
      %dma_wait3A_343 = tpu.memref_slice %arg5[%mul3A_2, %dma_wait3A_342] : memref<10240x80xf32, #tpu.memory_space<hbm>> -> memref<640x80xf32, #tpu.memory_space<hbm>>
      tpu.wait_dma2 semaphore(%run_scoped3A_335 : memref<!tpu.dma_semaphore, #tpu.memory_space<semaphore_mem>>) src(%dma_wait3A_343 : memref<640x80xf32, #tpu.memory_space<hbm>>) dst(%dma_wait3A_341 : memref<640x80xf32, #tpu.memory_space<vmem_shared>>)
      tpu.yield
    }) : () -> ()
    %barrier3A = arith.constant 0 : index
    tpu.barrier barrier_id(%barrier3A)
    %add3A_5 = arith.constant 0 : i32
    %add3A_6 = arith.addi %mul3A_4, %add3A_5 : i32
    %run_scoped3A = arith.constant 0 : i32
    "tpu.region"() ({
      %run_scoped3A_335 = tpu.sem_alloc : memref<!tpu.dma_semaphore, #tpu.memory_space<semaphore_mem>>
      %dma_start3A_336 = arith.constant 0 : i32
      %dma_start3A_337 = arith.constant 0 : i32
      %dma_start3A_338 = tpu.memref_slice %arg8[%run_scoped3A, %dma_start3A_336, %dma_start3A_337] : memref<2x5x80xi32, #tpu.memory_space<vmem>> -> memref<1x5x80xi32, #tpu.memory_space<vmem>>
      %dma_start3A_339 = tpu.memref_squeeze %dma_start3A_338 : memref<1x5x80xi32, #tpu.memory_space<vmem>> -> memref<5x80xi32, #tpu.memory_space<vmem>>
      %dma_start3A_340 = arith.constant 0 : i32
      %dma_start3A_341 = tpu.memref_slice %arg3[%add3A_6, %dma_start3A_340] : memref<8000x80xi32, #tpu.memory_space<hbm>> -> memref<5x80xi32, #tpu.memory_space<hbm>>
      %dma_start3A_342 = arith.constant 0 : i32
      %dma_start3A_343 = arith.constant 0 : i32
      %dma_start3A_344 = tpu.memref_slice %arg8[%run_scoped3A, %dma_start3A_342, %dma_start3A_343] : memref<2x5x80xi32, #tpu.memory_space<vmem>> -> memref<1x5x80xi32, #tpu.memory_space<vmem>>
      %dma_start3A_345 = tpu.memref_squeeze %dma_start3A_344 : memref<1x5x80xi32, #tpu.memory_space<vmem>> -> memref<5x80xi32, #tpu.memory_space<vmem>>
      %dma_start3A_346 = arith.constant 0 : i32
      %dma_start3A_347 = tpu.memref_slice %arg3[%add3A_6, %dma_start3A_346] : memref<8000x80xi32, #tpu.memory_space<hbm>> -> memref<5x80xi32, #tpu.memory_space<hbm>>
      tpu.enqueue_dma source(%dma_start3A_347 : memref<5x80xi32, #tpu.memory_space<hbm>>) target(%dma_start3A_345 : memref<5x80xi32, #tpu.memory_space<vmem>>) target_semaphore(%run_scoped3A_335 : memref<!tpu.dma_semaphore, #tpu.memory_space<semaphore_mem>>)
      %dma_wait3A_348 = arith.constant 0 : i32
      %dma_wait3A_349 = arith.constant 0 : i32
      %dma_wait3A_350 = tpu.memref_slice %arg8[%run_scoped3A, %dma_wait3A_348, %dma_wait3A_349] : memref<2x5x80xi32, #tpu.memory_space<vmem>> -> memref<1x5x80xi32, #tpu.memory_space<vmem>>
      %dma_wait3A_351 = tpu.memref_squeeze %dma_wait3A_350 : memref<1x5x80xi32, #tpu.memory_space<vmem>> -> memref<5x80xi32, #tpu.memory_space<vmem>>
      %dma_wait3A_352 = arith.constant 0 : i32
      %dma_wait3A_353 = tpu.memref_slice %arg3[%add3A_6, %dma_wait3A_352] : memref<8000x80xi32, #tpu.memory_space<hbm>> -> memref<5x80xi32, #tpu.memory_space<hbm>>
      %dma_wait3A_354 = arith.constant 0 : i32
      %dma_wait3A_355 = arith.constant 0 : i32
      %dma_wait3A_356 = tpu.memref_slice %arg8[%run_scoped3A, %dma_wait3A_354, %dma_wait3A_355] : memref<2x5x80xi32, #tpu.memory_space<vmem>> -> memref<1x5x80xi32, #tpu.memory_space<vmem>>
      %dma_wait3A_357 = tpu.memref_squeeze %dma_wait3A_356 : memref<1x5x80xi32, #tpu.memory_space<vmem>> -> memref<5x80xi32, #tpu.memory_space<vmem>>
      %dma_wait3A_358 = arith.constant 0 : i32
      %dma_wait3A_359 = tpu.memref_slice %arg3[%add3A_6, %dma_wait3A_358] : memref<8000x80xi32, #tpu.memory_space<hbm>> -> memref<5x80xi32, #tpu.memory_space<hbm>>
      tpu.wait_dma2 semaphore(%run_scoped3A_335 : memref<!tpu.dma_semaphore, #tpu.memory_space<semaphore_mem>>) src(%dma_wait3A_359 : memref<5x80xi32, #tpu.memory_space<hbm>>) dst(%dma_wait3A_357 : memref<5x80xi32, #tpu.memory_space<vmem>>)
      tpu.yield
    }) : () -> ()
    %run_scoped3A_7 = arith.constant 0 : i32
    "tpu.region"() ({
      %run_scoped3A_335 = tpu.sem_alloc : memref<!tpu.dma_semaphore, #tpu.memory_space<semaphore_mem>>
      %dma_start3A_336 = arith.constant 0 : i32
      %dma_start3A_337 = arith.constant 0 : i32
      %dma_start3A_338 = tpu.memref_slice %arg9[%run_scoped3A_7, %dma_start3A_336, %dma_start3A_337] : memref<2x5x80xi32, #tpu.memory_space<vmem>> -> memref<1x5x80xi32, #tpu.memory_space<vmem>>
      %dma_start3A_339 = tpu.memref_squeeze %dma_start3A_338 : memref<1x5x80xi32, #tpu.memory_space<vmem>> -> memref<5x80xi32, #tpu.memory_space<vmem>>
      %dma_start3A_340 = arith.constant 0 : i32
      %dma_start3A_341 = tpu.memref_slice %arg4[%add3A_6, %dma_start3A_340] : memref<8000x80xi32, #tpu.memory_space<hbm>> -> memref<5x80xi32, #tpu.memory_space<hbm>>
      %dma_start3A_342 = arith.constant 0 : i32
      %dma_start3A_343 = arith.constant 0 : i32
      %dma_start3A_344 = tpu.memref_slice %arg9[%run_scoped3A_7, %dma_start3A_342, %dma_start3A_343] : memref<2x5x80xi32, #tpu.memory_space<vmem>> -> memref<1x5x80xi32, #tpu.memory_space<vmem>>
      %dma_start3A_345 = tpu.memref_squeeze %dma_start3A_344 : memref<1x5x80xi32, #tpu.memory_space<vmem>> -> memref<5x80xi32, #tpu.memory_space<vmem>>
      %dma_start3A_346 = arith.constant 0 : i32
      %dma_start3A_347 = tpu.memref_slice %arg4[%add3A_6, %dma_start3A_346] : memref<8000x80xi32, #tpu.memory_space<hbm>> -> memref<5x80xi32, #tpu.memory_space<hbm>>
      tpu.enqueue_dma source(%dma_start3A_347 : memref<5x80xi32, #tpu.memory_space<hbm>>) target(%dma_start3A_345 : memref<5x80xi32, #tpu.memory_space<vmem>>) target_semaphore(%run_scoped3A_335 : memref<!tpu.dma_semaphore, #tpu.memory_space<semaphore_mem>>)
      %dma_wait3A_348 = arith.constant 0 : i32
      %dma_wait3A_349 = arith.constant 0 : i32
      %dma_wait3A_350 = tpu.memref_slice %arg9[%run_scoped3A_7, %dma_wait3A_348, %dma_wait3A_349] : memref<2x5x80xi32, #tpu.memory_space<vmem>> -> memref<1x5x80xi32, #tpu.memory_space<vmem>>
      %dma_wait3A_351 = tpu.memref_squeeze %dma_wait3A_350 : memref<1x5x80xi32, #tpu.memory_space<vmem>> -> memref<5x80xi32, #tpu.memory_space<vmem>>
      %dma_wait3A_352 = arith.constant 0 : i32
      %dma_wait3A_353 = tpu.memref_slice %arg4[%add3A_6, %dma_wait3A_352] : memref<8000x80xi32, #tpu.memory_space<hbm>> -> memref<5x80xi32, #tpu.memory_space<hbm>>
      %dma_wait3A_354 = arith.constant 0 : i32
      %dma_wait3A_355 = arith.constant 0 : i32
      %dma_wait3A_356 = tpu.memref_slice %arg9[%run_scoped3A_7, %dma_wait3A_354, %dma_wait3A_355] : memref<2x5x80xi32, #tpu.memory_space<vmem>> -> memref<1x5x80xi32, #tpu.memory_space<vmem>>
      %dma_wait3A_357 = tpu.memref_squeeze %dma_wait3A_356 : memref<1x5x80xi32, #tpu.memory_space<vmem>> -> memref<5x80xi32, #tpu.memory_space<vmem>>
      %dma_wait3A_358 = arith.constant 0 : i32
      %dma_wait3A_359 = tpu.memref_slice %arg4[%add3A_6, %dma_wait3A_358] : memref<8000x80xi32, #tpu.memory_space<hbm>> -> memref<5x80xi32, #tpu.memory_space<hbm>>
      tpu.wait_dma2 semaphore(%run_scoped3A_335 : memref<!tpu.dma_semaphore, #tpu.memory_space<semaphore_mem>>) src(%dma_wait3A_359 : memref<5x80xi32, #tpu.memory_space<hbm>>) dst(%dma_wait3A_357 : memref<5x80xi32, #tpu.memory_space<vmem>>)
      tpu.yield
    }) : () -> ()
    %dma_start3A = arith.constant 0 : i32
    %dma_start3A_8 = arith.constant 0 : i32
    %dma_start3A_9 = arith.constant 0 : i32
    %dma_start3A_10 = arith.constant 0 : i32
    %dma_start3A_11 = arith.constant 0 : i32
    %dma_start3A_12 = arith.constant 0 : i32
    %dma_start3A_13 = tpu.memref_slice %arg10[%dma_start3A_9, %dma_start3A_10, %dma_start3A_11, %dma_start3A_12] : memref<2x5x80x80xf32, #tpu.memory_space<vmem>> -> memref<1x1x80x80xf32, #tpu.memory_space<vmem>>
    %dma_start3A_14 = tpu.memref_squeeze %dma_start3A_13 : memref<1x1x80x80xf32, #tpu.memory_space<vmem>> -> memref<80x80xf32, #tpu.memory_space<vmem>>
    %dma_start3A_15 = arith.constant 0 : i32
    %dma_start3A_16 = tpu.memref_slice %arg8[%dma_start3A, %dma_start3A_8, %dma_start3A_15] : memref<2x5x80xi32, #tpu.memory_space<vmem>> -> memref<1x1x80xi32, #tpu.memory_space<vmem>>
    %dma_start3A_17 = tpu.memref_squeeze %dma_start3A_16 : memref<1x1x80xi32, #tpu.memory_space<vmem>> -> memref<80xi32, #tpu.memory_space<vmem>>
    %dma_start3A_18 = arith.constant 0 : i32
    %dma_start3A_19 = arith.constant 0 : i32
    %dma_start3A_20 = tpu.memref_slice %arg2[%dma_start3A_18, %dma_start3A_19] : memref<10000x80xf32, #tpu.memory_space<hbm>> -> memref<10000x80xf32, #tpu.memory_space<hbm>>
    tpu.enqueue_indirect_dma source(%dma_start3A_20 : memref<10000x80xf32, #tpu.memory_space<hbm>>) target(%dma_start3A_14 : memref<80x80xf32, #tpu.memory_space<vmem>>) offsets(%dma_start3A_17 : memref<80xi32, #tpu.memory_space<vmem>>) semaphore(%arg11 : memref<!tpu.dma_semaphore, #tpu.memory_space<semaphore_mem>>)
    %dma_start3A_21 = arith.constant 0 : i32
    %dma_start3A_22 = arith.constant 1 : i32
    %dma_start3A_23 = arith.constant 0 : i32
    %dma_start3A_24 = arith.constant 1 : i32
    %dma_start3A_25 = arith.constant 0 : i32
    %dma_start3A_26 = arith.constant 0 : i32
    %dma_start3A_27 = tpu.memref_slice %arg10[%dma_start3A_23, %dma_start3A_24, %dma_start3A_25, %dma_start3A_26] : memref<2x5x80x80xf32, #tpu.memory_space<vmem>> -> memref<1x1x80x80xf32, #tpu.memory_space<vmem>>
    %dma_start3A_28 = tpu.memref_squeeze %dma_start3A_27 : memref<1x1x80x80xf32, #tpu.memory_space<vmem>> -> memref<80x80xf32, #tpu.memory_space<vmem>>
    %dma_start3A_29 = arith.constant 0 : i32
    %dma_start3A_30 = tpu.memref_slice %arg8[%dma_start3A_21, %dma_start3A_22, %dma_start3A_29] : memref<2x5x80xi32, #tpu.memory_space<vmem>> -> memref<1x1x80xi32, #tpu.memory_space<vmem>>
    %dma_start3A_31 = tpu.memref_squeeze %dma_start3A_30 : memref<1x1x80xi32, #tpu.memory_space<vmem>> -> memref<80xi32, #tpu.memory_space<vmem>>
    %dma_start3A_32 = arith.constant 0 : i32
    %dma_start3A_33 = arith.constant 0 : i32
    %dma_start3A_34 = tpu.memref_slice %arg2[%dma_start3A_32, %dma_start3A_33] : memref<10000x80xf32, #tpu.memory_space<hbm>> -> memref<10000x80xf32, #tpu.memory_space<hbm>>
    tpu.enqueue_indirect_dma source(%dma_start3A_34 : memref<10000x80xf32, #tpu.memory_space<hbm>>) target(%dma_start3A_28 : memref<80x80xf32, #tpu.memory_space<vmem>>) offsets(%dma_start3A_31 : memref<80xi32, #tpu.memory_space<vmem>>) semaphore(%arg11 : memref<!tpu.dma_semaphore, #tpu.memory_space<semaphore_mem>>)
    %dma_start3A_35 = arith.constant 0 : i32
    %dma_start3A_36 = arith.constant 2 : i32
    %dma_start3A_37 = arith.constant 0 : i32
    %dma_start3A_38 = arith.constant 2 : i32
    %dma_start3A_39 = arith.constant 0 : i32
    %dma_start3A_40 = arith.constant 0 : i32
    %dma_start3A_41 = tpu.memref_slice %arg10[%dma_start3A_37, %dma_start3A_38, %dma_start3A_39, %dma_start3A_40] : memref<2x5x80x80xf32, #tpu.memory_space<vmem>> -> memref<1x1x80x80xf32, #tpu.memory_space<vmem>>
    %dma_start3A_42 = tpu.memref_squeeze %dma_start3A_41 : memref<1x1x80x80xf32, #tpu.memory_space<vmem>> -> memref<80x80xf32, #tpu.memory_space<vmem>>
    %dma_start3A_43 = arith.constant 0 : i32
    %dma_start3A_44 = tpu.memref_slice %arg8[%dma_start3A_35, %dma_start3A_36, %dma_start3A_43] : memref<2x5x80xi32, #tpu.memory_space<vmem>> -> memref<1x1x80xi32, #tpu.memory_space<vmem>>
    %dma_start3A_45 = tpu.memref_squeeze %dma_start3A_44 : memref<1x1x80xi32, #tpu.memory_space<vmem>> -> memref<80xi32, #tpu.memory_space<vmem>>
    %dma_start3A_46 = arith.constant 0 : i32
    %dma_start3A_47 = arith.constant 0 : i32
    %dma_start3A_48 = tpu.memref_slice %arg2[%dma_start3A_46, %dma_start3A_47] : memref<10000x80xf32, #tpu.memory_space<hbm>> -> memref<10000x80xf32, #tpu.memory_space<hbm>>
    tpu.enqueue_indirect_dma source(%dma_start3A_48 : memref<10000x80xf32, #tpu.memory_space<hbm>>) target(%dma_start3A_42 : memref<80x80xf32, #tpu.memory_space<vmem>>) offsets(%dma_start3A_45 : memref<80xi32, #tpu.memory_space<vmem>>) semaphore(%arg11 : memref<!tpu.dma_semaphore, #tpu.memory_space<semaphore_mem>>)
    %dma_start3A_49 = arith.constant 0 : i32
    %dma_start3A_50 = arith.constant 3 : i32
    %dma_start3A_51 = arith.constant 0 : i32
    %dma_start3A_52 = arith.constant 3 : i32
    %dma_start3A_53 = arith.constant 0 : i32
    %dma_start3A_54 = arith.constant 0 : i32
    %dma_start3A_55 = tpu.memref_slice %arg10[%dma_start3A_51, %dma_start3A_52, %dma_start3A_53, %dma_start3A_54] : memref<2x5x80x80xf32, #tpu.memory_space<vmem>> -> memref<1x1x80x80xf32, #tpu.memory_space<vmem>>
    %dma_start3A_56 = tpu.memref_squeeze %dma_start3A_55 : memref<1x1x80x80xf32, #tpu.memory_space<vmem>> -> memref<80x80xf32, #tpu.memory_space<vmem>>
    %dma_start3A_57 = arith.constant 0 : i32
    %dma_start3A_58 = tpu.memref_slice %arg8[%dma_start3A_49, %dma_start3A_50, %dma_start3A_57] : memref<2x5x80xi32, #tpu.memory_space<vmem>> -> memref<1x1x80xi32, #tpu.memory_space<vmem>>
    %dma_start3A_59 = tpu.memref_squeeze %dma_start3A_58 : memref<1x1x80xi32, #tpu.memory_space<vmem>> -> memref<80xi32, #tpu.memory_space<vmem>>
    %dma_start3A_60 = arith.constant 0 : i32
    %dma_start3A_61 = arith.constant 0 : i32
    %dma_start3A_62 = tpu.memref_slice %arg2[%dma_start3A_60, %dma_start3A_61] : memref<10000x80xf32, #tpu.memory_space<hbm>> -> memref<10000x80xf32, #tpu.memory_space<hbm>>
    tpu.enqueue_indirect_dma source(%dma_start3A_62 : memref<10000x80xf32, #tpu.memory_space<hbm>>) target(%dma_start3A_56 : memref<80x80xf32, #tpu.memory_space<vmem>>) offsets(%dma_start3A_59 : memref<80xi32, #tpu.memory_space<vmem>>) semaphore(%arg11 : memref<!tpu.dma_semaphore, #tpu.memory_space<semaphore_mem>>)
    %dma_start3A_63 = arith.constant 0 : i32
    %dma_start3A_64 = arith.constant 4 : i32
    %dma_start3A_65 = arith.constant 0 : i32
    %dma_start3A_66 = arith.constant 4 : i32
    %dma_start3A_67 = arith.constant 0 : i32
    %dma_start3A_68 = arith.constant 0 : i32
    %dma_start3A_69 = tpu.memref_slice %arg10[%dma_start3A_65, %dma_start3A_66, %dma_start3A_67, %dma_start3A_68] : memref<2x5x80x80xf32, #tpu.memory_space<vmem>> -> memref<1x1x80x80xf32, #tpu.memory_space<vmem>>
    %dma_start3A_70 = tpu.memref_squeeze %dma_start3A_69 : memref<1x1x80x80xf32, #tpu.memory_space<vmem>> -> memref<80x80xf32, #tpu.memory_space<vmem>>
    %dma_start3A_71 = arith.constant 0 : i32
    %dma_start3A_72 = tpu.memref_slice %arg8[%dma_start3A_63, %dma_start3A_64, %dma_start3A_71] : memref<2x5x80xi32, #tpu.memory_space<vmem>> -> memref<1x1x80xi32, #tpu.memory_space<vmem>>
    %dma_start3A_73 = tpu.memref_squeeze %dma_start3A_72 : memref<1x1x80xi32, #tpu.memory_space<vmem>> -> memref<80xi32, #tpu.memory_space<vmem>>
    %dma_start3A_74 = arith.constant 0 : i32
    %dma_start3A_75 = arith.constant 0 : i32
    %dma_start3A_76 = tpu.memref_slice %arg2[%dma_start3A_74, %dma_start3A_75] : memref<10000x80xf32, #tpu.memory_space<hbm>> -> memref<10000x80xf32, #tpu.memory_space<hbm>>
    tpu.enqueue_indirect_dma source(%dma_start3A_76 : memref<10000x80xf32, #tpu.memory_space<hbm>>) target(%dma_start3A_70 : memref<80x80xf32, #tpu.memory_space<vmem>>) offsets(%dma_start3A_73 : memref<80xi32, #tpu.memory_space<vmem>>) semaphore(%arg11 : memref<!tpu.dma_semaphore, #tpu.memory_space<semaphore_mem>>)
    %add3A_77 = arith.constant 5 : i32
    %add3A_78 = arith.addi %mul3A_4, %add3A_77 : i32
    %run_scoped3A_79 = arith.constant 1 : i32
    "tpu.region"() ({
      %run_scoped3A_335 = tpu.sem_alloc : memref<!tpu.dma_semaphore, #tpu.memory_space<semaphore_mem>>
      %dma_start3A_336 = arith.constant 0 : i32
      %dma_start3A_337 = arith.constant 0 : i32
      %dma_start3A_338 = tpu.memref_slice %arg8[%run_scoped3A_79, %dma_start3A_336, %dma_start3A_337] : memref<2x5x80xi32, #tpu.memory_space<vmem>> -> memref<1x5x80xi32, #tpu.memory_space<vmem>>
      %dma_start3A_339 = tpu.memref_squeeze %dma_start3A_338 : memref<1x5x80xi32, #tpu.memory_space<vmem>> -> memref<5x80xi32, #tpu.memory_space<vmem>>
      %dma_start3A_340 = arith.constant 0 : i32
      %dma_start3A_341 = tpu.memref_slice %arg3[%add3A_78, %dma_start3A_340] : memref<8000x80xi32, #tpu.memory_space<hbm>> -> memref<5x80xi32, #tpu.memory_space<hbm>>
      %dma_start3A_342 = arith.constant 0 : i32
      %dma_start3A_343 = arith.constant 0 : i32
      %dma_start3A_344 = tpu.memref_slice %arg8[%run_scoped3A_79, %dma_start3A_342, %dma_start3A_343] : memref<2x5x80xi32, #tpu.memory_space<vmem>> -> memref<1x5x80xi32, #tpu.memory_space<vmem>>
      %dma_start3A_345 = tpu.memref_squeeze %dma_start3A_344 : memref<1x5x80xi32, #tpu.memory_space<vmem>> -> memref<5x80xi32, #tpu.memory_space<vmem>>
      %dma_start3A_346 = arith.constant 0 : i32
      %dma_start3A_347 = tpu.memref_slice %arg3[%add3A_78, %dma_start3A_346] : memref<8000x80xi32, #tpu.memory_space<hbm>> -> memref<5x80xi32, #tpu.memory_space<hbm>>
      tpu.enqueue_dma source(%dma_start3A_347 : memref<5x80xi32, #tpu.memory_space<hbm>>) target(%dma_start3A_345 : memref<5x80xi32, #tpu.memory_space<vmem>>) target_semaphore(%run_scoped3A_335 : memref<!tpu.dma_semaphore, #tpu.memory_space<semaphore_mem>>)
      %dma_wait3A_348 = arith.constant 0 : i32
      %dma_wait3A_349 = arith.constant 0 : i32
      %dma_wait3A_350 = tpu.memref_slice %arg8[%run_scoped3A_79, %dma_wait3A_348, %dma_wait3A_349] : memref<2x5x80xi32, #tpu.memory_space<vmem>> -> memref<1x5x80xi32, #tpu.memory_space<vmem>>
      %dma_wait3A_351 = tpu.memref_squeeze %dma_wait3A_350 : memref<1x5x80xi32, #tpu.memory_space<vmem>> -> memref<5x80xi32, #tpu.memory_space<vmem>>
      %dma_wait3A_352 = arith.constant 0 : i32
      %dma_wait3A_353 = tpu.memref_slice %arg3[%add3A_78, %dma_wait3A_352] : memref<8000x80xi32, #tpu.memory_space<hbm>> -> memref<5x80xi32, #tpu.memory_space<hbm>>
      %dma_wait3A_354 = arith.constant 0 : i32
      %dma_wait3A_355 = arith.constant 0 : i32
      %dma_wait3A_356 = tpu.memref_slice %arg8[%run_scoped3A_79, %dma_wait3A_354, %dma_wait3A_355] : memref<2x5x80xi32, #tpu.memory_space<vmem>> -> memref<1x5x80xi32, #tpu.memory_space<vmem>>
      %dma_wait3A_357 = tpu.memref_squeeze %dma_wait3A_356 : memref<1x5x80xi32, #tpu.memory_space<vmem>> -> memref<5x80xi32, #tpu.memory_space<vmem>>
      %dma_wait3A_358 = arith.constant 0 : i32
      %dma_wait3A_359 = tpu.memref_slice %arg3[%add3A_78, %dma_wait3A_358] : memref<8000x80xi32, #tpu.memory_space<hbm>> -> memref<5x80xi32, #tpu.memory_space<hbm>>
      tpu.wait_dma2 semaphore(%run_scoped3A_335 : memref<!tpu.dma_semaphore, #tpu.memory_space<semaphore_mem>>) src(%dma_wait3A_359 : memref<5x80xi32, #tpu.memory_space<hbm>>) dst(%dma_wait3A_357 : memref<5x80xi32, #tpu.memory_space<vmem>>)
      tpu.yield
    }) : () -> ()
    %run_scoped3A_80 = arith.constant 1 : i32
    "tpu.region"() ({
      %run_scoped3A_335 = tpu.sem_alloc : memref<!tpu.dma_semaphore, #tpu.memory_space<semaphore_mem>>
      %dma_start3A_336 = arith.constant 0 : i32
      %dma_start3A_337 = arith.constant 0 : i32
      %dma_start3A_338 = tpu.memref_slice %arg9[%run_scoped3A_80, %dma_start3A_336, %dma_start3A_337] : memref<2x5x80xi32, #tpu.memory_space<vmem>> -> memref<1x5x80xi32, #tpu.memory_space<vmem>>
      %dma_start3A_339 = tpu.memref_squeeze %dma_start3A_338 : memref<1x5x80xi32, #tpu.memory_space<vmem>> -> memref<5x80xi32, #tpu.memory_space<vmem>>
      %dma_start3A_340 = arith.constant 0 : i32
      %dma_start3A_341 = tpu.memref_slice %arg4[%add3A_78, %dma_start3A_340] : memref<8000x80xi32, #tpu.memory_space<hbm>> -> memref<5x80xi32, #tpu.memory_space<hbm>>
      %dma_start3A_342 = arith.constant 0 : i32
      %dma_start3A_343 = arith.constant 0 : i32
      %dma_start3A_344 = tpu.memref_slice %arg9[%run_scoped3A_80, %dma_start3A_342, %dma_start3A_343] : memref<2x5x80xi32, #tpu.memory_space<vmem>> -> memref<1x5x80xi32, #tpu.memory_space<vmem>>
      %dma_start3A_345 = tpu.memref_squeeze %dma_start3A_344 : memref<1x5x80xi32, #tpu.memory_space<vmem>> -> memref<5x80xi32, #tpu.memory_space<vmem>>
      %dma_start3A_346 = arith.constant 0 : i32
      %dma_start3A_347 = tpu.memref_slice %arg4[%add3A_78, %dma_start3A_346] : memref<8000x80xi32, #tpu.memory_space<hbm>> -> memref<5x80xi32, #tpu.memory_space<hbm>>
      tpu.enqueue_dma source(%dma_start3A_347 : memref<5x80xi32, #tpu.memory_space<hbm>>) target(%dma_start3A_345 : memref<5x80xi32, #tpu.memory_space<vmem>>) target_semaphore(%run_scoped3A_335 : memref<!tpu.dma_semaphore, #tpu.memory_space<semaphore_mem>>)
      %dma_wait3A_348 = arith.constant 0 : i32
      %dma_wait3A_349 = arith.constant 0 : i32
      %dma_wait3A_350 = tpu.memref_slice %arg9[%run_scoped3A_80, %dma_wait3A_348, %dma_wait3A_349] : memref<2x5x80xi32, #tpu.memory_space<vmem>> -> memref<1x5x80xi32, #tpu.memory_space<vmem>>
      %dma_wait3A_351 = tpu.memref_squeeze %dma_wait3A_350 : memref<1x5x80xi32, #tpu.memory_space<vmem>> -> memref<5x80xi32, #tpu.memory_space<vmem>>
      %dma_wait3A_352 = arith.constant 0 : i32
      %dma_wait3A_353 = tpu.memref_slice %arg4[%add3A_78, %dma_wait3A_352] : memref<8000x80xi32, #tpu.memory_space<hbm>> -> memref<5x80xi32, #tpu.memory_space<hbm>>
      %dma_wait3A_354 = arith.constant 0 : i32
      %dma_wait3A_355 = arith.constant 0 : i32
      %dma_wait3A_356 = tpu.memref_slice %arg9[%run_scoped3A_80, %dma_wait3A_354, %dma_wait3A_355] : memref<2x5x80xi32, #tpu.memory_space<vmem>> -> memref<1x5x80xi32, #tpu.memory_space<vmem>>
      %dma_wait3A_357 = tpu.memref_squeeze %dma_wait3A_356 : memref<1x5x80xi32, #tpu.memory_space<vmem>> -> memref<5x80xi32, #tpu.memory_space<vmem>>
      %dma_wait3A_358 = arith.constant 0 : i32
      %dma_wait3A_359 = tpu.memref_slice %arg4[%add3A_78, %dma_wait3A_358] : memref<8000x80xi32, #tpu.memory_space<hbm>> -> memref<5x80xi32, #tpu.memory_space<hbm>>
      tpu.wait_dma2 semaphore(%run_scoped3A_335 : memref<!tpu.dma_semaphore, #tpu.memory_space<semaphore_mem>>) src(%dma_wait3A_359 : memref<5x80xi32, #tpu.memory_space<hbm>>) dst(%dma_wait3A_357 : memref<5x80xi32, #tpu.memory_space<vmem>>)
      tpu.yield
    }) : () -> ()
    %dma_start3A_81 = arith.constant 1 : i32
    %dma_start3A_82 = arith.constant 0 : i32
    %dma_start3A_83 = arith.constant 1 : i32
    %dma_start3A_84 = arith.constant 0 : i32
    %dma_start3A_85 = arith.constant 0 : i32
    %dma_start3A_86 = arith.constant 0 : i32
    %dma_start3A_87 = tpu.memref_slice %arg10[%dma_start3A_83, %dma_start3A_84, %dma_start3A_85, %dma_start3A_86] : memref<2x5x80x80xf32, #tpu.memory_space<vmem>> -> memref<1x1x80x80xf32, #tpu.memory_space<vmem>>
    %dma_start3A_88 = tpu.memref_squeeze %dma_start3A_87 : memref<1x1x80x80xf32, #tpu.memory_space<vmem>> -> memref<80x80xf32, #tpu.memory_space<vmem>>
    %dma_start3A_89 = arith.constant 0 : i32
    %dma_start3A_90 = tpu.memref_slice %arg8[%dma_start3A_81, %dma_start3A_82, %dma_start3A_89] : memref<2x5x80xi32, #tpu.memory_space<vmem>> -> memref<1x1x80xi32, #tpu.memory_space<vmem>>
    %dma_start3A_91 = tpu.memref_squeeze %dma_start3A_90 : memref<1x1x80xi32, #tpu.memory_space<vmem>> -> memref<80xi32, #tpu.memory_space<vmem>>
    %dma_start3A_92 = arith.constant 0 : i32
    %dma_start3A_93 = arith.constant 0 : i32
    %dma_start3A_94 = tpu.memref_slice %arg2[%dma_start3A_92, %dma_start3A_93] : memref<10000x80xf32, #tpu.memory_space<hbm>> -> memref<10000x80xf32, #tpu.memory_space<hbm>>
    tpu.enqueue_indirect_dma source(%dma_start3A_94 : memref<10000x80xf32, #tpu.memory_space<hbm>>) target(%dma_start3A_88 : memref<80x80xf32, #tpu.memory_space<vmem>>) offsets(%dma_start3A_91 : memref<80xi32, #tpu.memory_space<vmem>>) semaphore(%arg12 : memref<!tpu.dma_semaphore, #tpu.memory_space<semaphore_mem>>)
    %dma_start3A_95 = arith.constant 1 : i32
    %dma_start3A_96 = arith.constant 1 : i32
    %dma_start3A_97 = arith.constant 1 : i32
    %dma_start3A_98 = arith.constant 1 : i32
    %dma_start3A_99 = arith.constant 0 : i32
    %dma_start3A_100 = arith.constant 0 : i32
    %dma_start3A_101 = tpu.memref_slice %arg10[%dma_start3A_97, %dma_start3A_98, %dma_start3A_99, %dma_start3A_100] : memref<2x5x80x80xf32, #tpu.memory_space<vmem>> -> memref<1x1x80x80xf32, #tpu.memory_space<vmem>>
    %dma_start3A_102 = tpu.memref_squeeze %dma_start3A_101 : memref<1x1x80x80xf32, #tpu.memory_space<vmem>> -> memref<80x80xf32, #tpu.memory_space<vmem>>
    %dma_start3A_103 = arith.constant 0 : i32
    %dma_start3A_104 = tpu.memref_slice %arg8[%dma_start3A_95, %dma_start3A_96, %dma_start3A_103] : memref<2x5x80xi32, #tpu.memory_space<vmem>> -> memref<1x1x80xi32, #tpu.memory_space<vmem>>
    %dma_start3A_105 = tpu.memref_squeeze %dma_start3A_104 : memref<1x1x80xi32, #tpu.memory_space<vmem>> -> memref<80xi32, #tpu.memory_space<vmem>>
    %dma_start3A_106 = arith.constant 0 : i32
    %dma_start3A_107 = arith.constant 0 : i32
    %dma_start3A_108 = tpu.memref_slice %arg2[%dma_start3A_106, %dma_start3A_107] : memref<10000x80xf32, #tpu.memory_space<hbm>> -> memref<10000x80xf32, #tpu.memory_space<hbm>>
    tpu.enqueue_indirect_dma source(%dma_start3A_108 : memref<10000x80xf32, #tpu.memory_space<hbm>>) target(%dma_start3A_102 : memref<80x80xf32, #tpu.memory_space<vmem>>) offsets(%dma_start3A_105 : memref<80xi32, #tpu.memory_space<vmem>>) semaphore(%arg12 : memref<!tpu.dma_semaphore, #tpu.memory_space<semaphore_mem>>)
    %dma_start3A_109 = arith.constant 1 : i32
    %dma_start3A_110 = arith.constant 2 : i32
    %dma_start3A_111 = arith.constant 1 : i32
    %dma_start3A_112 = arith.constant 2 : i32
    %dma_start3A_113 = arith.constant 0 : i32
    %dma_start3A_114 = arith.constant 0 : i32
    %dma_start3A_115 = tpu.memref_slice %arg10[%dma_start3A_111, %dma_start3A_112, %dma_start3A_113, %dma_start3A_114] : memref<2x5x80x80xf32, #tpu.memory_space<vmem>> -> memref<1x1x80x80xf32, #tpu.memory_space<vmem>>
    %dma_start3A_116 = tpu.memref_squeeze %dma_start3A_115 : memref<1x1x80x80xf32, #tpu.memory_space<vmem>> -> memref<80x80xf32, #tpu.memory_space<vmem>>
    %dma_start3A_117 = arith.constant 0 : i32
    %dma_start3A_118 = tpu.memref_slice %arg8[%dma_start3A_109, %dma_start3A_110, %dma_start3A_117] : memref<2x5x80xi32, #tpu.memory_space<vmem>> -> memref<1x1x80xi32, #tpu.memory_space<vmem>>
    %dma_start3A_119 = tpu.memref_squeeze %dma_start3A_118 : memref<1x1x80xi32, #tpu.memory_space<vmem>> -> memref<80xi32, #tpu.memory_space<vmem>>
    %dma_start3A_120 = arith.constant 0 : i32
    %dma_start3A_121 = arith.constant 0 : i32
    %dma_start3A_122 = tpu.memref_slice %arg2[%dma_start3A_120, %dma_start3A_121] : memref<10000x80xf32, #tpu.memory_space<hbm>> -> memref<10000x80xf32, #tpu.memory_space<hbm>>
    tpu.enqueue_indirect_dma source(%dma_start3A_122 : memref<10000x80xf32, #tpu.memory_space<hbm>>) target(%dma_start3A_116 : memref<80x80xf32, #tpu.memory_space<vmem>>) offsets(%dma_start3A_119 : memref<80xi32, #tpu.memory_space<vmem>>) semaphore(%arg12 : memref<!tpu.dma_semaphore, #tpu.memory_space<semaphore_mem>>)
    %dma_start3A_123 = arith.constant 1 : i32
    %dma_start3A_124 = arith.constant 3 : i32
    %dma_start3A_125 = arith.constant 1 : i32
    %dma_start3A_126 = arith.constant 3 : i32
    %dma_start3A_127 = arith.constant 0 : i32
    %dma_start3A_128 = arith.constant 0 : i32
    %dma_start3A_129 = tpu.memref_slice %arg10[%dma_start3A_125, %dma_start3A_126, %dma_start3A_127, %dma_start3A_128] : memref<2x5x80x80xf32, #tpu.memory_space<vmem>> -> memref<1x1x80x80xf32, #tpu.memory_space<vmem>>
    %dma_start3A_130 = tpu.memref_squeeze %dma_start3A_129 : memref<1x1x80x80xf32, #tpu.memory_space<vmem>> -> memref<80x80xf32, #tpu.memory_space<vmem>>
    %dma_start3A_131 = arith.constant 0 : i32
    %dma_start3A_132 = tpu.memref_slice %arg8[%dma_start3A_123, %dma_start3A_124, %dma_start3A_131] : memref<2x5x80xi32, #tpu.memory_space<vmem>> -> memref<1x1x80xi32, #tpu.memory_space<vmem>>
    %dma_start3A_133 = tpu.memref_squeeze %dma_start3A_132 : memref<1x1x80xi32, #tpu.memory_space<vmem>> -> memref<80xi32, #tpu.memory_space<vmem>>
    %dma_start3A_134 = arith.constant 0 : i32
    %dma_start3A_135 = arith.constant 0 : i32
    %dma_start3A_136 = tpu.memref_slice %arg2[%dma_start3A_134, %dma_start3A_135] : memref<10000x80xf32, #tpu.memory_space<hbm>> -> memref<10000x80xf32, #tpu.memory_space<hbm>>
    tpu.enqueue_indirect_dma source(%dma_start3A_136 : memref<10000x80xf32, #tpu.memory_space<hbm>>) target(%dma_start3A_130 : memref<80x80xf32, #tpu.memory_space<vmem>>) offsets(%dma_start3A_133 : memref<80xi32, #tpu.memory_space<vmem>>) semaphore(%arg12 : memref<!tpu.dma_semaphore, #tpu.memory_space<semaphore_mem>>)
    %dma_start3A_137 = arith.constant 1 : i32
    %dma_start3A_138 = arith.constant 4 : i32
    %dma_start3A_139 = arith.constant 1 : i32
    %dma_start3A_140 = arith.constant 4 : i32
    %dma_start3A_141 = arith.constant 0 : i32
    %dma_start3A_142 = arith.constant 0 : i32
    %dma_start3A_143 = tpu.memref_slice %arg10[%dma_start3A_139, %dma_start3A_140, %dma_start3A_141, %dma_start3A_142] : memref<2x5x80x80xf32, #tpu.memory_space<vmem>> -> memref<1x1x80x80xf32, #tpu.memory_space<vmem>>
    %dma_start3A_144 = tpu.memref_squeeze %dma_start3A_143 : memref<1x1x80x80xf32, #tpu.memory_space<vmem>> -> memref<80x80xf32, #tpu.memory_space<vmem>>
    %dma_start3A_145 = arith.constant 0 : i32
    %dma_start3A_146 = tpu.memref_slice %arg8[%dma_start3A_137, %dma_start3A_138, %dma_start3A_145] : memref<2x5x80xi32, #tpu.memory_space<vmem>> -> memref<1x1x80xi32, #tpu.memory_space<vmem>>
    %dma_start3A_147 = tpu.memref_squeeze %dma_start3A_146 : memref<1x1x80xi32, #tpu.memory_space<vmem>> -> memref<80xi32, #tpu.memory_space<vmem>>
    %dma_start3A_148 = arith.constant 0 : i32
    %dma_start3A_149 = arith.constant 0 : i32
    %dma_start3A_150 = tpu.memref_slice %arg2[%dma_start3A_148, %dma_start3A_149] : memref<10000x80xf32, #tpu.memory_space<hbm>> -> memref<10000x80xf32, #tpu.memory_space<hbm>>
    tpu.enqueue_indirect_dma source(%dma_start3A_150 : memref<10000x80xf32, #tpu.memory_space<hbm>>) target(%dma_start3A_144 : memref<80x80xf32, #tpu.memory_space<vmem>>) offsets(%dma_start3A_147 : memref<80xi32, #tpu.memory_space<vmem>>) semaphore(%arg12 : memref<!tpu.dma_semaphore, #tpu.memory_space<semaphore_mem>>)
    %scan3A = arith.constant 0 : i32
    %scan3A_151 = arith.constant 24 : i32
    %scan3A_152 = arith.addi %scan3A, %scan3A_151 : i32
    %scan3A_153 = arith.constant 1 : i32
    scf.for %scan3A_335 = %scan3A to %scan3A_152 step %scan3A_153  : i32 {
      %mul3A_336 = arith.constant 1 : i32
      %mul3A_337 = arith.muli %scan3A_335, %mul3A_336 : i32
      %add3A_338 = arith.constant 0 : i32
      %add3A_339 = arith.addi %add3A_338, %mul3A_337 : i32
      %dma_wait3A_340 = arith.constant 0 : i32
      %dma_wait3A_341 = arith.constant 0 : i32
      %dma_wait3A_342 = arith.constant 0 : i32
      %dma_wait3A_343 = arith.constant 0 : i32
      %dma_wait3A_344 = arith.constant 0 : i32
      %dma_wait3A_345 = arith.constant 0 : i32
      %dma_wait3A_346 = tpu.memref_slice %arg10[%dma_wait3A_342, %dma_wait3A_343, %dma_wait3A_344, %dma_wait3A_345] : memref<2x5x80x80xf32, #tpu.memory_space<vmem>> -> memref<1x1x80x80xf32, #tpu.memory_space<vmem>>
      %dma_wait3A_347 = tpu.memref_squeeze %dma_wait3A_346 : memref<1x1x80x80xf32, #tpu.memory_space<vmem>> -> memref<80x80xf32, #tpu.memory_space<vmem>>
      %dma_wait3A_348 = arith.constant 0 : i32
      %dma_wait3A_349 = tpu.memref_slice %arg8[%dma_wait3A_340, %dma_wait3A_341, %dma_wait3A_348] : memref<2x5x80xi32, #tpu.memory_space<vmem>> -> memref<1x1x80xi32, #tpu.memory_space<vmem>>
      %dma_wait3A_350 = tpu.memref_squeeze %dma_wait3A_349 : memref<1x1x80xi32, #tpu.memory_space<vmem>> -> memref<80xi32, #tpu.memory_space<vmem>>
      %dma_wait3A_351 = arith.constant 0 : i32
      %dma_wait3A_352 = arith.constant 0 : i32
      %dma_wait3A_353 = tpu.memref_slice %arg2[%dma_wait3A_351, %dma_wait3A_352] : memref<10000x80xf32, #tpu.memory_space<hbm>> -> memref<10000x80xf32, #tpu.memory_space<hbm>>
      tpu.wait_indirect_dma semaphore(%arg11 : memref<!tpu.dma_semaphore, #tpu.memory_space<semaphore_mem>>) src(%dma_wait3A_353 : memref<10000x80xf32, #tpu.memory_space<hbm>>) dst(%dma_wait3A_347 : memref<80x80xf32, #tpu.memory_space<vmem>>)
      %run_scoped3A_354 = arith.constant 0 : i32
      %run_scoped3A_355 = arith.constant 0 : i32
      %run_scoped3A_356 = arith.constant 0 : i32
      %run_scoped3A_357 = arith.constant 0 : i32
      "tpu.region"() ({
        %run_scoped3A_682 = tpu.sem_alloc : memref<!tpu.dma_semaphore, #tpu.memory_space<semaphore_mem>>
        %dma_start3A_683 = arith.constant 0 : i32
        %dma_start3A_684 = arith.constant 0 : i32
        %dma_start3A_685 = tpu.memref_slice %arg10[%run_scoped3A_354, %run_scoped3A_355, %dma_start3A_683, %dma_start3A_684] : memref<2x5x80x80xf32, #tpu.memory_space<vmem>> -> memref<1x1x80x80xf32, #tpu.memory_space<vmem>>
        %dma_start3A_686 = tpu.memref_squeeze %dma_start3A_685 : memref<1x1x80x80xf32, #tpu.memory_space<vmem>> -> memref<80x80xf32, #tpu.memory_space<vmem>>
        %dma_start3A_687 = arith.constant 0 : i32
        %dma_start3A_688 = tpu.memref_slice %arg9[%run_scoped3A_356, %run_scoped3A_357, %dma_start3A_687] : memref<2x5x80xi32, #tpu.memory_space<vmem>> -> memref<1x1x80xi32, #tpu.memory_space<vmem>>
        %dma_start3A_689 = tpu.memref_squeeze %dma_start3A_688 : memref<1x1x80xi32, #tpu.memory_space<vmem>> -> memref<80xi32, #tpu.memory_space<vmem>>
        %dma_start3A_690 = arith.constant 0 : i32
        %dma_start3A_691 = arith.constant 0 : i32
        %dma_start3A_692 = tpu.memref_slice %arg7[%dma_start3A_690, %dma_start3A_691] : memref<10240x80xf32, #tpu.memory_space<vmem_shared>> -> memref<10240x80xf32, #tpu.memory_space<vmem_shared>>
        tpu.enqueue_indirect_dma source(%dma_start3A_686 : memref<80x80xf32, #tpu.memory_space<vmem>>) target(%dma_start3A_692 : memref<10240x80xf32, #tpu.memory_space<vmem_shared>>) offsets(%dma_start3A_689 : memref<80xi32, #tpu.memory_space<vmem>>) semaphore(%run_scoped3A_682 : memref<!tpu.dma_semaphore, #tpu.memory_space<semaphore_mem>>) {add = true}
        %dma_wait3A_693 = arith.constant 0 : i32
        %dma_wait3A_694 = arith.constant 0 : i32
        %dma_wait3A_695 = tpu.memref_slice %arg10[%run_scoped3A_354, %run_scoped3A_355, %dma_wait3A_693, %dma_wait3A_694] : memref<2x5x80x80xf32, #tpu.memory_space<vmem>> -> memref<1x1x80x80xf32, #tpu.memory_space<vmem>>
        %dma_wait3A_696 = tpu.memref_squeeze %dma_wait3A_695 : memref<1x1x80x80xf32, #tpu.memory_space<vmem>> -> memref<80x80xf32, #tpu.memory_space<vmem>>
        %dma_wait3A_697 = arith.constant 0 : i32
        %dma_wait3A_698 = tpu.memref_slice %arg9[%run_scoped3A_356, %run_scoped3A_357, %dma_wait3A_697] : memref<2x5x80xi32, #tpu.memory_space<vmem>> -> memref<1x1x80xi32, #tpu.memory_space<vmem>>
        %dma_wait3A_699 = tpu.memref_squeeze %dma_wait3A_698 : memref<1x1x80xi32, #tpu.memory_space<vmem>> -> memref<80xi32, #tpu.memory_space<vmem>>
        %dma_wait3A_700 = arith.constant 0 : i32
        %dma_wait3A_701 = arith.constant 0 : i32
        %dma_wait3A_702 = tpu.memref_slice %arg7[%dma_wait3A_700, %dma_wait3A_701] : memref<10240x80xf32, #tpu.memory_space<vmem_shared>> -> memref<10240x80xf32, #tpu.memory_space<vmem_shared>>
        tpu.wait_indirect_dma semaphore(%run_scoped3A_682 : memref<!tpu.dma_semaphore, #tpu.memory_space<semaphore_mem>>) src(%dma_wait3A_696 : memref<80x80xf32, #tpu.memory_space<vmem>>) dst(%dma_wait3A_702 : memref<10240x80xf32, #tpu.memory_space<vmem_shared>>)
        tpu.yield
      }) : () -> ()
      %dma_wait3A_358 = arith.constant 0 : i32
      %dma_wait3A_359 = arith.constant 1 : i32
      %dma_wait3A_360 = arith.constant 0 : i32
      %dma_wait3A_361 = arith.constant 1 : i32
      %dma_wait3A_362 = arith.constant 0 : i32
      %dma_wait3A_363 = arith.constant 0 : i32
      %dma_wait3A_364 = tpu.memref_slice %arg10[%dma_wait3A_360, %dma_wait3A_361, %dma_wait3A_362, %dma_wait3A_363] : memref<2x5x80x80xf32, #tpu.memory_space<vmem>> -> memref<1x1x80x80xf32, #tpu.memory_space<vmem>>
      %dma_wait3A_365 = tpu.memref_squeeze %dma_wait3A_364 : memref<1x1x80x80xf32, #tpu.memory_space<vmem>> -> memref<80x80xf32, #tpu.memory_space<vmem>>
      %dma_wait3A_366 = arith.constant 0 : i32
      %dma_wait3A_367 = tpu.memref_slice %arg8[%dma_wait3A_358, %dma_wait3A_359, %dma_wait3A_366] : memref<2x5x80xi32, #tpu.memory_space<vmem>> -> memref<1x1x80xi32, #tpu.memory_space<vmem>>
      %dma_wait3A_368 = tpu.memref_squeeze %dma_wait3A_367 : memref<1x1x80xi32, #tpu.memory_space<vmem>> -> memref<80xi32, #tpu.memory_space<vmem>>
      %dma_wait3A_369 = arith.constant 0 : i32
      %dma_wait3A_370 = arith.constant 0 : i32
      %dma_wait3A_371 = tpu.memref_slice %arg2[%dma_wait3A_369, %dma_wait3A_370] : memref<10000x80xf32, #tpu.memory_space<hbm>> -> memref<10000x80xf32, #tpu.memory_space<hbm>>
      tpu.wait_indirect_dma semaphore(%arg11 : memref<!tpu.dma_semaphore, #tpu.memory_space<semaphore_mem>>) src(%dma_wait3A_371 : memref<10000x80xf32, #tpu.memory_space<hbm>>) dst(%dma_wait3A_365 : memref<80x80xf32, #tpu.memory_space<vmem>>)
      %run_scoped3A_372 = arith.constant 0 : i32
      %run_scoped3A_373 = arith.constant 1 : i32
      %run_scoped3A_374 = arith.constant 0 : i32
      %run_scoped3A_375 = arith.constant 1 : i32
      "tpu.region"() ({
        %run_scoped3A_682 = tpu.sem_alloc : memref<!tpu.dma_semaphore, #tpu.memory_space<semaphore_mem>>
        %dma_start3A_683 = arith.constant 0 : i32
        %dma_start3A_684 = arith.constant 0 : i32
        %dma_start3A_685 = tpu.memref_slice %arg10[%run_scoped3A_372, %run_scoped3A_373, %dma_start3A_683, %dma_start3A_684] : memref<2x5x80x80xf32, #tpu.memory_space<vmem>> -> memref<1x1x80x80xf32, #tpu.memory_space<vmem>>
        %dma_start3A_686 = tpu.memref_squeeze %dma_start3A_685 : memref<1x1x80x80xf32, #tpu.memory_space<vmem>> -> memref<80x80xf32, #tpu.memory_space<vmem>>
        %dma_start3A_687 = arith.constant 0 : i32
        %dma_start3A_688 = tpu.memref_slice %arg9[%run_scoped3A_374, %run_scoped3A_375, %dma_start3A_687] : memref<2x5x80xi32, #tpu.memory_space<vmem>> -> memref<1x1x80xi32, #tpu.memory_space<vmem>>
        %dma_start3A_689 = tpu.memref_squeeze %dma_start3A_688 : memref<1x1x80xi32, #tpu.memory_space<vmem>> -> memref<80xi32, #tpu.memory_space<vmem>>
        %dma_start3A_690 = arith.constant 0 : i32
        %dma_start3A_691 = arith.constant 0 : i32
        %dma_start3A_692 = tpu.memref_slice %arg7[%dma_start3A_690, %dma_start3A_691] : memref<10240x80xf32, #tpu.memory_space<vmem_shared>> -> memref<10240x80xf32, #tpu.memory_space<vmem_shared>>
        tpu.enqueue_indirect_dma source(%dma_start3A_686 : memref<80x80xf32, #tpu.memory_space<vmem>>) target(%dma_start3A_692 : memref<10240x80xf32, #tpu.memory_space<vmem_shared>>) offsets(%dma_start3A_689 : memref<80xi32, #tpu.memory_space<vmem>>) semaphore(%run_scoped3A_682 : memref<!tpu.dma_semaphore, #tpu.memory_space<semaphore_mem>>) {add = true}
        %dma_wait3A_693 = arith.constant 0 : i32
        %dma_wait3A_694 = arith.constant 0 : i32
        %dma_wait3A_695 = tpu.memref_slice %arg10[%run_scoped3A_372, %run_scoped3A_373, %dma_wait3A_693, %dma_wait3A_694] : memref<2x5x80x80xf32, #tpu.memory_space<vmem>> -> memref<1x1x80x80xf32, #tpu.memory_space<vmem>>
        %dma_wait3A_696 = tpu.memref_squeeze %dma_wait3A_695 : memref<1x1x80x80xf32, #tpu.memory_space<vmem>> -> memref<80x80xf32, #tpu.memory_space<vmem>>
        %dma_wait3A_697 = arith.constant 0 : i32
        %dma_wait3A_698 = tpu.memref_slice %arg9[%run_scoped3A_374, %run_scoped3A_375, %dma_wait3A_697] : memref<2x5x80xi32, #tpu.memory_space<vmem>> -> memref<1x1x80xi32, #tpu.memory_space<vmem>>
        %dma_wait3A_699 = tpu.memref_squeeze %dma_wait3A_698 : memref<1x1x80xi32, #tpu.memory_space<vmem>> -> memref<80xi32, #tpu.memory_space<vmem>>
        %dma_wait3A_700 = arith.constant 0 : i32
        %dma_wait3A_701 = arith.constant 0 : i32
        %dma_wait3A_702 = tpu.memref_slice %arg7[%dma_wait3A_700, %dma_wait3A_701] : memref<10240x80xf32, #tpu.memory_space<vmem_shared>> -> memref<10240x80xf32, #tpu.memory_space<vmem_shared>>
        tpu.wait_indirect_dma semaphore(%run_scoped3A_682 : memref<!tpu.dma_semaphore, #tpu.memory_space<semaphore_mem>>) src(%dma_wait3A_696 : memref<80x80xf32, #tpu.memory_space<vmem>>) dst(%dma_wait3A_702 : memref<10240x80xf32, #tpu.memory_space<vmem_shared>>)
        tpu.yield
      }) : () -> ()
      %dma_wait3A_376 = arith.constant 0 : i32
      %dma_wait3A_377 = arith.constant 2 : i32
      %dma_wait3A_378 = arith.constant 0 : i32
      %dma_wait3A_379 = arith.constant 2 : i32
      %dma_wait3A_380 = arith.constant 0 : i32
      %dma_wait3A_381 = arith.constant 0 : i32
      %dma_wait3A_382 = tpu.memref_slice %arg10[%dma_wait3A_378, %dma_wait3A_379, %dma_wait3A_380, %dma_wait3A_381] : memref<2x5x80x80xf32, #tpu.memory_space<vmem>> -> memref<1x1x80x80xf32, #tpu.memory_space<vmem>>
      %dma_wait3A_383 = tpu.memref_squeeze %dma_wait3A_382 : memref<1x1x80x80xf32, #tpu.memory_space<vmem>> -> memref<80x80xf32, #tpu.memory_space<vmem>>
      %dma_wait3A_384 = arith.constant 0 : i32
      %dma_wait3A_385 = tpu.memref_slice %arg8[%dma_wait3A_376, %dma_wait3A_377, %dma_wait3A_384] : memref<2x5x80xi32, #tpu.memory_space<vmem>> -> memref<1x1x80xi32, #tpu.memory_space<vmem>>
      %dma_wait3A_386 = tpu.memref_squeeze %dma_wait3A_385 : memref<1x1x80xi32, #tpu.memory_space<vmem>> -> memref<80xi32, #tpu.memory_space<vmem>>
      %dma_wait3A_387 = arith.constant 0 : i32
      %dma_wait3A_388 = arith.constant 0 : i32
      %dma_wait3A_389 = tpu.memref_slice %arg2[%dma_wait3A_387, %dma_wait3A_388] : memref<10000x80xf32, #tpu.memory_space<hbm>> -> memref<10000x80xf32, #tpu.memory_space<hbm>>
      tpu.wait_indirect_dma semaphore(%arg11 : memref<!tpu.dma_semaphore, #tpu.memory_space<semaphore_mem>>) src(%dma_wait3A_389 : memref<10000x80xf32, #tpu.memory_space<hbm>>) dst(%dma_wait3A_383 : memref<80x80xf32, #tpu.memory_space<vmem>>)
      %run_scoped3A_390 = arith.constant 0 : i32
      %run_scoped3A_391 = arith.constant 2 : i32
      %run_scoped3A_392 = arith.constant 0 : i32
      %run_scoped3A_393 = arith.constant 2 : i32
      "tpu.region"() ({
        %run_scoped3A_682 = tpu.sem_alloc : memref<!tpu.dma_semaphore, #tpu.memory_space<semaphore_mem>>
        %dma_start3A_683 = arith.constant 0 : i32
        %dma_start3A_684 = arith.constant 0 : i32
        %dma_start3A_685 = tpu.memref_slice %arg10[%run_scoped3A_390, %run_scoped3A_391, %dma_start3A_683, %dma_start3A_684] : memref<2x5x80x80xf32, #tpu.memory_space<vmem>> -> memref<1x1x80x80xf32, #tpu.memory_space<vmem>>
        %dma_start3A_686 = tpu.memref_squeeze %dma_start3A_685 : memref<1x1x80x80xf32, #tpu.memory_space<vmem>> -> memref<80x80xf32, #tpu.memory_space<vmem>>
        %dma_start3A_687 = arith.constant 0 : i32
        %dma_start3A_688 = tpu.memref_slice %arg9[%run_scoped3A_392, %run_scoped3A_393, %dma_start3A_687] : memref<2x5x80xi32, #tpu.memory_space<vmem>> -> memref<1x1x80xi32, #tpu.memory_space<vmem>>
        %dma_start3A_689 = tpu.memref_squeeze %dma_start3A_688 : memref<1x1x80xi32, #tpu.memory_space<vmem>> -> memref<80xi32, #tpu.memory_space<vmem>>
        %dma_start3A_690 = arith.constant 0 : i32
        %dma_start3A_691 = arith.constant 0 : i32
        %dma_start3A_692 = tpu.memref_slice %arg7[%dma_start3A_690, %dma_start3A_691] : memref<10240x80xf32, #tpu.memory_space<vmem_shared>> -> memref<10240x80xf32, #tpu.memory_space<vmem_shared>>
        tpu.enqueue_indirect_dma source(%dma_start3A_686 : memref<80x80xf32, #tpu.memory_space<vmem>>) target(%dma_start3A_692 : memref<10240x80xf32, #tpu.memory_space<vmem_shared>>) offsets(%dma_start3A_689 : memref<80xi32, #tpu.memory_space<vmem>>) semaphore(%run_scoped3A_682 : memref<!tpu.dma_semaphore, #tpu.memory_space<semaphore_mem>>) {add = true}
        %dma_wait3A_693 = arith.constant 0 : i32
        %dma_wait3A_694 = arith.constant 0 : i32
        %dma_wait3A_695 = tpu.memref_slice %arg10[%run_scoped3A_390, %run_scoped3A_391, %dma_wait3A_693, %dma_wait3A_694] : memref<2x5x80x80xf32, #tpu.memory_space<vmem>> -> memref<1x1x80x80xf32, #tpu.memory_space<vmem>>
        %dma_wait3A_696 = tpu.memref_squeeze %dma_wait3A_695 : memref<1x1x80x80xf32, #tpu.memory_space<vmem>> -> memref<80x80xf32, #tpu.memory_space<vmem>>
        %dma_wait3A_697 = arith.constant 0 : i32
        %dma_wait3A_698 = tpu.memref_slice %arg9[%run_scoped3A_392, %run_scoped3A_393, %dma_wait3A_697] : memref<2x5x80xi32, #tpu.memory_space<vmem>> -> memref<1x1x80xi32, #tpu.memory_space<vmem>>
        %dma_wait3A_699 = tpu.memref_squeeze %dma_wait3A_698 : memref<1x1x80xi32, #tpu.memory_space<vmem>> -> memref<80xi32, #tpu.memory_space<vmem>>
        %dma_wait3A_700 = arith.constant 0 : i32
        %dma_wait3A_701 = arith.constant 0 : i32
        %dma_wait3A_702 = tpu.memref_slice %arg7[%dma_wait3A_700, %dma_wait3A_701] : memref<10240x80xf32, #tpu.memory_space<vmem_shared>> -> memref<10240x80xf32, #tpu.memory_space<vmem_shared>>
        tpu.wait_indirect_dma semaphore(%run_scoped3A_682 : memref<!tpu.dma_semaphore, #tpu.memory_space<semaphore_mem>>) src(%dma_wait3A_696 : memref<80x80xf32, #tpu.memory_space<vmem>>) dst(%dma_wait3A_702 : memref<10240x80xf32, #tpu.memory_space<vmem_shared>>)
        tpu.yield
      }) : () -> ()
      %dma_wait3A_394 = arith.constant 0 : i32
      %dma_wait3A_395 = arith.constant 3 : i32
      %dma_wait3A_396 = arith.constant 0 : i32
      %dma_wait3A_397 = arith.constant 3 : i32
      %dma_wait3A_398 = arith.constant 0 : i32
      %dma_wait3A_399 = arith.constant 0 : i32
      %dma_wait3A_400 = tpu.memref_slice %arg10[%dma_wait3A_396, %dma_wait3A_397, %dma_wait3A_398, %dma_wait3A_399] : memref<2x5x80x80xf32, #tpu.memory_space<vmem>> -> memref<1x1x80x80xf32, #tpu.memory_space<vmem>>
      %dma_wait3A_401 = tpu.memref_squeeze %dma_wait3A_400 : memref<1x1x80x80xf32, #tpu.memory_space<vmem>> -> memref<80x80xf32, #tpu.memory_space<vmem>>
      %dma_wait3A_402 = arith.constant 0 : i32
      %dma_wait3A_403 = tpu.memref_slice %arg8[%dma_wait3A_394, %dma_wait3A_395, %dma_wait3A_402] : memref<2x5x80xi32, #tpu.memory_space<vmem>> -> memref<1x1x80xi32, #tpu.memory_space<vmem>>
      %dma_wait3A_404 = tpu.memref_squeeze %dma_wait3A_403 : memref<1x1x80xi32, #tpu.memory_space<vmem>> -> memref<80xi32, #tpu.memory_space<vmem>>
      %dma_wait3A_405 = arith.constant 0 : i32
      %dma_wait3A_406 = arith.constant 0 : i32
      %dma_wait3A_407 = tpu.memref_slice %arg2[%dma_wait3A_405, %dma_wait3A_406] : memref<10000x80xf32, #tpu.memory_space<hbm>> -> memref<10000x80xf32, #tpu.memory_space<hbm>>
      tpu.wait_indirect_dma semaphore(%arg11 : memref<!tpu.dma_semaphore, #tpu.memory_space<semaphore_mem>>) src(%dma_wait3A_407 : memref<10000x80xf32, #tpu.memory_space<hbm>>) dst(%dma_wait3A_401 : memref<80x80xf32, #tpu.memory_space<vmem>>)
      %run_scoped3A_408 = arith.constant 0 : i32
      %run_scoped3A_409 = arith.constant 3 : i32
      %run_scoped3A_410 = arith.constant 0 : i32
      %run_scoped3A_411 = arith.constant 3 : i32
      "tpu.region"() ({
        %run_scoped3A_682 = tpu.sem_alloc : memref<!tpu.dma_semaphore, #tpu.memory_space<semaphore_mem>>
        %dma_start3A_683 = arith.constant 0 : i32
        %dma_start3A_684 = arith.constant 0 : i32
        %dma_start3A_685 = tpu.memref_slice %arg10[%run_scoped3A_408, %run_scoped3A_409, %dma_start3A_683, %dma_start3A_684] : memref<2x5x80x80xf32, #tpu.memory_space<vmem>> -> memref<1x1x80x80xf32, #tpu.memory_space<vmem>>
        %dma_start3A_686 = tpu.memref_squeeze %dma_start3A_685 : memref<1x1x80x80xf32, #tpu.memory_space<vmem>> -> memref<80x80xf32, #tpu.memory_space<vmem>>
        %dma_start3A_687 = arith.constant 0 : i32
        %dma_start3A_688 = tpu.memref_slice %arg9[%run_scoped3A_410, %run_scoped3A_411, %dma_start3A_687] : memref<2x5x80xi32, #tpu.memory_space<vmem>> -> memref<1x1x80xi32, #tpu.memory_space<vmem>>
        %dma_start3A_689 = tpu.memref_squeeze %dma_start3A_688 : memref<1x1x80xi32, #tpu.memory_space<vmem>> -> memref<80xi32, #tpu.memory_space<vmem>>
        %dma_start3A_690 = arith.constant 0 : i32
        %dma_start3A_691 = arith.constant 0 : i32
        %dma_start3A_692 = tpu.memref_slice %arg7[%dma_start3A_690, %dma_start3A_691] : memref<10240x80xf32, #tpu.memory_space<vmem_shared>> -> memref<10240x80xf32, #tpu.memory_space<vmem_shared>>
        tpu.enqueue_indirect_dma source(%dma_start3A_686 : memref<80x80xf32, #tpu.memory_space<vmem>>) target(%dma_start3A_692 : memref<10240x80xf32, #tpu.memory_space<vmem_shared>>) offsets(%dma_start3A_689 : memref<80xi32, #tpu.memory_space<vmem>>) semaphore(%run_scoped3A_682 : memref<!tpu.dma_semaphore, #tpu.memory_space<semaphore_mem>>) {add = true}
        %dma_wait3A_693 = arith.constant 0 : i32
        %dma_wait3A_694 = arith.constant 0 : i32
        %dma_wait3A_695 = tpu.memref_slice %arg10[%run_scoped3A_408, %run_scoped3A_409, %dma_wait3A_693, %dma_wait3A_694] : memref<2x5x80x80xf32, #tpu.memory_space<vmem>> -> memref<1x1x80x80xf32, #tpu.memory_space<vmem>>
        %dma_wait3A_696 = tpu.memref_squeeze %dma_wait3A_695 : memref<1x1x80x80xf32, #tpu.memory_space<vmem>> -> memref<80x80xf32, #tpu.memory_space<vmem>>
        %dma_wait3A_697 = arith.constant 0 : i32
        %dma_wait3A_698 = tpu.memref_slice %arg9[%run_scoped3A_410, %run_scoped3A_411, %dma_wait3A_697] : memref<2x5x80xi32, #tpu.memory_space<vmem>> -> memref<1x1x80xi32, #tpu.memory_space<vmem>>
        %dma_wait3A_699 = tpu.memref_squeeze %dma_wait3A_698 : memref<1x1x80xi32, #tpu.memory_space<vmem>> -> memref<80xi32, #tpu.memory_space<vmem>>
        %dma_wait3A_700 = arith.constant 0 : i32
        %dma_wait3A_701 = arith.constant 0 : i32
        %dma_wait3A_702 = tpu.memref_slice %arg7[%dma_wait3A_700, %dma_wait3A_701] : memref<10240x80xf32, #tpu.memory_space<vmem_shared>> -> memref<10240x80xf32, #tpu.memory_space<vmem_shared>>
        tpu.wait_indirect_dma semaphore(%run_scoped3A_682 : memref<!tpu.dma_semaphore, #tpu.memory_space<semaphore_mem>>) src(%dma_wait3A_696 : memref<80x80xf32, #tpu.memory_space<vmem>>) dst(%dma_wait3A_702 : memref<10240x80xf32, #tpu.memory_space<vmem_shared>>)
        tpu.yield
      }) : () -> ()
      %dma_wait3A_412 = arith.constant 0 : i32
      %dma_wait3A_413 = arith.constant 4 : i32
      %dma_wait3A_414 = arith.constant 0 : i32
      %dma_wait3A_415 = arith.constant 4 : i32
      %dma_wait3A_416 = arith.constant 0 : i32
      %dma_wait3A_417 = arith.constant 0 : i32
      %dma_wait3A_418 = tpu.memref_slice %arg10[%dma_wait3A_414, %dma_wait3A_415, %dma_wait3A_416, %dma_wait3A_417] : memref<2x5x80x80xf32, #tpu.memory_space<vmem>> -> memref<1x1x80x80xf32, #tpu.memory_space<vmem>>
      %dma_wait3A_419 = tpu.memref_squeeze %dma_wait3A_418 : memref<1x1x80x80xf32, #tpu.memory_space<vmem>> -> memref<80x80xf32, #tpu.memory_space<vmem>>
      %dma_wait3A_420 = arith.constant 0 : i32
      %dma_wait3A_421 = tpu.memref_slice %arg8[%dma_wait3A_412, %dma_wait3A_413, %dma_wait3A_420] : memref<2x5x80xi32, #tpu.memory_space<vmem>> -> memref<1x1x80xi32, #tpu.memory_space<vmem>>
      %dma_wait3A_422 = tpu.memref_squeeze %dma_wait3A_421 : memref<1x1x80xi32, #tpu.memory_space<vmem>> -> memref<80xi32, #tpu.memory_space<vmem>>
      %dma_wait3A_423 = arith.constant 0 : i32
      %dma_wait3A_424 = arith.constant 0 : i32
      %dma_wait3A_425 = tpu.memref_slice %arg2[%dma_wait3A_423, %dma_wait3A_424] : memref<10000x80xf32, #tpu.memory_space<hbm>> -> memref<10000x80xf32, #tpu.memory_space<hbm>>
      tpu.wait_indirect_dma semaphore(%arg11 : memref<!tpu.dma_semaphore, #tpu.memory_space<semaphore_mem>>) src(%dma_wait3A_425 : memref<10000x80xf32, #tpu.memory_space<hbm>>) dst(%dma_wait3A_419 : memref<80x80xf32, #tpu.memory_space<vmem>>)
      %run_scoped3A_426 = arith.constant 0 : i32
      %run_scoped3A_427 = arith.constant 4 : i32
      %run_scoped3A_428 = arith.constant 0 : i32
      %run_scoped3A_429 = arith.constant 4 : i32
      "tpu.region"() ({
        %run_scoped3A_682 = tpu.sem_alloc : memref<!tpu.dma_semaphore, #tpu.memory_space<semaphore_mem>>
        %dma_start3A_683 = arith.constant 0 : i32
        %dma_start3A_684 = arith.constant 0 : i32
        %dma_start3A_685 = tpu.memref_slice %arg10[%run_scoped3A_426, %run_scoped3A_427, %dma_start3A_683, %dma_start3A_684] : memref<2x5x80x80xf32, #tpu.memory_space<vmem>> -> memref<1x1x80x80xf32, #tpu.memory_space<vmem>>
        %dma_start3A_686 = tpu.memref_squeeze %dma_start3A_685 : memref<1x1x80x80xf32, #tpu.memory_space<vmem>> -> memref<80x80xf32, #tpu.memory_space<vmem>>
        %dma_start3A_687 = arith.constant 0 : i32
        %dma_start3A_688 = tpu.memref_slice %arg9[%run_scoped3A_428, %run_scoped3A_429, %dma_start3A_687] : memref<2x5x80xi32, #tpu.memory_space<vmem>> -> memref<1x1x80xi32, #tpu.memory_space<vmem>>
        %dma_start3A_689 = tpu.memref_squeeze %dma_start3A_688 : memref<1x1x80xi32, #tpu.memory_space<vmem>> -> memref<80xi32, #tpu.memory_space<vmem>>
        %dma_start3A_690 = arith.constant 0 : i32
        %dma_start3A_691 = arith.constant 0 : i32
        %dma_start3A_692 = tpu.memref_slice %arg7[%dma_start3A_690, %dma_start3A_691] : memref<10240x80xf32, #tpu.memory_space<vmem_shared>> -> memref<10240x80xf32, #tpu.memory_space<vmem_shared>>
        tpu.enqueue_indirect_dma source(%dma_start3A_686 : memref<80x80xf32, #tpu.memory_space<vmem>>) target(%dma_start3A_692 : memref<10240x80xf32, #tpu.memory_space<vmem_shared>>) offsets(%dma_start3A_689 : memref<80xi32, #tpu.memory_space<vmem>>) semaphore(%run_scoped3A_682 : memref<!tpu.dma_semaphore, #tpu.memory_space<semaphore_mem>>) {add = true}
        %dma_wait3A_693 = arith.constant 0 : i32
        %dma_wait3A_694 = arith.constant 0 : i32
        %dma_wait3A_695 = tpu.memref_slice %arg10[%run_scoped3A_426, %run_scoped3A_427, %dma_wait3A_693, %dma_wait3A_694] : memref<2x5x80x80xf32, #tpu.memory_space<vmem>> -> memref<1x1x80x80xf32, #tpu.memory_space<vmem>>
        %dma_wait3A_696 = tpu.memref_squeeze %dma_wait3A_695 : memref<1x1x80x80xf32, #tpu.memory_space<vmem>> -> memref<80x80xf32, #tpu.memory_space<vmem>>
        %dma_wait3A_697 = arith.constant 0 : i32
        %dma_wait3A_698 = tpu.memref_slice %arg9[%run_scoped3A_428, %run_scoped3A_429, %dma_wait3A_697] : memref<2x5x80xi32, #tpu.memory_space<vmem>> -> memref<1x1x80xi32, #tpu.memory_space<vmem>>
        %dma_wait3A_699 = tpu.memref_squeeze %dma_wait3A_698 : memref<1x1x80xi32, #tpu.memory_space<vmem>> -> memref<80xi32, #tpu.memory_space<vmem>>
        %dma_wait3A_700 = arith.constant 0 : i32
        %dma_wait3A_701 = arith.constant 0 : i32
        %dma_wait3A_702 = tpu.memref_slice %arg7[%dma_wait3A_700, %dma_wait3A_701] : memref<10240x80xf32, #tpu.memory_space<vmem_shared>> -> memref<10240x80xf32, #tpu.memory_space<vmem_shared>>
        tpu.wait_indirect_dma semaphore(%run_scoped3A_682 : memref<!tpu.dma_semaphore, #tpu.memory_space<semaphore_mem>>) src(%dma_wait3A_696 : memref<80x80xf32, #tpu.memory_space<vmem>>) dst(%dma_wait3A_702 : memref<10240x80xf32, #tpu.memory_space<vmem_shared>>)
        tpu.yield
      }) : () -> ()
      %mul3A_430 = arith.constant 2 : i32
      %mul3A_431 = arith.muli %mul3A_430, %add3A_339 : i32
      %add3A_432 = arith.constant 0 : i32
      %add3A_433 = arith.addi %mul3A_431, %add3A_432 : i32
      %add3A_434 = arith.constant 2 : i32
      %add3A_435 = arith.addi %add3A_433, %add3A_434 : i32
      %mul3A_436 = arith.constant 5 : i32
      %mul3A_437 = arith.muli %add3A_435, %mul3A_436 : i32
      %add3A_438 = arith.addi %mul3A_4, %mul3A_437 : i32
      %run_scoped3A_439 = arith.constant 0 : i32
      "tpu.region"() ({
        %run_scoped3A_682 = tpu.sem_alloc : memref<!tpu.dma_semaphore, #tpu.memory_space<semaphore_mem>>
        %dma_start3A_683 = arith.constant 0 : i32
        %dma_start3A_684 = arith.constant 0 : i32
        %dma_start3A_685 = tpu.memref_slice %arg8[%run_scoped3A_439, %dma_start3A_683, %dma_start3A_684] : memref<2x5x80xi32, #tpu.memory_space<vmem>> -> memref<1x5x80xi32, #tpu.memory_space<vmem>>
        %dma_start3A_686 = tpu.memref_squeeze %dma_start3A_685 : memref<1x5x80xi32, #tpu.memory_space<vmem>> -> memref<5x80xi32, #tpu.memory_space<vmem>>
        %dma_start3A_687 = arith.constant 0 : i32
        %dma_start3A_688 = tpu.memref_slice %arg3[%add3A_438, %dma_start3A_687] : memref<8000x80xi32, #tpu.memory_space<hbm>> -> memref<5x80xi32, #tpu.memory_space<hbm>>
        %dma_start3A_689 = arith.constant 0 : i32
        %dma_start3A_690 = arith.constant 0 : i32
        %dma_start3A_691 = tpu.memref_slice %arg8[%run_scoped3A_439, %dma_start3A_689, %dma_start3A_690] : memref<2x5x80xi32, #tpu.memory_space<vmem>> -> memref<1x5x80xi32, #tpu.memory_space<vmem>>
        %dma_start3A_692 = tpu.memref_squeeze %dma_start3A_691 : memref<1x5x80xi32, #tpu.memory_space<vmem>> -> memref<5x80xi32, #tpu.memory_space<vmem>>
        %dma_start3A_693 = arith.constant 0 : i32
        %dma_start3A_694 = tpu.memref_slice %arg3[%add3A_438, %dma_start3A_693] : memref<8000x80xi32, #tpu.memory_space<hbm>> -> memref<5x80xi32, #tpu.memory_space<hbm>>
        tpu.enqueue_dma source(%dma_start3A_694 : memref<5x80xi32, #tpu.memory_space<hbm>>) target(%dma_start3A_692 : memref<5x80xi32, #tpu.memory_space<vmem>>) target_semaphore(%run_scoped3A_682 : memref<!tpu.dma_semaphore, #tpu.memory_space<semaphore_mem>>)
        %dma_wait3A_695 = arith.constant 0 : i32
        %dma_wait3A_696 = arith.constant 0 : i32
        %dma_wait3A_697 = tpu.memref_slice %arg8[%run_scoped3A_439, %dma_wait3A_695, %dma_wait3A_696] : memref<2x5x80xi32, #tpu.memory_space<vmem>> -> memref<1x5x80xi32, #tpu.memory_space<vmem>>
        %dma_wait3A_698 = tpu.memref_squeeze %dma_wait3A_697 : memref<1x5x80xi32, #tpu.memory_space<vmem>> -> memref<5x80xi32, #tpu.memory_space<vmem>>
        %dma_wait3A_699 = arith.constant 0 : i32
        %dma_wait3A_700 = tpu.memref_slice %arg3[%add3A_438, %dma_wait3A_699] : memref<8000x80xi32, #tpu.memory_space<hbm>> -> memref<5x80xi32, #tpu.memory_space<hbm>>
        %dma_wait3A_701 = arith.constant 0 : i32
        %dma_wait3A_702 = arith.constant 0 : i32
        %dma_wait3A_703 = tpu.memref_slice %arg8[%run_scoped3A_439, %dma_wait3A_701, %dma_wait3A_702] : memref<2x5x80xi32, #tpu.memory_space<vmem>> -> memref<1x5x80xi32, #tpu.memory_space<vmem>>
        %dma_wait3A_704 = tpu.memref_squeeze %dma_wait3A_703 : memref<1x5x80xi32, #tpu.memory_space<vmem>> -> memref<5x80xi32, #tpu.memory_space<vmem>>
        %dma_wait3A_705 = arith.constant 0 : i32
        %dma_wait3A_706 = tpu.memref_slice %arg3[%add3A_438, %dma_wait3A_705] : memref<8000x80xi32, #tpu.memory_space<hbm>> -> memref<5x80xi32, #tpu.memory_space<hbm>>
        tpu.wait_dma2 semaphore(%run_scoped3A_682 : memref<!tpu.dma_semaphore, #tpu.memory_space<semaphore_mem>>) src(%dma_wait3A_706 : memref<5x80xi32, #tpu.memory_space<hbm>>) dst(%dma_wait3A_704 : memref<5x80xi32, #tpu.memory_space<vmem>>)
        tpu.yield
      }) : () -> ()
      %run_scoped3A_440 = arith.constant 0 : i32
      "tpu.region"() ({
        %run_scoped3A_682 = tpu.sem_alloc : memref<!tpu.dma_semaphore, #tpu.memory_space<semaphore_mem>>
        %dma_start3A_683 = arith.constant 0 : i32
        %dma_start3A_684 = arith.constant 0 : i32
        %dma_start3A_685 = tpu.memref_slice %arg9[%run_scoped3A_440, %dma_start3A_683, %dma_start3A_684] : memref<2x5x80xi32, #tpu.memory_space<vmem>> -> memref<1x5x80xi32, #tpu.memory_space<vmem>>
        %dma_start3A_686 = tpu.memref_squeeze %dma_start3A_685 : memref<1x5x80xi32, #tpu.memory_space<vmem>> -> memref<5x80xi32, #tpu.memory_space<vmem>>
        %dma_start3A_687 = arith.constant 0 : i32
        %dma_start3A_688 = tpu.memref_slice %arg4[%add3A_438, %dma_start3A_687] : memref<8000x80xi32, #tpu.memory_space<hbm>> -> memref<5x80xi32, #tpu.memory_space<hbm>>
        %dma_start3A_689 = arith.constant 0 : i32
        %dma_start3A_690 = arith.constant 0 : i32
        %dma_start3A_691 = tpu.memref_slice %arg9[%run_scoped3A_440, %dma_start3A_689, %dma_start3A_690] : memref<2x5x80xi32, #tpu.memory_space<vmem>> -> memref<1x5x80xi32, #tpu.memory_space<vmem>>
        %dma_start3A_692 = tpu.memref_squeeze %dma_start3A_691 : memref<1x5x80xi32, #tpu.memory_space<vmem>> -> memref<5x80xi32, #tpu.memory_space<vmem>>
        %dma_start3A_693 = arith.constant 0 : i32
        %dma_start3A_694 = tpu.memref_slice %arg4[%add3A_438, %dma_start3A_693] : memref<8000x80xi32, #tpu.memory_space<hbm>> -> memref<5x80xi32, #tpu.memory_space<hbm>>
        tpu.enqueue_dma source(%dma_start3A_694 : memref<5x80xi32, #tpu.memory_space<hbm>>) target(%dma_start3A_692 : memref<5x80xi32, #tpu.memory_space<vmem>>) target_semaphore(%run_scoped3A_682 : memref<!tpu.dma_semaphore, #tpu.memory_space<semaphore_mem>>)
        %dma_wait3A_695 = arith.constant 0 : i32
        %dma_wait3A_696 = arith.constant 0 : i32
        %dma_wait3A_697 = tpu.memref_slice %arg9[%run_scoped3A_440, %dma_wait3A_695, %dma_wait3A_696] : memref<2x5x80xi32, #tpu.memory_space<vmem>> -> memref<1x5x80xi32, #tpu.memory_space<vmem>>
        %dma_wait3A_698 = tpu.memref_squeeze %dma_wait3A_697 : memref<1x5x80xi32, #tpu.memory_space<vmem>> -> memref<5x80xi32, #tpu.memory_space<vmem>>
        %dma_wait3A_699 = arith.constant 0 : i32
        %dma_wait3A_700 = tpu.memref_slice %arg4[%add3A_438, %dma_wait3A_699] : memref<8000x80xi32, #tpu.memory_space<hbm>> -> memref<5x80xi32, #tpu.memory_space<hbm>>
        %dma_wait3A_701 = arith.constant 0 : i32
        %dma_wait3A_702 = arith.constant 0 : i32
        %dma_wait3A_703 = tpu.memref_slice %arg9[%run_scoped3A_440, %dma_wait3A_701, %dma_wait3A_702] : memref<2x5x80xi32, #tpu.memory_space<vmem>> -> memref<1x5x80xi32, #tpu.memory_space<vmem>>
        %dma_wait3A_704 = tpu.memref_squeeze %dma_wait3A_703 : memref<1x5x80xi32, #tpu.memory_space<vmem>> -> memref<5x80xi32, #tpu.memory_space<vmem>>
        %dma_wait3A_705 = arith.constant 0 : i32
        %dma_wait3A_706 = tpu.memref_slice %arg4[%add3A_438, %dma_wait3A_705] : memref<8000x80xi32, #tpu.memory_space<hbm>> -> memref<5x80xi32, #tpu.memory_space<hbm>>
        tpu.wait_dma2 semaphore(%run_scoped3A_682 : memref<!tpu.dma_semaphore, #tpu.memory_space<semaphore_mem>>) src(%dma_wait3A_706 : memref<5x80xi32, #tpu.memory_space<hbm>>) dst(%dma_wait3A_704 : memref<5x80xi32, #tpu.memory_space<vmem>>)
        tpu.yield
      }) : () -> ()
      %dma_start3A_441 = arith.constant 0 : i32
      %dma_start3A_442 = arith.constant 0 : i32
      %dma_start3A_443 = arith.constant 0 : i32
      %dma_start3A_444 = arith.constant 0 : i32
      %dma_start3A_445 = arith.constant 0 : i32
      %dma_start3A_446 = arith.constant 0 : i32
      %dma_start3A_447 = tpu.memref_slice %arg10[%dma_start3A_443, %dma_start3A_444, %dma_start3A_445, %dma_start3A_446] : memref<2x5x80x80xf32, #tpu.memory_space<vmem>> -> memref<1x1x80x80xf32, #tpu.memory_space<vmem>>
      %dma_start3A_448 = tpu.memref_squeeze %dma_start3A_447 : memref<1x1x80x80xf32, #tpu.memory_space<vmem>> -> memref<80x80xf32, #tpu.memory_space<vmem>>
      %dma_start3A_449 = arith.constant 0 : i32
      %dma_start3A_450 = tpu.memref_slice %arg8[%dma_start3A_441, %dma_start3A_442, %dma_start3A_449] : memref<2x5x80xi32, #tpu.memory_space<vmem>> -> memref<1x1x80xi32, #tpu.memory_space<vmem>>
      %dma_start3A_451 = tpu.memref_squeeze %dma_start3A_450 : memref<1x1x80xi32, #tpu.memory_space<vmem>> -> memref<80xi32, #tpu.memory_space<vmem>>
      %dma_start3A_452 = arith.constant 0 : i32
      %dma_start3A_453 = arith.constant 0 : i32
      %dma_start3A_454 = tpu.memref_slice %arg2[%dma_start3A_452, %dma_start3A_453] : memref<10000x80xf32, #tpu.memory_space<hbm>> -> memref<10000x80xf32, #tpu.memory_space<hbm>>
      tpu.enqueue_indirect_dma source(%dma_start3A_454 : memref<10000x80xf32, #tpu.memory_space<hbm>>) target(%dma_start3A_448 : memref<80x80xf32, #tpu.memory_space<vmem>>) offsets(%dma_start3A_451 : memref<80xi32, #tpu.memory_space<vmem>>) semaphore(%arg11 : memref<!tpu.dma_semaphore, #tpu.memory_space<semaphore_mem>>)
      %dma_start3A_455 = arith.constant 0 : i32
      %dma_start3A_456 = arith.constant 1 : i32
      %dma_start3A_457 = arith.constant 0 : i32
      %dma_start3A_458 = arith.constant 1 : i32
      %dma_start3A_459 = arith.constant 0 : i32
      %dma_start3A_460 = arith.constant 0 : i32
      %dma_start3A_461 = tpu.memref_slice %arg10[%dma_start3A_457, %dma_start3A_458, %dma_start3A_459, %dma_start3A_460] : memref<2x5x80x80xf32, #tpu.memory_space<vmem>> -> memref<1x1x80x80xf32, #tpu.memory_space<vmem>>
      %dma_start3A_462 = tpu.memref_squeeze %dma_start3A_461 : memref<1x1x80x80xf32, #tpu.memory_space<vmem>> -> memref<80x80xf32, #tpu.memory_space<vmem>>
      %dma_start3A_463 = arith.constant 0 : i32
      %dma_start3A_464 = tpu.memref_slice %arg8[%dma_start3A_455, %dma_start3A_456, %dma_start3A_463] : memref<2x5x80xi32, #tpu.memory_space<vmem>> -> memref<1x1x80xi32, #tpu.memory_space<vmem>>
      %dma_start3A_465 = tpu.memref_squeeze %dma_start3A_464 : memref<1x1x80xi32, #tpu.memory_space<vmem>> -> memref<80xi32, #tpu.memory_space<vmem>>
      %dma_start3A_466 = arith.constant 0 : i32
      %dma_start3A_467 = arith.constant 0 : i32
      %dma_start3A_468 = tpu.memref_slice %arg2[%dma_start3A_466, %dma_start3A_467] : memref<10000x80xf32, #tpu.memory_space<hbm>> -> memref<10000x80xf32, #tpu.memory_space<hbm>>
      tpu.enqueue_indirect_dma source(%dma_start3A_468 : memref<10000x80xf32, #tpu.memory_space<hbm>>) target(%dma_start3A_462 : memref<80x80xf32, #tpu.memory_space<vmem>>) offsets(%dma_start3A_465 : memref<80xi32, #tpu.memory_space<vmem>>) semaphore(%arg11 : memref<!tpu.dma_semaphore, #tpu.memory_space<semaphore_mem>>)
      %dma_start3A_469 = arith.constant 0 : i32
      %dma_start3A_470 = arith.constant 2 : i32
      %dma_start3A_471 = arith.constant 0 : i32
      %dma_start3A_472 = arith.constant 2 : i32
      %dma_start3A_473 = arith.constant 0 : i32
      %dma_start3A_474 = arith.constant 0 : i32
      %dma_start3A_475 = tpu.memref_slice %arg10[%dma_start3A_471, %dma_start3A_472, %dma_start3A_473, %dma_start3A_474] : memref<2x5x80x80xf32, #tpu.memory_space<vmem>> -> memref<1x1x80x80xf32, #tpu.memory_space<vmem>>
      %dma_start3A_476 = tpu.memref_squeeze %dma_start3A_475 : memref<1x1x80x80xf32, #tpu.memory_space<vmem>> -> memref<80x80xf32, #tpu.memory_space<vmem>>
      %dma_start3A_477 = arith.constant 0 : i32
      %dma_start3A_478 = tpu.memref_slice %arg8[%dma_start3A_469, %dma_start3A_470, %dma_start3A_477] : memref<2x5x80xi32, #tpu.memory_space<vmem>> -> memref<1x1x80xi32, #tpu.memory_space<vmem>>
      %dma_start3A_479 = tpu.memref_squeeze %dma_start3A_478 : memref<1x1x80xi32, #tpu.memory_space<vmem>> -> memref<80xi32, #tpu.memory_space<vmem>>
      %dma_start3A_480 = arith.constant 0 : i32
      %dma_start3A_481 = arith.constant 0 : i32
      %dma_start3A_482 = tpu.memref_slice %arg2[%dma_start3A_480, %dma_start3A_481] : memref<10000x80xf32, #tpu.memory_space<hbm>> -> memref<10000x80xf32, #tpu.memory_space<hbm>>
      tpu.enqueue_indirect_dma source(%dma_start3A_482 : memref<10000x80xf32, #tpu.memory_space<hbm>>) target(%dma_start3A_476 : memref<80x80xf32, #tpu.memory_space<vmem>>) offsets(%dma_start3A_479 : memref<80xi32, #tpu.memory_space<vmem>>) semaphore(%arg11 : memref<!tpu.dma_semaphore, #tpu.memory_space<semaphore_mem>>)
      %dma_start3A_483 = arith.constant 0 : i32
      %dma_start3A_484 = arith.constant 3 : i32
      %dma_start3A_485 = arith.constant 0 : i32
      %dma_start3A_486 = arith.constant 3 : i32
      %dma_start3A_487 = arith.constant 0 : i32
      %dma_start3A_488 = arith.constant 0 : i32
      %dma_start3A_489 = tpu.memref_slice %arg10[%dma_start3A_485, %dma_start3A_486, %dma_start3A_487, %dma_start3A_488] : memref<2x5x80x80xf32, #tpu.memory_space<vmem>> -> memref<1x1x80x80xf32, #tpu.memory_space<vmem>>
      %dma_start3A_490 = tpu.memref_squeeze %dma_start3A_489 : memref<1x1x80x80xf32, #tpu.memory_space<vmem>> -> memref<80x80xf32, #tpu.memory_space<vmem>>
      %dma_start3A_491 = arith.constant 0 : i32
      %dma_start3A_492 = tpu.memref_slice %arg8[%dma_start3A_483, %dma_start3A_484, %dma_start3A_491] : memref<2x5x80xi32, #tpu.memory_space<vmem>> -> memref<1x1x80xi32, #tpu.memory_space<vmem>>
      %dma_start3A_493 = tpu.memref_squeeze %dma_start3A_492 : memref<1x1x80xi32, #tpu.memory_space<vmem>> -> memref<80xi32, #tpu.memory_space<vmem>>
      %dma_start3A_494 = arith.constant 0 : i32
      %dma_start3A_495 = arith.constant 0 : i32
      %dma_start3A_496 = tpu.memref_slice %arg2[%dma_start3A_494, %dma_start3A_495] : memref<10000x80xf32, #tpu.memory_space<hbm>> -> memref<10000x80xf32, #tpu.memory_space<hbm>>
      tpu.enqueue_indirect_dma source(%dma_start3A_496 : memref<10000x80xf32, #tpu.memory_space<hbm>>) target(%dma_start3A_490 : memref<80x80xf32, #tpu.memory_space<vmem>>) offsets(%dma_start3A_493 : memref<80xi32, #tpu.memory_space<vmem>>) semaphore(%arg11 : memref<!tpu.dma_semaphore, #tpu.memory_space<semaphore_mem>>)
      %dma_start3A_497 = arith.constant 0 : i32
      %dma_start3A_498 = arith.constant 4 : i32
      %dma_start3A_499 = arith.constant 0 : i32
      %dma_start3A_500 = arith.constant 4 : i32
      %dma_start3A_501 = arith.constant 0 : i32
      %dma_start3A_502 = arith.constant 0 : i32
      %dma_start3A_503 = tpu.memref_slice %arg10[%dma_start3A_499, %dma_start3A_500, %dma_start3A_501, %dma_start3A_502] : memref<2x5x80x80xf32, #tpu.memory_space<vmem>> -> memref<1x1x80x80xf32, #tpu.memory_space<vmem>>
      %dma_start3A_504 = tpu.memref_squeeze %dma_start3A_503 : memref<1x1x80x80xf32, #tpu.memory_space<vmem>> -> memref<80x80xf32, #tpu.memory_space<vmem>>
      %dma_start3A_505 = arith.constant 0 : i32
      %dma_start3A_506 = tpu.memref_slice %arg8[%dma_start3A_497, %dma_start3A_498, %dma_start3A_505] : memref<2x5x80xi32, #tpu.memory_space<vmem>> -> memref<1x1x80xi32, #tpu.memory_space<vmem>>
      %dma_start3A_507 = tpu.memref_squeeze %dma_start3A_506 : memref<1x1x80xi32, #tpu.memory_space<vmem>> -> memref<80xi32, #tpu.memory_space<vmem>>
      %dma_start3A_508 = arith.constant 0 : i32
      %dma_start3A_509 = arith.constant 0 : i32
      %dma_start3A_510 = tpu.memref_slice %arg2[%dma_start3A_508, %dma_start3A_509] : memref<10000x80xf32, #tpu.memory_space<hbm>> -> memref<10000x80xf32, #tpu.memory_space<hbm>>
      tpu.enqueue_indirect_dma source(%dma_start3A_510 : memref<10000x80xf32, #tpu.memory_space<hbm>>) target(%dma_start3A_504 : memref<80x80xf32, #tpu.memory_space<vmem>>) offsets(%dma_start3A_507 : memref<80xi32, #tpu.memory_space<vmem>>) semaphore(%arg11 : memref<!tpu.dma_semaphore, #tpu.memory_space<semaphore_mem>>)
      %dma_wait3A_511 = arith.constant 1 : i32
      %dma_wait3A_512 = arith.constant 0 : i32
      %dma_wait3A_513 = arith.constant 1 : i32
      %dma_wait3A_514 = arith.constant 0 : i32
      %dma_wait3A_515 = arith.constant 0 : i32
      %dma_wait3A_516 = arith.constant 0 : i32
      %dma_wait3A_517 = tpu.memref_slice %arg10[%dma_wait3A_513, %dma_wait3A_514, %dma_wait3A_515, %dma_wait3A_516] : memref<2x5x80x80xf32, #tpu.memory_space<vmem>> -> memref<1x1x80x80xf32, #tpu.memory_space<vmem>>
      %dma_wait3A_518 = tpu.memref_squeeze %dma_wait3A_517 : memref<1x1x80x80xf32, #tpu.memory_space<vmem>> -> memref<80x80xf32, #tpu.memory_space<vmem>>
      %dma_wait3A_519 = arith.constant 0 : i32
      %dma_wait3A_520 = tpu.memref_slice %arg8[%dma_wait3A_511, %dma_wait3A_512, %dma_wait3A_519] : memref<2x5x80xi32, #tpu.memory_space<vmem>> -> memref<1x1x80xi32, #tpu.memory_space<vmem>>
      %dma_wait3A_521 = tpu.memref_squeeze %dma_wait3A_520 : memref<1x1x80xi32, #tpu.memory_space<vmem>> -> memref<80xi32, #tpu.memory_space<vmem>>
      %dma_wait3A_522 = arith.constant 0 : i32
      %dma_wait3A_523 = arith.constant 0 : i32
      %dma_wait3A_524 = tpu.memref_slice %arg2[%dma_wait3A_522, %dma_wait3A_523] : memref<10000x80xf32, #tpu.memory_space<hbm>> -> memref<10000x80xf32, #tpu.memory_space<hbm>>
      tpu.wait_indirect_dma semaphore(%arg12 : memref<!tpu.dma_semaphore, #tpu.memory_space<semaphore_mem>>) src(%dma_wait3A_524 : memref<10000x80xf32, #tpu.memory_space<hbm>>) dst(%dma_wait3A_518 : memref<80x80xf32, #tpu.memory_space<vmem>>)
      %run_scoped3A_525 = arith.constant 1 : i32
      %run_scoped3A_526 = arith.constant 0 : i32
      %run_scoped3A_527 = arith.constant 1 : i32
      %run_scoped3A_528 = arith.constant 0 : i32
      "tpu.region"() ({
        %run_scoped3A_682 = tpu.sem_alloc : memref<!tpu.dma_semaphore, #tpu.memory_space<semaphore_mem>>
        %dma_start3A_683 = arith.constant 0 : i32
        %dma_start3A_684 = arith.constant 0 : i32
        %dma_start3A_685 = tpu.memref_slice %arg10[%run_scoped3A_525, %run_scoped3A_526, %dma_start3A_683, %dma_start3A_684] : memref<2x5x80x80xf32, #tpu.memory_space<vmem>> -> memref<1x1x80x80xf32, #tpu.memory_space<vmem>>
        %dma_start3A_686 = tpu.memref_squeeze %dma_start3A_685 : memref<1x1x80x80xf32, #tpu.memory_space<vmem>> -> memref<80x80xf32, #tpu.memory_space<vmem>>
        %dma_start3A_687 = arith.constant 0 : i32
        %dma_start3A_688 = tpu.memref_slice %arg9[%run_scoped3A_527, %run_scoped3A_528, %dma_start3A_687] : memref<2x5x80xi32, #tpu.memory_space<vmem>> -> memref<1x1x80xi32, #tpu.memory_space<vmem>>
        %dma_start3A_689 = tpu.memref_squeeze %dma_start3A_688 : memref<1x1x80xi32, #tpu.memory_space<vmem>> -> memref<80xi32, #tpu.memory_space<vmem>>
        %dma_start3A_690 = arith.constant 0 : i32
        %dma_start3A_691 = arith.constant 0 : i32
        %dma_start3A_692 = tpu.memref_slice %arg7[%dma_start3A_690, %dma_start3A_691] : memref<10240x80xf32, #tpu.memory_space<vmem_shared>> -> memref<10240x80xf32, #tpu.memory_space<vmem_shared>>
        tpu.enqueue_indirect_dma source(%dma_start3A_686 : memref<80x80xf32, #tpu.memory_space<vmem>>) target(%dma_start3A_692 : memref<10240x80xf32, #tpu.memory_space<vmem_shared>>) offsets(%dma_start3A_689 : memref<80xi32, #tpu.memory_space<vmem>>) semaphore(%run_scoped3A_682 : memref<!tpu.dma_semaphore, #tpu.memory_space<semaphore_mem>>) {add = true}
        %dma_wait3A_693 = arith.constant 0 : i32
        %dma_wait3A_694 = arith.constant 0 : i32
        %dma_wait3A_695 = tpu.memref_slice %arg10[%run_scoped3A_525, %run_scoped3A_526, %dma_wait3A_693, %dma_wait3A_694] : memref<2x5x80x80xf32, #tpu.memory_space<vmem>> -> memref<1x1x80x80xf32, #tpu.memory_space<vmem>>
        %dma_wait3A_696 = tpu.memref_squeeze %dma_wait3A_695 : memref<1x1x80x80xf32, #tpu.memory_space<vmem>> -> memref<80x80xf32, #tpu.memory_space<vmem>>
        %dma_wait3A_697 = arith.constant 0 : i32
        %dma_wait3A_698 = tpu.memref_slice %arg9[%run_scoped3A_527, %run_scoped3A_528, %dma_wait3A_697] : memref<2x5x80xi32, #tpu.memory_space<vmem>> -> memref<1x1x80xi32, #tpu.memory_space<vmem>>
        %dma_wait3A_699 = tpu.memref_squeeze %dma_wait3A_698 : memref<1x1x80xi32, #tpu.memory_space<vmem>> -> memref<80xi32, #tpu.memory_space<vmem>>
        %dma_wait3A_700 = arith.constant 0 : i32
        %dma_wait3A_701 = arith.constant 0 : i32
        %dma_wait3A_702 = tpu.memref_slice %arg7[%dma_wait3A_700, %dma_wait3A_701] : memref<10240x80xf32, #tpu.memory_space<vmem_shared>> -> memref<10240x80xf32, #tpu.memory_space<vmem_shared>>
        tpu.wait_indirect_dma semaphore(%run_scoped3A_682 : memref<!tpu.dma_semaphore, #tpu.memory_space<semaphore_mem>>) src(%dma_wait3A_696 : memref<80x80xf32, #tpu.memory_space<vmem>>) dst(%dma_wait3A_702 : memref<10240x80xf32, #tpu.memory_space<vmem_shared>>)
        tpu.yield
      }) : () -> ()
      %dma_wait3A_529 = arith.constant 1 : i32
      %dma_wait3A_530 = arith.constant 1 : i32
      %dma_wait3A_531 = arith.constant 1 : i32
      %dma_wait3A_532 = arith.constant 1 : i32
      %dma_wait3A_533 = arith.constant 0 : i32
      %dma_wait3A_534 = arith.constant 0 : i32
      %dma_wait3A_535 = tpu.memref_slice %arg10[%dma_wait3A_531, %dma_wait3A_532, %dma_wait3A_533, %dma_wait3A_534] : memref<2x5x80x80xf32, #tpu.memory_space<vmem>> -> memref<1x1x80x80xf32, #tpu.memory_space<vmem>>
      %dma_wait3A_536 = tpu.memref_squeeze %dma_wait3A_535 : memref<1x1x80x80xf32, #tpu.memory_space<vmem>> -> memref<80x80xf32, #tpu.memory_space<vmem>>
      %dma_wait3A_537 = arith.constant 0 : i32
      %dma_wait3A_538 = tpu.memref_slice %arg8[%dma_wait3A_529, %dma_wait3A_530, %dma_wait3A_537] : memref<2x5x80xi32, #tpu.memory_space<vmem>> -> memref<1x1x80xi32, #tpu.memory_space<vmem>>
      %dma_wait3A_539 = tpu.memref_squeeze %dma_wait3A_538 : memref<1x1x80xi32, #tpu.memory_space<vmem>> -> memref<80xi32, #tpu.memory_space<vmem>>
      %dma_wait3A_540 = arith.constant 0 : i32
      %dma_wait3A_541 = arith.constant 0 : i32
      %dma_wait3A_542 = tpu.memref_slice %arg2[%dma_wait3A_540, %dma_wait3A_541] : memref<10000x80xf32, #tpu.memory_space<hbm>> -> memref<10000x80xf32, #tpu.memory_space<hbm>>
      tpu.wait_indirect_dma semaphore(%arg12 : memref<!tpu.dma_semaphore, #tpu.memory_space<semaphore_mem>>) src(%dma_wait3A_542 : memref<10000x80xf32, #tpu.memory_space<hbm>>) dst(%dma_wait3A_536 : memref<80x80xf32, #tpu.memory_space<vmem>>)
      %run_scoped3A_543 = arith.constant 1 : i32
      %run_scoped3A_544 = arith.constant 1 : i32
      %run_scoped3A_545 = arith.constant 1 : i32
      %run_scoped3A_546 = arith.constant 1 : i32
      "tpu.region"() ({
        %run_scoped3A_682 = tpu.sem_alloc : memref<!tpu.dma_semaphore, #tpu.memory_space<semaphore_mem>>
        %dma_start3A_683 = arith.constant 0 : i32
        %dma_start3A_684 = arith.constant 0 : i32
        %dma_start3A_685 = tpu.memref_slice %arg10[%run_scoped3A_543, %run_scoped3A_544, %dma_start3A_683, %dma_start3A_684] : memref<2x5x80x80xf32, #tpu.memory_space<vmem>> -> memref<1x1x80x80xf32, #tpu.memory_space<vmem>>
        %dma_start3A_686 = tpu.memref_squeeze %dma_start3A_685 : memref<1x1x80x80xf32, #tpu.memory_space<vmem>> -> memref<80x80xf32, #tpu.memory_space<vmem>>
        %dma_start3A_687 = arith.constant 0 : i32
        %dma_start3A_688 = tpu.memref_slice %arg9[%run_scoped3A_545, %run_scoped3A_546, %dma_start3A_687] : memref<2x5x80xi32, #tpu.memory_space<vmem>> -> memref<1x1x80xi32, #tpu.memory_space<vmem>>
        %dma_start3A_689 = tpu.memref_squeeze %dma_start3A_688 : memref<1x1x80xi32, #tpu.memory_space<vmem>> -> memref<80xi32, #tpu.memory_space<vmem>>
        %dma_start3A_690 = arith.constant 0 : i32
        %dma_start3A_691 = arith.constant 0 : i32
        %dma_start3A_692 = tpu.memref_slice %arg7[%dma_start3A_690, %dma_start3A_691] : memref<10240x80xf32, #tpu.memory_space<vmem_shared>> -> memref<10240x80xf32, #tpu.memory_space<vmem_shared>>
        tpu.enqueue_indirect_dma source(%dma_start3A_686 : memref<80x80xf32, #tpu.memory_space<vmem>>) target(%dma_start3A_692 : memref<10240x80xf32, #tpu.memory_space<vmem_shared>>) offsets(%dma_start3A_689 : memref<80xi32, #tpu.memory_space<vmem>>) semaphore(%run_scoped3A_682 : memref<!tpu.dma_semaphore, #tpu.memory_space<semaphore_mem>>) {add = true}
        %dma_wait3A_693 = arith.constant 0 : i32
        %dma_wait3A_694 = arith.constant 0 : i32
        %dma_wait3A_695 = tpu.memref_slice %arg10[%run_scoped3A_543, %run_scoped3A_544, %dma_wait3A_693, %dma_wait3A_694] : memref<2x5x80x80xf32, #tpu.memory_space<vmem>> -> memref<1x1x80x80xf32, #tpu.memory_space<vmem>>
        %dma_wait3A_696 = tpu.memref_squeeze %dma_wait3A_695 : memref<1x1x80x80xf32, #tpu.memory_space<vmem>> -> memref<80x80xf32, #tpu.memory_space<vmem>>
        %dma_wait3A_697 = arith.constant 0 : i32
        %dma_wait3A_698 = tpu.memref_slice %arg9[%run_scoped3A_545, %run_scoped3A_546, %dma_wait3A_697] : memref<2x5x80xi32, #tpu.memory_space<vmem>> -> memref<1x1x80xi32, #tpu.memory_space<vmem>>
        %dma_wait3A_699 = tpu.memref_squeeze %dma_wait3A_698 : memref<1x1x80xi32, #tpu.memory_space<vmem>> -> memref<80xi32, #tpu.memory_space<vmem>>
        %dma_wait3A_700 = arith.constant 0 : i32
        %dma_wait3A_701 = arith.constant 0 : i32
        %dma_wait3A_702 = tpu.memref_slice %arg7[%dma_wait3A_700, %dma_wait3A_701] : memref<10240x80xf32, #tpu.memory_space<vmem_shared>> -> memref<10240x80xf32, #tpu.memory_space<vmem_shared>>
        tpu.wait_indirect_dma semaphore(%run_scoped3A_682 : memref<!tpu.dma_semaphore, #tpu.memory_space<semaphore_mem>>) src(%dma_wait3A_696 : memref<80x80xf32, #tpu.memory_space<vmem>>) dst(%dma_wait3A_702 : memref<10240x80xf32, #tpu.memory_space<vmem_shared>>)
        tpu.yield
      }) : () -> ()
      %dma_wait3A_547 = arith.constant 1 : i32
      %dma_wait3A_548 = arith.constant 2 : i32
      %dma_wait3A_549 = arith.constant 1 : i32
      %dma_wait3A_550 = arith.constant 2 : i32
      %dma_wait3A_551 = arith.constant 0 : i32
      %dma_wait3A_552 = arith.constant 0 : i32
      %dma_wait3A_553 = tpu.memref_slice %arg10[%dma_wait3A_549, %dma_wait3A_550, %dma_wait3A_551, %dma_wait3A_552] : memref<2x5x80x80xf32, #tpu.memory_space<vmem>> -> memref<1x1x80x80xf32, #tpu.memory_space<vmem>>
      %dma_wait3A_554 = tpu.memref_squeeze %dma_wait3A_553 : memref<1x1x80x80xf32, #tpu.memory_space<vmem>> -> memref<80x80xf32, #tpu.memory_space<vmem>>
      %dma_wait3A_555 = arith.constant 0 : i32
      %dma_wait3A_556 = tpu.memref_slice %arg8[%dma_wait3A_547, %dma_wait3A_548, %dma_wait3A_555] : memref<2x5x80xi32, #tpu.memory_space<vmem>> -> memref<1x1x80xi32, #tpu.memory_space<vmem>>
      %dma_wait3A_557 = tpu.memref_squeeze %dma_wait3A_556 : memref<1x1x80xi32, #tpu.memory_space<vmem>> -> memref<80xi32, #tpu.memory_space<vmem>>
      %dma_wait3A_558 = arith.constant 0 : i32
      %dma_wait3A_559 = arith.constant 0 : i32
      %dma_wait3A_560 = tpu.memref_slice %arg2[%dma_wait3A_558, %dma_wait3A_559] : memref<10000x80xf32, #tpu.memory_space<hbm>> -> memref<10000x80xf32, #tpu.memory_space<hbm>>
      tpu.wait_indirect_dma semaphore(%arg12 : memref<!tpu.dma_semaphore, #tpu.memory_space<semaphore_mem>>) src(%dma_wait3A_560 : memref<10000x80xf32, #tpu.memory_space<hbm>>) dst(%dma_wait3A_554 : memref<80x80xf32, #tpu.memory_space<vmem>>)
      %run_scoped3A_561 = arith.constant 1 : i32
      %run_scoped3A_562 = arith.constant 2 : i32
      %run_scoped3A_563 = arith.constant 1 : i32
      %run_scoped3A_564 = arith.constant 2 : i32
      "tpu.region"() ({
        %run_scoped3A_682 = tpu.sem_alloc : memref<!tpu.dma_semaphore, #tpu.memory_space<semaphore_mem>>
        %dma_start3A_683 = arith.constant 0 : i32
        %dma_start3A_684 = arith.constant 0 : i32
        %dma_start3A_685 = tpu.memref_slice %arg10[%run_scoped3A_561, %run_scoped3A_562, %dma_start3A_683, %dma_start3A_684] : memref<2x5x80x80xf32, #tpu.memory_space<vmem>> -> memref<1x1x80x80xf32, #tpu.memory_space<vmem>>
        %dma_start3A_686 = tpu.memref_squeeze %dma_start3A_685 : memref<1x1x80x80xf32, #tpu.memory_space<vmem>> -> memref<80x80xf32, #tpu.memory_space<vmem>>
        %dma_start3A_687 = arith.constant 0 : i32
        %dma_start3A_688 = tpu.memref_slice %arg9[%run_scoped3A_563, %run_scoped3A_564, %dma_start3A_687] : memref<2x5x80xi32, #tpu.memory_space<vmem>> -> memref<1x1x80xi32, #tpu.memory_space<vmem>>
        %dma_start3A_689 = tpu.memref_squeeze %dma_start3A_688 : memref<1x1x80xi32, #tpu.memory_space<vmem>> -> memref<80xi32, #tpu.memory_space<vmem>>
        %dma_start3A_690 = arith.constant 0 : i32
        %dma_start3A_691 = arith.constant 0 : i32
        %dma_start3A_692 = tpu.memref_slice %arg7[%dma_start3A_690, %dma_start3A_691] : memref<10240x80xf32, #tpu.memory_space<vmem_shared>> -> memref<10240x80xf32, #tpu.memory_space<vmem_shared>>
        tpu.enqueue_indirect_dma source(%dma_start3A_686 : memref<80x80xf32, #tpu.memory_space<vmem>>) target(%dma_start3A_692 : memref<10240x80xf32, #tpu.memory_space<vmem_shared>>) offsets(%dma_start3A_689 : memref<80xi32, #tpu.memory_space<vmem>>) semaphore(%run_scoped3A_682 : memref<!tpu.dma_semaphore, #tpu.memory_space<semaphore_mem>>) {add = true}
        %dma_wait3A_693 = arith.constant 0 : i32
        %dma_wait3A_694 = arith.constant 0 : i32
        %dma_wait3A_695 = tpu.memref_slice %arg10[%run_scoped3A_561, %run_scoped3A_562, %dma_wait3A_693, %dma_wait3A_694] : memref<2x5x80x80xf32, #tpu.memory_space<vmem>> -> memref<1x1x80x80xf32, #tpu.memory_space<vmem>>
        %dma_wait3A_696 = tpu.memref_squeeze %dma_wait3A_695 : memref<1x1x80x80xf32, #tpu.memory_space<vmem>> -> memref<80x80xf32, #tpu.memory_space<vmem>>
        %dma_wait3A_697 = arith.constant 0 : i32
        %dma_wait3A_698 = tpu.memref_slice %arg9[%run_scoped3A_563, %run_scoped3A_564, %dma_wait3A_697] : memref<2x5x80xi32, #tpu.memory_space<vmem>> -> memref<1x1x80xi32, #tpu.memory_space<vmem>>
        %dma_wait3A_699 = tpu.memref_squeeze %dma_wait3A_698 : memref<1x1x80xi32, #tpu.memory_space<vmem>> -> memref<80xi32, #tpu.memory_space<vmem>>
        %dma_wait3A_700 = arith.constant 0 : i32
        %dma_wait3A_701 = arith.constant 0 : i32
        %dma_wait3A_702 = tpu.memref_slice %arg7[%dma_wait3A_700, %dma_wait3A_701] : memref<10240x80xf32, #tpu.memory_space<vmem_shared>> -> memref<10240x80xf32, #tpu.memory_space<vmem_shared>>
        tpu.wait_indirect_dma semaphore(%run_scoped3A_682 : memref<!tpu.dma_semaphore, #tpu.memory_space<semaphore_mem>>) src(%dma_wait3A_696 : memref<80x80xf32, #tpu.memory_space<vmem>>) dst(%dma_wait3A_702 : memref<10240x80xf32, #tpu.memory_space<vmem_shared>>)
        tpu.yield
      }) : () -> ()
      %dma_wait3A_565 = arith.constant 1 : i32
      %dma_wait3A_566 = arith.constant 3 : i32
      %dma_wait3A_567 = arith.constant 1 : i32
      %dma_wait3A_568 = arith.constant 3 : i32
      %dma_wait3A_569 = arith.constant 0 : i32
      %dma_wait3A_570 = arith.constant 0 : i32
      %dma_wait3A_571 = tpu.memref_slice %arg10[%dma_wait3A_567, %dma_wait3A_568, %dma_wait3A_569, %dma_wait3A_570] : memref<2x5x80x80xf32, #tpu.memory_space<vmem>> -> memref<1x1x80x80xf32, #tpu.memory_space<vmem>>
      %dma_wait3A_572 = tpu.memref_squeeze %dma_wait3A_571 : memref<1x1x80x80xf32, #tpu.memory_space<vmem>> -> memref<80x80xf32, #tpu.memory_space<vmem>>
      %dma_wait3A_573 = arith.constant 0 : i32
      %dma_wait3A_574 = tpu.memref_slice %arg8[%dma_wait3A_565, %dma_wait3A_566, %dma_wait3A_573] : memref<2x5x80xi32, #tpu.memory_space<vmem>> -> memref<1x1x80xi32, #tpu.memory_space<vmem>>
      %dma_wait3A_575 = tpu.memref_squeeze %dma_wait3A_574 : memref<1x1x80xi32, #tpu.memory_space<vmem>> -> memref<80xi32, #tpu.memory_space<vmem>>
      %dma_wait3A_576 = arith.constant 0 : i32
      %dma_wait3A_577 = arith.constant 0 : i32
      %dma_wait3A_578 = tpu.memref_slice %arg2[%dma_wait3A_576, %dma_wait3A_577] : memref<10000x80xf32, #tpu.memory_space<hbm>> -> memref<10000x80xf32, #tpu.memory_space<hbm>>
      tpu.wait_indirect_dma semaphore(%arg12 : memref<!tpu.dma_semaphore, #tpu.memory_space<semaphore_mem>>) src(%dma_wait3A_578 : memref<10000x80xf32, #tpu.memory_space<hbm>>) dst(%dma_wait3A_572 : memref<80x80xf32, #tpu.memory_space<vmem>>)
      %run_scoped3A_579 = arith.constant 1 : i32
      %run_scoped3A_580 = arith.constant 3 : i32
      %run_scoped3A_581 = arith.constant 1 : i32
      %run_scoped3A_582 = arith.constant 3 : i32
      "tpu.region"() ({
        %run_scoped3A_682 = tpu.sem_alloc : memref<!tpu.dma_semaphore, #tpu.memory_space<semaphore_mem>>
        %dma_start3A_683 = arith.constant 0 : i32
        %dma_start3A_684 = arith.constant 0 : i32
        %dma_start3A_685 = tpu.memref_slice %arg10[%run_scoped3A_579, %run_scoped3A_580, %dma_start3A_683, %dma_start3A_684] : memref<2x5x80x80xf32, #tpu.memory_space<vmem>> -> memref<1x1x80x80xf32, #tpu.memory_space<vmem>>
        %dma_start3A_686 = tpu.memref_squeeze %dma_start3A_685 : memref<1x1x80x80xf32, #tpu.memory_space<vmem>> -> memref<80x80xf32, #tpu.memory_space<vmem>>
        %dma_start3A_687 = arith.constant 0 : i32
        %dma_start3A_688 = tpu.memref_slice %arg9[%run_scoped3A_581, %run_scoped3A_582, %dma_start3A_687] : memref<2x5x80xi32, #tpu.memory_space<vmem>> -> memref<1x1x80xi32, #tpu.memory_space<vmem>>
        %dma_start3A_689 = tpu.memref_squeeze %dma_start3A_688 : memref<1x1x80xi32, #tpu.memory_space<vmem>> -> memref<80xi32, #tpu.memory_space<vmem>>
        %dma_start3A_690 = arith.constant 0 : i32
        %dma_start3A_691 = arith.constant 0 : i32
        %dma_start3A_692 = tpu.memref_slice %arg7[%dma_start3A_690, %dma_start3A_691] : memref<10240x80xf32, #tpu.memory_space<vmem_shared>> -> memref<10240x80xf32, #tpu.memory_space<vmem_shared>>
        tpu.enqueue_indirect_dma source(%dma_start3A_686 : memref<80x80xf32, #tpu.memory_space<vmem>>) target(%dma_start3A_692 : memref<10240x80xf32, #tpu.memory_space<vmem_shared>>) offsets(%dma_start3A_689 : memref<80xi32, #tpu.memory_space<vmem>>) semaphore(%run_scoped3A_682 : memref<!tpu.dma_semaphore, #tpu.memory_space<semaphore_mem>>) {add = true}
        %dma_wait3A_693 = arith.constant 0 : i32
        %dma_wait3A_694 = arith.constant 0 : i32
        %dma_wait3A_695 = tpu.memref_slice %arg10[%run_scoped3A_579, %run_scoped3A_580, %dma_wait3A_693, %dma_wait3A_694] : memref<2x5x80x80xf32, #tpu.memory_space<vmem>> -> memref<1x1x80x80xf32, #tpu.memory_space<vmem>>
        %dma_wait3A_696 = tpu.memref_squeeze %dma_wait3A_695 : memref<1x1x80x80xf32, #tpu.memory_space<vmem>> -> memref<80x80xf32, #tpu.memory_space<vmem>>
        %dma_wait3A_697 = arith.constant 0 : i32
        %dma_wait3A_698 = tpu.memref_slice %arg9[%run_scoped3A_581, %run_scoped3A_582, %dma_wait3A_697] : memref<2x5x80xi32, #tpu.memory_space<vmem>> -> memref<1x1x80xi32, #tpu.memory_space<vmem>>
        %dma_wait3A_699 = tpu.memref_squeeze %dma_wait3A_698 : memref<1x1x80xi32, #tpu.memory_space<vmem>> -> memref<80xi32, #tpu.memory_space<vmem>>
        %dma_wait3A_700 = arith.constant 0 : i32
        %dma_wait3A_701 = arith.constant 0 : i32
        %dma_wait3A_702 = tpu.memref_slice %arg7[%dma_wait3A_700, %dma_wait3A_701] : memref<10240x80xf32, #tpu.memory_space<vmem_shared>> -> memref<10240x80xf32, #tpu.memory_space<vmem_shared>>
        tpu.wait_indirect_dma semaphore(%run_scoped3A_682 : memref<!tpu.dma_semaphore, #tpu.memory_space<semaphore_mem>>) src(%dma_wait3A_696 : memref<80x80xf32, #tpu.memory_space<vmem>>) dst(%dma_wait3A_702 : memref<10240x80xf32, #tpu.memory_space<vmem_shared>>)
        tpu.yield
      }) : () -> ()
      %dma_wait3A_583 = arith.constant 1 : i32
      %dma_wait3A_584 = arith.constant 4 : i32
      %dma_wait3A_585 = arith.constant 1 : i32
      %dma_wait3A_586 = arith.constant 4 : i32
      %dma_wait3A_587 = arith.constant 0 : i32
      %dma_wait3A_588 = arith.constant 0 : i32
      %dma_wait3A_589 = tpu.memref_slice %arg10[%dma_wait3A_585, %dma_wait3A_586, %dma_wait3A_587, %dma_wait3A_588] : memref<2x5x80x80xf32, #tpu.memory_space<vmem>> -> memref<1x1x80x80xf32, #tpu.memory_space<vmem>>
      %dma_wait3A_590 = tpu.memref_squeeze %dma_wait3A_589 : memref<1x1x80x80xf32, #tpu.memory_space<vmem>> -> memref<80x80xf32, #tpu.memory_space<vmem>>
      %dma_wait3A_591 = arith.constant 0 : i32
      %dma_wait3A_592 = tpu.memref_slice %arg8[%dma_wait3A_583, %dma_wait3A_584, %dma_wait3A_591] : memref<2x5x80xi32, #tpu.memory_space<vmem>> -> memref<1x1x80xi32, #tpu.memory_space<vmem>>
      %dma_wait3A_593 = tpu.memref_squeeze %dma_wait3A_592 : memref<1x1x80xi32, #tpu.memory_space<vmem>> -> memref<80xi32, #tpu.memory_space<vmem>>
      %dma_wait3A_594 = arith.constant 0 : i32
      %dma_wait3A_595 = arith.constant 0 : i32
      %dma_wait3A_596 = tpu.memref_slice %arg2[%dma_wait3A_594, %dma_wait3A_595] : memref<10000x80xf32, #tpu.memory_space<hbm>> -> memref<10000x80xf32, #tpu.memory_space<hbm>>
      tpu.wait_indirect_dma semaphore(%arg12 : memref<!tpu.dma_semaphore, #tpu.memory_space<semaphore_mem>>) src(%dma_wait3A_596 : memref<10000x80xf32, #tpu.memory_space<hbm>>) dst(%dma_wait3A_590 : memref<80x80xf32, #tpu.memory_space<vmem>>)
      %run_scoped3A_597 = arith.constant 1 : i32
      %run_scoped3A_598 = arith.constant 4 : i32
      %run_scoped3A_599 = arith.constant 1 : i32
      %run_scoped3A_600 = arith.constant 4 : i32
      "tpu.region"() ({
        %run_scoped3A_682 = tpu.sem_alloc : memref<!tpu.dma_semaphore, #tpu.memory_space<semaphore_mem>>
        %dma_start3A_683 = arith.constant 0 : i32
        %dma_start3A_684 = arith.constant 0 : i32
        %dma_start3A_685 = tpu.memref_slice %arg10[%run_scoped3A_597, %run_scoped3A_598, %dma_start3A_683, %dma_start3A_684] : memref<2x5x80x80xf32, #tpu.memory_space<vmem>> -> memref<1x1x80x80xf32, #tpu.memory_space<vmem>>
        %dma_start3A_686 = tpu.memref_squeeze %dma_start3A_685 : memref<1x1x80x80xf32, #tpu.memory_space<vmem>> -> memref<80x80xf32, #tpu.memory_space<vmem>>
        %dma_start3A_687 = arith.constant 0 : i32
        %dma_start3A_688 = tpu.memref_slice %arg9[%run_scoped3A_599, %run_scoped3A_600, %dma_start3A_687] : memref<2x5x80xi32, #tpu.memory_space<vmem>> -> memref<1x1x80xi32, #tpu.memory_space<vmem>>
        %dma_start3A_689 = tpu.memref_squeeze %dma_start3A_688 : memref<1x1x80xi32, #tpu.memory_space<vmem>> -> memref<80xi32, #tpu.memory_space<vmem>>
        %dma_start3A_690 = arith.constant 0 : i32
        %dma_start3A_691 = arith.constant 0 : i32
        %dma_start3A_692 = tpu.memref_slice %arg7[%dma_start3A_690, %dma_start3A_691] : memref<10240x80xf32, #tpu.memory_space<vmem_shared>> -> memref<10240x80xf32, #tpu.memory_space<vmem_shared>>
        tpu.enqueue_indirect_dma source(%dma_start3A_686 : memref<80x80xf32, #tpu.memory_space<vmem>>) target(%dma_start3A_692 : memref<10240x80xf32, #tpu.memory_space<vmem_shared>>) offsets(%dma_start3A_689 : memref<80xi32, #tpu.memory_space<vmem>>) semaphore(%run_scoped3A_682 : memref<!tpu.dma_semaphore, #tpu.memory_space<semaphore_mem>>) {add = true}
        %dma_wait3A_693 = arith.constant 0 : i32
        %dma_wait3A_694 = arith.constant 0 : i32
        %dma_wait3A_695 = tpu.memref_slice %arg10[%run_scoped3A_597, %run_scoped3A_598, %dma_wait3A_693, %dma_wait3A_694] : memref<2x5x80x80xf32, #tpu.memory_space<vmem>> -> memref<1x1x80x80xf32, #tpu.memory_space<vmem>>
        %dma_wait3A_696 = tpu.memref_squeeze %dma_wait3A_695 : memref<1x1x80x80xf32, #tpu.memory_space<vmem>> -> memref<80x80xf32, #tpu.memory_space<vmem>>
        %dma_wait3A_697 = arith.constant 0 : i32
        %dma_wait3A_698 = tpu.memref_slice %arg9[%run_scoped3A_599, %run_scoped3A_600, %dma_wait3A_697] : memref<2x5x80xi32, #tpu.memory_space<vmem>> -> memref<1x1x80xi32, #tpu.memory_space<vmem>>
        %dma_wait3A_699 = tpu.memref_squeeze %dma_wait3A_698 : memref<1x1x80xi32, #tpu.memory_space<vmem>> -> memref<80xi32, #tpu.memory_space<vmem>>
        %dma_wait3A_700 = arith.constant 0 : i32
        %dma_wait3A_701 = arith.constant 0 : i32
        %dma_wait3A_702 = tpu.memref_slice %arg7[%dma_wait3A_700, %dma_wait3A_701] : memref<10240x80xf32, #tpu.memory_space<vmem_shared>> -> memref<10240x80xf32, #tpu.memory_space<vmem_shared>>
        tpu.wait_indirect_dma semaphore(%run_scoped3A_682 : memref<!tpu.dma_semaphore, #tpu.memory_space<semaphore_mem>>) src(%dma_wait3A_696 : memref<80x80xf32, #tpu.memory_space<vmem>>) dst(%dma_wait3A_702 : memref<10240x80xf32, #tpu.memory_space<vmem_shared>>)
        tpu.yield
      }) : () -> ()
      %mul3A_601 = arith.constant 2 : i32
      %mul3A_602 = arith.muli %mul3A_601, %add3A_339 : i32
      %add3A_603 = arith.constant 1 : i32
      %add3A_604 = arith.addi %mul3A_602, %add3A_603 : i32
      %add3A_605 = arith.constant 2 : i32
      %add3A_606 = arith.addi %add3A_604, %add3A_605 : i32
      %mul3A_607 = arith.constant 5 : i32
      %mul3A_608 = arith.muli %add3A_606, %mul3A_607 : i32
      %add3A_609 = arith.addi %mul3A_4, %mul3A_608 : i32
      %run_scoped3A_610 = arith.constant 1 : i32
      "tpu.region"() ({
        %run_scoped3A_682 = tpu.sem_alloc : memref<!tpu.dma_semaphore, #tpu.memory_space<semaphore_mem>>
        %dma_start3A_683 = arith.constant 0 : i32
        %dma_start3A_684 = arith.constant 0 : i32
        %dma_start3A_685 = tpu.memref_slice %arg8[%run_scoped3A_610, %dma_start3A_683, %dma_start3A_684] : memref<2x5x80xi32, #tpu.memory_space<vmem>> -> memref<1x5x80xi32, #tpu.memory_space<vmem>>
        %dma_start3A_686 = tpu.memref_squeeze %dma_start3A_685 : memref<1x5x80xi32, #tpu.memory_space<vmem>> -> memref<5x80xi32, #tpu.memory_space<vmem>>
        %dma_start3A_687 = arith.constant 0 : i32
        %dma_start3A_688 = tpu.memref_slice %arg3[%add3A_609, %dma_start3A_687] : memref<8000x80xi32, #tpu.memory_space<hbm>> -> memref<5x80xi32, #tpu.memory_space<hbm>>
        %dma_start3A_689 = arith.constant 0 : i32
        %dma_start3A_690 = arith.constant 0 : i32
        %dma_start3A_691 = tpu.memref_slice %arg8[%run_scoped3A_610, %dma_start3A_689, %dma_start3A_690] : memref<2x5x80xi32, #tpu.memory_space<vmem>> -> memref<1x5x80xi32, #tpu.memory_space<vmem>>
        %dma_start3A_692 = tpu.memref_squeeze %dma_start3A_691 : memref<1x5x80xi32, #tpu.memory_space<vmem>> -> memref<5x80xi32, #tpu.memory_space<vmem>>
        %dma_start3A_693 = arith.constant 0 : i32
        %dma_start3A_694 = tpu.memref_slice %arg3[%add3A_609, %dma_start3A_693] : memref<8000x80xi32, #tpu.memory_space<hbm>> -> memref<5x80xi32, #tpu.memory_space<hbm>>
        tpu.enqueue_dma source(%dma_start3A_694 : memref<5x80xi32, #tpu.memory_space<hbm>>) target(%dma_start3A_692 : memref<5x80xi32, #tpu.memory_space<vmem>>) target_semaphore(%run_scoped3A_682 : memref<!tpu.dma_semaphore, #tpu.memory_space<semaphore_mem>>)
        %dma_wait3A_695 = arith.constant 0 : i32
        %dma_wait3A_696 = arith.constant 0 : i32
        %dma_wait3A_697 = tpu.memref_slice %arg8[%run_scoped3A_610, %dma_wait3A_695, %dma_wait3A_696] : memref<2x5x80xi32, #tpu.memory_space<vmem>> -> memref<1x5x80xi32, #tpu.memory_space<vmem>>
        %dma_wait3A_698 = tpu.memref_squeeze %dma_wait3A_697 : memref<1x5x80xi32, #tpu.memory_space<vmem>> -> memref<5x80xi32, #tpu.memory_space<vmem>>
        %dma_wait3A_699 = arith.constant 0 : i32
        %dma_wait3A_700 = tpu.memref_slice %arg3[%add3A_609, %dma_wait3A_699] : memref<8000x80xi32, #tpu.memory_space<hbm>> -> memref<5x80xi32, #tpu.memory_space<hbm>>
        %dma_wait3A_701 = arith.constant 0 : i32
        %dma_wait3A_702 = arith.constant 0 : i32
        %dma_wait3A_703 = tpu.memref_slice %arg8[%run_scoped3A_610, %dma_wait3A_701, %dma_wait3A_702] : memref<2x5x80xi32, #tpu.memory_space<vmem>> -> memref<1x5x80xi32, #tpu.memory_space<vmem>>
        %dma_wait3A_704 = tpu.memref_squeeze %dma_wait3A_703 : memref<1x5x80xi32, #tpu.memory_space<vmem>> -> memref<5x80xi32, #tpu.memory_space<vmem>>
        %dma_wait3A_705 = arith.constant 0 : i32
        %dma_wait3A_706 = tpu.memref_slice %arg3[%add3A_609, %dma_wait3A_705] : memref<8000x80xi32, #tpu.memory_space<hbm>> -> memref<5x80xi32, #tpu.memory_space<hbm>>
        tpu.wait_dma2 semaphore(%run_scoped3A_682 : memref<!tpu.dma_semaphore, #tpu.memory_space<semaphore_mem>>) src(%dma_wait3A_706 : memref<5x80xi32, #tpu.memory_space<hbm>>) dst(%dma_wait3A_704 : memref<5x80xi32, #tpu.memory_space<vmem>>)
        tpu.yield
      }) : () -> ()
      %run_scoped3A_611 = arith.constant 1 : i32
      "tpu.region"() ({
        %run_scoped3A_682 = tpu.sem_alloc : memref<!tpu.dma_semaphore, #tpu.memory_space<semaphore_mem>>
        %dma_start3A_683 = arith.constant 0 : i32
        %dma_start3A_684 = arith.constant 0 : i32
        %dma_start3A_685 = tpu.memref_slice %arg9[%run_scoped3A_611, %dma_start3A_683, %dma_start3A_684] : memref<2x5x80xi32, #tpu.memory_space<vmem>> -> memref<1x5x80xi32, #tpu.memory_space<vmem>>
        %dma_start3A_686 = tpu.memref_squeeze %dma_start3A_685 : memref<1x5x80xi32, #tpu.memory_space<vmem>> -> memref<5x80xi32, #tpu.memory_space<vmem>>
        %dma_start3A_687 = arith.constant 0 : i32
        %dma_start3A_688 = tpu.memref_slice %arg4[%add3A_609, %dma_start3A_687] : memref<8000x80xi32, #tpu.memory_space<hbm>> -> memref<5x80xi32, #tpu.memory_space<hbm>>
        %dma_start3A_689 = arith.constant 0 : i32
        %dma_start3A_690 = arith.constant 0 : i32
        %dma_start3A_691 = tpu.memref_slice %arg9[%run_scoped3A_611, %dma_start3A_689, %dma_start3A_690] : memref<2x5x80xi32, #tpu.memory_space<vmem>> -> memref<1x5x80xi32, #tpu.memory_space<vmem>>
        %dma_start3A_692 = tpu.memref_squeeze %dma_start3A_691 : memref<1x5x80xi32, #tpu.memory_space<vmem>> -> memref<5x80xi32, #tpu.memory_space<vmem>>
        %dma_start3A_693 = arith.constant 0 : i32
        %dma_start3A_694 = tpu.memref_slice %arg4[%add3A_609, %dma_start3A_693] : memref<8000x80xi32, #tpu.memory_space<hbm>> -> memref<5x80xi32, #tpu.memory_space<hbm>>
        tpu.enqueue_dma source(%dma_start3A_694 : memref<5x80xi32, #tpu.memory_space<hbm>>) target(%dma_start3A_692 : memref<5x80xi32, #tpu.memory_space<vmem>>) target_semaphore(%run_scoped3A_682 : memref<!tpu.dma_semaphore, #tpu.memory_space<semaphore_mem>>)
        %dma_wait3A_695 = arith.constant 0 : i32
        %dma_wait3A_696 = arith.constant 0 : i32
        %dma_wait3A_697 = tpu.memref_slice %arg9[%run_scoped3A_611, %dma_wait3A_695, %dma_wait3A_696] : memref<2x5x80xi32, #tpu.memory_space<vmem>> -> memref<1x5x80xi32, #tpu.memory_space<vmem>>
        %dma_wait3A_698 = tpu.memref_squeeze %dma_wait3A_697 : memref<1x5x80xi32, #tpu.memory_space<vmem>> -> memref<5x80xi32, #tpu.memory_space<vmem>>
        %dma_wait3A_699 = arith.constant 0 : i32
        %dma_wait3A_700 = tpu.memref_slice %arg4[%add3A_609, %dma_wait3A_699] : memref<8000x80xi32, #tpu.memory_space<hbm>> -> memref<5x80xi32, #tpu.memory_space<hbm>>
        %dma_wait3A_701 = arith.constant 0 : i32
        %dma_wait3A_702 = arith.constant 0 : i32
        %dma_wait3A_703 = tpu.memref_slice %arg9[%run_scoped3A_611, %dma_wait3A_701, %dma_wait3A_702] : memref<2x5x80xi32, #tpu.memory_space<vmem>> -> memref<1x5x80xi32, #tpu.memory_space<vmem>>
        %dma_wait3A_704 = tpu.memref_squeeze %dma_wait3A_703 : memref<1x5x80xi32, #tpu.memory_space<vmem>> -> memref<5x80xi32, #tpu.memory_space<vmem>>
        %dma_wait3A_705 = arith.constant 0 : i32
        %dma_wait3A_706 = tpu.memref_slice %arg4[%add3A_609, %dma_wait3A_705] : memref<8000x80xi32, #tpu.memory_space<hbm>> -> memref<5x80xi32, #tpu.memory_space<hbm>>
        tpu.wait_dma2 semaphore(%run_scoped3A_682 : memref<!tpu.dma_semaphore, #tpu.memory_space<semaphore_mem>>) src(%dma_wait3A_706 : memref<5x80xi32, #tpu.memory_space<hbm>>) dst(%dma_wait3A_704 : memref<5x80xi32, #tpu.memory_space<vmem>>)
        tpu.yield
      }) : () -> ()
      %dma_start3A_612 = arith.constant 1 : i32
      %dma_start3A_613 = arith.constant 0 : i32
      %dma_start3A_614 = arith.constant 1 : i32
      %dma_start3A_615 = arith.constant 0 : i32
      %dma_start3A_616 = arith.constant 0 : i32
      %dma_start3A_617 = arith.constant 0 : i32
      %dma_start3A_618 = tpu.memref_slice %arg10[%dma_start3A_614, %dma_start3A_615, %dma_start3A_616, %dma_start3A_617] : memref<2x5x80x80xf32, #tpu.memory_space<vmem>> -> memref<1x1x80x80xf32, #tpu.memory_space<vmem>>
      %dma_start3A_619 = tpu.memref_squeeze %dma_start3A_618 : memref<1x1x80x80xf32, #tpu.memory_space<vmem>> -> memref<80x80xf32, #tpu.memory_space<vmem>>
      %dma_start3A_620 = arith.constant 0 : i32
      %dma_start3A_621 = tpu.memref_slice %arg8[%dma_start3A_612, %dma_start3A_613, %dma_start3A_620] : memref<2x5x80xi32, #tpu.memory_space<vmem>> -> memref<1x1x80xi32, #tpu.memory_space<vmem>>
      %dma_start3A_622 = tpu.memref_squeeze %dma_start3A_621 : memref<1x1x80xi32, #tpu.memory_space<vmem>> -> memref<80xi32, #tpu.memory_space<vmem>>
      %dma_start3A_623 = arith.constant 0 : i32
      %dma_start3A_624 = arith.constant 0 : i32
      %dma_start3A_625 = tpu.memref_slice %arg2[%dma_start3A_623, %dma_start3A_624] : memref<10000x80xf32, #tpu.memory_space<hbm>> -> memref<10000x80xf32, #tpu.memory_space<hbm>>
      tpu.enqueue_indirect_dma source(%dma_start3A_625 : memref<10000x80xf32, #tpu.memory_space<hbm>>) target(%dma_start3A_619 : memref<80x80xf32, #tpu.memory_space<vmem>>) offsets(%dma_start3A_622 : memref<80xi32, #tpu.memory_space<vmem>>) semaphore(%arg12 : memref<!tpu.dma_semaphore, #tpu.memory_space<semaphore_mem>>)
      %dma_start3A_626 = arith.constant 1 : i32
      %dma_start3A_627 = arith.constant 1 : i32
      %dma_start3A_628 = arith.constant 1 : i32
      %dma_start3A_629 = arith.constant 1 : i32
      %dma_start3A_630 = arith.constant 0 : i32
      %dma_start3A_631 = arith.constant 0 : i32
      %dma_start3A_632 = tpu.memref_slice %arg10[%dma_start3A_628, %dma_start3A_629, %dma_start3A_630, %dma_start3A_631] : memref<2x5x80x80xf32, #tpu.memory_space<vmem>> -> memref<1x1x80x80xf32, #tpu.memory_space<vmem>>
      %dma_start3A_633 = tpu.memref_squeeze %dma_start3A_632 : memref<1x1x80x80xf32, #tpu.memory_space<vmem>> -> memref<80x80xf32, #tpu.memory_space<vmem>>
      %dma_start3A_634 = arith.constant 0 : i32
      %dma_start3A_635 = tpu.memref_slice %arg8[%dma_start3A_626, %dma_start3A_627, %dma_start3A_634] : memref<2x5x80xi32, #tpu.memory_space<vmem>> -> memref<1x1x80xi32, #tpu.memory_space<vmem>>
      %dma_start3A_636 = tpu.memref_squeeze %dma_start3A_635 : memref<1x1x80xi32, #tpu.memory_space<vmem>> -> memref<80xi32, #tpu.memory_space<vmem>>
      %dma_start3A_637 = arith.constant 0 : i32
      %dma_start3A_638 = arith.constant 0 : i32
      %dma_start3A_639 = tpu.memref_slice %arg2[%dma_start3A_637, %dma_start3A_638] : memref<10000x80xf32, #tpu.memory_space<hbm>> -> memref<10000x80xf32, #tpu.memory_space<hbm>>
      tpu.enqueue_indirect_dma source(%dma_start3A_639 : memref<10000x80xf32, #tpu.memory_space<hbm>>) target(%dma_start3A_633 : memref<80x80xf32, #tpu.memory_space<vmem>>) offsets(%dma_start3A_636 : memref<80xi32, #tpu.memory_space<vmem>>) semaphore(%arg12 : memref<!tpu.dma_semaphore, #tpu.memory_space<semaphore_mem>>)
      %dma_start3A_640 = arith.constant 1 : i32
      %dma_start3A_641 = arith.constant 2 : i32
      %dma_start3A_642 = arith.constant 1 : i32
      %dma_start3A_643 = arith.constant 2 : i32
      %dma_start3A_644 = arith.constant 0 : i32
      %dma_start3A_645 = arith.constant 0 : i32
      %dma_start3A_646 = tpu.memref_slice %arg10[%dma_start3A_642, %dma_start3A_643, %dma_start3A_644, %dma_start3A_645] : memref<2x5x80x80xf32, #tpu.memory_space<vmem>> -> memref<1x1x80x80xf32, #tpu.memory_space<vmem>>
      %dma_start3A_647 = tpu.memref_squeeze %dma_start3A_646 : memref<1x1x80x80xf32, #tpu.memory_space<vmem>> -> memref<80x80xf32, #tpu.memory_space<vmem>>
      %dma_start3A_648 = arith.constant 0 : i32
      %dma_start3A_649 = tpu.memref_slice %arg8[%dma_start3A_640, %dma_start3A_641, %dma_start3A_648] : memref<2x5x80xi32, #tpu.memory_space<vmem>> -> memref<1x1x80xi32, #tpu.memory_space<vmem>>
      %dma_start3A_650 = tpu.memref_squeeze %dma_start3A_649 : memref<1x1x80xi32, #tpu.memory_space<vmem>> -> memref<80xi32, #tpu.memory_space<vmem>>
      %dma_start3A_651 = arith.constant 0 : i32
      %dma_start3A_652 = arith.constant 0 : i32
      %dma_start3A_653 = tpu.memref_slice %arg2[%dma_start3A_651, %dma_start3A_652] : memref<10000x80xf32, #tpu.memory_space<hbm>> -> memref<10000x80xf32, #tpu.memory_space<hbm>>
      tpu.enqueue_indirect_dma source(%dma_start3A_653 : memref<10000x80xf32, #tpu.memory_space<hbm>>) target(%dma_start3A_647 : memref<80x80xf32, #tpu.memory_space<vmem>>) offsets(%dma_start3A_650 : memref<80xi32, #tpu.memory_space<vmem>>) semaphore(%arg12 : memref<!tpu.dma_semaphore, #tpu.memory_space<semaphore_mem>>)
      %dma_start3A_654 = arith.constant 1 : i32
      %dma_start3A_655 = arith.constant 3 : i32
      %dma_start3A_656 = arith.constant 1 : i32
      %dma_start3A_657 = arith.constant 3 : i32
      %dma_start3A_658 = arith.constant 0 : i32
      %dma_start3A_659 = arith.constant 0 : i32
      %dma_start3A_660 = tpu.memref_slice %arg10[%dma_start3A_656, %dma_start3A_657, %dma_start3A_658, %dma_start3A_659] : memref<2x5x80x80xf32, #tpu.memory_space<vmem>> -> memref<1x1x80x80xf32, #tpu.memory_space<vmem>>
      %dma_start3A_661 = tpu.memref_squeeze %dma_start3A_660 : memref<1x1x80x80xf32, #tpu.memory_space<vmem>> -> memref<80x80xf32, #tpu.memory_space<vmem>>
      %dma_start3A_662 = arith.constant 0 : i32
      %dma_start3A_663 = tpu.memref_slice %arg8[%dma_start3A_654, %dma_start3A_655, %dma_start3A_662] : memref<2x5x80xi32, #tpu.memory_space<vmem>> -> memref<1x1x80xi32, #tpu.memory_space<vmem>>
      %dma_start3A_664 = tpu.memref_squeeze %dma_start3A_663 : memref<1x1x80xi32, #tpu.memory_space<vmem>> -> memref<80xi32, #tpu.memory_space<vmem>>
      %dma_start3A_665 = arith.constant 0 : i32
      %dma_start3A_666 = arith.constant 0 : i32
      %dma_start3A_667 = tpu.memref_slice %arg2[%dma_start3A_665, %dma_start3A_666] : memref<10000x80xf32, #tpu.memory_space<hbm>> -> memref<10000x80xf32, #tpu.memory_space<hbm>>
      tpu.enqueue_indirect_dma source(%dma_start3A_667 : memref<10000x80xf32, #tpu.memory_space<hbm>>) target(%dma_start3A_661 : memref<80x80xf32, #tpu.memory_space<vmem>>) offsets(%dma_start3A_664 : memref<80xi32, #tpu.memory_space<vmem>>) semaphore(%arg12 : memref<!tpu.dma_semaphore, #tpu.memory_space<semaphore_mem>>)
      %dma_start3A_668 = arith.constant 1 : i32
      %dma_start3A_669 = arith.constant 4 : i32
      %dma_start3A_670 = arith.constant 1 : i32
      %dma_start3A_671 = arith.constant 4 : i32
      %dma_start3A_672 = arith.constant 0 : i32
      %dma_start3A_673 = arith.constant 0 : i32
      %dma_start3A_674 = tpu.memref_slice %arg10[%dma_start3A_670, %dma_start3A_671, %dma_start3A_672, %dma_start3A_673] : memref<2x5x80x80xf32, #tpu.memory_space<vmem>> -> memref<1x1x80x80xf32, #tpu.memory_space<vmem>>
      %dma_start3A_675 = tpu.memref_squeeze %dma_start3A_674 : memref<1x1x80x80xf32, #tpu.memory_space<vmem>> -> memref<80x80xf32, #tpu.memory_space<vmem>>
      %dma_start3A_676 = arith.constant 0 : i32
      %dma_start3A_677 = tpu.memref_slice %arg8[%dma_start3A_668, %dma_start3A_669, %dma_start3A_676] : memref<2x5x80xi32, #tpu.memory_space<vmem>> -> memref<1x1x80xi32, #tpu.memory_space<vmem>>
      %dma_start3A_678 = tpu.memref_squeeze %dma_start3A_677 : memref<1x1x80xi32, #tpu.memory_space<vmem>> -> memref<80xi32, #tpu.memory_space<vmem>>
      %dma_start3A_679 = arith.constant 0 : i32
      %dma_start3A_680 = arith.constant 0 : i32
      %dma_start3A_681 = tpu.memref_slice %arg2[%dma_start3A_679, %dma_start3A_680] : memref<10000x80xf32, #tpu.memory_space<hbm>> -> memref<10000x80xf32, #tpu.memory_space<hbm>>
      tpu.enqueue_indirect_dma source(%dma_start3A_681 : memref<10000x80xf32, #tpu.memory_space<hbm>>) target(%dma_start3A_675 : memref<80x80xf32, #tpu.memory_space<vmem>>) offsets(%dma_start3A_678 : memref<80xi32, #tpu.memory_space<vmem>>) semaphore(%arg12 : memref<!tpu.dma_semaphore, #tpu.memory_space<semaphore_mem>>)
    }
    %scan3A_154 = arith.constant 24 : i32
    %dma_wait3A = arith.constant 0 : i32
    %dma_wait3A_155 = arith.constant 0 : i32
    %dma_wait3A_156 = arith.constant 0 : i32
    %dma_wait3A_157 = arith.constant 0 : i32
    %dma_wait3A_158 = arith.constant 0 : i32
    %dma_wait3A_159 = arith.constant 0 : i32
    %dma_wait3A_160 = tpu.memref_slice %arg10[%dma_wait3A_156, %dma_wait3A_157, %dma_wait3A_158, %dma_wait3A_159] : memref<2x5x80x80xf32, #tpu.memory_space<vmem>> -> memref<1x1x80x80xf32, #tpu.memory_space<vmem>>
    %dma_wait3A_161 = tpu.memref_squeeze %dma_wait3A_160 : memref<1x1x80x80xf32, #tpu.memory_space<vmem>> -> memref<80x80xf32, #tpu.memory_space<vmem>>
    %dma_wait3A_162 = arith.constant 0 : i32
    %dma_wait3A_163 = tpu.memref_slice %arg8[%dma_wait3A, %dma_wait3A_155, %dma_wait3A_162] : memref<2x5x80xi32, #tpu.memory_space<vmem>> -> memref<1x1x80xi32, #tpu.memory_space<vmem>>
    %dma_wait3A_164 = tpu.memref_squeeze %dma_wait3A_163 : memref<1x1x80xi32, #tpu.memory_space<vmem>> -> memref<80xi32, #tpu.memory_space<vmem>>
    %dma_wait3A_165 = arith.constant 0 : i32
    %dma_wait3A_166 = arith.constant 0 : i32
    %dma_wait3A_167 = tpu.memref_slice %arg2[%dma_wait3A_165, %dma_wait3A_166] : memref<10000x80xf32, #tpu.memory_space<hbm>> -> memref<10000x80xf32, #tpu.memory_space<hbm>>
    tpu.wait_indirect_dma semaphore(%arg11 : memref<!tpu.dma_semaphore, #tpu.memory_space<semaphore_mem>>) src(%dma_wait3A_167 : memref<10000x80xf32, #tpu.memory_space<hbm>>) dst(%dma_wait3A_161 : memref<80x80xf32, #tpu.memory_space<vmem>>)
    %run_scoped3A_168 = arith.constant 0 : i32
    %run_scoped3A_169 = arith.constant 0 : i32
    %run_scoped3A_170 = arith.constant 0 : i32
    %run_scoped3A_171 = arith.constant 0 : i32
    "tpu.region"() ({
      %run_scoped3A_335 = tpu.sem_alloc : memref<!tpu.dma_semaphore, #tpu.memory_space<semaphore_mem>>
      %dma_start3A_336 = arith.constant 0 : i32
      %dma_start3A_337 = arith.constant 0 : i32
      %dma_start3A_338 = tpu.memref_slice %arg10[%run_scoped3A_168, %run_scoped3A_169, %dma_start3A_336, %dma_start3A_337] : memref<2x5x80x80xf32, #tpu.memory_space<vmem>> -> memref<1x1x80x80xf32, #tpu.memory_space<vmem>>
      %dma_start3A_339 = tpu.memref_squeeze %dma_start3A_338 : memref<1x1x80x80xf32, #tpu.memory_space<vmem>> -> memref<80x80xf32, #tpu.memory_space<vmem>>
      %dma_start3A_340 = arith.constant 0 : i32
      %dma_start3A_341 = tpu.memref_slice %arg9[%run_scoped3A_170, %run_scoped3A_171, %dma_start3A_340] : memref<2x5x80xi32, #tpu.memory_space<vmem>> -> memref<1x1x80xi32, #tpu.memory_space<vmem>>
      %dma_start3A_342 = tpu.memref_squeeze %dma_start3A_341 : memref<1x1x80xi32, #tpu.memory_space<vmem>> -> memref<80xi32, #tpu.memory_space<vmem>>
      %dma_start3A_343 = arith.constant 0 : i32
      %dma_start3A_344 = arith.constant 0 : i32
      %dma_start3A_345 = tpu.memref_slice %arg7[%dma_start3A_343, %dma_start3A_344] : memref<10240x80xf32, #tpu.memory_space<vmem_shared>> -> memref<10240x80xf32, #tpu.memory_space<vmem_shared>>
      tpu.enqueue_indirect_dma source(%dma_start3A_339 : memref<80x80xf32, #tpu.memory_space<vmem>>) target(%dma_start3A_345 : memref<10240x80xf32, #tpu.memory_space<vmem_shared>>) offsets(%dma_start3A_342 : memref<80xi32, #tpu.memory_space<vmem>>) semaphore(%run_scoped3A_335 : memref<!tpu.dma_semaphore, #tpu.memory_space<semaphore_mem>>) {add = true}
      %dma_wait3A_346 = arith.constant 0 : i32
      %dma_wait3A_347 = arith.constant 0 : i32
      %dma_wait3A_348 = tpu.memref_slice %arg10[%run_scoped3A_168, %run_scoped3A_169, %dma_wait3A_346, %dma_wait3A_347] : memref<2x5x80x80xf32, #tpu.memory_space<vmem>> -> memref<1x1x80x80xf32, #tpu.memory_space<vmem>>
      %dma_wait3A_349 = tpu.memref_squeeze %dma_wait3A_348 : memref<1x1x80x80xf32, #tpu.memory_space<vmem>> -> memref<80x80xf32, #tpu.memory_space<vmem>>
      %dma_wait3A_350 = arith.constant 0 : i32
      %dma_wait3A_351 = tpu.memref_slice %arg9[%run_scoped3A_170, %run_scoped3A_171, %dma_wait3A_350] : memref<2x5x80xi32, #tpu.memory_space<vmem>> -> memref<1x1x80xi32, #tpu.memory_space<vmem>>
      %dma_wait3A_352 = tpu.memref_squeeze %dma_wait3A_351 : memref<1x1x80xi32, #tpu.memory_space<vmem>> -> memref<80xi32, #tpu.memory_space<vmem>>
      %dma_wait3A_353 = arith.constant 0 : i32
      %dma_wait3A_354 = arith.constant 0 : i32
      %dma_wait3A_355 = tpu.memref_slice %arg7[%dma_wait3A_353, %dma_wait3A_354] : memref<10240x80xf32, #tpu.memory_space<vmem_shared>> -> memref<10240x80xf32, #tpu.memory_space<vmem_shared>>
      tpu.wait_indirect_dma semaphore(%run_scoped3A_335 : memref<!tpu.dma_semaphore, #tpu.memory_space<semaphore_mem>>) src(%dma_wait3A_349 : memref<80x80xf32, #tpu.memory_space<vmem>>) dst(%dma_wait3A_355 : memref<10240x80xf32, #tpu.memory_space<vmem_shared>>)
      tpu.yield
    }) : () -> ()
    %dma_wait3A_172 = arith.constant 0 : i32
    %dma_wait3A_173 = arith.constant 1 : i32
    %dma_wait3A_174 = arith.constant 0 : i32
    %dma_wait3A_175 = arith.constant 1 : i32
    %dma_wait3A_176 = arith.constant 0 : i32
    %dma_wait3A_177 = arith.constant 0 : i32
    %dma_wait3A_178 = tpu.memref_slice %arg10[%dma_wait3A_174, %dma_wait3A_175, %dma_wait3A_176, %dma_wait3A_177] : memref<2x5x80x80xf32, #tpu.memory_space<vmem>> -> memref<1x1x80x80xf32, #tpu.memory_space<vmem>>
    %dma_wait3A_179 = tpu.memref_squeeze %dma_wait3A_178 : memref<1x1x80x80xf32, #tpu.memory_space<vmem>> -> memref<80x80xf32, #tpu.memory_space<vmem>>
    %dma_wait3A_180 = arith.constant 0 : i32
    %dma_wait3A_181 = tpu.memref_slice %arg8[%dma_wait3A_172, %dma_wait3A_173, %dma_wait3A_180] : memref<2x5x80xi32, #tpu.memory_space<vmem>> -> memref<1x1x80xi32, #tpu.memory_space<vmem>>
    %dma_wait3A_182 = tpu.memref_squeeze %dma_wait3A_181 : memref<1x1x80xi32, #tpu.memory_space<vmem>> -> memref<80xi32, #tpu.memory_space<vmem>>
    %dma_wait3A_183 = arith.constant 0 : i32
    %dma_wait3A_184 = arith.constant 0 : i32
    %dma_wait3A_185 = tpu.memref_slice %arg2[%dma_wait3A_183, %dma_wait3A_184] : memref<10000x80xf32, #tpu.memory_space<hbm>> -> memref<10000x80xf32, #tpu.memory_space<hbm>>
    tpu.wait_indirect_dma semaphore(%arg11 : memref<!tpu.dma_semaphore, #tpu.memory_space<semaphore_mem>>) src(%dma_wait3A_185 : memref<10000x80xf32, #tpu.memory_space<hbm>>) dst(%dma_wait3A_179 : memref<80x80xf32, #tpu.memory_space<vmem>>)
    %run_scoped3A_186 = arith.constant 0 : i32
    %run_scoped3A_187 = arith.constant 1 : i32
    %run_scoped3A_188 = arith.constant 0 : i32
    %run_scoped3A_189 = arith.constant 1 : i32
    "tpu.region"() ({
      %run_scoped3A_335 = tpu.sem_alloc : memref<!tpu.dma_semaphore, #tpu.memory_space<semaphore_mem>>
      %dma_start3A_336 = arith.constant 0 : i32
      %dma_start3A_337 = arith.constant 0 : i32
      %dma_start3A_338 = tpu.memref_slice %arg10[%run_scoped3A_186, %run_scoped3A_187, %dma_start3A_336, %dma_start3A_337] : memref<2x5x80x80xf32, #tpu.memory_space<vmem>> -> memref<1x1x80x80xf32, #tpu.memory_space<vmem>>
      %dma_start3A_339 = tpu.memref_squeeze %dma_start3A_338 : memref<1x1x80x80xf32, #tpu.memory_space<vmem>> -> memref<80x80xf32, #tpu.memory_space<vmem>>
      %dma_start3A_340 = arith.constant 0 : i32
      %dma_start3A_341 = tpu.memref_slice %arg9[%run_scoped3A_188, %run_scoped3A_189, %dma_start3A_340] : memref<2x5x80xi32, #tpu.memory_space<vmem>> -> memref<1x1x80xi32, #tpu.memory_space<vmem>>
      %dma_start3A_342 = tpu.memref_squeeze %dma_start3A_341 : memref<1x1x80xi32, #tpu.memory_space<vmem>> -> memref<80xi32, #tpu.memory_space<vmem>>
      %dma_start3A_343 = arith.constant 0 : i32
      %dma_start3A_344 = arith.constant 0 : i32
      %dma_start3A_345 = tpu.memref_slice %arg7[%dma_start3A_343, %dma_start3A_344] : memref<10240x80xf32, #tpu.memory_space<vmem_shared>> -> memref<10240x80xf32, #tpu.memory_space<vmem_shared>>
      tpu.enqueue_indirect_dma source(%dma_start3A_339 : memref<80x80xf32, #tpu.memory_space<vmem>>) target(%dma_start3A_345 : memref<10240x80xf32, #tpu.memory_space<vmem_shared>>) offsets(%dma_start3A_342 : memref<80xi32, #tpu.memory_space<vmem>>) semaphore(%run_scoped3A_335 : memref<!tpu.dma_semaphore, #tpu.memory_space<semaphore_mem>>) {add = true}
      %dma_wait3A_346 = arith.constant 0 : i32
      %dma_wait3A_347 = arith.constant 0 : i32
      %dma_wait3A_348 = tpu.memref_slice %arg10[%run_scoped3A_186, %run_scoped3A_187, %dma_wait3A_346, %dma_wait3A_347] : memref<2x5x80x80xf32, #tpu.memory_space<vmem>> -> memref<1x1x80x80xf32, #tpu.memory_space<vmem>>
      %dma_wait3A_349 = tpu.memref_squeeze %dma_wait3A_348 : memref<1x1x80x80xf32, #tpu.memory_space<vmem>> -> memref<80x80xf32, #tpu.memory_space<vmem>>
      %dma_wait3A_350 = arith.constant 0 : i32
      %dma_wait3A_351 = tpu.memref_slice %arg9[%run_scoped3A_188, %run_scoped3A_189, %dma_wait3A_350] : memref<2x5x80xi32, #tpu.memory_space<vmem>> -> memref<1x1x80xi32, #tpu.memory_space<vmem>>
      %dma_wait3A_352 = tpu.memref_squeeze %dma_wait3A_351 : memref<1x1x80xi32, #tpu.memory_space<vmem>> -> memref<80xi32, #tpu.memory_space<vmem>>
      %dma_wait3A_353 = arith.constant 0 : i32
      %dma_wait3A_354 = arith.constant 0 : i32
      %dma_wait3A_355 = tpu.memref_slice %arg7[%dma_wait3A_353, %dma_wait3A_354] : memref<10240x80xf32, #tpu.memory_space<vmem_shared>> -> memref<10240x80xf32, #tpu.memory_space<vmem_shared>>
      tpu.wait_indirect_dma semaphore(%run_scoped3A_335 : memref<!tpu.dma_semaphore, #tpu.memory_space<semaphore_mem>>) src(%dma_wait3A_349 : memref<80x80xf32, #tpu.memory_space<vmem>>) dst(%dma_wait3A_355 : memref<10240x80xf32, #tpu.memory_space<vmem_shared>>)
      tpu.yield
    }) : () -> ()
    %dma_wait3A_190 = arith.constant 0 : i32
    %dma_wait3A_191 = arith.constant 2 : i32
    %dma_wait3A_192 = arith.constant 0 : i32
    %dma_wait3A_193 = arith.constant 2 : i32
    %dma_wait3A_194 = arith.constant 0 : i32
    %dma_wait3A_195 = arith.constant 0 : i32
    %dma_wait3A_196 = tpu.memref_slice %arg10[%dma_wait3A_192, %dma_wait3A_193, %dma_wait3A_194, %dma_wait3A_195] : memref<2x5x80x80xf32, #tpu.memory_space<vmem>> -> memref<1x1x80x80xf32, #tpu.memory_space<vmem>>
    %dma_wait3A_197 = tpu.memref_squeeze %dma_wait3A_196 : memref<1x1x80x80xf32, #tpu.memory_space<vmem>> -> memref<80x80xf32, #tpu.memory_space<vmem>>
    %dma_wait3A_198 = arith.constant 0 : i32
    %dma_wait3A_199 = tpu.memref_slice %arg8[%dma_wait3A_190, %dma_wait3A_191, %dma_wait3A_198] : memref<2x5x80xi32, #tpu.memory_space<vmem>> -> memref<1x1x80xi32, #tpu.memory_space<vmem>>
    %dma_wait3A_200 = tpu.memref_squeeze %dma_wait3A_199 : memref<1x1x80xi32, #tpu.memory_space<vmem>> -> memref<80xi32, #tpu.memory_space<vmem>>
    %dma_wait3A_201 = arith.constant 0 : i32
    %dma_wait3A_202 = arith.constant 0 : i32
    %dma_wait3A_203 = tpu.memref_slice %arg2[%dma_wait3A_201, %dma_wait3A_202] : memref<10000x80xf32, #tpu.memory_space<hbm>> -> memref<10000x80xf32, #tpu.memory_space<hbm>>
    tpu.wait_indirect_dma semaphore(%arg11 : memref<!tpu.dma_semaphore, #tpu.memory_space<semaphore_mem>>) src(%dma_wait3A_203 : memref<10000x80xf32, #tpu.memory_space<hbm>>) dst(%dma_wait3A_197 : memref<80x80xf32, #tpu.memory_space<vmem>>)
    %run_scoped3A_204 = arith.constant 0 : i32
    %run_scoped3A_205 = arith.constant 2 : i32
    %run_scoped3A_206 = arith.constant 0 : i32
    %run_scoped3A_207 = arith.constant 2 : i32
    "tpu.region"() ({
      %run_scoped3A_335 = tpu.sem_alloc : memref<!tpu.dma_semaphore, #tpu.memory_space<semaphore_mem>>
      %dma_start3A_336 = arith.constant 0 : i32
      %dma_start3A_337 = arith.constant 0 : i32
      %dma_start3A_338 = tpu.memref_slice %arg10[%run_scoped3A_204, %run_scoped3A_205, %dma_start3A_336, %dma_start3A_337] : memref<2x5x80x80xf32, #tpu.memory_space<vmem>> -> memref<1x1x80x80xf32, #tpu.memory_space<vmem>>
      %dma_start3A_339 = tpu.memref_squeeze %dma_start3A_338 : memref<1x1x80x80xf32, #tpu.memory_space<vmem>> -> memref<80x80xf32, #tpu.memory_space<vmem>>
      %dma_start3A_340 = arith.constant 0 : i32
      %dma_start3A_341 = tpu.memref_slice %arg9[%run_scoped3A_206, %run_scoped3A_207, %dma_start3A_340] : memref<2x5x80xi32, #tpu.memory_space<vmem>> -> memref<1x1x80xi32, #tpu.memory_space<vmem>>
      %dma_start3A_342 = tpu.memref_squeeze %dma_start3A_341 : memref<1x1x80xi32, #tpu.memory_space<vmem>> -> memref<80xi32, #tpu.memory_space<vmem>>
      %dma_start3A_343 = arith.constant 0 : i32
      %dma_start3A_344 = arith.constant 0 : i32
      %dma_start3A_345 = tpu.memref_slice %arg7[%dma_start3A_343, %dma_start3A_344] : memref<10240x80xf32, #tpu.memory_space<vmem_shared>> -> memref<10240x80xf32, #tpu.memory_space<vmem_shared>>
      tpu.enqueue_indirect_dma source(%dma_start3A_339 : memref<80x80xf32, #tpu.memory_space<vmem>>) target(%dma_start3A_345 : memref<10240x80xf32, #tpu.memory_space<vmem_shared>>) offsets(%dma_start3A_342 : memref<80xi32, #tpu.memory_space<vmem>>) semaphore(%run_scoped3A_335 : memref<!tpu.dma_semaphore, #tpu.memory_space<semaphore_mem>>) {add = true}
      %dma_wait3A_346 = arith.constant 0 : i32
      %dma_wait3A_347 = arith.constant 0 : i32
      %dma_wait3A_348 = tpu.memref_slice %arg10[%run_scoped3A_204, %run_scoped3A_205, %dma_wait3A_346, %dma_wait3A_347] : memref<2x5x80x80xf32, #tpu.memory_space<vmem>> -> memref<1x1x80x80xf32, #tpu.memory_space<vmem>>
      %dma_wait3A_349 = tpu.memref_squeeze %dma_wait3A_348 : memref<1x1x80x80xf32, #tpu.memory_space<vmem>> -> memref<80x80xf32, #tpu.memory_space<vmem>>
      %dma_wait3A_350 = arith.constant 0 : i32
      %dma_wait3A_351 = tpu.memref_slice %arg9[%run_scoped3A_206, %run_scoped3A_207, %dma_wait3A_350] : memref<2x5x80xi32, #tpu.memory_space<vmem>> -> memref<1x1x80xi32, #tpu.memory_space<vmem>>
      %dma_wait3A_352 = tpu.memref_squeeze %dma_wait3A_351 : memref<1x1x80xi32, #tpu.memory_space<vmem>> -> memref<80xi32, #tpu.memory_space<vmem>>
      %dma_wait3A_353 = arith.constant 0 : i32
      %dma_wait3A_354 = arith.constant 0 : i32
      %dma_wait3A_355 = tpu.memref_slice %arg7[%dma_wait3A_353, %dma_wait3A_354] : memref<10240x80xf32, #tpu.memory_space<vmem_shared>> -> memref<10240x80xf32, #tpu.memory_space<vmem_shared>>
      tpu.wait_indirect_dma semaphore(%run_scoped3A_335 : memref<!tpu.dma_semaphore, #tpu.memory_space<semaphore_mem>>) src(%dma_wait3A_349 : memref<80x80xf32, #tpu.memory_space<vmem>>) dst(%dma_wait3A_355 : memref<10240x80xf32, #tpu.memory_space<vmem_shared>>)
      tpu.yield
    }) : () -> ()
    %dma_wait3A_208 = arith.constant 0 : i32
    %dma_wait3A_209 = arith.constant 3 : i32
    %dma_wait3A_210 = arith.constant 0 : i32
    %dma_wait3A_211 = arith.constant 3 : i32
    %dma_wait3A_212 = arith.constant 0 : i32
    %dma_wait3A_213 = arith.constant 0 : i32
    %dma_wait3A_214 = tpu.memref_slice %arg10[%dma_wait3A_210, %dma_wait3A_211, %dma_wait3A_212, %dma_wait3A_213] : memref<2x5x80x80xf32, #tpu.memory_space<vmem>> -> memref<1x1x80x80xf32, #tpu.memory_space<vmem>>
    %dma_wait3A_215 = tpu.memref_squeeze %dma_wait3A_214 : memref<1x1x80x80xf32, #tpu.memory_space<vmem>> -> memref<80x80xf32, #tpu.memory_space<vmem>>
    %dma_wait3A_216 = arith.constant 0 : i32
    %dma_wait3A_217 = tpu.memref_slice %arg8[%dma_wait3A_208, %dma_wait3A_209, %dma_wait3A_216] : memref<2x5x80xi32, #tpu.memory_space<vmem>> -> memref<1x1x80xi32, #tpu.memory_space<vmem>>
    %dma_wait3A_218 = tpu.memref_squeeze %dma_wait3A_217 : memref<1x1x80xi32, #tpu.memory_space<vmem>> -> memref<80xi32, #tpu.memory_space<vmem>>
    %dma_wait3A_219 = arith.constant 0 : i32
    %dma_wait3A_220 = arith.constant 0 : i32
    %dma_wait3A_221 = tpu.memref_slice %arg2[%dma_wait3A_219, %dma_wait3A_220] : memref<10000x80xf32, #tpu.memory_space<hbm>> -> memref<10000x80xf32, #tpu.memory_space<hbm>>
    tpu.wait_indirect_dma semaphore(%arg11 : memref<!tpu.dma_semaphore, #tpu.memory_space<semaphore_mem>>) src(%dma_wait3A_221 : memref<10000x80xf32, #tpu.memory_space<hbm>>) dst(%dma_wait3A_215 : memref<80x80xf32, #tpu.memory_space<vmem>>)
    %run_scoped3A_222 = arith.constant 0 : i32
    %run_scoped3A_223 = arith.constant 3 : i32
    %run_scoped3A_224 = arith.constant 0 : i32
    %run_scoped3A_225 = arith.constant 3 : i32
    "tpu.region"() ({
      %run_scoped3A_335 = tpu.sem_alloc : memref<!tpu.dma_semaphore, #tpu.memory_space<semaphore_mem>>
      %dma_start3A_336 = arith.constant 0 : i32
      %dma_start3A_337 = arith.constant 0 : i32
      %dma_start3A_338 = tpu.memref_slice %arg10[%run_scoped3A_222, %run_scoped3A_223, %dma_start3A_336, %dma_start3A_337] : memref<2x5x80x80xf32, #tpu.memory_space<vmem>> -> memref<1x1x80x80xf32, #tpu.memory_space<vmem>>
      %dma_start3A_339 = tpu.memref_squeeze %dma_start3A_338 : memref<1x1x80x80xf32, #tpu.memory_space<vmem>> -> memref<80x80xf32, #tpu.memory_space<vmem>>
      %dma_start3A_340 = arith.constant 0 : i32
      %dma_start3A_341 = tpu.memref_slice %arg9[%run_scoped3A_224, %run_scoped3A_225, %dma_start3A_340] : memref<2x5x80xi32, #tpu.memory_space<vmem>> -> memref<1x1x80xi32, #tpu.memory_space<vmem>>
      %dma_start3A_342 = tpu.memref_squeeze %dma_start3A_341 : memref<1x1x80xi32, #tpu.memory_space<vmem>> -> memref<80xi32, #tpu.memory_space<vmem>>
      %dma_start3A_343 = arith.constant 0 : i32
      %dma_start3A_344 = arith.constant 0 : i32
      %dma_start3A_345 = tpu.memref_slice %arg7[%dma_start3A_343, %dma_start3A_344] : memref<10240x80xf32, #tpu.memory_space<vmem_shared>> -> memref<10240x80xf32, #tpu.memory_space<vmem_shared>>
      tpu.enqueue_indirect_dma source(%dma_start3A_339 : memref<80x80xf32, #tpu.memory_space<vmem>>) target(%dma_start3A_345 : memref<10240x80xf32, #tpu.memory_space<vmem_shared>>) offsets(%dma_start3A_342 : memref<80xi32, #tpu.memory_space<vmem>>) semaphore(%run_scoped3A_335 : memref<!tpu.dma_semaphore, #tpu.memory_space<semaphore_mem>>) {add = true}
      %dma_wait3A_346 = arith.constant 0 : i32
      %dma_wait3A_347 = arith.constant 0 : i32
      %dma_wait3A_348 = tpu.memref_slice %arg10[%run_scoped3A_222, %run_scoped3A_223, %dma_wait3A_346, %dma_wait3A_347] : memref<2x5x80x80xf32, #tpu.memory_space<vmem>> -> memref<1x1x80x80xf32, #tpu.memory_space<vmem>>
      %dma_wait3A_349 = tpu.memref_squeeze %dma_wait3A_348 : memref<1x1x80x80xf32, #tpu.memory_space<vmem>> -> memref<80x80xf32, #tpu.memory_space<vmem>>
      %dma_wait3A_350 = arith.constant 0 : i32
      %dma_wait3A_351 = tpu.memref_slice %arg9[%run_scoped3A_224, %run_scoped3A_225, %dma_wait3A_350] : memref<2x5x80xi32, #tpu.memory_space<vmem>> -> memref<1x1x80xi32, #tpu.memory_space<vmem>>
      %dma_wait3A_352 = tpu.memref_squeeze %dma_wait3A_351 : memref<1x1x80xi32, #tpu.memory_space<vmem>> -> memref<80xi32, #tpu.memory_space<vmem>>
      %dma_wait3A_353 = arith.constant 0 : i32
      %dma_wait3A_354 = arith.constant 0 : i32
      %dma_wait3A_355 = tpu.memref_slice %arg7[%dma_wait3A_353, %dma_wait3A_354] : memref<10240x80xf32, #tpu.memory_space<vmem_shared>> -> memref<10240x80xf32, #tpu.memory_space<vmem_shared>>
      tpu.wait_indirect_dma semaphore(%run_scoped3A_335 : memref<!tpu.dma_semaphore, #tpu.memory_space<semaphore_mem>>) src(%dma_wait3A_349 : memref<80x80xf32, #tpu.memory_space<vmem>>) dst(%dma_wait3A_355 : memref<10240x80xf32, #tpu.memory_space<vmem_shared>>)
      tpu.yield
    }) : () -> ()
    %dma_wait3A_226 = arith.constant 0 : i32
    %dma_wait3A_227 = arith.constant 4 : i32
    %dma_wait3A_228 = arith.constant 0 : i32
    %dma_wait3A_229 = arith.constant 4 : i32
    %dma_wait3A_230 = arith.constant 0 : i32
    %dma_wait3A_231 = arith.constant 0 : i32
    %dma_wait3A_232 = tpu.memref_slice %arg10[%dma_wait3A_228, %dma_wait3A_229, %dma_wait3A_230, %dma_wait3A_231] : memref<2x5x80x80xf32, #tpu.memory_space<vmem>> -> memref<1x1x80x80xf32, #tpu.memory_space<vmem>>
    %dma_wait3A_233 = tpu.memref_squeeze %dma_wait3A_232 : memref<1x1x80x80xf32, #tpu.memory_space<vmem>> -> memref<80x80xf32, #tpu.memory_space<vmem>>
    %dma_wait3A_234 = arith.constant 0 : i32
    %dma_wait3A_235 = tpu.memref_slice %arg8[%dma_wait3A_226, %dma_wait3A_227, %dma_wait3A_234] : memref<2x5x80xi32, #tpu.memory_space<vmem>> -> memref<1x1x80xi32, #tpu.memory_space<vmem>>
    %dma_wait3A_236 = tpu.memref_squeeze %dma_wait3A_235 : memref<1x1x80xi32, #tpu.memory_space<vmem>> -> memref<80xi32, #tpu.memory_space<vmem>>
    %dma_wait3A_237 = arith.constant 0 : i32
    %dma_wait3A_238 = arith.constant 0 : i32
    %dma_wait3A_239 = tpu.memref_slice %arg2[%dma_wait3A_237, %dma_wait3A_238] : memref<10000x80xf32, #tpu.memory_space<hbm>> -> memref<10000x80xf32, #tpu.memory_space<hbm>>
    tpu.wait_indirect_dma semaphore(%arg11 : memref<!tpu.dma_semaphore, #tpu.memory_space<semaphore_mem>>) src(%dma_wait3A_239 : memref<10000x80xf32, #tpu.memory_space<hbm>>) dst(%dma_wait3A_233 : memref<80x80xf32, #tpu.memory_space<vmem>>)
    %run_scoped3A_240 = arith.constant 0 : i32
    %run_scoped3A_241 = arith.constant 4 : i32
    %run_scoped3A_242 = arith.constant 0 : i32
    %run_scoped3A_243 = arith.constant 4 : i32
    "tpu.region"() ({
      %run_scoped3A_335 = tpu.sem_alloc : memref<!tpu.dma_semaphore, #tpu.memory_space<semaphore_mem>>
      %dma_start3A_336 = arith.constant 0 : i32
      %dma_start3A_337 = arith.constant 0 : i32
      %dma_start3A_338 = tpu.memref_slice %arg10[%run_scoped3A_240, %run_scoped3A_241, %dma_start3A_336, %dma_start3A_337] : memref<2x5x80x80xf32, #tpu.memory_space<vmem>> -> memref<1x1x80x80xf32, #tpu.memory_space<vmem>>
      %dma_start3A_339 = tpu.memref_squeeze %dma_start3A_338 : memref<1x1x80x80xf32, #tpu.memory_space<vmem>> -> memref<80x80xf32, #tpu.memory_space<vmem>>
      %dma_start3A_340 = arith.constant 0 : i32
      %dma_start3A_341 = tpu.memref_slice %arg9[%run_scoped3A_242, %run_scoped3A_243, %dma_start3A_340] : memref<2x5x80xi32, #tpu.memory_space<vmem>> -> memref<1x1x80xi32, #tpu.memory_space<vmem>>
      %dma_start3A_342 = tpu.memref_squeeze %dma_start3A_341 : memref<1x1x80xi32, #tpu.memory_space<vmem>> -> memref<80xi32, #tpu.memory_space<vmem>>
      %dma_start3A_343 = arith.constant 0 : i32
      %dma_start3A_344 = arith.constant 0 : i32
      %dma_start3A_345 = tpu.memref_slice %arg7[%dma_start3A_343, %dma_start3A_344] : memref<10240x80xf32, #tpu.memory_space<vmem_shared>> -> memref<10240x80xf32, #tpu.memory_space<vmem_shared>>
      tpu.enqueue_indirect_dma source(%dma_start3A_339 : memref<80x80xf32, #tpu.memory_space<vmem>>) target(%dma_start3A_345 : memref<10240x80xf32, #tpu.memory_space<vmem_shared>>) offsets(%dma_start3A_342 : memref<80xi32, #tpu.memory_space<vmem>>) semaphore(%run_scoped3A_335 : memref<!tpu.dma_semaphore, #tpu.memory_space<semaphore_mem>>) {add = true}
      %dma_wait3A_346 = arith.constant 0 : i32
      %dma_wait3A_347 = arith.constant 0 : i32
      %dma_wait3A_348 = tpu.memref_slice %arg10[%run_scoped3A_240, %run_scoped3A_241, %dma_wait3A_346, %dma_wait3A_347] : memref<2x5x80x80xf32, #tpu.memory_space<vmem>> -> memref<1x1x80x80xf32, #tpu.memory_space<vmem>>
      %dma_wait3A_349 = tpu.memref_squeeze %dma_wait3A_348 : memref<1x1x80x80xf32, #tpu.memory_space<vmem>> -> memref<80x80xf32, #tpu.memory_space<vmem>>
      %dma_wait3A_350 = arith.constant 0 : i32
      %dma_wait3A_351 = tpu.memref_slice %arg9[%run_scoped3A_242, %run_scoped3A_243, %dma_wait3A_350] : memref<2x5x80xi32, #tpu.memory_space<vmem>> -> memref<1x1x80xi32, #tpu.memory_space<vmem>>
      %dma_wait3A_352 = tpu.memref_squeeze %dma_wait3A_351 : memref<1x1x80xi32, #tpu.memory_space<vmem>> -> memref<80xi32, #tpu.memory_space<vmem>>
      %dma_wait3A_353 = arith.constant 0 : i32
      %dma_wait3A_354 = arith.constant 0 : i32
      %dma_wait3A_355 = tpu.memref_slice %arg7[%dma_wait3A_353, %dma_wait3A_354] : memref<10240x80xf32, #tpu.memory_space<vmem_shared>> -> memref<10240x80xf32, #tpu.memory_space<vmem_shared>>
      tpu.wait_indirect_dma semaphore(%run_scoped3A_335 : memref<!tpu.dma_semaphore, #tpu.memory_space<semaphore_mem>>) src(%dma_wait3A_349 : memref<80x80xf32, #tpu.memory_space<vmem>>) dst(%dma_wait3A_355 : memref<10240x80xf32, #tpu.memory_space<vmem_shared>>)
      tpu.yield
    }) : () -> ()
    %dma_wait3A_244 = arith.constant 1 : i32
    %dma_wait3A_245 = arith.constant 0 : i32
    %dma_wait3A_246 = arith.constant 1 : i32
    %dma_wait3A_247 = arith.constant 0 : i32
    %dma_wait3A_248 = arith.constant 0 : i32
    %dma_wait3A_249 = arith.constant 0 : i32
    %dma_wait3A_250 = tpu.memref_slice %arg10[%dma_wait3A_246, %dma_wait3A_247, %dma_wait3A_248, %dma_wait3A_249] : memref<2x5x80x80xf32, #tpu.memory_space<vmem>> -> memref<1x1x80x80xf32, #tpu.memory_space<vmem>>
    %dma_wait3A_251 = tpu.memref_squeeze %dma_wait3A_250 : memref<1x1x80x80xf32, #tpu.memory_space<vmem>> -> memref<80x80xf32, #tpu.memory_space<vmem>>
    %dma_wait3A_252 = arith.constant 0 : i32
    %dma_wait3A_253 = tpu.memref_slice %arg8[%dma_wait3A_244, %dma_wait3A_245, %dma_wait3A_252] : memref<2x5x80xi32, #tpu.memory_space<vmem>> -> memref<1x1x80xi32, #tpu.memory_space<vmem>>
    %dma_wait3A_254 = tpu.memref_squeeze %dma_wait3A_253 : memref<1x1x80xi32, #tpu.memory_space<vmem>> -> memref<80xi32, #tpu.memory_space<vmem>>
    %dma_wait3A_255 = arith.constant 0 : i32
    %dma_wait3A_256 = arith.constant 0 : i32
    %dma_wait3A_257 = tpu.memref_slice %arg2[%dma_wait3A_255, %dma_wait3A_256] : memref<10000x80xf32, #tpu.memory_space<hbm>> -> memref<10000x80xf32, #tpu.memory_space<hbm>>
    tpu.wait_indirect_dma semaphore(%arg12 : memref<!tpu.dma_semaphore, #tpu.memory_space<semaphore_mem>>) src(%dma_wait3A_257 : memref<10000x80xf32, #tpu.memory_space<hbm>>) dst(%dma_wait3A_251 : memref<80x80xf32, #tpu.memory_space<vmem>>)
    %run_scoped3A_258 = arith.constant 1 : i32
    %run_scoped3A_259 = arith.constant 0 : i32
    %run_scoped3A_260 = arith.constant 1 : i32
    %run_scoped3A_261 = arith.constant 0 : i32
    "tpu.region"() ({
      %run_scoped3A_335 = tpu.sem_alloc : memref<!tpu.dma_semaphore, #tpu.memory_space<semaphore_mem>>
      %dma_start3A_336 = arith.constant 0 : i32
      %dma_start3A_337 = arith.constant 0 : i32
      %dma_start3A_338 = tpu.memref_slice %arg10[%run_scoped3A_258, %run_scoped3A_259, %dma_start3A_336, %dma_start3A_337] : memref<2x5x80x80xf32, #tpu.memory_space<vmem>> -> memref<1x1x80x80xf32, #tpu.memory_space<vmem>>
      %dma_start3A_339 = tpu.memref_squeeze %dma_start3A_338 : memref<1x1x80x80xf32, #tpu.memory_space<vmem>> -> memref<80x80xf32, #tpu.memory_space<vmem>>
      %dma_start3A_340 = arith.constant 0 : i32
      %dma_start3A_341 = tpu.memref_slice %arg9[%run_scoped3A_260, %run_scoped3A_261, %dma_start3A_340] : memref<2x5x80xi32, #tpu.memory_space<vmem>> -> memref<1x1x80xi32, #tpu.memory_space<vmem>>
      %dma_start3A_342 = tpu.memref_squeeze %dma_start3A_341 : memref<1x1x80xi32, #tpu.memory_space<vmem>> -> memref<80xi32, #tpu.memory_space<vmem>>
      %dma_start3A_343 = arith.constant 0 : i32
      %dma_start3A_344 = arith.constant 0 : i32
      %dma_start3A_345 = tpu.memref_slice %arg7[%dma_start3A_343, %dma_start3A_344] : memref<10240x80xf32, #tpu.memory_space<vmem_shared>> -> memref<10240x80xf32, #tpu.memory_space<vmem_shared>>
      tpu.enqueue_indirect_dma source(%dma_start3A_339 : memref<80x80xf32, #tpu.memory_space<vmem>>) target(%dma_start3A_345 : memref<10240x80xf32, #tpu.memory_space<vmem_shared>>) offsets(%dma_start3A_342 : memref<80xi32, #tpu.memory_space<vmem>>) semaphore(%run_scoped3A_335 : memref<!tpu.dma_semaphore, #tpu.memory_space<semaphore_mem>>) {add = true}
      %dma_wait3A_346 = arith.constant 0 : i32
      %dma_wait3A_347 = arith.constant 0 : i32
      %dma_wait3A_348 = tpu.memref_slice %arg10[%run_scoped3A_258, %run_scoped3A_259, %dma_wait3A_346, %dma_wait3A_347] : memref<2x5x80x80xf32, #tpu.memory_space<vmem>> -> memref<1x1x80x80xf32, #tpu.memory_space<vmem>>
      %dma_wait3A_349 = tpu.memref_squeeze %dma_wait3A_348 : memref<1x1x80x80xf32, #tpu.memory_space<vmem>> -> memref<80x80xf32, #tpu.memory_space<vmem>>
      %dma_wait3A_350 = arith.constant 0 : i32
      %dma_wait3A_351 = tpu.memref_slice %arg9[%run_scoped3A_260, %run_scoped3A_261, %dma_wait3A_350] : memref<2x5x80xi32, #tpu.memory_space<vmem>> -> memref<1x1x80xi32, #tpu.memory_space<vmem>>
      %dma_wait3A_352 = tpu.memref_squeeze %dma_wait3A_351 : memref<1x1x80xi32, #tpu.memory_space<vmem>> -> memref<80xi32, #tpu.memory_space<vmem>>
      %dma_wait3A_353 = arith.constant 0 : i32
      %dma_wait3A_354 = arith.constant 0 : i32
      %dma_wait3A_355 = tpu.memref_slice %arg7[%dma_wait3A_353, %dma_wait3A_354] : memref<10240x80xf32, #tpu.memory_space<vmem_shared>> -> memref<10240x80xf32, #tpu.memory_space<vmem_shared>>
      tpu.wait_indirect_dma semaphore(%run_scoped3A_335 : memref<!tpu.dma_semaphore, #tpu.memory_space<semaphore_mem>>) src(%dma_wait3A_349 : memref<80x80xf32, #tpu.memory_space<vmem>>) dst(%dma_wait3A_355 : memref<10240x80xf32, #tpu.memory_space<vmem_shared>>)
      tpu.yield
    }) : () -> ()
    %dma_wait3A_262 = arith.constant 1 : i32
    %dma_wait3A_263 = arith.constant 1 : i32
    %dma_wait3A_264 = arith.constant 1 : i32
    %dma_wait3A_265 = arith.constant 1 : i32
    %dma_wait3A_266 = arith.constant 0 : i32
    %dma_wait3A_267 = arith.constant 0 : i32
    %dma_wait3A_268 = tpu.memref_slice %arg10[%dma_wait3A_264, %dma_wait3A_265, %dma_wait3A_266, %dma_wait3A_267] : memref<2x5x80x80xf32, #tpu.memory_space<vmem>> -> memref<1x1x80x80xf32, #tpu.memory_space<vmem>>
    %dma_wait3A_269 = tpu.memref_squeeze %dma_wait3A_268 : memref<1x1x80x80xf32, #tpu.memory_space<vmem>> -> memref<80x80xf32, #tpu.memory_space<vmem>>
    %dma_wait3A_270 = arith.constant 0 : i32
    %dma_wait3A_271 = tpu.memref_slice %arg8[%dma_wait3A_262, %dma_wait3A_263, %dma_wait3A_270] : memref<2x5x80xi32, #tpu.memory_space<vmem>> -> memref<1x1x80xi32, #tpu.memory_space<vmem>>
    %dma_wait3A_272 = tpu.memref_squeeze %dma_wait3A_271 : memref<1x1x80xi32, #tpu.memory_space<vmem>> -> memref<80xi32, #tpu.memory_space<vmem>>
    %dma_wait3A_273 = arith.constant 0 : i32
    %dma_wait3A_274 = arith.constant 0 : i32
    %dma_wait3A_275 = tpu.memref_slice %arg2[%dma_wait3A_273, %dma_wait3A_274] : memref<10000x80xf32, #tpu.memory_space<hbm>> -> memref<10000x80xf32, #tpu.memory_space<hbm>>
    tpu.wait_indirect_dma semaphore(%arg12 : memref<!tpu.dma_semaphore, #tpu.memory_space<semaphore_mem>>) src(%dma_wait3A_275 : memref<10000x80xf32, #tpu.memory_space<hbm>>) dst(%dma_wait3A_269 : memref<80x80xf32, #tpu.memory_space<vmem>>)
    %run_scoped3A_276 = arith.constant 1 : i32
    %run_scoped3A_277 = arith.constant 1 : i32
    %run_scoped3A_278 = arith.constant 1 : i32
    %run_scoped3A_279 = arith.constant 1 : i32
    "tpu.region"() ({
      %run_scoped3A_335 = tpu.sem_alloc : memref<!tpu.dma_semaphore, #tpu.memory_space<semaphore_mem>>
      %dma_start3A_336 = arith.constant 0 : i32
      %dma_start3A_337 = arith.constant 0 : i32
      %dma_start3A_338 = tpu.memref_slice %arg10[%run_scoped3A_276, %run_scoped3A_277, %dma_start3A_336, %dma_start3A_337] : memref<2x5x80x80xf32, #tpu.memory_space<vmem>> -> memref<1x1x80x80xf32, #tpu.memory_space<vmem>>
      %dma_start3A_339 = tpu.memref_squeeze %dma_start3A_338 : memref<1x1x80x80xf32, #tpu.memory_space<vmem>> -> memref<80x80xf32, #tpu.memory_space<vmem>>
      %dma_start3A_340 = arith.constant 0 : i32
      %dma_start3A_341 = tpu.memref_slice %arg9[%run_scoped3A_278, %run_scoped3A_279, %dma_start3A_340] : memref<2x5x80xi32, #tpu.memory_space<vmem>> -> memref<1x1x80xi32, #tpu.memory_space<vmem>>
      %dma_start3A_342 = tpu.memref_squeeze %dma_start3A_341 : memref<1x1x80xi32, #tpu.memory_space<vmem>> -> memref<80xi32, #tpu.memory_space<vmem>>
      %dma_start3A_343 = arith.constant 0 : i32
      %dma_start3A_344 = arith.constant 0 : i32
      %dma_start3A_345 = tpu.memref_slice %arg7[%dma_start3A_343, %dma_start3A_344] : memref<10240x80xf32, #tpu.memory_space<vmem_shared>> -> memref<10240x80xf32, #tpu.memory_space<vmem_shared>>
      tpu.enqueue_indirect_dma source(%dma_start3A_339 : memref<80x80xf32, #tpu.memory_space<vmem>>) target(%dma_start3A_345 : memref<10240x80xf32, #tpu.memory_space<vmem_shared>>) offsets(%dma_start3A_342 : memref<80xi32, #tpu.memory_space<vmem>>) semaphore(%run_scoped3A_335 : memref<!tpu.dma_semaphore, #tpu.memory_space<semaphore_mem>>) {add = true}
      %dma_wait3A_346 = arith.constant 0 : i32
      %dma_wait3A_347 = arith.constant 0 : i32
      %dma_wait3A_348 = tpu.memref_slice %arg10[%run_scoped3A_276, %run_scoped3A_277, %dma_wait3A_346, %dma_wait3A_347] : memref<2x5x80x80xf32, #tpu.memory_space<vmem>> -> memref<1x1x80x80xf32, #tpu.memory_space<vmem>>
      %dma_wait3A_349 = tpu.memref_squeeze %dma_wait3A_348 : memref<1x1x80x80xf32, #tpu.memory_space<vmem>> -> memref<80x80xf32, #tpu.memory_space<vmem>>
      %dma_wait3A_350 = arith.constant 0 : i32
      %dma_wait3A_351 = tpu.memref_slice %arg9[%run_scoped3A_278, %run_scoped3A_279, %dma_wait3A_350] : memref<2x5x80xi32, #tpu.memory_space<vmem>> -> memref<1x1x80xi32, #tpu.memory_space<vmem>>
      %dma_wait3A_352 = tpu.memref_squeeze %dma_wait3A_351 : memref<1x1x80xi32, #tpu.memory_space<vmem>> -> memref<80xi32, #tpu.memory_space<vmem>>
      %dma_wait3A_353 = arith.constant 0 : i32
      %dma_wait3A_354 = arith.constant 0 : i32
      %dma_wait3A_355 = tpu.memref_slice %arg7[%dma_wait3A_353, %dma_wait3A_354] : memref<10240x80xf32, #tpu.memory_space<vmem_shared>> -> memref<10240x80xf32, #tpu.memory_space<vmem_shared>>
      tpu.wait_indirect_dma semaphore(%run_scoped3A_335 : memref<!tpu.dma_semaphore, #tpu.memory_space<semaphore_mem>>) src(%dma_wait3A_349 : memref<80x80xf32, #tpu.memory_space<vmem>>) dst(%dma_wait3A_355 : memref<10240x80xf32, #tpu.memory_space<vmem_shared>>)
      tpu.yield
    }) : () -> ()
    %dma_wait3A_280 = arith.constant 1 : i32
    %dma_wait3A_281 = arith.constant 2 : i32
    %dma_wait3A_282 = arith.constant 1 : i32
    %dma_wait3A_283 = arith.constant 2 : i32
    %dma_wait3A_284 = arith.constant 0 : i32
    %dma_wait3A_285 = arith.constant 0 : i32
    %dma_wait3A_286 = tpu.memref_slice %arg10[%dma_wait3A_282, %dma_wait3A_283, %dma_wait3A_284, %dma_wait3A_285] : memref<2x5x80x80xf32, #tpu.memory_space<vmem>> -> memref<1x1x80x80xf32, #tpu.memory_space<vmem>>
    %dma_wait3A_287 = tpu.memref_squeeze %dma_wait3A_286 : memref<1x1x80x80xf32, #tpu.memory_space<vmem>> -> memref<80x80xf32, #tpu.memory_space<vmem>>
    %dma_wait3A_288 = arith.constant 0 : i32
    %dma_wait3A_289 = tpu.memref_slice %arg8[%dma_wait3A_280, %dma_wait3A_281, %dma_wait3A_288] : memref<2x5x80xi32, #tpu.memory_space<vmem>> -> memref<1x1x80xi32, #tpu.memory_space<vmem>>
    %dma_wait3A_290 = tpu.memref_squeeze %dma_wait3A_289 : memref<1x1x80xi32, #tpu.memory_space<vmem>> -> memref<80xi32, #tpu.memory_space<vmem>>
    %dma_wait3A_291 = arith.constant 0 : i32
    %dma_wait3A_292 = arith.constant 0 : i32
    %dma_wait3A_293 = tpu.memref_slice %arg2[%dma_wait3A_291, %dma_wait3A_292] : memref<10000x80xf32, #tpu.memory_space<hbm>> -> memref<10000x80xf32, #tpu.memory_space<hbm>>
    tpu.wait_indirect_dma semaphore(%arg12 : memref<!tpu.dma_semaphore, #tpu.memory_space<semaphore_mem>>) src(%dma_wait3A_293 : memref<10000x80xf32, #tpu.memory_space<hbm>>) dst(%dma_wait3A_287 : memref<80x80xf32, #tpu.memory_space<vmem>>)
    %run_scoped3A_294 = arith.constant 1 : i32
    %run_scoped3A_295 = arith.constant 2 : i32
    %run_scoped3A_296 = arith.constant 1 : i32
    %run_scoped3A_297 = arith.constant 2 : i32
    "tpu.region"() ({
      %run_scoped3A_335 = tpu.sem_alloc : memref<!tpu.dma_semaphore, #tpu.memory_space<semaphore_mem>>
      %dma_start3A_336 = arith.constant 0 : i32
      %dma_start3A_337 = arith.constant 0 : i32
      %dma_start3A_338 = tpu.memref_slice %arg10[%run_scoped3A_294, %run_scoped3A_295, %dma_start3A_336, %dma_start3A_337] : memref<2x5x80x80xf32, #tpu.memory_space<vmem>> -> memref<1x1x80x80xf32, #tpu.memory_space<vmem>>
      %dma_start3A_339 = tpu.memref_squeeze %dma_start3A_338 : memref<1x1x80x80xf32, #tpu.memory_space<vmem>> -> memref<80x80xf32, #tpu.memory_space<vmem>>
      %dma_start3A_340 = arith.constant 0 : i32
      %dma_start3A_341 = tpu.memref_slice %arg9[%run_scoped3A_296, %run_scoped3A_297, %dma_start3A_340] : memref<2x5x80xi32, #tpu.memory_space<vmem>> -> memref<1x1x80xi32, #tpu.memory_space<vmem>>
      %dma_start3A_342 = tpu.memref_squeeze %dma_start3A_341 : memref<1x1x80xi32, #tpu.memory_space<vmem>> -> memref<80xi32, #tpu.memory_space<vmem>>
      %dma_start3A_343 = arith.constant 0 : i32
      %dma_start3A_344 = arith.constant 0 : i32
      %dma_start3A_345 = tpu.memref_slice %arg7[%dma_start3A_343, %dma_start3A_344] : memref<10240x80xf32, #tpu.memory_space<vmem_shared>> -> memref<10240x80xf32, #tpu.memory_space<vmem_shared>>
      tpu.enqueue_indirect_dma source(%dma_start3A_339 : memref<80x80xf32, #tpu.memory_space<vmem>>) target(%dma_start3A_345 : memref<10240x80xf32, #tpu.memory_space<vmem_shared>>) offsets(%dma_start3A_342 : memref<80xi32, #tpu.memory_space<vmem>>) semaphore(%run_scoped3A_335 : memref<!tpu.dma_semaphore, #tpu.memory_space<semaphore_mem>>) {add = true}
      %dma_wait3A_346 = arith.constant 0 : i32
      %dma_wait3A_347 = arith.constant 0 : i32
      %dma_wait3A_348 = tpu.memref_slice %arg10[%run_scoped3A_294, %run_scoped3A_295, %dma_wait3A_346, %dma_wait3A_347] : memref<2x5x80x80xf32, #tpu.memory_space<vmem>> -> memref<1x1x80x80xf32, #tpu.memory_space<vmem>>
      %dma_wait3A_349 = tpu.memref_squeeze %dma_wait3A_348 : memref<1x1x80x80xf32, #tpu.memory_space<vmem>> -> memref<80x80xf32, #tpu.memory_space<vmem>>
      %dma_wait3A_350 = arith.constant 0 : i32
      %dma_wait3A_351 = tpu.memref_slice %arg9[%run_scoped3A_296, %run_scoped3A_297, %dma_wait3A_350] : memref<2x5x80xi32, #tpu.memory_space<vmem>> -> memref<1x1x80xi32, #tpu.memory_space<vmem>>
      %dma_wait3A_352 = tpu.memref_squeeze %dma_wait3A_351 : memref<1x1x80xi32, #tpu.memory_space<vmem>> -> memref<80xi32, #tpu.memory_space<vmem>>
      %dma_wait3A_353 = arith.constant 0 : i32
      %dma_wait3A_354 = arith.constant 0 : i32
      %dma_wait3A_355 = tpu.memref_slice %arg7[%dma_wait3A_353, %dma_wait3A_354] : memref<10240x80xf32, #tpu.memory_space<vmem_shared>> -> memref<10240x80xf32, #tpu.memory_space<vmem_shared>>
      tpu.wait_indirect_dma semaphore(%run_scoped3A_335 : memref<!tpu.dma_semaphore, #tpu.memory_space<semaphore_mem>>) src(%dma_wait3A_349 : memref<80x80xf32, #tpu.memory_space<vmem>>) dst(%dma_wait3A_355 : memref<10240x80xf32, #tpu.memory_space<vmem_shared>>)
      tpu.yield
    }) : () -> ()
    %dma_wait3A_298 = arith.constant 1 : i32
    %dma_wait3A_299 = arith.constant 3 : i32
    %dma_wait3A_300 = arith.constant 1 : i32
    %dma_wait3A_301 = arith.constant 3 : i32
    %dma_wait3A_302 = arith.constant 0 : i32
    %dma_wait3A_303 = arith.constant 0 : i32
    %dma_wait3A_304 = tpu.memref_slice %arg10[%dma_wait3A_300, %dma_wait3A_301, %dma_wait3A_302, %dma_wait3A_303] : memref<2x5x80x80xf32, #tpu.memory_space<vmem>> -> memref<1x1x80x80xf32, #tpu.memory_space<vmem>>
    %dma_wait3A_305 = tpu.memref_squeeze %dma_wait3A_304 : memref<1x1x80x80xf32, #tpu.memory_space<vmem>> -> memref<80x80xf32, #tpu.memory_space<vmem>>
    %dma_wait3A_306 = arith.constant 0 : i32
    %dma_wait3A_307 = tpu.memref_slice %arg8[%dma_wait3A_298, %dma_wait3A_299, %dma_wait3A_306] : memref<2x5x80xi32, #tpu.memory_space<vmem>> -> memref<1x1x80xi32, #tpu.memory_space<vmem>>
    %dma_wait3A_308 = tpu.memref_squeeze %dma_wait3A_307 : memref<1x1x80xi32, #tpu.memory_space<vmem>> -> memref<80xi32, #tpu.memory_space<vmem>>
    %dma_wait3A_309 = arith.constant 0 : i32
    %dma_wait3A_310 = arith.constant 0 : i32
    %dma_wait3A_311 = tpu.memref_slice %arg2[%dma_wait3A_309, %dma_wait3A_310] : memref<10000x80xf32, #tpu.memory_space<hbm>> -> memref<10000x80xf32, #tpu.memory_space<hbm>>
    tpu.wait_indirect_dma semaphore(%arg12 : memref<!tpu.dma_semaphore, #tpu.memory_space<semaphore_mem>>) src(%dma_wait3A_311 : memref<10000x80xf32, #tpu.memory_space<hbm>>) dst(%dma_wait3A_305 : memref<80x80xf32, #tpu.memory_space<vmem>>)
    %run_scoped3A_312 = arith.constant 1 : i32
    %run_scoped3A_313 = arith.constant 3 : i32
    %run_scoped3A_314 = arith.constant 1 : i32
    %run_scoped3A_315 = arith.constant 3 : i32
    "tpu.region"() ({
      %run_scoped3A_335 = tpu.sem_alloc : memref<!tpu.dma_semaphore, #tpu.memory_space<semaphore_mem>>
      %dma_start3A_336 = arith.constant 0 : i32
      %dma_start3A_337 = arith.constant 0 : i32
      %dma_start3A_338 = tpu.memref_slice %arg10[%run_scoped3A_312, %run_scoped3A_313, %dma_start3A_336, %dma_start3A_337] : memref<2x5x80x80xf32, #tpu.memory_space<vmem>> -> memref<1x1x80x80xf32, #tpu.memory_space<vmem>>
      %dma_start3A_339 = tpu.memref_squeeze %dma_start3A_338 : memref<1x1x80x80xf32, #tpu.memory_space<vmem>> -> memref<80x80xf32, #tpu.memory_space<vmem>>
      %dma_start3A_340 = arith.constant 0 : i32
      %dma_start3A_341 = tpu.memref_slice %arg9[%run_scoped3A_314, %run_scoped3A_315, %dma_start3A_340] : memref<2x5x80xi32, #tpu.memory_space<vmem>> -> memref<1x1x80xi32, #tpu.memory_space<vmem>>
      %dma_start3A_342 = tpu.memref_squeeze %dma_start3A_341 : memref<1x1x80xi32, #tpu.memory_space<vmem>> -> memref<80xi32, #tpu.memory_space<vmem>>
      %dma_start3A_343 = arith.constant 0 : i32
      %dma_start3A_344 = arith.constant 0 : i32
      %dma_start3A_345 = tpu.memref_slice %arg7[%dma_start3A_343, %dma_start3A_344] : memref<10240x80xf32, #tpu.memory_space<vmem_shared>> -> memref<10240x80xf32, #tpu.memory_space<vmem_shared>>
      tpu.enqueue_indirect_dma source(%dma_start3A_339 : memref<80x80xf32, #tpu.memory_space<vmem>>) target(%dma_start3A_345 : memref<10240x80xf32, #tpu.memory_space<vmem_shared>>) offsets(%dma_start3A_342 : memref<80xi32, #tpu.memory_space<vmem>>) semaphore(%run_scoped3A_335 : memref<!tpu.dma_semaphore, #tpu.memory_space<semaphore_mem>>) {add = true}
      %dma_wait3A_346 = arith.constant 0 : i32
      %dma_wait3A_347 = arith.constant 0 : i32
      %dma_wait3A_348 = tpu.memref_slice %arg10[%run_scoped3A_312, %run_scoped3A_313, %dma_wait3A_346, %dma_wait3A_347] : memref<2x5x80x80xf32, #tpu.memory_space<vmem>> -> memref<1x1x80x80xf32, #tpu.memory_space<vmem>>
      %dma_wait3A_349 = tpu.memref_squeeze %dma_wait3A_348 : memref<1x1x80x80xf32, #tpu.memory_space<vmem>> -> memref<80x80xf32, #tpu.memory_space<vmem>>
      %dma_wait3A_350 = arith.constant 0 : i32
      %dma_wait3A_351 = tpu.memref_slice %arg9[%run_scoped3A_314, %run_scoped3A_315, %dma_wait3A_350] : memref<2x5x80xi32, #tpu.memory_space<vmem>> -> memref<1x1x80xi32, #tpu.memory_space<vmem>>
      %dma_wait3A_352 = tpu.memref_squeeze %dma_wait3A_351 : memref<1x1x80xi32, #tpu.memory_space<vmem>> -> memref<80xi32, #tpu.memory_space<vmem>>
      %dma_wait3A_353 = arith.constant 0 : i32
      %dma_wait3A_354 = arith.constant 0 : i32
      %dma_wait3A_355 = tpu.memref_slice %arg7[%dma_wait3A_353, %dma_wait3A_354] : memref<10240x80xf32, #tpu.memory_space<vmem_shared>> -> memref<10240x80xf32, #tpu.memory_space<vmem_shared>>
      tpu.wait_indirect_dma semaphore(%run_scoped3A_335 : memref<!tpu.dma_semaphore, #tpu.memory_space<semaphore_mem>>) src(%dma_wait3A_349 : memref<80x80xf32, #tpu.memory_space<vmem>>) dst(%dma_wait3A_355 : memref<10240x80xf32, #tpu.memory_space<vmem_shared>>)
      tpu.yield
    }) : () -> ()
    %dma_wait3A_316 = arith.constant 1 : i32
    %dma_wait3A_317 = arith.constant 4 : i32
    %dma_wait3A_318 = arith.constant 1 : i32
    %dma_wait3A_319 = arith.constant 4 : i32
    %dma_wait3A_320 = arith.constant 0 : i32
    %dma_wait3A_321 = arith.constant 0 : i32
    %dma_wait3A_322 = tpu.memref_slice %arg10[%dma_wait3A_318, %dma_wait3A_319, %dma_wait3A_320, %dma_wait3A_321] : memref<2x5x80x80xf32, #tpu.memory_space<vmem>> -> memref<1x1x80x80xf32, #tpu.memory_space<vmem>>
    %dma_wait3A_323 = tpu.memref_squeeze %dma_wait3A_322 : memref<1x1x80x80xf32, #tpu.memory_space<vmem>> -> memref<80x80xf32, #tpu.memory_space<vmem>>
    %dma_wait3A_324 = arith.constant 0 : i32
    %dma_wait3A_325 = tpu.memref_slice %arg8[%dma_wait3A_316, %dma_wait3A_317, %dma_wait3A_324] : memref<2x5x80xi32, #tpu.memory_space<vmem>> -> memref<1x1x80xi32, #tpu.memory_space<vmem>>
    %dma_wait3A_326 = tpu.memref_squeeze %dma_wait3A_325 : memref<1x1x80xi32, #tpu.memory_space<vmem>> -> memref<80xi32, #tpu.memory_space<vmem>>
    %dma_wait3A_327 = arith.constant 0 : i32
    %dma_wait3A_328 = arith.constant 0 : i32
    %dma_wait3A_329 = tpu.memref_slice %arg2[%dma_wait3A_327, %dma_wait3A_328] : memref<10000x80xf32, #tpu.memory_space<hbm>> -> memref<10000x80xf32, #tpu.memory_space<hbm>>
    tpu.wait_indirect_dma semaphore(%arg12 : memref<!tpu.dma_semaphore, #tpu.memory_space<semaphore_mem>>) src(%dma_wait3A_329 : memref<10000x80xf32, #tpu.memory_space<hbm>>) dst(%dma_wait3A_323 : memref<80x80xf32, #tpu.memory_space<vmem>>)
    %run_scoped3A_330 = arith.constant 1 : i32
    %run_scoped3A_331 = arith.constant 4 : i32
    %run_scoped3A_332 = arith.constant 1 : i32
    %run_scoped3A_333 = arith.constant 4 : i32
    "tpu.region"() ({
      %run_scoped3A_335 = tpu.sem_alloc : memref<!tpu.dma_semaphore, #tpu.memory_space<semaphore_mem>>
      %dma_start3A_336 = arith.constant 0 : i32
      %dma_start3A_337 = arith.constant 0 : i32
      %dma_start3A_338 = tpu.memref_slice %arg10[%run_scoped3A_330, %run_scoped3A_331, %dma_start3A_336, %dma_start3A_337] : memref<2x5x80x80xf32, #tpu.memory_space<vmem>> -> memref<1x1x80x80xf32, #tpu.memory_space<vmem>>
      %dma_start3A_339 = tpu.memref_squeeze %dma_start3A_338 : memref<1x1x80x80xf32, #tpu.memory_space<vmem>> -> memref<80x80xf32, #tpu.memory_space<vmem>>
      %dma_start3A_340 = arith.constant 0 : i32
      %dma_start3A_341 = tpu.memref_slice %arg9[%run_scoped3A_332, %run_scoped3A_333, %dma_start3A_340] : memref<2x5x80xi32, #tpu.memory_space<vmem>> -> memref<1x1x80xi32, #tpu.memory_space<vmem>>
      %dma_start3A_342 = tpu.memref_squeeze %dma_start3A_341 : memref<1x1x80xi32, #tpu.memory_space<vmem>> -> memref<80xi32, #tpu.memory_space<vmem>>
      %dma_start3A_343 = arith.constant 0 : i32
      %dma_start3A_344 = arith.constant 0 : i32
      %dma_start3A_345 = tpu.memref_slice %arg7[%dma_start3A_343, %dma_start3A_344] : memref<10240x80xf32, #tpu.memory_space<vmem_shared>> -> memref<10240x80xf32, #tpu.memory_space<vmem_shared>>
      tpu.enqueue_indirect_dma source(%dma_start3A_339 : memref<80x80xf32, #tpu.memory_space<vmem>>) target(%dma_start3A_345 : memref<10240x80xf32, #tpu.memory_space<vmem_shared>>) offsets(%dma_start3A_342 : memref<80xi32, #tpu.memory_space<vmem>>) semaphore(%run_scoped3A_335 : memref<!tpu.dma_semaphore, #tpu.memory_space<semaphore_mem>>) {add = true}
      %dma_wait3A_346 = arith.constant 0 : i32
      %dma_wait3A_347 = arith.constant 0 : i32
      %dma_wait3A_348 = tpu.memref_slice %arg10[%run_scoped3A_330, %run_scoped3A_331, %dma_wait3A_346, %dma_wait3A_347] : memref<2x5x80x80xf32, #tpu.memory_space<vmem>> -> memref<1x1x80x80xf32, #tpu.memory_space<vmem>>
      %dma_wait3A_349 = tpu.memref_squeeze %dma_wait3A_348 : memref<1x1x80x80xf32, #tpu.memory_space<vmem>> -> memref<80x80xf32, #tpu.memory_space<vmem>>
      %dma_wait3A_350 = arith.constant 0 : i32
      %dma_wait3A_351 = tpu.memref_slice %arg9[%run_scoped3A_332, %run_scoped3A_333, %dma_wait3A_350] : memref<2x5x80xi32, #tpu.memory_space<vmem>> -> memref<1x1x80xi32, #tpu.memory_space<vmem>>
      %dma_wait3A_352 = tpu.memref_squeeze %dma_wait3A_351 : memref<1x1x80xi32, #tpu.memory_space<vmem>> -> memref<80xi32, #tpu.memory_space<vmem>>
      %dma_wait3A_353 = arith.constant 0 : i32
      %dma_wait3A_354 = arith.constant 0 : i32
      %dma_wait3A_355 = tpu.memref_slice %arg7[%dma_wait3A_353, %dma_wait3A_354] : memref<10240x80xf32, #tpu.memory_space<vmem_shared>> -> memref<10240x80xf32, #tpu.memory_space<vmem_shared>>
      tpu.wait_indirect_dma semaphore(%run_scoped3A_335 : memref<!tpu.dma_semaphore, #tpu.memory_space<semaphore_mem>>) src(%dma_wait3A_349 : memref<80x80xf32, #tpu.memory_space<vmem>>) dst(%dma_wait3A_355 : memref<10240x80xf32, #tpu.memory_space<vmem_shared>>)
      tpu.yield
    }) : () -> ()
    %barrier3A_334 = arith.constant 0 : index
    tpu.barrier barrier_id(%barrier3A_334)
    "tpu.region"() ({
      %run_scoped3A_335 = tpu.sem_alloc : memref<!tpu.dma_semaphore, #tpu.memory_space<semaphore_mem>>
      %dma_start3A_336 = arith.constant 0 : i32
      %dma_start3A_337 = tpu.memref_slice %arg6[%arg0, %mul3A_2, %dma_start3A_336] : memref<2x10240x80xf32, #tpu.memory_space<hbm>> -> memref<1x640x80xf32, #tpu.memory_space<hbm>>
      %dma_start3A_338 = tpu.memref_squeeze %dma_start3A_337 : memref<1x640x80xf32, #tpu.memory_space<hbm>> -> memref<640x80xf32, #tpu.memory_space<hbm>>
      %dma_start3A_339 = arith.constant 0 : i32
      %dma_start3A_340 = tpu.memref_slice %arg7[%mul3A_2, %dma_start3A_339] : memref<10240x80xf32, #tpu.memory_space<vmem_shared>> -> memref<640x80xf32, #tpu.memory_space<vmem_shared>>
      tpu.enqueue_dma source(%dma_start3A_340 : memref<640x80xf32, #tpu.memory_space<vmem_shared>>) target(%dma_start3A_338 : memref<640x80xf32, #tpu.memory_space<hbm>>) target_semaphore(%run_scoped3A_335 : memref<!tpu.dma_semaphore, #tpu.memory_space<semaphore_mem>>)
      %dma_wait3A_341 = arith.constant 0 : i32
      %dma_wait3A_342 = tpu.memref_slice %arg6[%arg0, %mul3A_2, %dma_wait3A_341] : memref<2x10240x80xf32, #tpu.memory_space<hbm>> -> memref<1x640x80xf32, #tpu.memory_space<hbm>>
      %dma_wait3A_343 = tpu.memref_squeeze %dma_wait3A_342 : memref<1x640x80xf32, #tpu.memory_space<hbm>> -> memref<640x80xf32, #tpu.memory_space<hbm>>
      %dma_wait3A_344 = arith.constant 0 : i32
      %dma_wait3A_345 = tpu.memref_slice %arg7[%mul3A_2, %dma_wait3A_344] : memref<10240x80xf32, #tpu.memory_space<vmem_shared>> -> memref<640x80xf32, #tpu.memory_space<vmem_shared>>
      tpu.wait_dma2 semaphore(%run_scoped3A_335 : memref<!tpu.dma_semaphore, #tpu.memory_space<semaphore_mem>>) src(%dma_wait3A_345 : memref<640x80xf32, #tpu.memory_space<vmem_shared>>) dst(%dma_wait3A_343 : memref<640x80xf32, #tpu.memory_space<hbm>>)
      tpu.yield
    }) : () -> ()
    return
  }
}

#map = affine_map<(d0, d1) -> (0, 0)>
#map1 = affine_map<(d0, d1) -> (0, 0, 0)>
module attributes {stable_mosaic.version = 14 : i64} {
  func.func @k(%arg0: i32, %arg1: i32, %arg2: memref<10000x64xf32, #tpu.memory_space<hbm>>, %arg3: memref<8000x80xi32, #tpu.memory_space<hbm>>, %arg4: memref<8000x80xi32, #tpu.memory_space<hbm>>, %arg5: memref<10240x64xf32, #tpu.memory_space<hbm>>, %arg6: memref<2x10240x64xf32, #tpu.memory_space<hbm>>, %arg7: memref<10240x64xf32, #tpu.memory_space<vmem_shared>>, %arg8: memref<2x5x80xi32, #tpu.memory_space<vmem>>, %arg9: memref<2x5x80xi32, #tpu.memory_space<vmem>>, %arg10: memref<2x5x80x64xf32, #tpu.memory_space<vmem>>, %arg11: memref<!tpu.dma_semaphore, #tpu.memory_space<semaphore_mem>>, %arg12: memref<!tpu.dma_semaphore, #tpu.memory_space<semaphore_mem>>) attributes {dimension_semantics = [#tpu.dimension_semantics<core_parallel>, #tpu.dimension_semantics<subcore_parallel>], iteration_bounds = array<i64: 2, 16>, scalar_prefetch = 0 : i64, scratch_operands = 6 : i64, tpu.core_type = #tpu.core_type<sc_vector_subcore>, window_params = [{transform_indices = #map}, {transform_indices = #map}, {transform_indices = #map}, {transform_indices = #map}, {transform_indices = #map1}]} {
    %mul3A = arith.constant 2 : i32
    %mul3A_0 = arith.muli %arg1, %mul3A : i32
    %add3A = arith.addi %mul3A_0, %arg0 : i32
    %mul3A_1 = arith.constant 640 : i32
    %mul3A_2 = arith.muli %arg1, %mul3A_1 : i32
    %mul3A_3 = arith.constant 250 : i32
    %mul3A_4 = arith.muli %add3A, %mul3A_3 : i32
    "tpu.region"() ({
      %run_scoped3A_335 = tpu.sem_alloc : memref<!tpu.dma_semaphore, #tpu.memory_space<semaphore_mem>>
      %dma_start3A_336 = arith.constant 0 : i32
      %dma_start3A_337 = tpu.memref_slice %arg7[%mul3A_2, %dma_start3A_336] : memref<10240x64xf32, #tpu.memory_space<vmem_shared>> -> memref<640x64xf32, #tpu.memory_space<vmem_shared>>
      %dma_start3A_338 = arith.constant 0 : i32
      %dma_start3A_339 = tpu.memref_slice %arg5[%mul3A_2, %dma_start3A_338] : memref<10240x64xf32, #tpu.memory_space<hbm>> -> memref<640x64xf32, #tpu.memory_space<hbm>>
      tpu.enqueue_dma source(%dma_start3A_339 : memref<640x64xf32, #tpu.memory_space<hbm>>) target(%dma_start3A_337 : memref<640x64xf32, #tpu.memory_space<vmem_shared>>) target_semaphore(%run_scoped3A_335 : memref<!tpu.dma_semaphore, #tpu.memory_space<semaphore_mem>>)
      %dma_wait3A_340 = arith.constant 0 : i32
      %dma_wait3A_341 = tpu.memref_slice %arg7[%mul3A_2, %dma_wait3A_340] : memref<10240x64xf32, #tpu.memory_space<vmem_shared>> -> memref<640x64xf32, #tpu.memory_space<vmem_shared>>
      %dma_wait3A_342 = arith.constant 0 : i32
      %dma_wait3A_343 = tpu.memref_slice %arg5[%mul3A_2, %dma_wait3A_342] : memref<10240x64xf32, #tpu.memory_space<hbm>> -> memref<640x64xf32, #tpu.memory_space<hbm>>
      tpu.wait_dma2 semaphore(%run_scoped3A_335 : memref<!tpu.dma_semaphore, #tpu.memory_space<semaphore_mem>>) src(%dma_wait3A_343 : memref<640x64xf32, #tpu.memory_space<hbm>>) dst(%dma_wait3A_341 : memref<640x64xf32, #tpu.memory_space<vmem_shared>>)
      tpu.yield
    }) : () -> ()
    %barrier3A = arith.constant 0 : index
    tpu.barrier barrier_id(%barrier3A)
    %add3A_5 = arith.constant 0 : i32
    %add3A_6 = arith.addi %mul3A_4, %add3A_5 : i32
    %run_scoped3A = arith.constant 0 : i32
    "tpu.region"() ({
      %run_scoped3A_335 = tpu.sem_alloc : memref<!tpu.dma_semaphore, #tpu.memory_space<semaphore_mem>>
      %dma_start3A_336 = arith.constant 0 : i32
      %dma_start3A_337 = arith.constant 0 : i32
      %dma_start3A_338 = tpu.memref_slice %arg8[%run_scoped3A, %dma_start3A_336, %dma_start3A_337] : memref<2x5x80xi32, #tpu.memory_space<vmem>> -> memref<1x5x80xi32, #tpu.memory_space<vmem>>
      %dma_start3A_339 = tpu.memref_squeeze %dma_start3A_338 : memref<1x5x80xi32, #tpu.memory_space<vmem>> -> memref<5x80xi32, #tpu.memory_space<vmem>>
      %dma_start3A_340 = arith.constant 0 : i32
      %dma_start3A_341 = tpu.memref_slice %arg3[%add3A_6, %dma_start3A_340] : memref<8000x80xi32, #tpu.memory_space<hbm>> -> memref<5x80xi32, #tpu.memory_space<hbm>>
      %dma_start3A_342 = arith.constant 0 : i32
      %dma_start3A_343 = arith.constant 0 : i32
      %dma_start3A_344 = tpu.memref_slice %arg8[%run_scoped3A, %dma_start3A_342, %dma_start3A_343] : memref<2x5x80xi32, #tpu.memory_space<vmem>> -> memref<1x5x80xi32, #tpu.memory_space<vmem>>
      %dma_start3A_345 = tpu.memref_squeeze %dma_start3A_344 : memref<1x5x80xi32, #tpu.memory_space<vmem>> -> memref<5x80xi32, #tpu.memory_space<vmem>>
      %dma_start3A_346 = arith.constant 0 : i32
      %dma_start3A_347 = tpu.memref_slice %arg3[%add3A_6, %dma_start3A_346] : memref<8000x80xi32, #tpu.memory_space<hbm>> -> memref<5x80xi32, #tpu.memory_space<hbm>>
      tpu.enqueue_dma source(%dma_start3A_347 : memref<5x80xi32, #tpu.memory_space<hbm>>) target(%dma_start3A_345 : memref<5x80xi32, #tpu.memory_space<vmem>>) target_semaphore(%run_scoped3A_335 : memref<!tpu.dma_semaphore, #tpu.memory_space<semaphore_mem>>)
      %dma_wait3A_348 = arith.constant 0 : i32
      %dma_wait3A_349 = arith.constant 0 : i32
      %dma_wait3A_350 = tpu.memref_slice %arg8[%run_scoped3A, %dma_wait3A_348, %dma_wait3A_349] : memref<2x5x80xi32, #tpu.memory_space<vmem>> -> memref<1x5x80xi32, #tpu.memory_space<vmem>>
      %dma_wait3A_351 = tpu.memref_squeeze %dma_wait3A_350 : memref<1x5x80xi32, #tpu.memory_space<vmem>> -> memref<5x80xi32, #tpu.memory_space<vmem>>
      %dma_wait3A_352 = arith.constant 0 : i32
      %dma_wait3A_353 = tpu.memref_slice %arg3[%add3A_6, %dma_wait3A_352] : memref<8000x80xi32, #tpu.memory_space<hbm>> -> memref<5x80xi32, #tpu.memory_space<hbm>>
      %dma_wait3A_354 = arith.constant 0 : i32
      %dma_wait3A_355 = arith.constant 0 : i32
      %dma_wait3A_356 = tpu.memref_slice %arg8[%run_scoped3A, %dma_wait3A_354, %dma_wait3A_355] : memref<2x5x80xi32, #tpu.memory_space<vmem>> -> memref<1x5x80xi32, #tpu.memory_space<vmem>>
      %dma_wait3A_357 = tpu.memref_squeeze %dma_wait3A_356 : memref<1x5x80xi32, #tpu.memory_space<vmem>> -> memref<5x80xi32, #tpu.memory_space<vmem>>
      %dma_wait3A_358 = arith.constant 0 : i32
      %dma_wait3A_359 = tpu.memref_slice %arg3[%add3A_6, %dma_wait3A_358] : memref<8000x80xi32, #tpu.memory_space<hbm>> -> memref<5x80xi32, #tpu.memory_space<hbm>>
      tpu.wait_dma2 semaphore(%run_scoped3A_335 : memref<!tpu.dma_semaphore, #tpu.memory_space<semaphore_mem>>) src(%dma_wait3A_359 : memref<5x80xi32, #tpu.memory_space<hbm>>) dst(%dma_wait3A_357 : memref<5x80xi32, #tpu.memory_space<vmem>>)
      tpu.yield
    }) : () -> ()
    %run_scoped3A_7 = arith.constant 0 : i32
    "tpu.region"() ({
      %run_scoped3A_335 = tpu.sem_alloc : memref<!tpu.dma_semaphore, #tpu.memory_space<semaphore_mem>>
      %dma_start3A_336 = arith.constant 0 : i32
      %dma_start3A_337 = arith.constant 0 : i32
      %dma_start3A_338 = tpu.memref_slice %arg9[%run_scoped3A_7, %dma_start3A_336, %dma_start3A_337] : memref<2x5x80xi32, #tpu.memory_space<vmem>> -> memref<1x5x80xi32, #tpu.memory_space<vmem>>
      %dma_start3A_339 = tpu.memref_squeeze %dma_start3A_338 : memref<1x5x80xi32, #tpu.memory_space<vmem>> -> memref<5x80xi32, #tpu.memory_space<vmem>>
      %dma_start3A_340 = arith.constant 0 : i32
      %dma_start3A_341 = tpu.memref_slice %arg4[%add3A_6, %dma_start3A_340] : memref<8000x80xi32, #tpu.memory_space<hbm>> -> memref<5x80xi32, #tpu.memory_space<hbm>>
      %dma_start3A_342 = arith.constant 0 : i32
      %dma_start3A_343 = arith.constant 0 : i32
      %dma_start3A_344 = tpu.memref_slice %arg9[%run_scoped3A_7, %dma_start3A_342, %dma_start3A_343] : memref<2x5x80xi32, #tpu.memory_space<vmem>> -> memref<1x5x80xi32, #tpu.memory_space<vmem>>
      %dma_start3A_345 = tpu.memref_squeeze %dma_start3A_344 : memref<1x5x80xi32, #tpu.memory_space<vmem>> -> memref<5x80xi32, #tpu.memory_space<vmem>>
      %dma_start3A_346 = arith.constant 0 : i32
      %dma_start3A_347 = tpu.memref_slice %arg4[%add3A_6, %dma_start3A_346] : memref<8000x80xi32, #tpu.memory_space<hbm>> -> memref<5x80xi32, #tpu.memory_space<hbm>>
      tpu.enqueue_dma source(%dma_start3A_347 : memref<5x80xi32, #tpu.memory_space<hbm>>) target(%dma_start3A_345 : memref<5x80xi32, #tpu.memory_space<vmem>>) target_semaphore(%run_scoped3A_335 : memref<!tpu.dma_semaphore, #tpu.memory_space<semaphore_mem>>)
      %dma_wait3A_348 = arith.constant 0 : i32
      %dma_wait3A_349 = arith.constant 0 : i32
      %dma_wait3A_350 = tpu.memref_slice %arg9[%run_scoped3A_7, %dma_wait3A_348, %dma_wait3A_349] : memref<2x5x80xi32, #tpu.memory_space<vmem>> -> memref<1x5x80xi32, #tpu.memory_space<vmem>>
      %dma_wait3A_351 = tpu.memref_squeeze %dma_wait3A_350 : memref<1x5x80xi32, #tpu.memory_space<vmem>> -> memref<5x80xi32, #tpu.memory_space<vmem>>
      %dma_wait3A_352 = arith.constant 0 : i32
      %dma_wait3A_353 = tpu.memref_slice %arg4[%add3A_6, %dma_wait3A_352] : memref<8000x80xi32, #tpu.memory_space<hbm>> -> memref<5x80xi32, #tpu.memory_space<hbm>>
      %dma_wait3A_354 = arith.constant 0 : i32
      %dma_wait3A_355 = arith.constant 0 : i32
      %dma_wait3A_356 = tpu.memref_slice %arg9[%run_scoped3A_7, %dma_wait3A_354, %dma_wait3A_355] : memref<2x5x80xi32, #tpu.memory_space<vmem>> -> memref<1x5x80xi32, #tpu.memory_space<vmem>>
      %dma_wait3A_357 = tpu.memref_squeeze %dma_wait3A_356 : memref<1x5x80xi32, #tpu.memory_space<vmem>> -> memref<5x80xi32, #tpu.memory_space<vmem>>
      %dma_wait3A_358 = arith.constant 0 : i32
      %dma_wait3A_359 = tpu.memref_slice %arg4[%add3A_6, %dma_wait3A_358] : memref<8000x80xi32, #tpu.memory_space<hbm>> -> memref<5x80xi32, #tpu.memory_space<hbm>>
      tpu.wait_dma2 semaphore(%run_scoped3A_335 : memref<!tpu.dma_semaphore, #tpu.memory_space<semaphore_mem>>) src(%dma_wait3A_359 : memref<5x80xi32, #tpu.memory_space<hbm>>) dst(%dma_wait3A_357 : memref<5x80xi32, #tpu.memory_space<vmem>>)
      tpu.yield
    }) : () -> ()
    %dma_start3A = arith.constant 0 : i32
    %dma_start3A_8 = arith.constant 0 : i32
    %dma_start3A_9 = arith.constant 0 : i32
    %dma_start3A_10 = arith.constant 0 : i32
    %dma_start3A_11 = arith.constant 0 : i32
    %dma_start3A_12 = arith.constant 0 : i32
    %dma_start3A_13 = tpu.memref_slice %arg10[%dma_start3A_9, %dma_start3A_10, %dma_start3A_11, %dma_start3A_12] : memref<2x5x80x64xf32, #tpu.memory_space<vmem>> -> memref<1x1x80x64xf32, #tpu.memory_space<vmem>>
    %dma_start3A_14 = tpu.memref_squeeze %dma_start3A_13 : memref<1x1x80x64xf32, #tpu.memory_space<vmem>> -> memref<80x64xf32, #tpu.memory_space<vmem>>
    %dma_start3A_15 = arith.constant 0 : i32
    %dma_start3A_16 = tpu.memref_slice %arg8[%dma_start3A, %dma_start3A_8, %dma_start3A_15] : memref<2x5x80xi32, #tpu.memory_space<vmem>> -> memref<1x1x80xi32, #tpu.memory_space<vmem>>
    %dma_start3A_17 = tpu.memref_squeeze %dma_start3A_16 : memref<1x1x80xi32, #tpu.memory_space<vmem>> -> memref<80xi32, #tpu.memory_space<vmem>>
    %dma_start3A_18 = arith.constant 0 : i32
    %dma_start3A_19 = arith.constant 0 : i32
    %dma_start3A_20 = tpu.memref_slice %arg2[%dma_start3A_18, %dma_start3A_19] : memref<10000x64xf32, #tpu.memory_space<hbm>> -> memref<10000x64xf32, #tpu.memory_space<hbm>>
    tpu.enqueue_indirect_dma source(%dma_start3A_20 : memref<10000x64xf32, #tpu.memory_space<hbm>>) target(%dma_start3A_14 : memref<80x64xf32, #tpu.memory_space<vmem>>) offsets(%dma_start3A_17 : memref<80xi32, #tpu.memory_space<vmem>>) semaphore(%arg11 : memref<!tpu.dma_semaphore, #tpu.memory_space<semaphore_mem>>)
    %dma_start3A_21 = arith.constant 0 : i32
    %dma_start3A_22 = arith.constant 1 : i32
    %dma_start3A_23 = arith.constant 0 : i32
    %dma_start3A_24 = arith.constant 1 : i32
    %dma_start3A_25 = arith.constant 0 : i32
    %dma_start3A_26 = arith.constant 0 : i32
    %dma_start3A_27 = tpu.memref_slice %arg10[%dma_start3A_23, %dma_start3A_24, %dma_start3A_25, %dma_start3A_26] : memref<2x5x80x64xf32, #tpu.memory_space<vmem>> -> memref<1x1x80x64xf32, #tpu.memory_space<vmem>>
    %dma_start3A_28 = tpu.memref_squeeze %dma_start3A_27 : memref<1x1x80x64xf32, #tpu.memory_space<vmem>> -> memref<80x64xf32, #tpu.memory_space<vmem>>
    %dma_start3A_29 = arith.constant 0 : i32
    %dma_start3A_30 = tpu.memref_slice %arg8[%dma_start3A_21, %dma_start3A_22, %dma_start3A_29] : memref<2x5x80xi32, #tpu.memory_space<vmem>> -> memref<1x1x80xi32, #tpu.memory_space<vmem>>
    %dma_start3A_31 = tpu.memref_squeeze %dma_start3A_30 : memref<1x1x80xi32, #tpu.memory_space<vmem>> -> memref<80xi32, #tpu.memory_space<vmem>>
    %dma_start3A_32 = arith.constant 0 : i32
    %dma_start3A_33 = arith.constant 0 : i32
    %dma_start3A_34 = tpu.memref_slice %arg2[%dma_start3A_32, %dma_start3A_33] : memref<10000x64xf32, #tpu.memory_space<hbm>> -> memref<10000x64xf32, #tpu.memory_space<hbm>>
    tpu.enqueue_indirect_dma source(%dma_start3A_34 : memref<10000x64xf32, #tpu.memory_space<hbm>>) target(%dma_start3A_28 : memref<80x64xf32, #tpu.memory_space<vmem>>) offsets(%dma_start3A_31 : memref<80xi32, #tpu.memory_space<vmem>>) semaphore(%arg11 : memref<!tpu.dma_semaphore, #tpu.memory_space<semaphore_mem>>)
    %dma_start3A_35 = arith.constant 0 : i32
    %dma_start3A_36 = arith.constant 2 : i32
    %dma_start3A_37 = arith.constant 0 : i32
    %dma_start3A_38 = arith.constant 2 : i32
    %dma_start3A_39 = arith.constant 0 : i32
    %dma_start3A_40 = arith.constant 0 : i32
    %dma_start3A_41 = tpu.memref_slice %arg10[%dma_start3A_37, %dma_start3A_38, %dma_start3A_39, %dma_start3A_40] : memref<2x5x80x64xf32, #tpu.memory_space<vmem>> -> memref<1x1x80x64xf32, #tpu.memory_space<vmem>>
    %dma_start3A_42 = tpu.memref_squeeze %dma_start3A_41 : memref<1x1x80x64xf32, #tpu.memory_space<vmem>> -> memref<80x64xf32, #tpu.memory_space<vmem>>
    %dma_start3A_43 = arith.constant 0 : i32
    %dma_start3A_44 = tpu.memref_slice %arg8[%dma_start3A_35, %dma_start3A_36, %dma_start3A_43] : memref<2x5x80xi32, #tpu.memory_space<vmem>> -> memref<1x1x80xi32, #tpu.memory_space<vmem>>
    %dma_start3A_45 = tpu.memref_squeeze %dma_start3A_44 : memref<1x1x80xi32, #tpu.memory_space<vmem>> -> memref<80xi32, #tpu.memory_space<vmem>>
    %dma_start3A_46 = arith.constant 0 : i32
    %dma_start3A_47 = arith.constant 0 : i32
    %dma_start3A_48 = tpu.memref_slice %arg2[%dma_start3A_46, %dma_start3A_47] : memref<10000x64xf32, #tpu.memory_space<hbm>> -> memref<10000x64xf32, #tpu.memory_space<hbm>>
    tpu.enqueue_indirect_dma source(%dma_start3A_48 : memref<10000x64xf32, #tpu.memory_space<hbm>>) target(%dma_start3A_42 : memref<80x64xf32, #tpu.memory_space<vmem>>) offsets(%dma_start3A_45 : memref<80xi32, #tpu.memory_space<vmem>>) semaphore(%arg11 : memref<!tpu.dma_semaphore, #tpu.memory_space<semaphore_mem>>)
    %dma_start3A_49 = arith.constant 0 : i32
    %dma_start3A_50 = arith.constant 3 : i32
    %dma_start3A_51 = arith.constant 0 : i32
    %dma_start3A_52 = arith.constant 3 : i32
    %dma_start3A_53 = arith.constant 0 : i32
    %dma_start3A_54 = arith.constant 0 : i32
    %dma_start3A_55 = tpu.memref_slice %arg10[%dma_start3A_51, %dma_start3A_52, %dma_start3A_53, %dma_start3A_54] : memref<2x5x80x64xf32, #tpu.memory_space<vmem>> -> memref<1x1x80x64xf32, #tpu.memory_space<vmem>>
    %dma_start3A_56 = tpu.memref_squeeze %dma_start3A_55 : memref<1x1x80x64xf32, #tpu.memory_space<vmem>> -> memref<80x64xf32, #tpu.memory_space<vmem>>
    %dma_start3A_57 = arith.constant 0 : i32
    %dma_start3A_58 = tpu.memref_slice %arg8[%dma_start3A_49, %dma_start3A_50, %dma_start3A_57] : memref<2x5x80xi32, #tpu.memory_space<vmem>> -> memref<1x1x80xi32, #tpu.memory_space<vmem>>
    %dma_start3A_59 = tpu.memref_squeeze %dma_start3A_58 : memref<1x1x80xi32, #tpu.memory_space<vmem>> -> memref<80xi32, #tpu.memory_space<vmem>>
    %dma_start3A_60 = arith.constant 0 : i32
    %dma_start3A_61 = arith.constant 0 : i32
    %dma_start3A_62 = tpu.memref_slice %arg2[%dma_start3A_60, %dma_start3A_61] : memref<10000x64xf32, #tpu.memory_space<hbm>> -> memref<10000x64xf32, #tpu.memory_space<hbm>>
    tpu.enqueue_indirect_dma source(%dma_start3A_62 : memref<10000x64xf32, #tpu.memory_space<hbm>>) target(%dma_start3A_56 : memref<80x64xf32, #tpu.memory_space<vmem>>) offsets(%dma_start3A_59 : memref<80xi32, #tpu.memory_space<vmem>>) semaphore(%arg11 : memref<!tpu.dma_semaphore, #tpu.memory_space<semaphore_mem>>)
    %dma_start3A_63 = arith.constant 0 : i32
    %dma_start3A_64 = arith.constant 4 : i32
    %dma_start3A_65 = arith.constant 0 : i32
    %dma_start3A_66 = arith.constant 4 : i32
    %dma_start3A_67 = arith.constant 0 : i32
    %dma_start3A_68 = arith.constant 0 : i32
    %dma_start3A_69 = tpu.memref_slice %arg10[%dma_start3A_65, %dma_start3A_66, %dma_start3A_67, %dma_start3A_68] : memref<2x5x80x64xf32, #tpu.memory_space<vmem>> -> memref<1x1x80x64xf32, #tpu.memory_space<vmem>>
    %dma_start3A_70 = tpu.memref_squeeze %dma_start3A_69 : memref<1x1x80x64xf32, #tpu.memory_space<vmem>> -> memref<80x64xf32, #tpu.memory_space<vmem>>
    %dma_start3A_71 = arith.constant 0 : i32
    %dma_start3A_72 = tpu.memref_slice %arg8[%dma_start3A_63, %dma_start3A_64, %dma_start3A_71] : memref<2x5x80xi32, #tpu.memory_space<vmem>> -> memref<1x1x80xi32, #tpu.memory_space<vmem>>
    %dma_start3A_73 = tpu.memref_squeeze %dma_start3A_72 : memref<1x1x80xi32, #tpu.memory_space<vmem>> -> memref<80xi32, #tpu.memory_space<vmem>>
    %dma_start3A_74 = arith.constant 0 : i32
    %dma_start3A_75 = arith.constant 0 : i32
    %dma_start3A_76 = tpu.memref_slice %arg2[%dma_start3A_74, %dma_start3A_75] : memref<10000x64xf32, #tpu.memory_space<hbm>> -> memref<10000x64xf32, #tpu.memory_space<hbm>>
    tpu.enqueue_indirect_dma source(%dma_start3A_76 : memref<10000x64xf32, #tpu.memory_space<hbm>>) target(%dma_start3A_70 : memref<80x64xf32, #tpu.memory_space<vmem>>) offsets(%dma_start3A_73 : memref<80xi32, #tpu.memory_space<vmem>>) semaphore(%arg11 : memref<!tpu.dma_semaphore, #tpu.memory_space<semaphore_mem>>)
    %add3A_77 = arith.constant 5 : i32
    %add3A_78 = arith.addi %mul3A_4, %add3A_77 : i32
    %run_scoped3A_79 = arith.constant 1 : i32
    "tpu.region"() ({
      %run_scoped3A_335 = tpu.sem_alloc : memref<!tpu.dma_semaphore, #tpu.memory_space<semaphore_mem>>
      %dma_start3A_336 = arith.constant 0 : i32
      %dma_start3A_337 = arith.constant 0 : i32
      %dma_start3A_338 = tpu.memref_slice %arg8[%run_scoped3A_79, %dma_start3A_336, %dma_start3A_337] : memref<2x5x80xi32, #tpu.memory_space<vmem>> -> memref<1x5x80xi32, #tpu.memory_space<vmem>>
      %dma_start3A_339 = tpu.memref_squeeze %dma_start3A_338 : memref<1x5x80xi32, #tpu.memory_space<vmem>> -> memref<5x80xi32, #tpu.memory_space<vmem>>
      %dma_start3A_340 = arith.constant 0 : i32
      %dma_start3A_341 = tpu.memref_slice %arg3[%add3A_78, %dma_start3A_340] : memref<8000x80xi32, #tpu.memory_space<hbm>> -> memref<5x80xi32, #tpu.memory_space<hbm>>
      %dma_start3A_342 = arith.constant 0 : i32
      %dma_start3A_343 = arith.constant 0 : i32
      %dma_start3A_344 = tpu.memref_slice %arg8[%run_scoped3A_79, %dma_start3A_342, %dma_start3A_343] : memref<2x5x80xi32, #tpu.memory_space<vmem>> -> memref<1x5x80xi32, #tpu.memory_space<vmem>>
      %dma_start3A_345 = tpu.memref_squeeze %dma_start3A_344 : memref<1x5x80xi32, #tpu.memory_space<vmem>> -> memref<5x80xi32, #tpu.memory_space<vmem>>
      %dma_start3A_346 = arith.constant 0 : i32
      %dma_start3A_347 = tpu.memref_slice %arg3[%add3A_78, %dma_start3A_346] : memref<8000x80xi32, #tpu.memory_space<hbm>> -> memref<5x80xi32, #tpu.memory_space<hbm>>
      tpu.enqueue_dma source(%dma_start3A_347 : memref<5x80xi32, #tpu.memory_space<hbm>>) target(%dma_start3A_345 : memref<5x80xi32, #tpu.memory_space<vmem>>) target_semaphore(%run_scoped3A_335 : memref<!tpu.dma_semaphore, #tpu.memory_space<semaphore_mem>>)
      %dma_wait3A_348 = arith.constant 0 : i32
      %dma_wait3A_349 = arith.constant 0 : i32
      %dma_wait3A_350 = tpu.memref_slice %arg8[%run_scoped3A_79, %dma_wait3A_348, %dma_wait3A_349] : memref<2x5x80xi32, #tpu.memory_space<vmem>> -> memref<1x5x80xi32, #tpu.memory_space<vmem>>
      %dma_wait3A_351 = tpu.memref_squeeze %dma_wait3A_350 : memref<1x5x80xi32, #tpu.memory_space<vmem>> -> memref<5x80xi32, #tpu.memory_space<vmem>>
      %dma_wait3A_352 = arith.constant 0 : i32
      %dma_wait3A_353 = tpu.memref_slice %arg3[%add3A_78, %dma_wait3A_352] : memref<8000x80xi32, #tpu.memory_space<hbm>> -> memref<5x80xi32, #tpu.memory_space<hbm>>
      %dma_wait3A_354 = arith.constant 0 : i32
      %dma_wait3A_355 = arith.constant 0 : i32
      %dma_wait3A_356 = tpu.memref_slice %arg8[%run_scoped3A_79, %dma_wait3A_354, %dma_wait3A_355] : memref<2x5x80xi32, #tpu.memory_space<vmem>> -> memref<1x5x80xi32, #tpu.memory_space<vmem>>
      %dma_wait3A_357 = tpu.memref_squeeze %dma_wait3A_356 : memref<1x5x80xi32, #tpu.memory_space<vmem>> -> memref<5x80xi32, #tpu.memory_space<vmem>>
      %dma_wait3A_358 = arith.constant 0 : i32
      %dma_wait3A_359 = tpu.memref_slice %arg3[%add3A_78, %dma_wait3A_358] : memref<8000x80xi32, #tpu.memory_space<hbm>> -> memref<5x80xi32, #tpu.memory_space<hbm>>
      tpu.wait_dma2 semaphore(%run_scoped3A_335 : memref<!tpu.dma_semaphore, #tpu.memory_space<semaphore_mem>>) src(%dma_wait3A_359 : memref<5x80xi32, #tpu.memory_space<hbm>>) dst(%dma_wait3A_357 : memref<5x80xi32, #tpu.memory_space<vmem>>)
      tpu.yield
    }) : () -> ()
    %run_scoped3A_80 = arith.constant 1 : i32
    "tpu.region"() ({
      %run_scoped3A_335 = tpu.sem_alloc : memref<!tpu.dma_semaphore, #tpu.memory_space<semaphore_mem>>
      %dma_start3A_336 = arith.constant 0 : i32
      %dma_start3A_337 = arith.constant 0 : i32
      %dma_start3A_338 = tpu.memref_slice %arg9[%run_scoped3A_80, %dma_start3A_336, %dma_start3A_337] : memref<2x5x80xi32, #tpu.memory_space<vmem>> -> memref<1x5x80xi32, #tpu.memory_space<vmem>>
      %dma_start3A_339 = tpu.memref_squeeze %dma_start3A_338 : memref<1x5x80xi32, #tpu.memory_space<vmem>> -> memref<5x80xi32, #tpu.memory_space<vmem>>
      %dma_start3A_340 = arith.constant 0 : i32
      %dma_start3A_341 = tpu.memref_slice %arg4[%add3A_78, %dma_start3A_340] : memref<8000x80xi32, #tpu.memory_space<hbm>> -> memref<5x80xi32, #tpu.memory_space<hbm>>
      %dma_start3A_342 = arith.constant 0 : i32
      %dma_start3A_343 = arith.constant 0 : i32
      %dma_start3A_344 = tpu.memref_slice %arg9[%run_scoped3A_80, %dma_start3A_342, %dma_start3A_343] : memref<2x5x80xi32, #tpu.memory_space<vmem>> -> memref<1x5x80xi32, #tpu.memory_space<vmem>>
      %dma_start3A_345 = tpu.memref_squeeze %dma_start3A_344 : memref<1x5x80xi32, #tpu.memory_space<vmem>> -> memref<5x80xi32, #tpu.memory_space<vmem>>
      %dma_start3A_346 = arith.constant 0 : i32
      %dma_start3A_347 = tpu.memref_slice %arg4[%add3A_78, %dma_start3A_346] : memref<8000x80xi32, #tpu.memory_space<hbm>> -> memref<5x80xi32, #tpu.memory_space<hbm>>
      tpu.enqueue_dma source(%dma_start3A_347 : memref<5x80xi32, #tpu.memory_space<hbm>>) target(%dma_start3A_345 : memref<5x80xi32, #tpu.memory_space<vmem>>) target_semaphore(%run_scoped3A_335 : memref<!tpu.dma_semaphore, #tpu.memory_space<semaphore_mem>>)
      %dma_wait3A_348 = arith.constant 0 : i32
      %dma_wait3A_349 = arith.constant 0 : i32
      %dma_wait3A_350 = tpu.memref_slice %arg9[%run_scoped3A_80, %dma_wait3A_348, %dma_wait3A_349] : memref<2x5x80xi32, #tpu.memory_space<vmem>> -> memref<1x5x80xi32, #tpu.memory_space<vmem>>
      %dma_wait3A_351 = tpu.memref_squeeze %dma_wait3A_350 : memref<1x5x80xi32, #tpu.memory_space<vmem>> -> memref<5x80xi32, #tpu.memory_space<vmem>>
      %dma_wait3A_352 = arith.constant 0 : i32
      %dma_wait3A_353 = tpu.memref_slice %arg4[%add3A_78, %dma_wait3A_352] : memref<8000x80xi32, #tpu.memory_space<hbm>> -> memref<5x80xi32, #tpu.memory_space<hbm>>
      %dma_wait3A_354 = arith.constant 0 : i32
      %dma_wait3A_355 = arith.constant 0 : i32
      %dma_wait3A_356 = tpu.memref_slice %arg9[%run_scoped3A_80, %dma_wait3A_354, %dma_wait3A_355] : memref<2x5x80xi32, #tpu.memory_space<vmem>> -> memref<1x5x80xi32, #tpu.memory_space<vmem>>
      %dma_wait3A_357 = tpu.memref_squeeze %dma_wait3A_356 : memref<1x5x80xi32, #tpu.memory_space<vmem>> -> memref<5x80xi32, #tpu.memory_space<vmem>>
      %dma_wait3A_358 = arith.constant 0 : i32
      %dma_wait3A_359 = tpu.memref_slice %arg4[%add3A_78, %dma_wait3A_358] : memref<8000x80xi32, #tpu.memory_space<hbm>> -> memref<5x80xi32, #tpu.memory_space<hbm>>
      tpu.wait_dma2 semaphore(%run_scoped3A_335 : memref<!tpu.dma_semaphore, #tpu.memory_space<semaphore_mem>>) src(%dma_wait3A_359 : memref<5x80xi32, #tpu.memory_space<hbm>>) dst(%dma_wait3A_357 : memref<5x80xi32, #tpu.memory_space<vmem>>)
      tpu.yield
    }) : () -> ()
    %dma_start3A_81 = arith.constant 1 : i32
    %dma_start3A_82 = arith.constant 0 : i32
    %dma_start3A_83 = arith.constant 1 : i32
    %dma_start3A_84 = arith.constant 0 : i32
    %dma_start3A_85 = arith.constant 0 : i32
    %dma_start3A_86 = arith.constant 0 : i32
    %dma_start3A_87 = tpu.memref_slice %arg10[%dma_start3A_83, %dma_start3A_84, %dma_start3A_85, %dma_start3A_86] : memref<2x5x80x64xf32, #tpu.memory_space<vmem>> -> memref<1x1x80x64xf32, #tpu.memory_space<vmem>>
    %dma_start3A_88 = tpu.memref_squeeze %dma_start3A_87 : memref<1x1x80x64xf32, #tpu.memory_space<vmem>> -> memref<80x64xf32, #tpu.memory_space<vmem>>
    %dma_start3A_89 = arith.constant 0 : i32
    %dma_start3A_90 = tpu.memref_slice %arg8[%dma_start3A_81, %dma_start3A_82, %dma_start3A_89] : memref<2x5x80xi32, #tpu.memory_space<vmem>> -> memref<1x1x80xi32, #tpu.memory_space<vmem>>
    %dma_start3A_91 = tpu.memref_squeeze %dma_start3A_90 : memref<1x1x80xi32, #tpu.memory_space<vmem>> -> memref<80xi32, #tpu.memory_space<vmem>>
    %dma_start3A_92 = arith.constant 0 : i32
    %dma_start3A_93 = arith.constant 0 : i32
    %dma_start3A_94 = tpu.memref_slice %arg2[%dma_start3A_92, %dma_start3A_93] : memref<10000x64xf32, #tpu.memory_space<hbm>> -> memref<10000x64xf32, #tpu.memory_space<hbm>>
    tpu.enqueue_indirect_dma source(%dma_start3A_94 : memref<10000x64xf32, #tpu.memory_space<hbm>>) target(%dma_start3A_88 : memref<80x64xf32, #tpu.memory_space<vmem>>) offsets(%dma_start3A_91 : memref<80xi32, #tpu.memory_space<vmem>>) semaphore(%arg12 : memref<!tpu.dma_semaphore, #tpu.memory_space<semaphore_mem>>)
    %dma_start3A_95 = arith.constant 1 : i32
    %dma_start3A_96 = arith.constant 1 : i32
    %dma_start3A_97 = arith.constant 1 : i32
    %dma_start3A_98 = arith.constant 1 : i32
    %dma_start3A_99 = arith.constant 0 : i32
    %dma_start3A_100 = arith.constant 0 : i32
    %dma_start3A_101 = tpu.memref_slice %arg10[%dma_start3A_97, %dma_start3A_98, %dma_start3A_99, %dma_start3A_100] : memref<2x5x80x64xf32, #tpu.memory_space<vmem>> -> memref<1x1x80x64xf32, #tpu.memory_space<vmem>>
    %dma_start3A_102 = tpu.memref_squeeze %dma_start3A_101 : memref<1x1x80x64xf32, #tpu.memory_space<vmem>> -> memref<80x64xf32, #tpu.memory_space<vmem>>
    %dma_start3A_103 = arith.constant 0 : i32
    %dma_start3A_104 = tpu.memref_slice %arg8[%dma_start3A_95, %dma_start3A_96, %dma_start3A_103] : memref<2x5x80xi32, #tpu.memory_space<vmem>> -> memref<1x1x80xi32, #tpu.memory_space<vmem>>
    %dma_start3A_105 = tpu.memref_squeeze %dma_start3A_104 : memref<1x1x80xi32, #tpu.memory_space<vmem>> -> memref<80xi32, #tpu.memory_space<vmem>>
    %dma_start3A_106 = arith.constant 0 : i32
    %dma_start3A_107 = arith.constant 0 : i32
    %dma_start3A_108 = tpu.memref_slice %arg2[%dma_start3A_106, %dma_start3A_107] : memref<10000x64xf32, #tpu.memory_space<hbm>> -> memref<10000x64xf32, #tpu.memory_space<hbm>>
    tpu.enqueue_indirect_dma source(%dma_start3A_108 : memref<10000x64xf32, #tpu.memory_space<hbm>>) target(%dma_start3A_102 : memref<80x64xf32, #tpu.memory_space<vmem>>) offsets(%dma_start3A_105 : memref<80xi32, #tpu.memory_space<vmem>>) semaphore(%arg12 : memref<!tpu.dma_semaphore, #tpu.memory_space<semaphore_mem>>)
    %dma_start3A_109 = arith.constant 1 : i32
    %dma_start3A_110 = arith.constant 2 : i32
    %dma_start3A_111 = arith.constant 1 : i32
    %dma_start3A_112 = arith.constant 2 : i32
    %dma_start3A_113 = arith.constant 0 : i32
    %dma_start3A_114 = arith.constant 0 : i32
    %dma_start3A_115 = tpu.memref_slice %arg10[%dma_start3A_111, %dma_start3A_112, %dma_start3A_113, %dma_start3A_114] : memref<2x5x80x64xf32, #tpu.memory_space<vmem>> -> memref<1x1x80x64xf32, #tpu.memory_space<vmem>>
    %dma_start3A_116 = tpu.memref_squeeze %dma_start3A_115 : memref<1x1x80x64xf32, #tpu.memory_space<vmem>> -> memref<80x64xf32, #tpu.memory_space<vmem>>
    %dma_start3A_117 = arith.constant 0 : i32
    %dma_start3A_118 = tpu.memref_slice %arg8[%dma_start3A_109, %dma_start3A_110, %dma_start3A_117] : memref<2x5x80xi32, #tpu.memory_space<vmem>> -> memref<1x1x80xi32, #tpu.memory_space<vmem>>
    %dma_start3A_119 = tpu.memref_squeeze %dma_start3A_118 : memref<1x1x80xi32, #tpu.memory_space<vmem>> -> memref<80xi32, #tpu.memory_space<vmem>>
    %dma_start3A_120 = arith.constant 0 : i32
    %dma_start3A_121 = arith.constant 0 : i32
    %dma_start3A_122 = tpu.memref_slice %arg2[%dma_start3A_120, %dma_start3A_121] : memref<10000x64xf32, #tpu.memory_space<hbm>> -> memref<10000x64xf32, #tpu.memory_space<hbm>>
    tpu.enqueue_indirect_dma source(%dma_start3A_122 : memref<10000x64xf32, #tpu.memory_space<hbm>>) target(%dma_start3A_116 : memref<80x64xf32, #tpu.memory_space<vmem>>) offsets(%dma_start3A_119 : memref<80xi32, #tpu.memory_space<vmem>>) semaphore(%arg12 : memref<!tpu.dma_semaphore, #tpu.memory_space<semaphore_mem>>)
    %dma_start3A_123 = arith.constant 1 : i32
    %dma_start3A_124 = arith.constant 3 : i32
    %dma_start3A_125 = arith.constant 1 : i32
    %dma_start3A_126 = arith.constant 3 : i32
    %dma_start3A_127 = arith.constant 0 : i32
    %dma_start3A_128 = arith.constant 0 : i32
    %dma_start3A_129 = tpu.memref_slice %arg10[%dma_start3A_125, %dma_start3A_126, %dma_start3A_127, %dma_start3A_128] : memref<2x5x80x64xf32, #tpu.memory_space<vmem>> -> memref<1x1x80x64xf32, #tpu.memory_space<vmem>>
    %dma_start3A_130 = tpu.memref_squeeze %dma_start3A_129 : memref<1x1x80x64xf32, #tpu.memory_space<vmem>> -> memref<80x64xf32, #tpu.memory_space<vmem>>
    %dma_start3A_131 = arith.constant 0 : i32
    %dma_start3A_132 = tpu.memref_slice %arg8[%dma_start3A_123, %dma_start3A_124, %dma_start3A_131] : memref<2x5x80xi32, #tpu.memory_space<vmem>> -> memref<1x1x80xi32, #tpu.memory_space<vmem>>
    %dma_start3A_133 = tpu.memref_squeeze %dma_start3A_132 : memref<1x1x80xi32, #tpu.memory_space<vmem>> -> memref<80xi32, #tpu.memory_space<vmem>>
    %dma_start3A_134 = arith.constant 0 : i32
    %dma_start3A_135 = arith.constant 0 : i32
    %dma_start3A_136 = tpu.memref_slice %arg2[%dma_start3A_134, %dma_start3A_135] : memref<10000x64xf32, #tpu.memory_space<hbm>> -> memref<10000x64xf32, #tpu.memory_space<hbm>>
    tpu.enqueue_indirect_dma source(%dma_start3A_136 : memref<10000x64xf32, #tpu.memory_space<hbm>>) target(%dma_start3A_130 : memref<80x64xf32, #tpu.memory_space<vmem>>) offsets(%dma_start3A_133 : memref<80xi32, #tpu.memory_space<vmem>>) semaphore(%arg12 : memref<!tpu.dma_semaphore, #tpu.memory_space<semaphore_mem>>)
    %dma_start3A_137 = arith.constant 1 : i32
    %dma_start3A_138 = arith.constant 4 : i32
    %dma_start3A_139 = arith.constant 1 : i32
    %dma_start3A_140 = arith.constant 4 : i32
    %dma_start3A_141 = arith.constant 0 : i32
    %dma_start3A_142 = arith.constant 0 : i32
    %dma_start3A_143 = tpu.memref_slice %arg10[%dma_start3A_139, %dma_start3A_140, %dma_start3A_141, %dma_start3A_142] : memref<2x5x80x64xf32, #tpu.memory_space<vmem>> -> memref<1x1x80x64xf32, #tpu.memory_space<vmem>>
    %dma_start3A_144 = tpu.memref_squeeze %dma_start3A_143 : memref<1x1x80x64xf32, #tpu.memory_space<vmem>> -> memref<80x64xf32, #tpu.memory_space<vmem>>
    %dma_start3A_145 = arith.constant 0 : i32
    %dma_start3A_146 = tpu.memref_slice %arg8[%dma_start3A_137, %dma_start3A_138, %dma_start3A_145] : memref<2x5x80xi32, #tpu.memory_space<vmem>> -> memref<1x1x80xi32, #tpu.memory_space<vmem>>
    %dma_start3A_147 = tpu.memref_squeeze %dma_start3A_146 : memref<1x1x80xi32, #tpu.memory_space<vmem>> -> memref<80xi32, #tpu.memory_space<vmem>>
    %dma_start3A_148 = arith.constant 0 : i32
    %dma_start3A_149 = arith.constant 0 : i32
    %dma_start3A_150 = tpu.memref_slice %arg2[%dma_start3A_148, %dma_start3A_149] : memref<10000x64xf32, #tpu.memory_space<hbm>> -> memref<10000x64xf32, #tpu.memory_space<hbm>>
    tpu.enqueue_indirect_dma source(%dma_start3A_150 : memref<10000x64xf32, #tpu.memory_space<hbm>>) target(%dma_start3A_144 : memref<80x64xf32, #tpu.memory_space<vmem>>) offsets(%dma_start3A_147 : memref<80xi32, #tpu.memory_space<vmem>>) semaphore(%arg12 : memref<!tpu.dma_semaphore, #tpu.memory_space<semaphore_mem>>)
    %scan3A = arith.constant 0 : i32
    %scan3A_151 = arith.constant 24 : i32
    %scan3A_152 = arith.addi %scan3A, %scan3A_151 : i32
    %scan3A_153 = arith.constant 1 : i32
    scf.for %scan3A_335 = %scan3A to %scan3A_152 step %scan3A_153  : i32 {
      %mul3A_336 = arith.constant 1 : i32
      %mul3A_337 = arith.muli %scan3A_335, %mul3A_336 : i32
      %add3A_338 = arith.constant 0 : i32
      %add3A_339 = arith.addi %add3A_338, %mul3A_337 : i32
      %dma_wait3A_340 = arith.constant 0 : i32
      %dma_wait3A_341 = arith.constant 0 : i32
      %dma_wait3A_342 = arith.constant 0 : i32
      %dma_wait3A_343 = arith.constant 0 : i32
      %dma_wait3A_344 = arith.constant 0 : i32
      %dma_wait3A_345 = arith.constant 0 : i32
      %dma_wait3A_346 = tpu.memref_slice %arg10[%dma_wait3A_342, %dma_wait3A_343, %dma_wait3A_344, %dma_wait3A_345] : memref<2x5x80x64xf32, #tpu.memory_space<vmem>> -> memref<1x1x80x64xf32, #tpu.memory_space<vmem>>
      %dma_wait3A_347 = tpu.memref_squeeze %dma_wait3A_346 : memref<1x1x80x64xf32, #tpu.memory_space<vmem>> -> memref<80x64xf32, #tpu.memory_space<vmem>>
      %dma_wait3A_348 = arith.constant 0 : i32
      %dma_wait3A_349 = tpu.memref_slice %arg8[%dma_wait3A_340, %dma_wait3A_341, %dma_wait3A_348] : memref<2x5x80xi32, #tpu.memory_space<vmem>> -> memref<1x1x80xi32, #tpu.memory_space<vmem>>
      %dma_wait3A_350 = tpu.memref_squeeze %dma_wait3A_349 : memref<1x1x80xi32, #tpu.memory_space<vmem>> -> memref<80xi32, #tpu.memory_space<vmem>>
      %dma_wait3A_351 = arith.constant 0 : i32
      %dma_wait3A_352 = arith.constant 0 : i32
      %dma_wait3A_353 = tpu.memref_slice %arg2[%dma_wait3A_351, %dma_wait3A_352] : memref<10000x64xf32, #tpu.memory_space<hbm>> -> memref<10000x64xf32, #tpu.memory_space<hbm>>
      tpu.wait_indirect_dma semaphore(%arg11 : memref<!tpu.dma_semaphore, #tpu.memory_space<semaphore_mem>>) src(%dma_wait3A_353 : memref<10000x64xf32, #tpu.memory_space<hbm>>) dst(%dma_wait3A_347 : memref<80x64xf32, #tpu.memory_space<vmem>>)
      %run_scoped3A_354 = arith.constant 0 : i32
      %run_scoped3A_355 = arith.constant 0 : i32
      %run_scoped3A_356 = arith.constant 0 : i32
      %run_scoped3A_357 = arith.constant 0 : i32
      "tpu.region"() ({
        %run_scoped3A_682 = tpu.sem_alloc : memref<!tpu.dma_semaphore, #tpu.memory_space<semaphore_mem>>
        %dma_start3A_683 = arith.constant 0 : i32
        %dma_start3A_684 = arith.constant 0 : i32
        %dma_start3A_685 = tpu.memref_slice %arg10[%run_scoped3A_354, %run_scoped3A_355, %dma_start3A_683, %dma_start3A_684] : memref<2x5x80x64xf32, #tpu.memory_space<vmem>> -> memref<1x1x80x64xf32, #tpu.memory_space<vmem>>
        %dma_start3A_686 = tpu.memref_squeeze %dma_start3A_685 : memref<1x1x80x64xf32, #tpu.memory_space<vmem>> -> memref<80x64xf32, #tpu.memory_space<vmem>>
        %dma_start3A_687 = arith.constant 0 : i32
        %dma_start3A_688 = tpu.memref_slice %arg9[%run_scoped3A_356, %run_scoped3A_357, %dma_start3A_687] : memref<2x5x80xi32, #tpu.memory_space<vmem>> -> memref<1x1x80xi32, #tpu.memory_space<vmem>>
        %dma_start3A_689 = tpu.memref_squeeze %dma_start3A_688 : memref<1x1x80xi32, #tpu.memory_space<vmem>> -> memref<80xi32, #tpu.memory_space<vmem>>
        %dma_start3A_690 = arith.constant 0 : i32
        %dma_start3A_691 = arith.constant 0 : i32
        %dma_start3A_692 = tpu.memref_slice %arg7[%dma_start3A_690, %dma_start3A_691] : memref<10240x64xf32, #tpu.memory_space<vmem_shared>> -> memref<10240x64xf32, #tpu.memory_space<vmem_shared>>
        tpu.enqueue_indirect_dma source(%dma_start3A_686 : memref<80x64xf32, #tpu.memory_space<vmem>>) target(%dma_start3A_692 : memref<10240x64xf32, #tpu.memory_space<vmem_shared>>) offsets(%dma_start3A_689 : memref<80xi32, #tpu.memory_space<vmem>>) semaphore(%run_scoped3A_682 : memref<!tpu.dma_semaphore, #tpu.memory_space<semaphore_mem>>) {add = true}
        %dma_wait3A_693 = arith.constant 0 : i32
        %dma_wait3A_694 = arith.constant 0 : i32
        %dma_wait3A_695 = tpu.memref_slice %arg10[%run_scoped3A_354, %run_scoped3A_355, %dma_wait3A_693, %dma_wait3A_694] : memref<2x5x80x64xf32, #tpu.memory_space<vmem>> -> memref<1x1x80x64xf32, #tpu.memory_space<vmem>>
        %dma_wait3A_696 = tpu.memref_squeeze %dma_wait3A_695 : memref<1x1x80x64xf32, #tpu.memory_space<vmem>> -> memref<80x64xf32, #tpu.memory_space<vmem>>
        %dma_wait3A_697 = arith.constant 0 : i32
        %dma_wait3A_698 = tpu.memref_slice %arg9[%run_scoped3A_356, %run_scoped3A_357, %dma_wait3A_697] : memref<2x5x80xi32, #tpu.memory_space<vmem>> -> memref<1x1x80xi32, #tpu.memory_space<vmem>>
        %dma_wait3A_699 = tpu.memref_squeeze %dma_wait3A_698 : memref<1x1x80xi32, #tpu.memory_space<vmem>> -> memref<80xi32, #tpu.memory_space<vmem>>
        %dma_wait3A_700 = arith.constant 0 : i32
        %dma_wait3A_701 = arith.constant 0 : i32
        %dma_wait3A_702 = tpu.memref_slice %arg7[%dma_wait3A_700, %dma_wait3A_701] : memref<10240x64xf32, #tpu.memory_space<vmem_shared>> -> memref<10240x64xf32, #tpu.memory_space<vmem_shared>>
        tpu.wait_indirect_dma semaphore(%run_scoped3A_682 : memref<!tpu.dma_semaphore, #tpu.memory_space<semaphore_mem>>) src(%dma_wait3A_696 : memref<80x64xf32, #tpu.memory_space<vmem>>) dst(%dma_wait3A_702 : memref<10240x64xf32, #tpu.memory_space<vmem_shared>>)
        tpu.yield
      }) : () -> ()
      %dma_wait3A_358 = arith.constant 0 : i32
      %dma_wait3A_359 = arith.constant 1 : i32
      %dma_wait3A_360 = arith.constant 0 : i32
      %dma_wait3A_361 = arith.constant 1 : i32
      %dma_wait3A_362 = arith.constant 0 : i32
      %dma_wait3A_363 = arith.constant 0 : i32
      %dma_wait3A_364 = tpu.memref_slice %arg10[%dma_wait3A_360, %dma_wait3A_361, %dma_wait3A_362, %dma_wait3A_363] : memref<2x5x80x64xf32, #tpu.memory_space<vmem>> -> memref<1x1x80x64xf32, #tpu.memory_space<vmem>>
      %dma_wait3A_365 = tpu.memref_squeeze %dma_wait3A_364 : memref<1x1x80x64xf32, #tpu.memory_space<vmem>> -> memref<80x64xf32, #tpu.memory_space<vmem>>
      %dma_wait3A_366 = arith.constant 0 : i32
      %dma_wait3A_367 = tpu.memref_slice %arg8[%dma_wait3A_358, %dma_wait3A_359, %dma_wait3A_366] : memref<2x5x80xi32, #tpu.memory_space<vmem>> -> memref<1x1x80xi32, #tpu.memory_space<vmem>>
      %dma_wait3A_368 = tpu.memref_squeeze %dma_wait3A_367 : memref<1x1x80xi32, #tpu.memory_space<vmem>> -> memref<80xi32, #tpu.memory_space<vmem>>
      %dma_wait3A_369 = arith.constant 0 : i32
      %dma_wait3A_370 = arith.constant 0 : i32
      %dma_wait3A_371 = tpu.memref_slice %arg2[%dma_wait3A_369, %dma_wait3A_370] : memref<10000x64xf32, #tpu.memory_space<hbm>> -> memref<10000x64xf32, #tpu.memory_space<hbm>>
      tpu.wait_indirect_dma semaphore(%arg11 : memref<!tpu.dma_semaphore, #tpu.memory_space<semaphore_mem>>) src(%dma_wait3A_371 : memref<10000x64xf32, #tpu.memory_space<hbm>>) dst(%dma_wait3A_365 : memref<80x64xf32, #tpu.memory_space<vmem>>)
      %run_scoped3A_372 = arith.constant 0 : i32
      %run_scoped3A_373 = arith.constant 1 : i32
      %run_scoped3A_374 = arith.constant 0 : i32
      %run_scoped3A_375 = arith.constant 1 : i32
      "tpu.region"() ({
        %run_scoped3A_682 = tpu.sem_alloc : memref<!tpu.dma_semaphore, #tpu.memory_space<semaphore_mem>>
        %dma_start3A_683 = arith.constant 0 : i32
        %dma_start3A_684 = arith.constant 0 : i32
        %dma_start3A_685 = tpu.memref_slice %arg10[%run_scoped3A_372, %run_scoped3A_373, %dma_start3A_683, %dma_start3A_684] : memref<2x5x80x64xf32, #tpu.memory_space<vmem>> -> memref<1x1x80x64xf32, #tpu.memory_space<vmem>>
        %dma_start3A_686 = tpu.memref_squeeze %dma_start3A_685 : memref<1x1x80x64xf32, #tpu.memory_space<vmem>> -> memref<80x64xf32, #tpu.memory_space<vmem>>
        %dma_start3A_687 = arith.constant 0 : i32
        %dma_start3A_688 = tpu.memref_slice %arg9[%run_scoped3A_374, %run_scoped3A_375, %dma_start3A_687] : memref<2x5x80xi32, #tpu.memory_space<vmem>> -> memref<1x1x80xi32, #tpu.memory_space<vmem>>
        %dma_start3A_689 = tpu.memref_squeeze %dma_start3A_688 : memref<1x1x80xi32, #tpu.memory_space<vmem>> -> memref<80xi32, #tpu.memory_space<vmem>>
        %dma_start3A_690 = arith.constant 0 : i32
        %dma_start3A_691 = arith.constant 0 : i32
        %dma_start3A_692 = tpu.memref_slice %arg7[%dma_start3A_690, %dma_start3A_691] : memref<10240x64xf32, #tpu.memory_space<vmem_shared>> -> memref<10240x64xf32, #tpu.memory_space<vmem_shared>>
        tpu.enqueue_indirect_dma source(%dma_start3A_686 : memref<80x64xf32, #tpu.memory_space<vmem>>) target(%dma_start3A_692 : memref<10240x64xf32, #tpu.memory_space<vmem_shared>>) offsets(%dma_start3A_689 : memref<80xi32, #tpu.memory_space<vmem>>) semaphore(%run_scoped3A_682 : memref<!tpu.dma_semaphore, #tpu.memory_space<semaphore_mem>>) {add = true}
        %dma_wait3A_693 = arith.constant 0 : i32
        %dma_wait3A_694 = arith.constant 0 : i32
        %dma_wait3A_695 = tpu.memref_slice %arg10[%run_scoped3A_372, %run_scoped3A_373, %dma_wait3A_693, %dma_wait3A_694] : memref<2x5x80x64xf32, #tpu.memory_space<vmem>> -> memref<1x1x80x64xf32, #tpu.memory_space<vmem>>
        %dma_wait3A_696 = tpu.memref_squeeze %dma_wait3A_695 : memref<1x1x80x64xf32, #tpu.memory_space<vmem>> -> memref<80x64xf32, #tpu.memory_space<vmem>>
        %dma_wait3A_697 = arith.constant 0 : i32
        %dma_wait3A_698 = tpu.memref_slice %arg9[%run_scoped3A_374, %run_scoped3A_375, %dma_wait3A_697] : memref<2x5x80xi32, #tpu.memory_space<vmem>> -> memref<1x1x80xi32, #tpu.memory_space<vmem>>
        %dma_wait3A_699 = tpu.memref_squeeze %dma_wait3A_698 : memref<1x1x80xi32, #tpu.memory_space<vmem>> -> memref<80xi32, #tpu.memory_space<vmem>>
        %dma_wait3A_700 = arith.constant 0 : i32
        %dma_wait3A_701 = arith.constant 0 : i32
        %dma_wait3A_702 = tpu.memref_slice %arg7[%dma_wait3A_700, %dma_wait3A_701] : memref<10240x64xf32, #tpu.memory_space<vmem_shared>> -> memref<10240x64xf32, #tpu.memory_space<vmem_shared>>
        tpu.wait_indirect_dma semaphore(%run_scoped3A_682 : memref<!tpu.dma_semaphore, #tpu.memory_space<semaphore_mem>>) src(%dma_wait3A_696 : memref<80x64xf32, #tpu.memory_space<vmem>>) dst(%dma_wait3A_702 : memref<10240x64xf32, #tpu.memory_space<vmem_shared>>)
        tpu.yield
      }) : () -> ()
      %dma_wait3A_376 = arith.constant 0 : i32
      %dma_wait3A_377 = arith.constant 2 : i32
      %dma_wait3A_378 = arith.constant 0 : i32
      %dma_wait3A_379 = arith.constant 2 : i32
      %dma_wait3A_380 = arith.constant 0 : i32
      %dma_wait3A_381 = arith.constant 0 : i32
      %dma_wait3A_382 = tpu.memref_slice %arg10[%dma_wait3A_378, %dma_wait3A_379, %dma_wait3A_380, %dma_wait3A_381] : memref<2x5x80x64xf32, #tpu.memory_space<vmem>> -> memref<1x1x80x64xf32, #tpu.memory_space<vmem>>
      %dma_wait3A_383 = tpu.memref_squeeze %dma_wait3A_382 : memref<1x1x80x64xf32, #tpu.memory_space<vmem>> -> memref<80x64xf32, #tpu.memory_space<vmem>>
      %dma_wait3A_384 = arith.constant 0 : i32
      %dma_wait3A_385 = tpu.memref_slice %arg8[%dma_wait3A_376, %dma_wait3A_377, %dma_wait3A_384] : memref<2x5x80xi32, #tpu.memory_space<vmem>> -> memref<1x1x80xi32, #tpu.memory_space<vmem>>
      %dma_wait3A_386 = tpu.memref_squeeze %dma_wait3A_385 : memref<1x1x80xi32, #tpu.memory_space<vmem>> -> memref<80xi32, #tpu.memory_space<vmem>>
      %dma_wait3A_387 = arith.constant 0 : i32
      %dma_wait3A_388 = arith.constant 0 : i32
      %dma_wait3A_389 = tpu.memref_slice %arg2[%dma_wait3A_387, %dma_wait3A_388] : memref<10000x64xf32, #tpu.memory_space<hbm>> -> memref<10000x64xf32, #tpu.memory_space<hbm>>
      tpu.wait_indirect_dma semaphore(%arg11 : memref<!tpu.dma_semaphore, #tpu.memory_space<semaphore_mem>>) src(%dma_wait3A_389 : memref<10000x64xf32, #tpu.memory_space<hbm>>) dst(%dma_wait3A_383 : memref<80x64xf32, #tpu.memory_space<vmem>>)
      %run_scoped3A_390 = arith.constant 0 : i32
      %run_scoped3A_391 = arith.constant 2 : i32
      %run_scoped3A_392 = arith.constant 0 : i32
      %run_scoped3A_393 = arith.constant 2 : i32
      "tpu.region"() ({
        %run_scoped3A_682 = tpu.sem_alloc : memref<!tpu.dma_semaphore, #tpu.memory_space<semaphore_mem>>
        %dma_start3A_683 = arith.constant 0 : i32
        %dma_start3A_684 = arith.constant 0 : i32
        %dma_start3A_685 = tpu.memref_slice %arg10[%run_scoped3A_390, %run_scoped3A_391, %dma_start3A_683, %dma_start3A_684] : memref<2x5x80x64xf32, #tpu.memory_space<vmem>> -> memref<1x1x80x64xf32, #tpu.memory_space<vmem>>
        %dma_start3A_686 = tpu.memref_squeeze %dma_start3A_685 : memref<1x1x80x64xf32, #tpu.memory_space<vmem>> -> memref<80x64xf32, #tpu.memory_space<vmem>>
        %dma_start3A_687 = arith.constant 0 : i32
        %dma_start3A_688 = tpu.memref_slice %arg9[%run_scoped3A_392, %run_scoped3A_393, %dma_start3A_687] : memref<2x5x80xi32, #tpu.memory_space<vmem>> -> memref<1x1x80xi32, #tpu.memory_space<vmem>>
        %dma_start3A_689 = tpu.memref_squeeze %dma_start3A_688 : memref<1x1x80xi32, #tpu.memory_space<vmem>> -> memref<80xi32, #tpu.memory_space<vmem>>
        %dma_start3A_690 = arith.constant 0 : i32
        %dma_start3A_691 = arith.constant 0 : i32
        %dma_start3A_692 = tpu.memref_slice %arg7[%dma_start3A_690, %dma_start3A_691] : memref<10240x64xf32, #tpu.memory_space<vmem_shared>> -> memref<10240x64xf32, #tpu.memory_space<vmem_shared>>
        tpu.enqueue_indirect_dma source(%dma_start3A_686 : memref<80x64xf32, #tpu.memory_space<vmem>>) target(%dma_start3A_692 : memref<10240x64xf32, #tpu.memory_space<vmem_shared>>) offsets(%dma_start3A_689 : memref<80xi32, #tpu.memory_space<vmem>>) semaphore(%run_scoped3A_682 : memref<!tpu.dma_semaphore, #tpu.memory_space<semaphore_mem>>) {add = true}
        %dma_wait3A_693 = arith.constant 0 : i32
        %dma_wait3A_694 = arith.constant 0 : i32
        %dma_wait3A_695 = tpu.memref_slice %arg10[%run_scoped3A_390, %run_scoped3A_391, %dma_wait3A_693, %dma_wait3A_694] : memref<2x5x80x64xf32, #tpu.memory_space<vmem>> -> memref<1x1x80x64xf32, #tpu.memory_space<vmem>>
        %dma_wait3A_696 = tpu.memref_squeeze %dma_wait3A_695 : memref<1x1x80x64xf32, #tpu.memory_space<vmem>> -> memref<80x64xf32, #tpu.memory_space<vmem>>
        %dma_wait3A_697 = arith.constant 0 : i32
        %dma_wait3A_698 = tpu.memref_slice %arg9[%run_scoped3A_392, %run_scoped3A_393, %dma_wait3A_697] : memref<2x5x80xi32, #tpu.memory_space<vmem>> -> memref<1x1x80xi32, #tpu.memory_space<vmem>>
        %dma_wait3A_699 = tpu.memref_squeeze %dma_wait3A_698 : memref<1x1x80xi32, #tpu.memory_space<vmem>> -> memref<80xi32, #tpu.memory_space<vmem>>
        %dma_wait3A_700 = arith.constant 0 : i32
        %dma_wait3A_701 = arith.constant 0 : i32
        %dma_wait3A_702 = tpu.memref_slice %arg7[%dma_wait3A_700, %dma_wait3A_701] : memref<10240x64xf32, #tpu.memory_space<vmem_shared>> -> memref<10240x64xf32, #tpu.memory_space<vmem_shared>>
        tpu.wait_indirect_dma semaphore(%run_scoped3A_682 : memref<!tpu.dma_semaphore, #tpu.memory_space<semaphore_mem>>) src(%dma_wait3A_696 : memref<80x64xf32, #tpu.memory_space<vmem>>) dst(%dma_wait3A_702 : memref<10240x64xf32, #tpu.memory_space<vmem_shared>>)
        tpu.yield
      }) : () -> ()
      %dma_wait3A_394 = arith.constant 0 : i32
      %dma_wait3A_395 = arith.constant 3 : i32
      %dma_wait3A_396 = arith.constant 0 : i32
      %dma_wait3A_397 = arith.constant 3 : i32
      %dma_wait3A_398 = arith.constant 0 : i32
      %dma_wait3A_399 = arith.constant 0 : i32
      %dma_wait3A_400 = tpu.memref_slice %arg10[%dma_wait3A_396, %dma_wait3A_397, %dma_wait3A_398, %dma_wait3A_399] : memref<2x5x80x64xf32, #tpu.memory_space<vmem>> -> memref<1x1x80x64xf32, #tpu.memory_space<vmem>>
      %dma_wait3A_401 = tpu.memref_squeeze %dma_wait3A_400 : memref<1x1x80x64xf32, #tpu.memory_space<vmem>> -> memref<80x64xf32, #tpu.memory_space<vmem>>
      %dma_wait3A_402 = arith.constant 0 : i32
      %dma_wait3A_403 = tpu.memref_slice %arg8[%dma_wait3A_394, %dma_wait3A_395, %dma_wait3A_402] : memref<2x5x80xi32, #tpu.memory_space<vmem>> -> memref<1x1x80xi32, #tpu.memory_space<vmem>>
      %dma_wait3A_404 = tpu.memref_squeeze %dma_wait3A_403 : memref<1x1x80xi32, #tpu.memory_space<vmem>> -> memref<80xi32, #tpu.memory_space<vmem>>
      %dma_wait3A_405 = arith.constant 0 : i32
      %dma_wait3A_406 = arith.constant 0 : i32
      %dma_wait3A_407 = tpu.memref_slice %arg2[%dma_wait3A_405, %dma_wait3A_406] : memref<10000x64xf32, #tpu.memory_space<hbm>> -> memref<10000x64xf32, #tpu.memory_space<hbm>>
      tpu.wait_indirect_dma semaphore(%arg11 : memref<!tpu.dma_semaphore, #tpu.memory_space<semaphore_mem>>) src(%dma_wait3A_407 : memref<10000x64xf32, #tpu.memory_space<hbm>>) dst(%dma_wait3A_401 : memref<80x64xf32, #tpu.memory_space<vmem>>)
      %run_scoped3A_408 = arith.constant 0 : i32
      %run_scoped3A_409 = arith.constant 3 : i32
      %run_scoped3A_410 = arith.constant 0 : i32
      %run_scoped3A_411 = arith.constant 3 : i32
      "tpu.region"() ({
        %run_scoped3A_682 = tpu.sem_alloc : memref<!tpu.dma_semaphore, #tpu.memory_space<semaphore_mem>>
        %dma_start3A_683 = arith.constant 0 : i32
        %dma_start3A_684 = arith.constant 0 : i32
        %dma_start3A_685 = tpu.memref_slice %arg10[%run_scoped3A_408, %run_scoped3A_409, %dma_start3A_683, %dma_start3A_684] : memref<2x5x80x64xf32, #tpu.memory_space<vmem>> -> memref<1x1x80x64xf32, #tpu.memory_space<vmem>>
        %dma_start3A_686 = tpu.memref_squeeze %dma_start3A_685 : memref<1x1x80x64xf32, #tpu.memory_space<vmem>> -> memref<80x64xf32, #tpu.memory_space<vmem>>
        %dma_start3A_687 = arith.constant 0 : i32
        %dma_start3A_688 = tpu.memref_slice %arg9[%run_scoped3A_410, %run_scoped3A_411, %dma_start3A_687] : memref<2x5x80xi32, #tpu.memory_space<vmem>> -> memref<1x1x80xi32, #tpu.memory_space<vmem>>
        %dma_start3A_689 = tpu.memref_squeeze %dma_start3A_688 : memref<1x1x80xi32, #tpu.memory_space<vmem>> -> memref<80xi32, #tpu.memory_space<vmem>>
        %dma_start3A_690 = arith.constant 0 : i32
        %dma_start3A_691 = arith.constant 0 : i32
        %dma_start3A_692 = tpu.memref_slice %arg7[%dma_start3A_690, %dma_start3A_691] : memref<10240x64xf32, #tpu.memory_space<vmem_shared>> -> memref<10240x64xf32, #tpu.memory_space<vmem_shared>>
        tpu.enqueue_indirect_dma source(%dma_start3A_686 : memref<80x64xf32, #tpu.memory_space<vmem>>) target(%dma_start3A_692 : memref<10240x64xf32, #tpu.memory_space<vmem_shared>>) offsets(%dma_start3A_689 : memref<80xi32, #tpu.memory_space<vmem>>) semaphore(%run_scoped3A_682 : memref<!tpu.dma_semaphore, #tpu.memory_space<semaphore_mem>>) {add = true}
        %dma_wait3A_693 = arith.constant 0 : i32
        %dma_wait3A_694 = arith.constant 0 : i32
        %dma_wait3A_695 = tpu.memref_slice %arg10[%run_scoped3A_408, %run_scoped3A_409, %dma_wait3A_693, %dma_wait3A_694] : memref<2x5x80x64xf32, #tpu.memory_space<vmem>> -> memref<1x1x80x64xf32, #tpu.memory_space<vmem>>
        %dma_wait3A_696 = tpu.memref_squeeze %dma_wait3A_695 : memref<1x1x80x64xf32, #tpu.memory_space<vmem>> -> memref<80x64xf32, #tpu.memory_space<vmem>>
        %dma_wait3A_697 = arith.constant 0 : i32
        %dma_wait3A_698 = tpu.memref_slice %arg9[%run_scoped3A_410, %run_scoped3A_411, %dma_wait3A_697] : memref<2x5x80xi32, #tpu.memory_space<vmem>> -> memref<1x1x80xi32, #tpu.memory_space<vmem>>
        %dma_wait3A_699 = tpu.memref_squeeze %dma_wait3A_698 : memref<1x1x80xi32, #tpu.memory_space<vmem>> -> memref<80xi32, #tpu.memory_space<vmem>>
        %dma_wait3A_700 = arith.constant 0 : i32
        %dma_wait3A_701 = arith.constant 0 : i32
        %dma_wait3A_702 = tpu.memref_slice %arg7[%dma_wait3A_700, %dma_wait3A_701] : memref<10240x64xf32, #tpu.memory_space<vmem_shared>> -> memref<10240x64xf32, #tpu.memory_space<vmem_shared>>
        tpu.wait_indirect_dma semaphore(%run_scoped3A_682 : memref<!tpu.dma_semaphore, #tpu.memory_space<semaphore_mem>>) src(%dma_wait3A_696 : memref<80x64xf32, #tpu.memory_space<vmem>>) dst(%dma_wait3A_702 : memref<10240x64xf32, #tpu.memory_space<vmem_shared>>)
        tpu.yield
      }) : () -> ()
      %dma_wait3A_412 = arith.constant 0 : i32
      %dma_wait3A_413 = arith.constant 4 : i32
      %dma_wait3A_414 = arith.constant 0 : i32
      %dma_wait3A_415 = arith.constant 4 : i32
      %dma_wait3A_416 = arith.constant 0 : i32
      %dma_wait3A_417 = arith.constant 0 : i32
      %dma_wait3A_418 = tpu.memref_slice %arg10[%dma_wait3A_414, %dma_wait3A_415, %dma_wait3A_416, %dma_wait3A_417] : memref<2x5x80x64xf32, #tpu.memory_space<vmem>> -> memref<1x1x80x64xf32, #tpu.memory_space<vmem>>
      %dma_wait3A_419 = tpu.memref_squeeze %dma_wait3A_418 : memref<1x1x80x64xf32, #tpu.memory_space<vmem>> -> memref<80x64xf32, #tpu.memory_space<vmem>>
      %dma_wait3A_420 = arith.constant 0 : i32
      %dma_wait3A_421 = tpu.memref_slice %arg8[%dma_wait3A_412, %dma_wait3A_413, %dma_wait3A_420] : memref<2x5x80xi32, #tpu.memory_space<vmem>> -> memref<1x1x80xi32, #tpu.memory_space<vmem>>
      %dma_wait3A_422 = tpu.memref_squeeze %dma_wait3A_421 : memref<1x1x80xi32, #tpu.memory_space<vmem>> -> memref<80xi32, #tpu.memory_space<vmem>>
      %dma_wait3A_423 = arith.constant 0 : i32
      %dma_wait3A_424 = arith.constant 0 : i32
      %dma_wait3A_425 = tpu.memref_slice %arg2[%dma_wait3A_423, %dma_wait3A_424] : memref<10000x64xf32, #tpu.memory_space<hbm>> -> memref<10000x64xf32, #tpu.memory_space<hbm>>
      tpu.wait_indirect_dma semaphore(%arg11 : memref<!tpu.dma_semaphore, #tpu.memory_space<semaphore_mem>>) src(%dma_wait3A_425 : memref<10000x64xf32, #tpu.memory_space<hbm>>) dst(%dma_wait3A_419 : memref<80x64xf32, #tpu.memory_space<vmem>>)
      %run_scoped3A_426 = arith.constant 0 : i32
      %run_scoped3A_427 = arith.constant 4 : i32
      %run_scoped3A_428 = arith.constant 0 : i32
      %run_scoped3A_429 = arith.constant 4 : i32
      "tpu.region"() ({
        %run_scoped3A_682 = tpu.sem_alloc : memref<!tpu.dma_semaphore, #tpu.memory_space<semaphore_mem>>
        %dma_start3A_683 = arith.constant 0 : i32
        %dma_start3A_684 = arith.constant 0 : i32
        %dma_start3A_685 = tpu.memref_slice %arg10[%run_scoped3A_426, %run_scoped3A_427, %dma_start3A_683, %dma_start3A_684] : memref<2x5x80x64xf32, #tpu.memory_space<vmem>> -> memref<1x1x80x64xf32, #tpu.memory_space<vmem>>
        %dma_start3A_686 = tpu.memref_squeeze %dma_start3A_685 : memref<1x1x80x64xf32, #tpu.memory_space<vmem>> -> memref<80x64xf32, #tpu.memory_space<vmem>>
        %dma_start3A_687 = arith.constant 0 : i32
        %dma_start3A_688 = tpu.memref_slice %arg9[%run_scoped3A_428, %run_scoped3A_429, %dma_start3A_687] : memref<2x5x80xi32, #tpu.memory_space<vmem>> -> memref<1x1x80xi32, #tpu.memory_space<vmem>>
        %dma_start3A_689 = tpu.memref_squeeze %dma_start3A_688 : memref<1x1x80xi32, #tpu.memory_space<vmem>> -> memref<80xi32, #tpu.memory_space<vmem>>
        %dma_start3A_690 = arith.constant 0 : i32
        %dma_start3A_691 = arith.constant 0 : i32
        %dma_start3A_692 = tpu.memref_slice %arg7[%dma_start3A_690, %dma_start3A_691] : memref<10240x64xf32, #tpu.memory_space<vmem_shared>> -> memref<10240x64xf32, #tpu.memory_space<vmem_shared>>
        tpu.enqueue_indirect_dma source(%dma_start3A_686 : memref<80x64xf32, #tpu.memory_space<vmem>>) target(%dma_start3A_692 : memref<10240x64xf32, #tpu.memory_space<vmem_shared>>) offsets(%dma_start3A_689 : memref<80xi32, #tpu.memory_space<vmem>>) semaphore(%run_scoped3A_682 : memref<!tpu.dma_semaphore, #tpu.memory_space<semaphore_mem>>) {add = true}
        %dma_wait3A_693 = arith.constant 0 : i32
        %dma_wait3A_694 = arith.constant 0 : i32
        %dma_wait3A_695 = tpu.memref_slice %arg10[%run_scoped3A_426, %run_scoped3A_427, %dma_wait3A_693, %dma_wait3A_694] : memref<2x5x80x64xf32, #tpu.memory_space<vmem>> -> memref<1x1x80x64xf32, #tpu.memory_space<vmem>>
        %dma_wait3A_696 = tpu.memref_squeeze %dma_wait3A_695 : memref<1x1x80x64xf32, #tpu.memory_space<vmem>> -> memref<80x64xf32, #tpu.memory_space<vmem>>
        %dma_wait3A_697 = arith.constant 0 : i32
        %dma_wait3A_698 = tpu.memref_slice %arg9[%run_scoped3A_428, %run_scoped3A_429, %dma_wait3A_697] : memref<2x5x80xi32, #tpu.memory_space<vmem>> -> memref<1x1x80xi32, #tpu.memory_space<vmem>>
        %dma_wait3A_699 = tpu.memref_squeeze %dma_wait3A_698 : memref<1x1x80xi32, #tpu.memory_space<vmem>> -> memref<80xi32, #tpu.memory_space<vmem>>
        %dma_wait3A_700 = arith.constant 0 : i32
        %dma_wait3A_701 = arith.constant 0 : i32
        %dma_wait3A_702 = tpu.memref_slice %arg7[%dma_wait3A_700, %dma_wait3A_701] : memref<10240x64xf32, #tpu.memory_space<vmem_shared>> -> memref<10240x64xf32, #tpu.memory_space<vmem_shared>>
        tpu.wait_indirect_dma semaphore(%run_scoped3A_682 : memref<!tpu.dma_semaphore, #tpu.memory_space<semaphore_mem>>) src(%dma_wait3A_696 : memref<80x64xf32, #tpu.memory_space<vmem>>) dst(%dma_wait3A_702 : memref<10240x64xf32, #tpu.memory_space<vmem_shared>>)
        tpu.yield
      }) : () -> ()
      %mul3A_430 = arith.constant 2 : i32
      %mul3A_431 = arith.muli %mul3A_430, %add3A_339 : i32
      %add3A_432 = arith.constant 0 : i32
      %add3A_433 = arith.addi %mul3A_431, %add3A_432 : i32
      %add3A_434 = arith.constant 2 : i32
      %add3A_435 = arith.addi %add3A_433, %add3A_434 : i32
      %mul3A_436 = arith.constant 5 : i32
      %mul3A_437 = arith.muli %add3A_435, %mul3A_436 : i32
      %add3A_438 = arith.addi %mul3A_4, %mul3A_437 : i32
      %run_scoped3A_439 = arith.constant 0 : i32
      "tpu.region"() ({
        %run_scoped3A_682 = tpu.sem_alloc : memref<!tpu.dma_semaphore, #tpu.memory_space<semaphore_mem>>
        %dma_start3A_683 = arith.constant 0 : i32
        %dma_start3A_684 = arith.constant 0 : i32
        %dma_start3A_685 = tpu.memref_slice %arg8[%run_scoped3A_439, %dma_start3A_683, %dma_start3A_684] : memref<2x5x80xi32, #tpu.memory_space<vmem>> -> memref<1x5x80xi32, #tpu.memory_space<vmem>>
        %dma_start3A_686 = tpu.memref_squeeze %dma_start3A_685 : memref<1x5x80xi32, #tpu.memory_space<vmem>> -> memref<5x80xi32, #tpu.memory_space<vmem>>
        %dma_start3A_687 = arith.constant 0 : i32
        %dma_start3A_688 = tpu.memref_slice %arg3[%add3A_438, %dma_start3A_687] : memref<8000x80xi32, #tpu.memory_space<hbm>> -> memref<5x80xi32, #tpu.memory_space<hbm>>
        %dma_start3A_689 = arith.constant 0 : i32
        %dma_start3A_690 = arith.constant 0 : i32
        %dma_start3A_691 = tpu.memref_slice %arg8[%run_scoped3A_439, %dma_start3A_689, %dma_start3A_690] : memref<2x5x80xi32, #tpu.memory_space<vmem>> -> memref<1x5x80xi32, #tpu.memory_space<vmem>>
        %dma_start3A_692 = tpu.memref_squeeze %dma_start3A_691 : memref<1x5x80xi32, #tpu.memory_space<vmem>> -> memref<5x80xi32, #tpu.memory_space<vmem>>
        %dma_start3A_693 = arith.constant 0 : i32
        %dma_start3A_694 = tpu.memref_slice %arg3[%add3A_438, %dma_start3A_693] : memref<8000x80xi32, #tpu.memory_space<hbm>> -> memref<5x80xi32, #tpu.memory_space<hbm>>
        tpu.enqueue_dma source(%dma_start3A_694 : memref<5x80xi32, #tpu.memory_space<hbm>>) target(%dma_start3A_692 : memref<5x80xi32, #tpu.memory_space<vmem>>) target_semaphore(%run_scoped3A_682 : memref<!tpu.dma_semaphore, #tpu.memory_space<semaphore_mem>>)
        %dma_wait3A_695 = arith.constant 0 : i32
        %dma_wait3A_696 = arith.constant 0 : i32
        %dma_wait3A_697 = tpu.memref_slice %arg8[%run_scoped3A_439, %dma_wait3A_695, %dma_wait3A_696] : memref<2x5x80xi32, #tpu.memory_space<vmem>> -> memref<1x5x80xi32, #tpu.memory_space<vmem>>
        %dma_wait3A_698 = tpu.memref_squeeze %dma_wait3A_697 : memref<1x5x80xi32, #tpu.memory_space<vmem>> -> memref<5x80xi32, #tpu.memory_space<vmem>>
        %dma_wait3A_699 = arith.constant 0 : i32
        %dma_wait3A_700 = tpu.memref_slice %arg3[%add3A_438, %dma_wait3A_699] : memref<8000x80xi32, #tpu.memory_space<hbm>> -> memref<5x80xi32, #tpu.memory_space<hbm>>
        %dma_wait3A_701 = arith.constant 0 : i32
        %dma_wait3A_702 = arith.constant 0 : i32
        %dma_wait3A_703 = tpu.memref_slice %arg8[%run_scoped3A_439, %dma_wait3A_701, %dma_wait3A_702] : memref<2x5x80xi32, #tpu.memory_space<vmem>> -> memref<1x5x80xi32, #tpu.memory_space<vmem>>
        %dma_wait3A_704 = tpu.memref_squeeze %dma_wait3A_703 : memref<1x5x80xi32, #tpu.memory_space<vmem>> -> memref<5x80xi32, #tpu.memory_space<vmem>>
        %dma_wait3A_705 = arith.constant 0 : i32
        %dma_wait3A_706 = tpu.memref_slice %arg3[%add3A_438, %dma_wait3A_705] : memref<8000x80xi32, #tpu.memory_space<hbm>> -> memref<5x80xi32, #tpu.memory_space<hbm>>
        tpu.wait_dma2 semaphore(%run_scoped3A_682 : memref<!tpu.dma_semaphore, #tpu.memory_space<semaphore_mem>>) src(%dma_wait3A_706 : memref<5x80xi32, #tpu.memory_space<hbm>>) dst(%dma_wait3A_704 : memref<5x80xi32, #tpu.memory_space<vmem>>)
        tpu.yield
      }) : () -> ()
      %run_scoped3A_440 = arith.constant 0 : i32
      "tpu.region"() ({
        %run_scoped3A_682 = tpu.sem_alloc : memref<!tpu.dma_semaphore, #tpu.memory_space<semaphore_mem>>
        %dma_start3A_683 = arith.constant 0 : i32
        %dma_start3A_684 = arith.constant 0 : i32
        %dma_start3A_685 = tpu.memref_slice %arg9[%run_scoped3A_440, %dma_start3A_683, %dma_start3A_684] : memref<2x5x80xi32, #tpu.memory_space<vmem>> -> memref<1x5x80xi32, #tpu.memory_space<vmem>>
        %dma_start3A_686 = tpu.memref_squeeze %dma_start3A_685 : memref<1x5x80xi32, #tpu.memory_space<vmem>> -> memref<5x80xi32, #tpu.memory_space<vmem>>
        %dma_start3A_687 = arith.constant 0 : i32
        %dma_start3A_688 = tpu.memref_slice %arg4[%add3A_438, %dma_start3A_687] : memref<8000x80xi32, #tpu.memory_space<hbm>> -> memref<5x80xi32, #tpu.memory_space<hbm>>
        %dma_start3A_689 = arith.constant 0 : i32
        %dma_start3A_690 = arith.constant 0 : i32
        %dma_start3A_691 = tpu.memref_slice %arg9[%run_scoped3A_440, %dma_start3A_689, %dma_start3A_690] : memref<2x5x80xi32, #tpu.memory_space<vmem>> -> memref<1x5x80xi32, #tpu.memory_space<vmem>>
        %dma_start3A_692 = tpu.memref_squeeze %dma_start3A_691 : memref<1x5x80xi32, #tpu.memory_space<vmem>> -> memref<5x80xi32, #tpu.memory_space<vmem>>
        %dma_start3A_693 = arith.constant 0 : i32
        %dma_start3A_694 = tpu.memref_slice %arg4[%add3A_438, %dma_start3A_693] : memref<8000x80xi32, #tpu.memory_space<hbm>> -> memref<5x80xi32, #tpu.memory_space<hbm>>
        tpu.enqueue_dma source(%dma_start3A_694 : memref<5x80xi32, #tpu.memory_space<hbm>>) target(%dma_start3A_692 : memref<5x80xi32, #tpu.memory_space<vmem>>) target_semaphore(%run_scoped3A_682 : memref<!tpu.dma_semaphore, #tpu.memory_space<semaphore_mem>>)
        %dma_wait3A_695 = arith.constant 0 : i32
        %dma_wait3A_696 = arith.constant 0 : i32
        %dma_wait3A_697 = tpu.memref_slice %arg9[%run_scoped3A_440, %dma_wait3A_695, %dma_wait3A_696] : memref<2x5x80xi32, #tpu.memory_space<vmem>> -> memref<1x5x80xi32, #tpu.memory_space<vmem>>
        %dma_wait3A_698 = tpu.memref_squeeze %dma_wait3A_697 : memref<1x5x80xi32, #tpu.memory_space<vmem>> -> memref<5x80xi32, #tpu.memory_space<vmem>>
        %dma_wait3A_699 = arith.constant 0 : i32
        %dma_wait3A_700 = tpu.memref_slice %arg4[%add3A_438, %dma_wait3A_699] : memref<8000x80xi32, #tpu.memory_space<hbm>> -> memref<5x80xi32, #tpu.memory_space<hbm>>
        %dma_wait3A_701 = arith.constant 0 : i32
        %dma_wait3A_702 = arith.constant 0 : i32
        %dma_wait3A_703 = tpu.memref_slice %arg9[%run_scoped3A_440, %dma_wait3A_701, %dma_wait3A_702] : memref<2x5x80xi32, #tpu.memory_space<vmem>> -> memref<1x5x80xi32, #tpu.memory_space<vmem>>
        %dma_wait3A_704 = tpu.memref_squeeze %dma_wait3A_703 : memref<1x5x80xi32, #tpu.memory_space<vmem>> -> memref<5x80xi32, #tpu.memory_space<vmem>>
        %dma_wait3A_705 = arith.constant 0 : i32
        %dma_wait3A_706 = tpu.memref_slice %arg4[%add3A_438, %dma_wait3A_705] : memref<8000x80xi32, #tpu.memory_space<hbm>> -> memref<5x80xi32, #tpu.memory_space<hbm>>
        tpu.wait_dma2 semaphore(%run_scoped3A_682 : memref<!tpu.dma_semaphore, #tpu.memory_space<semaphore_mem>>) src(%dma_wait3A_706 : memref<5x80xi32, #tpu.memory_space<hbm>>) dst(%dma_wait3A_704 : memref<5x80xi32, #tpu.memory_space<vmem>>)
        tpu.yield
      }) : () -> ()
      %dma_start3A_441 = arith.constant 0 : i32
      %dma_start3A_442 = arith.constant 0 : i32
      %dma_start3A_443 = arith.constant 0 : i32
      %dma_start3A_444 = arith.constant 0 : i32
      %dma_start3A_445 = arith.constant 0 : i32
      %dma_start3A_446 = arith.constant 0 : i32
      %dma_start3A_447 = tpu.memref_slice %arg10[%dma_start3A_443, %dma_start3A_444, %dma_start3A_445, %dma_start3A_446] : memref<2x5x80x64xf32, #tpu.memory_space<vmem>> -> memref<1x1x80x64xf32, #tpu.memory_space<vmem>>
      %dma_start3A_448 = tpu.memref_squeeze %dma_start3A_447 : memref<1x1x80x64xf32, #tpu.memory_space<vmem>> -> memref<80x64xf32, #tpu.memory_space<vmem>>
      %dma_start3A_449 = arith.constant 0 : i32
      %dma_start3A_450 = tpu.memref_slice %arg8[%dma_start3A_441, %dma_start3A_442, %dma_start3A_449] : memref<2x5x80xi32, #tpu.memory_space<vmem>> -> memref<1x1x80xi32, #tpu.memory_space<vmem>>
      %dma_start3A_451 = tpu.memref_squeeze %dma_start3A_450 : memref<1x1x80xi32, #tpu.memory_space<vmem>> -> memref<80xi32, #tpu.memory_space<vmem>>
      %dma_start3A_452 = arith.constant 0 : i32
      %dma_start3A_453 = arith.constant 0 : i32
      %dma_start3A_454 = tpu.memref_slice %arg2[%dma_start3A_452, %dma_start3A_453] : memref<10000x64xf32, #tpu.memory_space<hbm>> -> memref<10000x64xf32, #tpu.memory_space<hbm>>
      tpu.enqueue_indirect_dma source(%dma_start3A_454 : memref<10000x64xf32, #tpu.memory_space<hbm>>) target(%dma_start3A_448 : memref<80x64xf32, #tpu.memory_space<vmem>>) offsets(%dma_start3A_451 : memref<80xi32, #tpu.memory_space<vmem>>) semaphore(%arg11 : memref<!tpu.dma_semaphore, #tpu.memory_space<semaphore_mem>>)
      %dma_start3A_455 = arith.constant 0 : i32
      %dma_start3A_456 = arith.constant 1 : i32
      %dma_start3A_457 = arith.constant 0 : i32
      %dma_start3A_458 = arith.constant 1 : i32
      %dma_start3A_459 = arith.constant 0 : i32
      %dma_start3A_460 = arith.constant 0 : i32
      %dma_start3A_461 = tpu.memref_slice %arg10[%dma_start3A_457, %dma_start3A_458, %dma_start3A_459, %dma_start3A_460] : memref<2x5x80x64xf32, #tpu.memory_space<vmem>> -> memref<1x1x80x64xf32, #tpu.memory_space<vmem>>
      %dma_start3A_462 = tpu.memref_squeeze %dma_start3A_461 : memref<1x1x80x64xf32, #tpu.memory_space<vmem>> -> memref<80x64xf32, #tpu.memory_space<vmem>>
      %dma_start3A_463 = arith.constant 0 : i32
      %dma_start3A_464 = tpu.memref_slice %arg8[%dma_start3A_455, %dma_start3A_456, %dma_start3A_463] : memref<2x5x80xi32, #tpu.memory_space<vmem>> -> memref<1x1x80xi32, #tpu.memory_space<vmem>>
      %dma_start3A_465 = tpu.memref_squeeze %dma_start3A_464 : memref<1x1x80xi32, #tpu.memory_space<vmem>> -> memref<80xi32, #tpu.memory_space<vmem>>
      %dma_start3A_466 = arith.constant 0 : i32
      %dma_start3A_467 = arith.constant 0 : i32
      %dma_start3A_468 = tpu.memref_slice %arg2[%dma_start3A_466, %dma_start3A_467] : memref<10000x64xf32, #tpu.memory_space<hbm>> -> memref<10000x64xf32, #tpu.memory_space<hbm>>
      tpu.enqueue_indirect_dma source(%dma_start3A_468 : memref<10000x64xf32, #tpu.memory_space<hbm>>) target(%dma_start3A_462 : memref<80x64xf32, #tpu.memory_space<vmem>>) offsets(%dma_start3A_465 : memref<80xi32, #tpu.memory_space<vmem>>) semaphore(%arg11 : memref<!tpu.dma_semaphore, #tpu.memory_space<semaphore_mem>>)
      %dma_start3A_469 = arith.constant 0 : i32
      %dma_start3A_470 = arith.constant 2 : i32
      %dma_start3A_471 = arith.constant 0 : i32
      %dma_start3A_472 = arith.constant 2 : i32
      %dma_start3A_473 = arith.constant 0 : i32
      %dma_start3A_474 = arith.constant 0 : i32
      %dma_start3A_475 = tpu.memref_slice %arg10[%dma_start3A_471, %dma_start3A_472, %dma_start3A_473, %dma_start3A_474] : memref<2x5x80x64xf32, #tpu.memory_space<vmem>> -> memref<1x1x80x64xf32, #tpu.memory_space<vmem>>
      %dma_start3A_476 = tpu.memref_squeeze %dma_start3A_475 : memref<1x1x80x64xf32, #tpu.memory_space<vmem>> -> memref<80x64xf32, #tpu.memory_space<vmem>>
      %dma_start3A_477 = arith.constant 0 : i32
      %dma_start3A_478 = tpu.memref_slice %arg8[%dma_start3A_469, %dma_start3A_470, %dma_start3A_477] : memref<2x5x80xi32, #tpu.memory_space<vmem>> -> memref<1x1x80xi32, #tpu.memory_space<vmem>>
      %dma_start3A_479 = tpu.memref_squeeze %dma_start3A_478 : memref<1x1x80xi32, #tpu.memory_space<vmem>> -> memref<80xi32, #tpu.memory_space<vmem>>
      %dma_start3A_480 = arith.constant 0 : i32
      %dma_start3A_481 = arith.constant 0 : i32
      %dma_start3A_482 = tpu.memref_slice %arg2[%dma_start3A_480, %dma_start3A_481] : memref<10000x64xf32, #tpu.memory_space<hbm>> -> memref<10000x64xf32, #tpu.memory_space<hbm>>
      tpu.enqueue_indirect_dma source(%dma_start3A_482 : memref<10000x64xf32, #tpu.memory_space<hbm>>) target(%dma_start3A_476 : memref<80x64xf32, #tpu.memory_space<vmem>>) offsets(%dma_start3A_479 : memref<80xi32, #tpu.memory_space<vmem>>) semaphore(%arg11 : memref<!tpu.dma_semaphore, #tpu.memory_space<semaphore_mem>>)
      %dma_start3A_483 = arith.constant 0 : i32
      %dma_start3A_484 = arith.constant 3 : i32
      %dma_start3A_485 = arith.constant 0 : i32
      %dma_start3A_486 = arith.constant 3 : i32
      %dma_start3A_487 = arith.constant 0 : i32
      %dma_start3A_488 = arith.constant 0 : i32
      %dma_start3A_489 = tpu.memref_slice %arg10[%dma_start3A_485, %dma_start3A_486, %dma_start3A_487, %dma_start3A_488] : memref<2x5x80x64xf32, #tpu.memory_space<vmem>> -> memref<1x1x80x64xf32, #tpu.memory_space<vmem>>
      %dma_start3A_490 = tpu.memref_squeeze %dma_start3A_489 : memref<1x1x80x64xf32, #tpu.memory_space<vmem>> -> memref<80x64xf32, #tpu.memory_space<vmem>>
      %dma_start3A_491 = arith.constant 0 : i32
      %dma_start3A_492 = tpu.memref_slice %arg8[%dma_start3A_483, %dma_start3A_484, %dma_start3A_491] : memref<2x5x80xi32, #tpu.memory_space<vmem>> -> memref<1x1x80xi32, #tpu.memory_space<vmem>>
      %dma_start3A_493 = tpu.memref_squeeze %dma_start3A_492 : memref<1x1x80xi32, #tpu.memory_space<vmem>> -> memref<80xi32, #tpu.memory_space<vmem>>
      %dma_start3A_494 = arith.constant 0 : i32
      %dma_start3A_495 = arith.constant 0 : i32
      %dma_start3A_496 = tpu.memref_slice %arg2[%dma_start3A_494, %dma_start3A_495] : memref<10000x64xf32, #tpu.memory_space<hbm>> -> memref<10000x64xf32, #tpu.memory_space<hbm>>
      tpu.enqueue_indirect_dma source(%dma_start3A_496 : memref<10000x64xf32, #tpu.memory_space<hbm>>) target(%dma_start3A_490 : memref<80x64xf32, #tpu.memory_space<vmem>>) offsets(%dma_start3A_493 : memref<80xi32, #tpu.memory_space<vmem>>) semaphore(%arg11 : memref<!tpu.dma_semaphore, #tpu.memory_space<semaphore_mem>>)
      %dma_start3A_497 = arith.constant 0 : i32
      %dma_start3A_498 = arith.constant 4 : i32
      %dma_start3A_499 = arith.constant 0 : i32
      %dma_start3A_500 = arith.constant 4 : i32
      %dma_start3A_501 = arith.constant 0 : i32
      %dma_start3A_502 = arith.constant 0 : i32
      %dma_start3A_503 = tpu.memref_slice %arg10[%dma_start3A_499, %dma_start3A_500, %dma_start3A_501, %dma_start3A_502] : memref<2x5x80x64xf32, #tpu.memory_space<vmem>> -> memref<1x1x80x64xf32, #tpu.memory_space<vmem>>
      %dma_start3A_504 = tpu.memref_squeeze %dma_start3A_503 : memref<1x1x80x64xf32, #tpu.memory_space<vmem>> -> memref<80x64xf32, #tpu.memory_space<vmem>>
      %dma_start3A_505 = arith.constant 0 : i32
      %dma_start3A_506 = tpu.memref_slice %arg8[%dma_start3A_497, %dma_start3A_498, %dma_start3A_505] : memref<2x5x80xi32, #tpu.memory_space<vmem>> -> memref<1x1x80xi32, #tpu.memory_space<vmem>>
      %dma_start3A_507 = tpu.memref_squeeze %dma_start3A_506 : memref<1x1x80xi32, #tpu.memory_space<vmem>> -> memref<80xi32, #tpu.memory_space<vmem>>
      %dma_start3A_508 = arith.constant 0 : i32
      %dma_start3A_509 = arith.constant 0 : i32
      %dma_start3A_510 = tpu.memref_slice %arg2[%dma_start3A_508, %dma_start3A_509] : memref<10000x64xf32, #tpu.memory_space<hbm>> -> memref<10000x64xf32, #tpu.memory_space<hbm>>
      tpu.enqueue_indirect_dma source(%dma_start3A_510 : memref<10000x64xf32, #tpu.memory_space<hbm>>) target(%dma_start3A_504 : memref<80x64xf32, #tpu.memory_space<vmem>>) offsets(%dma_start3A_507 : memref<80xi32, #tpu.memory_space<vmem>>) semaphore(%arg11 : memref<!tpu.dma_semaphore, #tpu.memory_space<semaphore_mem>>)
      %dma_wait3A_511 = arith.constant 1 : i32
      %dma_wait3A_512 = arith.constant 0 : i32
      %dma_wait3A_513 = arith.constant 1 : i32
      %dma_wait3A_514 = arith.constant 0 : i32
      %dma_wait3A_515 = arith.constant 0 : i32
      %dma_wait3A_516 = arith.constant 0 : i32
      %dma_wait3A_517 = tpu.memref_slice %arg10[%dma_wait3A_513, %dma_wait3A_514, %dma_wait3A_515, %dma_wait3A_516] : memref<2x5x80x64xf32, #tpu.memory_space<vmem>> -> memref<1x1x80x64xf32, #tpu.memory_space<vmem>>
      %dma_wait3A_518 = tpu.memref_squeeze %dma_wait3A_517 : memref<1x1x80x64xf32, #tpu.memory_space<vmem>> -> memref<80x64xf32, #tpu.memory_space<vmem>>
      %dma_wait3A_519 = arith.constant 0 : i32
      %dma_wait3A_520 = tpu.memref_slice %arg8[%dma_wait3A_511, %dma_wait3A_512, %dma_wait3A_519] : memref<2x5x80xi32, #tpu.memory_space<vmem>> -> memref<1x1x80xi32, #tpu.memory_space<vmem>>
      %dma_wait3A_521 = tpu.memref_squeeze %dma_wait3A_520 : memref<1x1x80xi32, #tpu.memory_space<vmem>> -> memref<80xi32, #tpu.memory_space<vmem>>
      %dma_wait3A_522 = arith.constant 0 : i32
      %dma_wait3A_523 = arith.constant 0 : i32
      %dma_wait3A_524 = tpu.memref_slice %arg2[%dma_wait3A_522, %dma_wait3A_523] : memref<10000x64xf32, #tpu.memory_space<hbm>> -> memref<10000x64xf32, #tpu.memory_space<hbm>>
      tpu.wait_indirect_dma semaphore(%arg12 : memref<!tpu.dma_semaphore, #tpu.memory_space<semaphore_mem>>) src(%dma_wait3A_524 : memref<10000x64xf32, #tpu.memory_space<hbm>>) dst(%dma_wait3A_518 : memref<80x64xf32, #tpu.memory_space<vmem>>)
      %run_scoped3A_525 = arith.constant 1 : i32
      %run_scoped3A_526 = arith.constant 0 : i32
      %run_scoped3A_527 = arith.constant 1 : i32
      %run_scoped3A_528 = arith.constant 0 : i32
      "tpu.region"() ({
        %run_scoped3A_682 = tpu.sem_alloc : memref<!tpu.dma_semaphore, #tpu.memory_space<semaphore_mem>>
        %dma_start3A_683 = arith.constant 0 : i32
        %dma_start3A_684 = arith.constant 0 : i32
        %dma_start3A_685 = tpu.memref_slice %arg10[%run_scoped3A_525, %run_scoped3A_526, %dma_start3A_683, %dma_start3A_684] : memref<2x5x80x64xf32, #tpu.memory_space<vmem>> -> memref<1x1x80x64xf32, #tpu.memory_space<vmem>>
        %dma_start3A_686 = tpu.memref_squeeze %dma_start3A_685 : memref<1x1x80x64xf32, #tpu.memory_space<vmem>> -> memref<80x64xf32, #tpu.memory_space<vmem>>
        %dma_start3A_687 = arith.constant 0 : i32
        %dma_start3A_688 = tpu.memref_slice %arg9[%run_scoped3A_527, %run_scoped3A_528, %dma_start3A_687] : memref<2x5x80xi32, #tpu.memory_space<vmem>> -> memref<1x1x80xi32, #tpu.memory_space<vmem>>
        %dma_start3A_689 = tpu.memref_squeeze %dma_start3A_688 : memref<1x1x80xi32, #tpu.memory_space<vmem>> -> memref<80xi32, #tpu.memory_space<vmem>>
        %dma_start3A_690 = arith.constant 0 : i32
        %dma_start3A_691 = arith.constant 0 : i32
        %dma_start3A_692 = tpu.memref_slice %arg7[%dma_start3A_690, %dma_start3A_691] : memref<10240x64xf32, #tpu.memory_space<vmem_shared>> -> memref<10240x64xf32, #tpu.memory_space<vmem_shared>>
        tpu.enqueue_indirect_dma source(%dma_start3A_686 : memref<80x64xf32, #tpu.memory_space<vmem>>) target(%dma_start3A_692 : memref<10240x64xf32, #tpu.memory_space<vmem_shared>>) offsets(%dma_start3A_689 : memref<80xi32, #tpu.memory_space<vmem>>) semaphore(%run_scoped3A_682 : memref<!tpu.dma_semaphore, #tpu.memory_space<semaphore_mem>>) {add = true}
        %dma_wait3A_693 = arith.constant 0 : i32
        %dma_wait3A_694 = arith.constant 0 : i32
        %dma_wait3A_695 = tpu.memref_slice %arg10[%run_scoped3A_525, %run_scoped3A_526, %dma_wait3A_693, %dma_wait3A_694] : memref<2x5x80x64xf32, #tpu.memory_space<vmem>> -> memref<1x1x80x64xf32, #tpu.memory_space<vmem>>
        %dma_wait3A_696 = tpu.memref_squeeze %dma_wait3A_695 : memref<1x1x80x64xf32, #tpu.memory_space<vmem>> -> memref<80x64xf32, #tpu.memory_space<vmem>>
        %dma_wait3A_697 = arith.constant 0 : i32
        %dma_wait3A_698 = tpu.memref_slice %arg9[%run_scoped3A_527, %run_scoped3A_528, %dma_wait3A_697] : memref<2x5x80xi32, #tpu.memory_space<vmem>> -> memref<1x1x80xi32, #tpu.memory_space<vmem>>
        %dma_wait3A_699 = tpu.memref_squeeze %dma_wait3A_698 : memref<1x1x80xi32, #tpu.memory_space<vmem>> -> memref<80xi32, #tpu.memory_space<vmem>>
        %dma_wait3A_700 = arith.constant 0 : i32
        %dma_wait3A_701 = arith.constant 0 : i32
        %dma_wait3A_702 = tpu.memref_slice %arg7[%dma_wait3A_700, %dma_wait3A_701] : memref<10240x64xf32, #tpu.memory_space<vmem_shared>> -> memref<10240x64xf32, #tpu.memory_space<vmem_shared>>
        tpu.wait_indirect_dma semaphore(%run_scoped3A_682 : memref<!tpu.dma_semaphore, #tpu.memory_space<semaphore_mem>>) src(%dma_wait3A_696 : memref<80x64xf32, #tpu.memory_space<vmem>>) dst(%dma_wait3A_702 : memref<10240x64xf32, #tpu.memory_space<vmem_shared>>)
        tpu.yield
      }) : () -> ()
      %dma_wait3A_529 = arith.constant 1 : i32
      %dma_wait3A_530 = arith.constant 1 : i32
      %dma_wait3A_531 = arith.constant 1 : i32
      %dma_wait3A_532 = arith.constant 1 : i32
      %dma_wait3A_533 = arith.constant 0 : i32
      %dma_wait3A_534 = arith.constant 0 : i32
      %dma_wait3A_535 = tpu.memref_slice %arg10[%dma_wait3A_531, %dma_wait3A_532, %dma_wait3A_533, %dma_wait3A_534] : memref<2x5x80x64xf32, #tpu.memory_space<vmem>> -> memref<1x1x80x64xf32, #tpu.memory_space<vmem>>
      %dma_wait3A_536 = tpu.memref_squeeze %dma_wait3A_535 : memref<1x1x80x64xf32, #tpu.memory_space<vmem>> -> memref<80x64xf32, #tpu.memory_space<vmem>>
      %dma_wait3A_537 = arith.constant 0 : i32
      %dma_wait3A_538 = tpu.memref_slice %arg8[%dma_wait3A_529, %dma_wait3A_530, %dma_wait3A_537] : memref<2x5x80xi32, #tpu.memory_space<vmem>> -> memref<1x1x80xi32, #tpu.memory_space<vmem>>
      %dma_wait3A_539 = tpu.memref_squeeze %dma_wait3A_538 : memref<1x1x80xi32, #tpu.memory_space<vmem>> -> memref<80xi32, #tpu.memory_space<vmem>>
      %dma_wait3A_540 = arith.constant 0 : i32
      %dma_wait3A_541 = arith.constant 0 : i32
      %dma_wait3A_542 = tpu.memref_slice %arg2[%dma_wait3A_540, %dma_wait3A_541] : memref<10000x64xf32, #tpu.memory_space<hbm>> -> memref<10000x64xf32, #tpu.memory_space<hbm>>
      tpu.wait_indirect_dma semaphore(%arg12 : memref<!tpu.dma_semaphore, #tpu.memory_space<semaphore_mem>>) src(%dma_wait3A_542 : memref<10000x64xf32, #tpu.memory_space<hbm>>) dst(%dma_wait3A_536 : memref<80x64xf32, #tpu.memory_space<vmem>>)
      %run_scoped3A_543 = arith.constant 1 : i32
      %run_scoped3A_544 = arith.constant 1 : i32
      %run_scoped3A_545 = arith.constant 1 : i32
      %run_scoped3A_546 = arith.constant 1 : i32
      "tpu.region"() ({
        %run_scoped3A_682 = tpu.sem_alloc : memref<!tpu.dma_semaphore, #tpu.memory_space<semaphore_mem>>
        %dma_start3A_683 = arith.constant 0 : i32
        %dma_start3A_684 = arith.constant 0 : i32
        %dma_start3A_685 = tpu.memref_slice %arg10[%run_scoped3A_543, %run_scoped3A_544, %dma_start3A_683, %dma_start3A_684] : memref<2x5x80x64xf32, #tpu.memory_space<vmem>> -> memref<1x1x80x64xf32, #tpu.memory_space<vmem>>
        %dma_start3A_686 = tpu.memref_squeeze %dma_start3A_685 : memref<1x1x80x64xf32, #tpu.memory_space<vmem>> -> memref<80x64xf32, #tpu.memory_space<vmem>>
        %dma_start3A_687 = arith.constant 0 : i32
        %dma_start3A_688 = tpu.memref_slice %arg9[%run_scoped3A_545, %run_scoped3A_546, %dma_start3A_687] : memref<2x5x80xi32, #tpu.memory_space<vmem>> -> memref<1x1x80xi32, #tpu.memory_space<vmem>>
        %dma_start3A_689 = tpu.memref_squeeze %dma_start3A_688 : memref<1x1x80xi32, #tpu.memory_space<vmem>> -> memref<80xi32, #tpu.memory_space<vmem>>
        %dma_start3A_690 = arith.constant 0 : i32
        %dma_start3A_691 = arith.constant 0 : i32
        %dma_start3A_692 = tpu.memref_slice %arg7[%dma_start3A_690, %dma_start3A_691] : memref<10240x64xf32, #tpu.memory_space<vmem_shared>> -> memref<10240x64xf32, #tpu.memory_space<vmem_shared>>
        tpu.enqueue_indirect_dma source(%dma_start3A_686 : memref<80x64xf32, #tpu.memory_space<vmem>>) target(%dma_start3A_692 : memref<10240x64xf32, #tpu.memory_space<vmem_shared>>) offsets(%dma_start3A_689 : memref<80xi32, #tpu.memory_space<vmem>>) semaphore(%run_scoped3A_682 : memref<!tpu.dma_semaphore, #tpu.memory_space<semaphore_mem>>) {add = true}
        %dma_wait3A_693 = arith.constant 0 : i32
        %dma_wait3A_694 = arith.constant 0 : i32
        %dma_wait3A_695 = tpu.memref_slice %arg10[%run_scoped3A_543, %run_scoped3A_544, %dma_wait3A_693, %dma_wait3A_694] : memref<2x5x80x64xf32, #tpu.memory_space<vmem>> -> memref<1x1x80x64xf32, #tpu.memory_space<vmem>>
        %dma_wait3A_696 = tpu.memref_squeeze %dma_wait3A_695 : memref<1x1x80x64xf32, #tpu.memory_space<vmem>> -> memref<80x64xf32, #tpu.memory_space<vmem>>
        %dma_wait3A_697 = arith.constant 0 : i32
        %dma_wait3A_698 = tpu.memref_slice %arg9[%run_scoped3A_545, %run_scoped3A_546, %dma_wait3A_697] : memref<2x5x80xi32, #tpu.memory_space<vmem>> -> memref<1x1x80xi32, #tpu.memory_space<vmem>>
        %dma_wait3A_699 = tpu.memref_squeeze %dma_wait3A_698 : memref<1x1x80xi32, #tpu.memory_space<vmem>> -> memref<80xi32, #tpu.memory_space<vmem>>
        %dma_wait3A_700 = arith.constant 0 : i32
        %dma_wait3A_701 = arith.constant 0 : i32
        %dma_wait3A_702 = tpu.memref_slice %arg7[%dma_wait3A_700, %dma_wait3A_701] : memref<10240x64xf32, #tpu.memory_space<vmem_shared>> -> memref<10240x64xf32, #tpu.memory_space<vmem_shared>>
        tpu.wait_indirect_dma semaphore(%run_scoped3A_682 : memref<!tpu.dma_semaphore, #tpu.memory_space<semaphore_mem>>) src(%dma_wait3A_696 : memref<80x64xf32, #tpu.memory_space<vmem>>) dst(%dma_wait3A_702 : memref<10240x64xf32, #tpu.memory_space<vmem_shared>>)
        tpu.yield
      }) : () -> ()
      %dma_wait3A_547 = arith.constant 1 : i32
      %dma_wait3A_548 = arith.constant 2 : i32
      %dma_wait3A_549 = arith.constant 1 : i32
      %dma_wait3A_550 = arith.constant 2 : i32
      %dma_wait3A_551 = arith.constant 0 : i32
      %dma_wait3A_552 = arith.constant 0 : i32
      %dma_wait3A_553 = tpu.memref_slice %arg10[%dma_wait3A_549, %dma_wait3A_550, %dma_wait3A_551, %dma_wait3A_552] : memref<2x5x80x64xf32, #tpu.memory_space<vmem>> -> memref<1x1x80x64xf32, #tpu.memory_space<vmem>>
      %dma_wait3A_554 = tpu.memref_squeeze %dma_wait3A_553 : memref<1x1x80x64xf32, #tpu.memory_space<vmem>> -> memref<80x64xf32, #tpu.memory_space<vmem>>
      %dma_wait3A_555 = arith.constant 0 : i32
      %dma_wait3A_556 = tpu.memref_slice %arg8[%dma_wait3A_547, %dma_wait3A_548, %dma_wait3A_555] : memref<2x5x80xi32, #tpu.memory_space<vmem>> -> memref<1x1x80xi32, #tpu.memory_space<vmem>>
      %dma_wait3A_557 = tpu.memref_squeeze %dma_wait3A_556 : memref<1x1x80xi32, #tpu.memory_space<vmem>> -> memref<80xi32, #tpu.memory_space<vmem>>
      %dma_wait3A_558 = arith.constant 0 : i32
      %dma_wait3A_559 = arith.constant 0 : i32
      %dma_wait3A_560 = tpu.memref_slice %arg2[%dma_wait3A_558, %dma_wait3A_559] : memref<10000x64xf32, #tpu.memory_space<hbm>> -> memref<10000x64xf32, #tpu.memory_space<hbm>>
      tpu.wait_indirect_dma semaphore(%arg12 : memref<!tpu.dma_semaphore, #tpu.memory_space<semaphore_mem>>) src(%dma_wait3A_560 : memref<10000x64xf32, #tpu.memory_space<hbm>>) dst(%dma_wait3A_554 : memref<80x64xf32, #tpu.memory_space<vmem>>)
      %run_scoped3A_561 = arith.constant 1 : i32
      %run_scoped3A_562 = arith.constant 2 : i32
      %run_scoped3A_563 = arith.constant 1 : i32
      %run_scoped3A_564 = arith.constant 2 : i32
      "tpu.region"() ({
        %run_scoped3A_682 = tpu.sem_alloc : memref<!tpu.dma_semaphore, #tpu.memory_space<semaphore_mem>>
        %dma_start3A_683 = arith.constant 0 : i32
        %dma_start3A_684 = arith.constant 0 : i32
        %dma_start3A_685 = tpu.memref_slice %arg10[%run_scoped3A_561, %run_scoped3A_562, %dma_start3A_683, %dma_start3A_684] : memref<2x5x80x64xf32, #tpu.memory_space<vmem>> -> memref<1x1x80x64xf32, #tpu.memory_space<vmem>>
        %dma_start3A_686 = tpu.memref_squeeze %dma_start3A_685 : memref<1x1x80x64xf32, #tpu.memory_space<vmem>> -> memref<80x64xf32, #tpu.memory_space<vmem>>
        %dma_start3A_687 = arith.constant 0 : i32
        %dma_start3A_688 = tpu.memref_slice %arg9[%run_scoped3A_563, %run_scoped3A_564, %dma_start3A_687] : memref<2x5x80xi32, #tpu.memory_space<vmem>> -> memref<1x1x80xi32, #tpu.memory_space<vmem>>
        %dma_start3A_689 = tpu.memref_squeeze %dma_start3A_688 : memref<1x1x80xi32, #tpu.memory_space<vmem>> -> memref<80xi32, #tpu.memory_space<vmem>>
        %dma_start3A_690 = arith.constant 0 : i32
        %dma_start3A_691 = arith.constant 0 : i32
        %dma_start3A_692 = tpu.memref_slice %arg7[%dma_start3A_690, %dma_start3A_691] : memref<10240x64xf32, #tpu.memory_space<vmem_shared>> -> memref<10240x64xf32, #tpu.memory_space<vmem_shared>>
        tpu.enqueue_indirect_dma source(%dma_start3A_686 : memref<80x64xf32, #tpu.memory_space<vmem>>) target(%dma_start3A_692 : memref<10240x64xf32, #tpu.memory_space<vmem_shared>>) offsets(%dma_start3A_689 : memref<80xi32, #tpu.memory_space<vmem>>) semaphore(%run_scoped3A_682 : memref<!tpu.dma_semaphore, #tpu.memory_space<semaphore_mem>>) {add = true}
        %dma_wait3A_693 = arith.constant 0 : i32
        %dma_wait3A_694 = arith.constant 0 : i32
        %dma_wait3A_695 = tpu.memref_slice %arg10[%run_scoped3A_561, %run_scoped3A_562, %dma_wait3A_693, %dma_wait3A_694] : memref<2x5x80x64xf32, #tpu.memory_space<vmem>> -> memref<1x1x80x64xf32, #tpu.memory_space<vmem>>
        %dma_wait3A_696 = tpu.memref_squeeze %dma_wait3A_695 : memref<1x1x80x64xf32, #tpu.memory_space<vmem>> -> memref<80x64xf32, #tpu.memory_space<vmem>>
        %dma_wait3A_697 = arith.constant 0 : i32
        %dma_wait3A_698 = tpu.memref_slice %arg9[%run_scoped3A_563, %run_scoped3A_564, %dma_wait3A_697] : memref<2x5x80xi32, #tpu.memory_space<vmem>> -> memref<1x1x80xi32, #tpu.memory_space<vmem>>
        %dma_wait3A_699 = tpu.memref_squeeze %dma_wait3A_698 : memref<1x1x80xi32, #tpu.memory_space<vmem>> -> memref<80xi32, #tpu.memory_space<vmem>>
        %dma_wait3A_700 = arith.constant 0 : i32
        %dma_wait3A_701 = arith.constant 0 : i32
        %dma_wait3A_702 = tpu.memref_slice %arg7[%dma_wait3A_700, %dma_wait3A_701] : memref<10240x64xf32, #tpu.memory_space<vmem_shared>> -> memref<10240x64xf32, #tpu.memory_space<vmem_shared>>
        tpu.wait_indirect_dma semaphore(%run_scoped3A_682 : memref<!tpu.dma_semaphore, #tpu.memory_space<semaphore_mem>>) src(%dma_wait3A_696 : memref<80x64xf32, #tpu.memory_space<vmem>>) dst(%dma_wait3A_702 : memref<10240x64xf32, #tpu.memory_space<vmem_shared>>)
        tpu.yield
      }) : () -> ()
      %dma_wait3A_565 = arith.constant 1 : i32
      %dma_wait3A_566 = arith.constant 3 : i32
      %dma_wait3A_567 = arith.constant 1 : i32
      %dma_wait3A_568 = arith.constant 3 : i32
      %dma_wait3A_569 = arith.constant 0 : i32
      %dma_wait3A_570 = arith.constant 0 : i32
      %dma_wait3A_571 = tpu.memref_slice %arg10[%dma_wait3A_567, %dma_wait3A_568, %dma_wait3A_569, %dma_wait3A_570] : memref<2x5x80x64xf32, #tpu.memory_space<vmem>> -> memref<1x1x80x64xf32, #tpu.memory_space<vmem>>
      %dma_wait3A_572 = tpu.memref_squeeze %dma_wait3A_571 : memref<1x1x80x64xf32, #tpu.memory_space<vmem>> -> memref<80x64xf32, #tpu.memory_space<vmem>>
      %dma_wait3A_573 = arith.constant 0 : i32
      %dma_wait3A_574 = tpu.memref_slice %arg8[%dma_wait3A_565, %dma_wait3A_566, %dma_wait3A_573] : memref<2x5x80xi32, #tpu.memory_space<vmem>> -> memref<1x1x80xi32, #tpu.memory_space<vmem>>
      %dma_wait3A_575 = tpu.memref_squeeze %dma_wait3A_574 : memref<1x1x80xi32, #tpu.memory_space<vmem>> -> memref<80xi32, #tpu.memory_space<vmem>>
      %dma_wait3A_576 = arith.constant 0 : i32
      %dma_wait3A_577 = arith.constant 0 : i32
      %dma_wait3A_578 = tpu.memref_slice %arg2[%dma_wait3A_576, %dma_wait3A_577] : memref<10000x64xf32, #tpu.memory_space<hbm>> -> memref<10000x64xf32, #tpu.memory_space<hbm>>
      tpu.wait_indirect_dma semaphore(%arg12 : memref<!tpu.dma_semaphore, #tpu.memory_space<semaphore_mem>>) src(%dma_wait3A_578 : memref<10000x64xf32, #tpu.memory_space<hbm>>) dst(%dma_wait3A_572 : memref<80x64xf32, #tpu.memory_space<vmem>>)
      %run_scoped3A_579 = arith.constant 1 : i32
      %run_scoped3A_580 = arith.constant 3 : i32
      %run_scoped3A_581 = arith.constant 1 : i32
      %run_scoped3A_582 = arith.constant 3 : i32
      "tpu.region"() ({
        %run_scoped3A_682 = tpu.sem_alloc : memref<!tpu.dma_semaphore, #tpu.memory_space<semaphore_mem>>
        %dma_start3A_683 = arith.constant 0 : i32
        %dma_start3A_684 = arith.constant 0 : i32
        %dma_start3A_685 = tpu.memref_slice %arg10[%run_scoped3A_579, %run_scoped3A_580, %dma_start3A_683, %dma_start3A_684] : memref<2x5x80x64xf32, #tpu.memory_space<vmem>> -> memref<1x1x80x64xf32, #tpu.memory_space<vmem>>
        %dma_start3A_686 = tpu.memref_squeeze %dma_start3A_685 : memref<1x1x80x64xf32, #tpu.memory_space<vmem>> -> memref<80x64xf32, #tpu.memory_space<vmem>>
        %dma_start3A_687 = arith.constant 0 : i32
        %dma_start3A_688 = tpu.memref_slice %arg9[%run_scoped3A_581, %run_scoped3A_582, %dma_start3A_687] : memref<2x5x80xi32, #tpu.memory_space<vmem>> -> memref<1x1x80xi32, #tpu.memory_space<vmem>>
        %dma_start3A_689 = tpu.memref_squeeze %dma_start3A_688 : memref<1x1x80xi32, #tpu.memory_space<vmem>> -> memref<80xi32, #tpu.memory_space<vmem>>
        %dma_start3A_690 = arith.constant 0 : i32
        %dma_start3A_691 = arith.constant 0 : i32
        %dma_start3A_692 = tpu.memref_slice %arg7[%dma_start3A_690, %dma_start3A_691] : memref<10240x64xf32, #tpu.memory_space<vmem_shared>> -> memref<10240x64xf32, #tpu.memory_space<vmem_shared>>
        tpu.enqueue_indirect_dma source(%dma_start3A_686 : memref<80x64xf32, #tpu.memory_space<vmem>>) target(%dma_start3A_692 : memref<10240x64xf32, #tpu.memory_space<vmem_shared>>) offsets(%dma_start3A_689 : memref<80xi32, #tpu.memory_space<vmem>>) semaphore(%run_scoped3A_682 : memref<!tpu.dma_semaphore, #tpu.memory_space<semaphore_mem>>) {add = true}
        %dma_wait3A_693 = arith.constant 0 : i32
        %dma_wait3A_694 = arith.constant 0 : i32
        %dma_wait3A_695 = tpu.memref_slice %arg10[%run_scoped3A_579, %run_scoped3A_580, %dma_wait3A_693, %dma_wait3A_694] : memref<2x5x80x64xf32, #tpu.memory_space<vmem>> -> memref<1x1x80x64xf32, #tpu.memory_space<vmem>>
        %dma_wait3A_696 = tpu.memref_squeeze %dma_wait3A_695 : memref<1x1x80x64xf32, #tpu.memory_space<vmem>> -> memref<80x64xf32, #tpu.memory_space<vmem>>
        %dma_wait3A_697 = arith.constant 0 : i32
        %dma_wait3A_698 = tpu.memref_slice %arg9[%run_scoped3A_581, %run_scoped3A_582, %dma_wait3A_697] : memref<2x5x80xi32, #tpu.memory_space<vmem>> -> memref<1x1x80xi32, #tpu.memory_space<vmem>>
        %dma_wait3A_699 = tpu.memref_squeeze %dma_wait3A_698 : memref<1x1x80xi32, #tpu.memory_space<vmem>> -> memref<80xi32, #tpu.memory_space<vmem>>
        %dma_wait3A_700 = arith.constant 0 : i32
        %dma_wait3A_701 = arith.constant 0 : i32
        %dma_wait3A_702 = tpu.memref_slice %arg7[%dma_wait3A_700, %dma_wait3A_701] : memref<10240x64xf32, #tpu.memory_space<vmem_shared>> -> memref<10240x64xf32, #tpu.memory_space<vmem_shared>>
        tpu.wait_indirect_dma semaphore(%run_scoped3A_682 : memref<!tpu.dma_semaphore, #tpu.memory_space<semaphore_mem>>) src(%dma_wait3A_696 : memref<80x64xf32, #tpu.memory_space<vmem>>) dst(%dma_wait3A_702 : memref<10240x64xf32, #tpu.memory_space<vmem_shared>>)
        tpu.yield
      }) : () -> ()
      %dma_wait3A_583 = arith.constant 1 : i32
      %dma_wait3A_584 = arith.constant 4 : i32
      %dma_wait3A_585 = arith.constant 1 : i32
      %dma_wait3A_586 = arith.constant 4 : i32
      %dma_wait3A_587 = arith.constant 0 : i32
      %dma_wait3A_588 = arith.constant 0 : i32
      %dma_wait3A_589 = tpu.memref_slice %arg10[%dma_wait3A_585, %dma_wait3A_586, %dma_wait3A_587, %dma_wait3A_588] : memref<2x5x80x64xf32, #tpu.memory_space<vmem>> -> memref<1x1x80x64xf32, #tpu.memory_space<vmem>>
      %dma_wait3A_590 = tpu.memref_squeeze %dma_wait3A_589 : memref<1x1x80x64xf32, #tpu.memory_space<vmem>> -> memref<80x64xf32, #tpu.memory_space<vmem>>
      %dma_wait3A_591 = arith.constant 0 : i32
      %dma_wait3A_592 = tpu.memref_slice %arg8[%dma_wait3A_583, %dma_wait3A_584, %dma_wait3A_591] : memref<2x5x80xi32, #tpu.memory_space<vmem>> -> memref<1x1x80xi32, #tpu.memory_space<vmem>>
      %dma_wait3A_593 = tpu.memref_squeeze %dma_wait3A_592 : memref<1x1x80xi32, #tpu.memory_space<vmem>> -> memref<80xi32, #tpu.memory_space<vmem>>
      %dma_wait3A_594 = arith.constant 0 : i32
      %dma_wait3A_595 = arith.constant 0 : i32
      %dma_wait3A_596 = tpu.memref_slice %arg2[%dma_wait3A_594, %dma_wait3A_595] : memref<10000x64xf32, #tpu.memory_space<hbm>> -> memref<10000x64xf32, #tpu.memory_space<hbm>>
      tpu.wait_indirect_dma semaphore(%arg12 : memref<!tpu.dma_semaphore, #tpu.memory_space<semaphore_mem>>) src(%dma_wait3A_596 : memref<10000x64xf32, #tpu.memory_space<hbm>>) dst(%dma_wait3A_590 : memref<80x64xf32, #tpu.memory_space<vmem>>)
      %run_scoped3A_597 = arith.constant 1 : i32
      %run_scoped3A_598 = arith.constant 4 : i32
      %run_scoped3A_599 = arith.constant 1 : i32
      %run_scoped3A_600 = arith.constant 4 : i32
      "tpu.region"() ({
        %run_scoped3A_682 = tpu.sem_alloc : memref<!tpu.dma_semaphore, #tpu.memory_space<semaphore_mem>>
        %dma_start3A_683 = arith.constant 0 : i32
        %dma_start3A_684 = arith.constant 0 : i32
        %dma_start3A_685 = tpu.memref_slice %arg10[%run_scoped3A_597, %run_scoped3A_598, %dma_start3A_683, %dma_start3A_684] : memref<2x5x80x64xf32, #tpu.memory_space<vmem>> -> memref<1x1x80x64xf32, #tpu.memory_space<vmem>>
        %dma_start3A_686 = tpu.memref_squeeze %dma_start3A_685 : memref<1x1x80x64xf32, #tpu.memory_space<vmem>> -> memref<80x64xf32, #tpu.memory_space<vmem>>
        %dma_start3A_687 = arith.constant 0 : i32
        %dma_start3A_688 = tpu.memref_slice %arg9[%run_scoped3A_599, %run_scoped3A_600, %dma_start3A_687] : memref<2x5x80xi32, #tpu.memory_space<vmem>> -> memref<1x1x80xi32, #tpu.memory_space<vmem>>
        %dma_start3A_689 = tpu.memref_squeeze %dma_start3A_688 : memref<1x1x80xi32, #tpu.memory_space<vmem>> -> memref<80xi32, #tpu.memory_space<vmem>>
        %dma_start3A_690 = arith.constant 0 : i32
        %dma_start3A_691 = arith.constant 0 : i32
        %dma_start3A_692 = tpu.memref_slice %arg7[%dma_start3A_690, %dma_start3A_691] : memref<10240x64xf32, #tpu.memory_space<vmem_shared>> -> memref<10240x64xf32, #tpu.memory_space<vmem_shared>>
        tpu.enqueue_indirect_dma source(%dma_start3A_686 : memref<80x64xf32, #tpu.memory_space<vmem>>) target(%dma_start3A_692 : memref<10240x64xf32, #tpu.memory_space<vmem_shared>>) offsets(%dma_start3A_689 : memref<80xi32, #tpu.memory_space<vmem>>) semaphore(%run_scoped3A_682 : memref<!tpu.dma_semaphore, #tpu.memory_space<semaphore_mem>>) {add = true}
        %dma_wait3A_693 = arith.constant 0 : i32
        %dma_wait3A_694 = arith.constant 0 : i32
        %dma_wait3A_695 = tpu.memref_slice %arg10[%run_scoped3A_597, %run_scoped3A_598, %dma_wait3A_693, %dma_wait3A_694] : memref<2x5x80x64xf32, #tpu.memory_space<vmem>> -> memref<1x1x80x64xf32, #tpu.memory_space<vmem>>
        %dma_wait3A_696 = tpu.memref_squeeze %dma_wait3A_695 : memref<1x1x80x64xf32, #tpu.memory_space<vmem>> -> memref<80x64xf32, #tpu.memory_space<vmem>>
        %dma_wait3A_697 = arith.constant 0 : i32
        %dma_wait3A_698 = tpu.memref_slice %arg9[%run_scoped3A_599, %run_scoped3A_600, %dma_wait3A_697] : memref<2x5x80xi32, #tpu.memory_space<vmem>> -> memref<1x1x80xi32, #tpu.memory_space<vmem>>
        %dma_wait3A_699 = tpu.memref_squeeze %dma_wait3A_698 : memref<1x1x80xi32, #tpu.memory_space<vmem>> -> memref<80xi32, #tpu.memory_space<vmem>>
        %dma_wait3A_700 = arith.constant 0 : i32
        %dma_wait3A_701 = arith.constant 0 : i32
        %dma_wait3A_702 = tpu.memref_slice %arg7[%dma_wait3A_700, %dma_wait3A_701] : memref<10240x64xf32, #tpu.memory_space<vmem_shared>> -> memref<10240x64xf32, #tpu.memory_space<vmem_shared>>
        tpu.wait_indirect_dma semaphore(%run_scoped3A_682 : memref<!tpu.dma_semaphore, #tpu.memory_space<semaphore_mem>>) src(%dma_wait3A_696 : memref<80x64xf32, #tpu.memory_space<vmem>>) dst(%dma_wait3A_702 : memref<10240x64xf32, #tpu.memory_space<vmem_shared>>)
        tpu.yield
      }) : () -> ()
      %mul3A_601 = arith.constant 2 : i32
      %mul3A_602 = arith.muli %mul3A_601, %add3A_339 : i32
      %add3A_603 = arith.constant 1 : i32
      %add3A_604 = arith.addi %mul3A_602, %add3A_603 : i32
      %add3A_605 = arith.constant 2 : i32
      %add3A_606 = arith.addi %add3A_604, %add3A_605 : i32
      %mul3A_607 = arith.constant 5 : i32
      %mul3A_608 = arith.muli %add3A_606, %mul3A_607 : i32
      %add3A_609 = arith.addi %mul3A_4, %mul3A_608 : i32
      %run_scoped3A_610 = arith.constant 1 : i32
      "tpu.region"() ({
        %run_scoped3A_682 = tpu.sem_alloc : memref<!tpu.dma_semaphore, #tpu.memory_space<semaphore_mem>>
        %dma_start3A_683 = arith.constant 0 : i32
        %dma_start3A_684 = arith.constant 0 : i32
        %dma_start3A_685 = tpu.memref_slice %arg8[%run_scoped3A_610, %dma_start3A_683, %dma_start3A_684] : memref<2x5x80xi32, #tpu.memory_space<vmem>> -> memref<1x5x80xi32, #tpu.memory_space<vmem>>
        %dma_start3A_686 = tpu.memref_squeeze %dma_start3A_685 : memref<1x5x80xi32, #tpu.memory_space<vmem>> -> memref<5x80xi32, #tpu.memory_space<vmem>>
        %dma_start3A_687 = arith.constant 0 : i32
        %dma_start3A_688 = tpu.memref_slice %arg3[%add3A_609, %dma_start3A_687] : memref<8000x80xi32, #tpu.memory_space<hbm>> -> memref<5x80xi32, #tpu.memory_space<hbm>>
        %dma_start3A_689 = arith.constant 0 : i32
        %dma_start3A_690 = arith.constant 0 : i32
        %dma_start3A_691 = tpu.memref_slice %arg8[%run_scoped3A_610, %dma_start3A_689, %dma_start3A_690] : memref<2x5x80xi32, #tpu.memory_space<vmem>> -> memref<1x5x80xi32, #tpu.memory_space<vmem>>
        %dma_start3A_692 = tpu.memref_squeeze %dma_start3A_691 : memref<1x5x80xi32, #tpu.memory_space<vmem>> -> memref<5x80xi32, #tpu.memory_space<vmem>>
        %dma_start3A_693 = arith.constant 0 : i32
        %dma_start3A_694 = tpu.memref_slice %arg3[%add3A_609, %dma_start3A_693] : memref<8000x80xi32, #tpu.memory_space<hbm>> -> memref<5x80xi32, #tpu.memory_space<hbm>>
        tpu.enqueue_dma source(%dma_start3A_694 : memref<5x80xi32, #tpu.memory_space<hbm>>) target(%dma_start3A_692 : memref<5x80xi32, #tpu.memory_space<vmem>>) target_semaphore(%run_scoped3A_682 : memref<!tpu.dma_semaphore, #tpu.memory_space<semaphore_mem>>)
        %dma_wait3A_695 = arith.constant 0 : i32
        %dma_wait3A_696 = arith.constant 0 : i32
        %dma_wait3A_697 = tpu.memref_slice %arg8[%run_scoped3A_610, %dma_wait3A_695, %dma_wait3A_696] : memref<2x5x80xi32, #tpu.memory_space<vmem>> -> memref<1x5x80xi32, #tpu.memory_space<vmem>>
        %dma_wait3A_698 = tpu.memref_squeeze %dma_wait3A_697 : memref<1x5x80xi32, #tpu.memory_space<vmem>> -> memref<5x80xi32, #tpu.memory_space<vmem>>
        %dma_wait3A_699 = arith.constant 0 : i32
        %dma_wait3A_700 = tpu.memref_slice %arg3[%add3A_609, %dma_wait3A_699] : memref<8000x80xi32, #tpu.memory_space<hbm>> -> memref<5x80xi32, #tpu.memory_space<hbm>>
        %dma_wait3A_701 = arith.constant 0 : i32
        %dma_wait3A_702 = arith.constant 0 : i32
        %dma_wait3A_703 = tpu.memref_slice %arg8[%run_scoped3A_610, %dma_wait3A_701, %dma_wait3A_702] : memref<2x5x80xi32, #tpu.memory_space<vmem>> -> memref<1x5x80xi32, #tpu.memory_space<vmem>>
        %dma_wait3A_704 = tpu.memref_squeeze %dma_wait3A_703 : memref<1x5x80xi32, #tpu.memory_space<vmem>> -> memref<5x80xi32, #tpu.memory_space<vmem>>
        %dma_wait3A_705 = arith.constant 0 : i32
        %dma_wait3A_706 = tpu.memref_slice %arg3[%add3A_609, %dma_wait3A_705] : memref<8000x80xi32, #tpu.memory_space<hbm>> -> memref<5x80xi32, #tpu.memory_space<hbm>>
        tpu.wait_dma2 semaphore(%run_scoped3A_682 : memref<!tpu.dma_semaphore, #tpu.memory_space<semaphore_mem>>) src(%dma_wait3A_706 : memref<5x80xi32, #tpu.memory_space<hbm>>) dst(%dma_wait3A_704 : memref<5x80xi32, #tpu.memory_space<vmem>>)
        tpu.yield
      }) : () -> ()
      %run_scoped3A_611 = arith.constant 1 : i32
      "tpu.region"() ({
        %run_scoped3A_682 = tpu.sem_alloc : memref<!tpu.dma_semaphore, #tpu.memory_space<semaphore_mem>>
        %dma_start3A_683 = arith.constant 0 : i32
        %dma_start3A_684 = arith.constant 0 : i32
        %dma_start3A_685 = tpu.memref_slice %arg9[%run_scoped3A_611, %dma_start3A_683, %dma_start3A_684] : memref<2x5x80xi32, #tpu.memory_space<vmem>> -> memref<1x5x80xi32, #tpu.memory_space<vmem>>
        %dma_start3A_686 = tpu.memref_squeeze %dma_start3A_685 : memref<1x5x80xi32, #tpu.memory_space<vmem>> -> memref<5x80xi32, #tpu.memory_space<vmem>>
        %dma_start3A_687 = arith.constant 0 : i32
        %dma_start3A_688 = tpu.memref_slice %arg4[%add3A_609, %dma_start3A_687] : memref<8000x80xi32, #tpu.memory_space<hbm>> -> memref<5x80xi32, #tpu.memory_space<hbm>>
        %dma_start3A_689 = arith.constant 0 : i32
        %dma_start3A_690 = arith.constant 0 : i32
        %dma_start3A_691 = tpu.memref_slice %arg9[%run_scoped3A_611, %dma_start3A_689, %dma_start3A_690] : memref<2x5x80xi32, #tpu.memory_space<vmem>> -> memref<1x5x80xi32, #tpu.memory_space<vmem>>
        %dma_start3A_692 = tpu.memref_squeeze %dma_start3A_691 : memref<1x5x80xi32, #tpu.memory_space<vmem>> -> memref<5x80xi32, #tpu.memory_space<vmem>>
        %dma_start3A_693 = arith.constant 0 : i32
        %dma_start3A_694 = tpu.memref_slice %arg4[%add3A_609, %dma_start3A_693] : memref<8000x80xi32, #tpu.memory_space<hbm>> -> memref<5x80xi32, #tpu.memory_space<hbm>>
        tpu.enqueue_dma source(%dma_start3A_694 : memref<5x80xi32, #tpu.memory_space<hbm>>) target(%dma_start3A_692 : memref<5x80xi32, #tpu.memory_space<vmem>>) target_semaphore(%run_scoped3A_682 : memref<!tpu.dma_semaphore, #tpu.memory_space<semaphore_mem>>)
        %dma_wait3A_695 = arith.constant 0 : i32
        %dma_wait3A_696 = arith.constant 0 : i32
        %dma_wait3A_697 = tpu.memref_slice %arg9[%run_scoped3A_611, %dma_wait3A_695, %dma_wait3A_696] : memref<2x5x80xi32, #tpu.memory_space<vmem>> -> memref<1x5x80xi32, #tpu.memory_space<vmem>>
        %dma_wait3A_698 = tpu.memref_squeeze %dma_wait3A_697 : memref<1x5x80xi32, #tpu.memory_space<vmem>> -> memref<5x80xi32, #tpu.memory_space<vmem>>
        %dma_wait3A_699 = arith.constant 0 : i32
        %dma_wait3A_700 = tpu.memref_slice %arg4[%add3A_609, %dma_wait3A_699] : memref<8000x80xi32, #tpu.memory_space<hbm>> -> memref<5x80xi32, #tpu.memory_space<hbm>>
        %dma_wait3A_701 = arith.constant 0 : i32
        %dma_wait3A_702 = arith.constant 0 : i32
        %dma_wait3A_703 = tpu.memref_slice %arg9[%run_scoped3A_611, %dma_wait3A_701, %dma_wait3A_702] : memref<2x5x80xi32, #tpu.memory_space<vmem>> -> memref<1x5x80xi32, #tpu.memory_space<vmem>>
        %dma_wait3A_704 = tpu.memref_squeeze %dma_wait3A_703 : memref<1x5x80xi32, #tpu.memory_space<vmem>> -> memref<5x80xi32, #tpu.memory_space<vmem>>
        %dma_wait3A_705 = arith.constant 0 : i32
        %dma_wait3A_706 = tpu.memref_slice %arg4[%add3A_609, %dma_wait3A_705] : memref<8000x80xi32, #tpu.memory_space<hbm>> -> memref<5x80xi32, #tpu.memory_space<hbm>>
        tpu.wait_dma2 semaphore(%run_scoped3A_682 : memref<!tpu.dma_semaphore, #tpu.memory_space<semaphore_mem>>) src(%dma_wait3A_706 : memref<5x80xi32, #tpu.memory_space<hbm>>) dst(%dma_wait3A_704 : memref<5x80xi32, #tpu.memory_space<vmem>>)
        tpu.yield
      }) : () -> ()
      %dma_start3A_612 = arith.constant 1 : i32
      %dma_start3A_613 = arith.constant 0 : i32
      %dma_start3A_614 = arith.constant 1 : i32
      %dma_start3A_615 = arith.constant 0 : i32
      %dma_start3A_616 = arith.constant 0 : i32
      %dma_start3A_617 = arith.constant 0 : i32
      %dma_start3A_618 = tpu.memref_slice %arg10[%dma_start3A_614, %dma_start3A_615, %dma_start3A_616, %dma_start3A_617] : memref<2x5x80x64xf32, #tpu.memory_space<vmem>> -> memref<1x1x80x64xf32, #tpu.memory_space<vmem>>
      %dma_start3A_619 = tpu.memref_squeeze %dma_start3A_618 : memref<1x1x80x64xf32, #tpu.memory_space<vmem>> -> memref<80x64xf32, #tpu.memory_space<vmem>>
      %dma_start3A_620 = arith.constant 0 : i32
      %dma_start3A_621 = tpu.memref_slice %arg8[%dma_start3A_612, %dma_start3A_613, %dma_start3A_620] : memref<2x5x80xi32, #tpu.memory_space<vmem>> -> memref<1x1x80xi32, #tpu.memory_space<vmem>>
      %dma_start3A_622 = tpu.memref_squeeze %dma_start3A_621 : memref<1x1x80xi32, #tpu.memory_space<vmem>> -> memref<80xi32, #tpu.memory_space<vmem>>
      %dma_start3A_623 = arith.constant 0 : i32
      %dma_start3A_624 = arith.constant 0 : i32
      %dma_start3A_625 = tpu.memref_slice %arg2[%dma_start3A_623, %dma_start3A_624] : memref<10000x64xf32, #tpu.memory_space<hbm>> -> memref<10000x64xf32, #tpu.memory_space<hbm>>
      tpu.enqueue_indirect_dma source(%dma_start3A_625 : memref<10000x64xf32, #tpu.memory_space<hbm>>) target(%dma_start3A_619 : memref<80x64xf32, #tpu.memory_space<vmem>>) offsets(%dma_start3A_622 : memref<80xi32, #tpu.memory_space<vmem>>) semaphore(%arg12 : memref<!tpu.dma_semaphore, #tpu.memory_space<semaphore_mem>>)
      %dma_start3A_626 = arith.constant 1 : i32
      %dma_start3A_627 = arith.constant 1 : i32
      %dma_start3A_628 = arith.constant 1 : i32
      %dma_start3A_629 = arith.constant 1 : i32
      %dma_start3A_630 = arith.constant 0 : i32
      %dma_start3A_631 = arith.constant 0 : i32
      %dma_start3A_632 = tpu.memref_slice %arg10[%dma_start3A_628, %dma_start3A_629, %dma_start3A_630, %dma_start3A_631] : memref<2x5x80x64xf32, #tpu.memory_space<vmem>> -> memref<1x1x80x64xf32, #tpu.memory_space<vmem>>
      %dma_start3A_633 = tpu.memref_squeeze %dma_start3A_632 : memref<1x1x80x64xf32, #tpu.memory_space<vmem>> -> memref<80x64xf32, #tpu.memory_space<vmem>>
      %dma_start3A_634 = arith.constant 0 : i32
      %dma_start3A_635 = tpu.memref_slice %arg8[%dma_start3A_626, %dma_start3A_627, %dma_start3A_634] : memref<2x5x80xi32, #tpu.memory_space<vmem>> -> memref<1x1x80xi32, #tpu.memory_space<vmem>>
      %dma_start3A_636 = tpu.memref_squeeze %dma_start3A_635 : memref<1x1x80xi32, #tpu.memory_space<vmem>> -> memref<80xi32, #tpu.memory_space<vmem>>
      %dma_start3A_637 = arith.constant 0 : i32
      %dma_start3A_638 = arith.constant 0 : i32
      %dma_start3A_639 = tpu.memref_slice %arg2[%dma_start3A_637, %dma_start3A_638] : memref<10000x64xf32, #tpu.memory_space<hbm>> -> memref<10000x64xf32, #tpu.memory_space<hbm>>
      tpu.enqueue_indirect_dma source(%dma_start3A_639 : memref<10000x64xf32, #tpu.memory_space<hbm>>) target(%dma_start3A_633 : memref<80x64xf32, #tpu.memory_space<vmem>>) offsets(%dma_start3A_636 : memref<80xi32, #tpu.memory_space<vmem>>) semaphore(%arg12 : memref<!tpu.dma_semaphore, #tpu.memory_space<semaphore_mem>>)
      %dma_start3A_640 = arith.constant 1 : i32
      %dma_start3A_641 = arith.constant 2 : i32
      %dma_start3A_642 = arith.constant 1 : i32
      %dma_start3A_643 = arith.constant 2 : i32
      %dma_start3A_644 = arith.constant 0 : i32
      %dma_start3A_645 = arith.constant 0 : i32
      %dma_start3A_646 = tpu.memref_slice %arg10[%dma_start3A_642, %dma_start3A_643, %dma_start3A_644, %dma_start3A_645] : memref<2x5x80x64xf32, #tpu.memory_space<vmem>> -> memref<1x1x80x64xf32, #tpu.memory_space<vmem>>
      %dma_start3A_647 = tpu.memref_squeeze %dma_start3A_646 : memref<1x1x80x64xf32, #tpu.memory_space<vmem>> -> memref<80x64xf32, #tpu.memory_space<vmem>>
      %dma_start3A_648 = arith.constant 0 : i32
      %dma_start3A_649 = tpu.memref_slice %arg8[%dma_start3A_640, %dma_start3A_641, %dma_start3A_648] : memref<2x5x80xi32, #tpu.memory_space<vmem>> -> memref<1x1x80xi32, #tpu.memory_space<vmem>>
      %dma_start3A_650 = tpu.memref_squeeze %dma_start3A_649 : memref<1x1x80xi32, #tpu.memory_space<vmem>> -> memref<80xi32, #tpu.memory_space<vmem>>
      %dma_start3A_651 = arith.constant 0 : i32
      %dma_start3A_652 = arith.constant 0 : i32
      %dma_start3A_653 = tpu.memref_slice %arg2[%dma_start3A_651, %dma_start3A_652] : memref<10000x64xf32, #tpu.memory_space<hbm>> -> memref<10000x64xf32, #tpu.memory_space<hbm>>
      tpu.enqueue_indirect_dma source(%dma_start3A_653 : memref<10000x64xf32, #tpu.memory_space<hbm>>) target(%dma_start3A_647 : memref<80x64xf32, #tpu.memory_space<vmem>>) offsets(%dma_start3A_650 : memref<80xi32, #tpu.memory_space<vmem>>) semaphore(%arg12 : memref<!tpu.dma_semaphore, #tpu.memory_space<semaphore_mem>>)
      %dma_start3A_654 = arith.constant 1 : i32
      %dma_start3A_655 = arith.constant 3 : i32
      %dma_start3A_656 = arith.constant 1 : i32
      %dma_start3A_657 = arith.constant 3 : i32
      %dma_start3A_658 = arith.constant 0 : i32
      %dma_start3A_659 = arith.constant 0 : i32
      %dma_start3A_660 = tpu.memref_slice %arg10[%dma_start3A_656, %dma_start3A_657, %dma_start3A_658, %dma_start3A_659] : memref<2x5x80x64xf32, #tpu.memory_space<vmem>> -> memref<1x1x80x64xf32, #tpu.memory_space<vmem>>
      %dma_start3A_661 = tpu.memref_squeeze %dma_start3A_660 : memref<1x1x80x64xf32, #tpu.memory_space<vmem>> -> memref<80x64xf32, #tpu.memory_space<vmem>>
      %dma_start3A_662 = arith.constant 0 : i32
      %dma_start3A_663 = tpu.memref_slice %arg8[%dma_start3A_654, %dma_start3A_655, %dma_start3A_662] : memref<2x5x80xi32, #tpu.memory_space<vmem>> -> memref<1x1x80xi32, #tpu.memory_space<vmem>>
      %dma_start3A_664 = tpu.memref_squeeze %dma_start3A_663 : memref<1x1x80xi32, #tpu.memory_space<vmem>> -> memref<80xi32, #tpu.memory_space<vmem>>
      %dma_start3A_665 = arith.constant 0 : i32
      %dma_start3A_666 = arith.constant 0 : i32
      %dma_start3A_667 = tpu.memref_slice %arg2[%dma_start3A_665, %dma_start3A_666] : memref<10000x64xf32, #tpu.memory_space<hbm>> -> memref<10000x64xf32, #tpu.memory_space<hbm>>
      tpu.enqueue_indirect_dma source(%dma_start3A_667 : memref<10000x64xf32, #tpu.memory_space<hbm>>) target(%dma_start3A_661 : memref<80x64xf32, #tpu.memory_space<vmem>>) offsets(%dma_start3A_664 : memref<80xi32, #tpu.memory_space<vmem>>) semaphore(%arg12 : memref<!tpu.dma_semaphore, #tpu.memory_space<semaphore_mem>>)
      %dma_start3A_668 = arith.constant 1 : i32
      %dma_start3A_669 = arith.constant 4 : i32
      %dma_start3A_670 = arith.constant 1 : i32
      %dma_start3A_671 = arith.constant 4 : i32
      %dma_start3A_672 = arith.constant 0 : i32
      %dma_start3A_673 = arith.constant 0 : i32
      %dma_start3A_674 = tpu.memref_slice %arg10[%dma_start3A_670, %dma_start3A_671, %dma_start3A_672, %dma_start3A_673] : memref<2x5x80x64xf32, #tpu.memory_space<vmem>> -> memref<1x1x80x64xf32, #tpu.memory_space<vmem>>
      %dma_start3A_675 = tpu.memref_squeeze %dma_start3A_674 : memref<1x1x80x64xf32, #tpu.memory_space<vmem>> -> memref<80x64xf32, #tpu.memory_space<vmem>>
      %dma_start3A_676 = arith.constant 0 : i32
      %dma_start3A_677 = tpu.memref_slice %arg8[%dma_start3A_668, %dma_start3A_669, %dma_start3A_676] : memref<2x5x80xi32, #tpu.memory_space<vmem>> -> memref<1x1x80xi32, #tpu.memory_space<vmem>>
      %dma_start3A_678 = tpu.memref_squeeze %dma_start3A_677 : memref<1x1x80xi32, #tpu.memory_space<vmem>> -> memref<80xi32, #tpu.memory_space<vmem>>
      %dma_start3A_679 = arith.constant 0 : i32
      %dma_start3A_680 = arith.constant 0 : i32
      %dma_start3A_681 = tpu.memref_slice %arg2[%dma_start3A_679, %dma_start3A_680] : memref<10000x64xf32, #tpu.memory_space<hbm>> -> memref<10000x64xf32, #tpu.memory_space<hbm>>
      tpu.enqueue_indirect_dma source(%dma_start3A_681 : memref<10000x64xf32, #tpu.memory_space<hbm>>) target(%dma_start3A_675 : memref<80x64xf32, #tpu.memory_space<vmem>>) offsets(%dma_start3A_678 : memref<80xi32, #tpu.memory_space<vmem>>) semaphore(%arg12 : memref<!tpu.dma_semaphore, #tpu.memory_space<semaphore_mem>>)
    }
    %scan3A_154 = arith.constant 24 : i32
    %dma_wait3A = arith.constant 0 : i32
    %dma_wait3A_155 = arith.constant 0 : i32
    %dma_wait3A_156 = arith.constant 0 : i32
    %dma_wait3A_157 = arith.constant 0 : i32
    %dma_wait3A_158 = arith.constant 0 : i32
    %dma_wait3A_159 = arith.constant 0 : i32
    %dma_wait3A_160 = tpu.memref_slice %arg10[%dma_wait3A_156, %dma_wait3A_157, %dma_wait3A_158, %dma_wait3A_159] : memref<2x5x80x64xf32, #tpu.memory_space<vmem>> -> memref<1x1x80x64xf32, #tpu.memory_space<vmem>>
    %dma_wait3A_161 = tpu.memref_squeeze %dma_wait3A_160 : memref<1x1x80x64xf32, #tpu.memory_space<vmem>> -> memref<80x64xf32, #tpu.memory_space<vmem>>
    %dma_wait3A_162 = arith.constant 0 : i32
    %dma_wait3A_163 = tpu.memref_slice %arg8[%dma_wait3A, %dma_wait3A_155, %dma_wait3A_162] : memref<2x5x80xi32, #tpu.memory_space<vmem>> -> memref<1x1x80xi32, #tpu.memory_space<vmem>>
    %dma_wait3A_164 = tpu.memref_squeeze %dma_wait3A_163 : memref<1x1x80xi32, #tpu.memory_space<vmem>> -> memref<80xi32, #tpu.memory_space<vmem>>
    %dma_wait3A_165 = arith.constant 0 : i32
    %dma_wait3A_166 = arith.constant 0 : i32
    %dma_wait3A_167 = tpu.memref_slice %arg2[%dma_wait3A_165, %dma_wait3A_166] : memref<10000x64xf32, #tpu.memory_space<hbm>> -> memref<10000x64xf32, #tpu.memory_space<hbm>>
    tpu.wait_indirect_dma semaphore(%arg11 : memref<!tpu.dma_semaphore, #tpu.memory_space<semaphore_mem>>) src(%dma_wait3A_167 : memref<10000x64xf32, #tpu.memory_space<hbm>>) dst(%dma_wait3A_161 : memref<80x64xf32, #tpu.memory_space<vmem>>)
    %run_scoped3A_168 = arith.constant 0 : i32
    %run_scoped3A_169 = arith.constant 0 : i32
    %run_scoped3A_170 = arith.constant 0 : i32
    %run_scoped3A_171 = arith.constant 0 : i32
    "tpu.region"() ({
      %run_scoped3A_335 = tpu.sem_alloc : memref<!tpu.dma_semaphore, #tpu.memory_space<semaphore_mem>>
      %dma_start3A_336 = arith.constant 0 : i32
      %dma_start3A_337 = arith.constant 0 : i32
      %dma_start3A_338 = tpu.memref_slice %arg10[%run_scoped3A_168, %run_scoped3A_169, %dma_start3A_336, %dma_start3A_337] : memref<2x5x80x64xf32, #tpu.memory_space<vmem>> -> memref<1x1x80x64xf32, #tpu.memory_space<vmem>>
      %dma_start3A_339 = tpu.memref_squeeze %dma_start3A_338 : memref<1x1x80x64xf32, #tpu.memory_space<vmem>> -> memref<80x64xf32, #tpu.memory_space<vmem>>
      %dma_start3A_340 = arith.constant 0 : i32
      %dma_start3A_341 = tpu.memref_slice %arg9[%run_scoped3A_170, %run_scoped3A_171, %dma_start3A_340] : memref<2x5x80xi32, #tpu.memory_space<vmem>> -> memref<1x1x80xi32, #tpu.memory_space<vmem>>
      %dma_start3A_342 = tpu.memref_squeeze %dma_start3A_341 : memref<1x1x80xi32, #tpu.memory_space<vmem>> -> memref<80xi32, #tpu.memory_space<vmem>>
      %dma_start3A_343 = arith.constant 0 : i32
      %dma_start3A_344 = arith.constant 0 : i32
      %dma_start3A_345 = tpu.memref_slice %arg7[%dma_start3A_343, %dma_start3A_344] : memref<10240x64xf32, #tpu.memory_space<vmem_shared>> -> memref<10240x64xf32, #tpu.memory_space<vmem_shared>>
      tpu.enqueue_indirect_dma source(%dma_start3A_339 : memref<80x64xf32, #tpu.memory_space<vmem>>) target(%dma_start3A_345 : memref<10240x64xf32, #tpu.memory_space<vmem_shared>>) offsets(%dma_start3A_342 : memref<80xi32, #tpu.memory_space<vmem>>) semaphore(%run_scoped3A_335 : memref<!tpu.dma_semaphore, #tpu.memory_space<semaphore_mem>>) {add = true}
      %dma_wait3A_346 = arith.constant 0 : i32
      %dma_wait3A_347 = arith.constant 0 : i32
      %dma_wait3A_348 = tpu.memref_slice %arg10[%run_scoped3A_168, %run_scoped3A_169, %dma_wait3A_346, %dma_wait3A_347] : memref<2x5x80x64xf32, #tpu.memory_space<vmem>> -> memref<1x1x80x64xf32, #tpu.memory_space<vmem>>
      %dma_wait3A_349 = tpu.memref_squeeze %dma_wait3A_348 : memref<1x1x80x64xf32, #tpu.memory_space<vmem>> -> memref<80x64xf32, #tpu.memory_space<vmem>>
      %dma_wait3A_350 = arith.constant 0 : i32
      %dma_wait3A_351 = tpu.memref_slice %arg9[%run_scoped3A_170, %run_scoped3A_171, %dma_wait3A_350] : memref<2x5x80xi32, #tpu.memory_space<vmem>> -> memref<1x1x80xi32, #tpu.memory_space<vmem>>
      %dma_wait3A_352 = tpu.memref_squeeze %dma_wait3A_351 : memref<1x1x80xi32, #tpu.memory_space<vmem>> -> memref<80xi32, #tpu.memory_space<vmem>>
      %dma_wait3A_353 = arith.constant 0 : i32
      %dma_wait3A_354 = arith.constant 0 : i32
      %dma_wait3A_355 = tpu.memref_slice %arg7[%dma_wait3A_353, %dma_wait3A_354] : memref<10240x64xf32, #tpu.memory_space<vmem_shared>> -> memref<10240x64xf32, #tpu.memory_space<vmem_shared>>
      tpu.wait_indirect_dma semaphore(%run_scoped3A_335 : memref<!tpu.dma_semaphore, #tpu.memory_space<semaphore_mem>>) src(%dma_wait3A_349 : memref<80x64xf32, #tpu.memory_space<vmem>>) dst(%dma_wait3A_355 : memref<10240x64xf32, #tpu.memory_space<vmem_shared>>)
      tpu.yield
    }) : () -> ()
    %dma_wait3A_172 = arith.constant 0 : i32
    %dma_wait3A_173 = arith.constant 1 : i32
    %dma_wait3A_174 = arith.constant 0 : i32
    %dma_wait3A_175 = arith.constant 1 : i32
    %dma_wait3A_176 = arith.constant 0 : i32
    %dma_wait3A_177 = arith.constant 0 : i32
    %dma_wait3A_178 = tpu.memref_slice %arg10[%dma_wait3A_174, %dma_wait3A_175, %dma_wait3A_176, %dma_wait3A_177] : memref<2x5x80x64xf32, #tpu.memory_space<vmem>> -> memref<1x1x80x64xf32, #tpu.memory_space<vmem>>
    %dma_wait3A_179 = tpu.memref_squeeze %dma_wait3A_178 : memref<1x1x80x64xf32, #tpu.memory_space<vmem>> -> memref<80x64xf32, #tpu.memory_space<vmem>>
    %dma_wait3A_180 = arith.constant 0 : i32
    %dma_wait3A_181 = tpu.memref_slice %arg8[%dma_wait3A_172, %dma_wait3A_173, %dma_wait3A_180] : memref<2x5x80xi32, #tpu.memory_space<vmem>> -> memref<1x1x80xi32, #tpu.memory_space<vmem>>
    %dma_wait3A_182 = tpu.memref_squeeze %dma_wait3A_181 : memref<1x1x80xi32, #tpu.memory_space<vmem>> -> memref<80xi32, #tpu.memory_space<vmem>>
    %dma_wait3A_183 = arith.constant 0 : i32
    %dma_wait3A_184 = arith.constant 0 : i32
    %dma_wait3A_185 = tpu.memref_slice %arg2[%dma_wait3A_183, %dma_wait3A_184] : memref<10000x64xf32, #tpu.memory_space<hbm>> -> memref<10000x64xf32, #tpu.memory_space<hbm>>
    tpu.wait_indirect_dma semaphore(%arg11 : memref<!tpu.dma_semaphore, #tpu.memory_space<semaphore_mem>>) src(%dma_wait3A_185 : memref<10000x64xf32, #tpu.memory_space<hbm>>) dst(%dma_wait3A_179 : memref<80x64xf32, #tpu.memory_space<vmem>>)
    %run_scoped3A_186 = arith.constant 0 : i32
    %run_scoped3A_187 = arith.constant 1 : i32
    %run_scoped3A_188 = arith.constant 0 : i32
    %run_scoped3A_189 = arith.constant 1 : i32
    "tpu.region"() ({
      %run_scoped3A_335 = tpu.sem_alloc : memref<!tpu.dma_semaphore, #tpu.memory_space<semaphore_mem>>
      %dma_start3A_336 = arith.constant 0 : i32
      %dma_start3A_337 = arith.constant 0 : i32
      %dma_start3A_338 = tpu.memref_slice %arg10[%run_scoped3A_186, %run_scoped3A_187, %dma_start3A_336, %dma_start3A_337] : memref<2x5x80x64xf32, #tpu.memory_space<vmem>> -> memref<1x1x80x64xf32, #tpu.memory_space<vmem>>
      %dma_start3A_339 = tpu.memref_squeeze %dma_start3A_338 : memref<1x1x80x64xf32, #tpu.memory_space<vmem>> -> memref<80x64xf32, #tpu.memory_space<vmem>>
      %dma_start3A_340 = arith.constant 0 : i32
      %dma_start3A_341 = tpu.memref_slice %arg9[%run_scoped3A_188, %run_scoped3A_189, %dma_start3A_340] : memref<2x5x80xi32, #tpu.memory_space<vmem>> -> memref<1x1x80xi32, #tpu.memory_space<vmem>>
      %dma_start3A_342 = tpu.memref_squeeze %dma_start3A_341 : memref<1x1x80xi32, #tpu.memory_space<vmem>> -> memref<80xi32, #tpu.memory_space<vmem>>
      %dma_start3A_343 = arith.constant 0 : i32
      %dma_start3A_344 = arith.constant 0 : i32
      %dma_start3A_345 = tpu.memref_slice %arg7[%dma_start3A_343, %dma_start3A_344] : memref<10240x64xf32, #tpu.memory_space<vmem_shared>> -> memref<10240x64xf32, #tpu.memory_space<vmem_shared>>
      tpu.enqueue_indirect_dma source(%dma_start3A_339 : memref<80x64xf32, #tpu.memory_space<vmem>>) target(%dma_start3A_345 : memref<10240x64xf32, #tpu.memory_space<vmem_shared>>) offsets(%dma_start3A_342 : memref<80xi32, #tpu.memory_space<vmem>>) semaphore(%run_scoped3A_335 : memref<!tpu.dma_semaphore, #tpu.memory_space<semaphore_mem>>) {add = true}
      %dma_wait3A_346 = arith.constant 0 : i32
      %dma_wait3A_347 = arith.constant 0 : i32
      %dma_wait3A_348 = tpu.memref_slice %arg10[%run_scoped3A_186, %run_scoped3A_187, %dma_wait3A_346, %dma_wait3A_347] : memref<2x5x80x64xf32, #tpu.memory_space<vmem>> -> memref<1x1x80x64xf32, #tpu.memory_space<vmem>>
      %dma_wait3A_349 = tpu.memref_squeeze %dma_wait3A_348 : memref<1x1x80x64xf32, #tpu.memory_space<vmem>> -> memref<80x64xf32, #tpu.memory_space<vmem>>
      %dma_wait3A_350 = arith.constant 0 : i32
      %dma_wait3A_351 = tpu.memref_slice %arg9[%run_scoped3A_188, %run_scoped3A_189, %dma_wait3A_350] : memref<2x5x80xi32, #tpu.memory_space<vmem>> -> memref<1x1x80xi32, #tpu.memory_space<vmem>>
      %dma_wait3A_352 = tpu.memref_squeeze %dma_wait3A_351 : memref<1x1x80xi32, #tpu.memory_space<vmem>> -> memref<80xi32, #tpu.memory_space<vmem>>
      %dma_wait3A_353 = arith.constant 0 : i32
      %dma_wait3A_354 = arith.constant 0 : i32
      %dma_wait3A_355 = tpu.memref_slice %arg7[%dma_wait3A_353, %dma_wait3A_354] : memref<10240x64xf32, #tpu.memory_space<vmem_shared>> -> memref<10240x64xf32, #tpu.memory_space<vmem_shared>>
      tpu.wait_indirect_dma semaphore(%run_scoped3A_335 : memref<!tpu.dma_semaphore, #tpu.memory_space<semaphore_mem>>) src(%dma_wait3A_349 : memref<80x64xf32, #tpu.memory_space<vmem>>) dst(%dma_wait3A_355 : memref<10240x64xf32, #tpu.memory_space<vmem_shared>>)
      tpu.yield
    }) : () -> ()
    %dma_wait3A_190 = arith.constant 0 : i32
    %dma_wait3A_191 = arith.constant 2 : i32
    %dma_wait3A_192 = arith.constant 0 : i32
    %dma_wait3A_193 = arith.constant 2 : i32
    %dma_wait3A_194 = arith.constant 0 : i32
    %dma_wait3A_195 = arith.constant 0 : i32
    %dma_wait3A_196 = tpu.memref_slice %arg10[%dma_wait3A_192, %dma_wait3A_193, %dma_wait3A_194, %dma_wait3A_195] : memref<2x5x80x64xf32, #tpu.memory_space<vmem>> -> memref<1x1x80x64xf32, #tpu.memory_space<vmem>>
    %dma_wait3A_197 = tpu.memref_squeeze %dma_wait3A_196 : memref<1x1x80x64xf32, #tpu.memory_space<vmem>> -> memref<80x64xf32, #tpu.memory_space<vmem>>
    %dma_wait3A_198 = arith.constant 0 : i32
    %dma_wait3A_199 = tpu.memref_slice %arg8[%dma_wait3A_190, %dma_wait3A_191, %dma_wait3A_198] : memref<2x5x80xi32, #tpu.memory_space<vmem>> -> memref<1x1x80xi32, #tpu.memory_space<vmem>>
    %dma_wait3A_200 = tpu.memref_squeeze %dma_wait3A_199 : memref<1x1x80xi32, #tpu.memory_space<vmem>> -> memref<80xi32, #tpu.memory_space<vmem>>
    %dma_wait3A_201 = arith.constant 0 : i32
    %dma_wait3A_202 = arith.constant 0 : i32
    %dma_wait3A_203 = tpu.memref_slice %arg2[%dma_wait3A_201, %dma_wait3A_202] : memref<10000x64xf32, #tpu.memory_space<hbm>> -> memref<10000x64xf32, #tpu.memory_space<hbm>>
    tpu.wait_indirect_dma semaphore(%arg11 : memref<!tpu.dma_semaphore, #tpu.memory_space<semaphore_mem>>) src(%dma_wait3A_203 : memref<10000x64xf32, #tpu.memory_space<hbm>>) dst(%dma_wait3A_197 : memref<80x64xf32, #tpu.memory_space<vmem>>)
    %run_scoped3A_204 = arith.constant 0 : i32
    %run_scoped3A_205 = arith.constant 2 : i32
    %run_scoped3A_206 = arith.constant 0 : i32
    %run_scoped3A_207 = arith.constant 2 : i32
    "tpu.region"() ({
      %run_scoped3A_335 = tpu.sem_alloc : memref<!tpu.dma_semaphore, #tpu.memory_space<semaphore_mem>>
      %dma_start3A_336 = arith.constant 0 : i32
      %dma_start3A_337 = arith.constant 0 : i32
      %dma_start3A_338 = tpu.memref_slice %arg10[%run_scoped3A_204, %run_scoped3A_205, %dma_start3A_336, %dma_start3A_337] : memref<2x5x80x64xf32, #tpu.memory_space<vmem>> -> memref<1x1x80x64xf32, #tpu.memory_space<vmem>>
      %dma_start3A_339 = tpu.memref_squeeze %dma_start3A_338 : memref<1x1x80x64xf32, #tpu.memory_space<vmem>> -> memref<80x64xf32, #tpu.memory_space<vmem>>
      %dma_start3A_340 = arith.constant 0 : i32
      %dma_start3A_341 = tpu.memref_slice %arg9[%run_scoped3A_206, %run_scoped3A_207, %dma_start3A_340] : memref<2x5x80xi32, #tpu.memory_space<vmem>> -> memref<1x1x80xi32, #tpu.memory_space<vmem>>
      %dma_start3A_342 = tpu.memref_squeeze %dma_start3A_341 : memref<1x1x80xi32, #tpu.memory_space<vmem>> -> memref<80xi32, #tpu.memory_space<vmem>>
      %dma_start3A_343 = arith.constant 0 : i32
      %dma_start3A_344 = arith.constant 0 : i32
      %dma_start3A_345 = tpu.memref_slice %arg7[%dma_start3A_343, %dma_start3A_344] : memref<10240x64xf32, #tpu.memory_space<vmem_shared>> -> memref<10240x64xf32, #tpu.memory_space<vmem_shared>>
      tpu.enqueue_indirect_dma source(%dma_start3A_339 : memref<80x64xf32, #tpu.memory_space<vmem>>) target(%dma_start3A_345 : memref<10240x64xf32, #tpu.memory_space<vmem_shared>>) offsets(%dma_start3A_342 : memref<80xi32, #tpu.memory_space<vmem>>) semaphore(%run_scoped3A_335 : memref<!tpu.dma_semaphore, #tpu.memory_space<semaphore_mem>>) {add = true}
      %dma_wait3A_346 = arith.constant 0 : i32
      %dma_wait3A_347 = arith.constant 0 : i32
      %dma_wait3A_348 = tpu.memref_slice %arg10[%run_scoped3A_204, %run_scoped3A_205, %dma_wait3A_346, %dma_wait3A_347] : memref<2x5x80x64xf32, #tpu.memory_space<vmem>> -> memref<1x1x80x64xf32, #tpu.memory_space<vmem>>
      %dma_wait3A_349 = tpu.memref_squeeze %dma_wait3A_348 : memref<1x1x80x64xf32, #tpu.memory_space<vmem>> -> memref<80x64xf32, #tpu.memory_space<vmem>>
      %dma_wait3A_350 = arith.constant 0 : i32
      %dma_wait3A_351 = tpu.memref_slice %arg9[%run_scoped3A_206, %run_scoped3A_207, %dma_wait3A_350] : memref<2x5x80xi32, #tpu.memory_space<vmem>> -> memref<1x1x80xi32, #tpu.memory_space<vmem>>
      %dma_wait3A_352 = tpu.memref_squeeze %dma_wait3A_351 : memref<1x1x80xi32, #tpu.memory_space<vmem>> -> memref<80xi32, #tpu.memory_space<vmem>>
      %dma_wait3A_353 = arith.constant 0 : i32
      %dma_wait3A_354 = arith.constant 0 : i32
      %dma_wait3A_355 = tpu.memref_slice %arg7[%dma_wait3A_353, %dma_wait3A_354] : memref<10240x64xf32, #tpu.memory_space<vmem_shared>> -> memref<10240x64xf32, #tpu.memory_space<vmem_shared>>
      tpu.wait_indirect_dma semaphore(%run_scoped3A_335 : memref<!tpu.dma_semaphore, #tpu.memory_space<semaphore_mem>>) src(%dma_wait3A_349 : memref<80x64xf32, #tpu.memory_space<vmem>>) dst(%dma_wait3A_355 : memref<10240x64xf32, #tpu.memory_space<vmem_shared>>)
      tpu.yield
    }) : () -> ()
    %dma_wait3A_208 = arith.constant 0 : i32
    %dma_wait3A_209 = arith.constant 3 : i32
    %dma_wait3A_210 = arith.constant 0 : i32
    %dma_wait3A_211 = arith.constant 3 : i32
    %dma_wait3A_212 = arith.constant 0 : i32
    %dma_wait3A_213 = arith.constant 0 : i32
    %dma_wait3A_214 = tpu.memref_slice %arg10[%dma_wait3A_210, %dma_wait3A_211, %dma_wait3A_212, %dma_wait3A_213] : memref<2x5x80x64xf32, #tpu.memory_space<vmem>> -> memref<1x1x80x64xf32, #tpu.memory_space<vmem>>
    %dma_wait3A_215 = tpu.memref_squeeze %dma_wait3A_214 : memref<1x1x80x64xf32, #tpu.memory_space<vmem>> -> memref<80x64xf32, #tpu.memory_space<vmem>>
    %dma_wait3A_216 = arith.constant 0 : i32
    %dma_wait3A_217 = tpu.memref_slice %arg8[%dma_wait3A_208, %dma_wait3A_209, %dma_wait3A_216] : memref<2x5x80xi32, #tpu.memory_space<vmem>> -> memref<1x1x80xi32, #tpu.memory_space<vmem>>
    %dma_wait3A_218 = tpu.memref_squeeze %dma_wait3A_217 : memref<1x1x80xi32, #tpu.memory_space<vmem>> -> memref<80xi32, #tpu.memory_space<vmem>>
    %dma_wait3A_219 = arith.constant 0 : i32
    %dma_wait3A_220 = arith.constant 0 : i32
    %dma_wait3A_221 = tpu.memref_slice %arg2[%dma_wait3A_219, %dma_wait3A_220] : memref<10000x64xf32, #tpu.memory_space<hbm>> -> memref<10000x64xf32, #tpu.memory_space<hbm>>
    tpu.wait_indirect_dma semaphore(%arg11 : memref<!tpu.dma_semaphore, #tpu.memory_space<semaphore_mem>>) src(%dma_wait3A_221 : memref<10000x64xf32, #tpu.memory_space<hbm>>) dst(%dma_wait3A_215 : memref<80x64xf32, #tpu.memory_space<vmem>>)
    %run_scoped3A_222 = arith.constant 0 : i32
    %run_scoped3A_223 = arith.constant 3 : i32
    %run_scoped3A_224 = arith.constant 0 : i32
    %run_scoped3A_225 = arith.constant 3 : i32
    "tpu.region"() ({
      %run_scoped3A_335 = tpu.sem_alloc : memref<!tpu.dma_semaphore, #tpu.memory_space<semaphore_mem>>
      %dma_start3A_336 = arith.constant 0 : i32
      %dma_start3A_337 = arith.constant 0 : i32
      %dma_start3A_338 = tpu.memref_slice %arg10[%run_scoped3A_222, %run_scoped3A_223, %dma_start3A_336, %dma_start3A_337] : memref<2x5x80x64xf32, #tpu.memory_space<vmem>> -> memref<1x1x80x64xf32, #tpu.memory_space<vmem>>
      %dma_start3A_339 = tpu.memref_squeeze %dma_start3A_338 : memref<1x1x80x64xf32, #tpu.memory_space<vmem>> -> memref<80x64xf32, #tpu.memory_space<vmem>>
      %dma_start3A_340 = arith.constant 0 : i32
      %dma_start3A_341 = tpu.memref_slice %arg9[%run_scoped3A_224, %run_scoped3A_225, %dma_start3A_340] : memref<2x5x80xi32, #tpu.memory_space<vmem>> -> memref<1x1x80xi32, #tpu.memory_space<vmem>>
      %dma_start3A_342 = tpu.memref_squeeze %dma_start3A_341 : memref<1x1x80xi32, #tpu.memory_space<vmem>> -> memref<80xi32, #tpu.memory_space<vmem>>
      %dma_start3A_343 = arith.constant 0 : i32
      %dma_start3A_344 = arith.constant 0 : i32
      %dma_start3A_345 = tpu.memref_slice %arg7[%dma_start3A_343, %dma_start3A_344] : memref<10240x64xf32, #tpu.memory_space<vmem_shared>> -> memref<10240x64xf32, #tpu.memory_space<vmem_shared>>
      tpu.enqueue_indirect_dma source(%dma_start3A_339 : memref<80x64xf32, #tpu.memory_space<vmem>>) target(%dma_start3A_345 : memref<10240x64xf32, #tpu.memory_space<vmem_shared>>) offsets(%dma_start3A_342 : memref<80xi32, #tpu.memory_space<vmem>>) semaphore(%run_scoped3A_335 : memref<!tpu.dma_semaphore, #tpu.memory_space<semaphore_mem>>) {add = true}
      %dma_wait3A_346 = arith.constant 0 : i32
      %dma_wait3A_347 = arith.constant 0 : i32
      %dma_wait3A_348 = tpu.memref_slice %arg10[%run_scoped3A_222, %run_scoped3A_223, %dma_wait3A_346, %dma_wait3A_347] : memref<2x5x80x64xf32, #tpu.memory_space<vmem>> -> memref<1x1x80x64xf32, #tpu.memory_space<vmem>>
      %dma_wait3A_349 = tpu.memref_squeeze %dma_wait3A_348 : memref<1x1x80x64xf32, #tpu.memory_space<vmem>> -> memref<80x64xf32, #tpu.memory_space<vmem>>
      %dma_wait3A_350 = arith.constant 0 : i32
      %dma_wait3A_351 = tpu.memref_slice %arg9[%run_scoped3A_224, %run_scoped3A_225, %dma_wait3A_350] : memref<2x5x80xi32, #tpu.memory_space<vmem>> -> memref<1x1x80xi32, #tpu.memory_space<vmem>>
      %dma_wait3A_352 = tpu.memref_squeeze %dma_wait3A_351 : memref<1x1x80xi32, #tpu.memory_space<vmem>> -> memref<80xi32, #tpu.memory_space<vmem>>
      %dma_wait3A_353 = arith.constant 0 : i32
      %dma_wait3A_354 = arith.constant 0 : i32
      %dma_wait3A_355 = tpu.memref_slice %arg7[%dma_wait3A_353, %dma_wait3A_354] : memref<10240x64xf32, #tpu.memory_space<vmem_shared>> -> memref<10240x64xf32, #tpu.memory_space<vmem_shared>>
      tpu.wait_indirect_dma semaphore(%run_scoped3A_335 : memref<!tpu.dma_semaphore, #tpu.memory_space<semaphore_mem>>) src(%dma_wait3A_349 : memref<80x64xf32, #tpu.memory_space<vmem>>) dst(%dma_wait3A_355 : memref<10240x64xf32, #tpu.memory_space<vmem_shared>>)
      tpu.yield
    }) : () -> ()
    %dma_wait3A_226 = arith.constant 0 : i32
    %dma_wait3A_227 = arith.constant 4 : i32
    %dma_wait3A_228 = arith.constant 0 : i32
    %dma_wait3A_229 = arith.constant 4 : i32
    %dma_wait3A_230 = arith.constant 0 : i32
    %dma_wait3A_231 = arith.constant 0 : i32
    %dma_wait3A_232 = tpu.memref_slice %arg10[%dma_wait3A_228, %dma_wait3A_229, %dma_wait3A_230, %dma_wait3A_231] : memref<2x5x80x64xf32, #tpu.memory_space<vmem>> -> memref<1x1x80x64xf32, #tpu.memory_space<vmem>>
    %dma_wait3A_233 = tpu.memref_squeeze %dma_wait3A_232 : memref<1x1x80x64xf32, #tpu.memory_space<vmem>> -> memref<80x64xf32, #tpu.memory_space<vmem>>
    %dma_wait3A_234 = arith.constant 0 : i32
    %dma_wait3A_235 = tpu.memref_slice %arg8[%dma_wait3A_226, %dma_wait3A_227, %dma_wait3A_234] : memref<2x5x80xi32, #tpu.memory_space<vmem>> -> memref<1x1x80xi32, #tpu.memory_space<vmem>>
    %dma_wait3A_236 = tpu.memref_squeeze %dma_wait3A_235 : memref<1x1x80xi32, #tpu.memory_space<vmem>> -> memref<80xi32, #tpu.memory_space<vmem>>
    %dma_wait3A_237 = arith.constant 0 : i32
    %dma_wait3A_238 = arith.constant 0 : i32
    %dma_wait3A_239 = tpu.memref_slice %arg2[%dma_wait3A_237, %dma_wait3A_238] : memref<10000x64xf32, #tpu.memory_space<hbm>> -> memref<10000x64xf32, #tpu.memory_space<hbm>>
    tpu.wait_indirect_dma semaphore(%arg11 : memref<!tpu.dma_semaphore, #tpu.memory_space<semaphore_mem>>) src(%dma_wait3A_239 : memref<10000x64xf32, #tpu.memory_space<hbm>>) dst(%dma_wait3A_233 : memref<80x64xf32, #tpu.memory_space<vmem>>)
    %run_scoped3A_240 = arith.constant 0 : i32
    %run_scoped3A_241 = arith.constant 4 : i32
    %run_scoped3A_242 = arith.constant 0 : i32
    %run_scoped3A_243 = arith.constant 4 : i32
    "tpu.region"() ({
      %run_scoped3A_335 = tpu.sem_alloc : memref<!tpu.dma_semaphore, #tpu.memory_space<semaphore_mem>>
      %dma_start3A_336 = arith.constant 0 : i32
      %dma_start3A_337 = arith.constant 0 : i32
      %dma_start3A_338 = tpu.memref_slice %arg10[%run_scoped3A_240, %run_scoped3A_241, %dma_start3A_336, %dma_start3A_337] : memref<2x5x80x64xf32, #tpu.memory_space<vmem>> -> memref<1x1x80x64xf32, #tpu.memory_space<vmem>>
      %dma_start3A_339 = tpu.memref_squeeze %dma_start3A_338 : memref<1x1x80x64xf32, #tpu.memory_space<vmem>> -> memref<80x64xf32, #tpu.memory_space<vmem>>
      %dma_start3A_340 = arith.constant 0 : i32
      %dma_start3A_341 = tpu.memref_slice %arg9[%run_scoped3A_242, %run_scoped3A_243, %dma_start3A_340] : memref<2x5x80xi32, #tpu.memory_space<vmem>> -> memref<1x1x80xi32, #tpu.memory_space<vmem>>
      %dma_start3A_342 = tpu.memref_squeeze %dma_start3A_341 : memref<1x1x80xi32, #tpu.memory_space<vmem>> -> memref<80xi32, #tpu.memory_space<vmem>>
      %dma_start3A_343 = arith.constant 0 : i32
      %dma_start3A_344 = arith.constant 0 : i32
      %dma_start3A_345 = tpu.memref_slice %arg7[%dma_start3A_343, %dma_start3A_344] : memref<10240x64xf32, #tpu.memory_space<vmem_shared>> -> memref<10240x64xf32, #tpu.memory_space<vmem_shared>>
      tpu.enqueue_indirect_dma source(%dma_start3A_339 : memref<80x64xf32, #tpu.memory_space<vmem>>) target(%dma_start3A_345 : memref<10240x64xf32, #tpu.memory_space<vmem_shared>>) offsets(%dma_start3A_342 : memref<80xi32, #tpu.memory_space<vmem>>) semaphore(%run_scoped3A_335 : memref<!tpu.dma_semaphore, #tpu.memory_space<semaphore_mem>>) {add = true}
      %dma_wait3A_346 = arith.constant 0 : i32
      %dma_wait3A_347 = arith.constant 0 : i32
      %dma_wait3A_348 = tpu.memref_slice %arg10[%run_scoped3A_240, %run_scoped3A_241, %dma_wait3A_346, %dma_wait3A_347] : memref<2x5x80x64xf32, #tpu.memory_space<vmem>> -> memref<1x1x80x64xf32, #tpu.memory_space<vmem>>
      %dma_wait3A_349 = tpu.memref_squeeze %dma_wait3A_348 : memref<1x1x80x64xf32, #tpu.memory_space<vmem>> -> memref<80x64xf32, #tpu.memory_space<vmem>>
      %dma_wait3A_350 = arith.constant 0 : i32
      %dma_wait3A_351 = tpu.memref_slice %arg9[%run_scoped3A_242, %run_scoped3A_243, %dma_wait3A_350] : memref<2x5x80xi32, #tpu.memory_space<vmem>> -> memref<1x1x80xi32, #tpu.memory_space<vmem>>
      %dma_wait3A_352 = tpu.memref_squeeze %dma_wait3A_351 : memref<1x1x80xi32, #tpu.memory_space<vmem>> -> memref<80xi32, #tpu.memory_space<vmem>>
      %dma_wait3A_353 = arith.constant 0 : i32
      %dma_wait3A_354 = arith.constant 0 : i32
      %dma_wait3A_355 = tpu.memref_slice %arg7[%dma_wait3A_353, %dma_wait3A_354] : memref<10240x64xf32, #tpu.memory_space<vmem_shared>> -> memref<10240x64xf32, #tpu.memory_space<vmem_shared>>
      tpu.wait_indirect_dma semaphore(%run_scoped3A_335 : memref<!tpu.dma_semaphore, #tpu.memory_space<semaphore_mem>>) src(%dma_wait3A_349 : memref<80x64xf32, #tpu.memory_space<vmem>>) dst(%dma_wait3A_355 : memref<10240x64xf32, #tpu.memory_space<vmem_shared>>)
      tpu.yield
    }) : () -> ()
    %dma_wait3A_244 = arith.constant 1 : i32
    %dma_wait3A_245 = arith.constant 0 : i32
    %dma_wait3A_246 = arith.constant 1 : i32
    %dma_wait3A_247 = arith.constant 0 : i32
    %dma_wait3A_248 = arith.constant 0 : i32
    %dma_wait3A_249 = arith.constant 0 : i32
    %dma_wait3A_250 = tpu.memref_slice %arg10[%dma_wait3A_246, %dma_wait3A_247, %dma_wait3A_248, %dma_wait3A_249] : memref<2x5x80x64xf32, #tpu.memory_space<vmem>> -> memref<1x1x80x64xf32, #tpu.memory_space<vmem>>
    %dma_wait3A_251 = tpu.memref_squeeze %dma_wait3A_250 : memref<1x1x80x64xf32, #tpu.memory_space<vmem>> -> memref<80x64xf32, #tpu.memory_space<vmem>>
    %dma_wait3A_252 = arith.constant 0 : i32
    %dma_wait3A_253 = tpu.memref_slice %arg8[%dma_wait3A_244, %dma_wait3A_245, %dma_wait3A_252] : memref<2x5x80xi32, #tpu.memory_space<vmem>> -> memref<1x1x80xi32, #tpu.memory_space<vmem>>
    %dma_wait3A_254 = tpu.memref_squeeze %dma_wait3A_253 : memref<1x1x80xi32, #tpu.memory_space<vmem>> -> memref<80xi32, #tpu.memory_space<vmem>>
    %dma_wait3A_255 = arith.constant 0 : i32
    %dma_wait3A_256 = arith.constant 0 : i32
    %dma_wait3A_257 = tpu.memref_slice %arg2[%dma_wait3A_255, %dma_wait3A_256] : memref<10000x64xf32, #tpu.memory_space<hbm>> -> memref<10000x64xf32, #tpu.memory_space<hbm>>
    tpu.wait_indirect_dma semaphore(%arg12 : memref<!tpu.dma_semaphore, #tpu.memory_space<semaphore_mem>>) src(%dma_wait3A_257 : memref<10000x64xf32, #tpu.memory_space<hbm>>) dst(%dma_wait3A_251 : memref<80x64xf32, #tpu.memory_space<vmem>>)
    %run_scoped3A_258 = arith.constant 1 : i32
    %run_scoped3A_259 = arith.constant 0 : i32
    %run_scoped3A_260 = arith.constant 1 : i32
    %run_scoped3A_261 = arith.constant 0 : i32
    "tpu.region"() ({
      %run_scoped3A_335 = tpu.sem_alloc : memref<!tpu.dma_semaphore, #tpu.memory_space<semaphore_mem>>
      %dma_start3A_336 = arith.constant 0 : i32
      %dma_start3A_337 = arith.constant 0 : i32
      %dma_start3A_338 = tpu.memref_slice %arg10[%run_scoped3A_258, %run_scoped3A_259, %dma_start3A_336, %dma_start3A_337] : memref<2x5x80x64xf32, #tpu.memory_space<vmem>> -> memref<1x1x80x64xf32, #tpu.memory_space<vmem>>
      %dma_start3A_339 = tpu.memref_squeeze %dma_start3A_338 : memref<1x1x80x64xf32, #tpu.memory_space<vmem>> -> memref<80x64xf32, #tpu.memory_space<vmem>>
      %dma_start3A_340 = arith.constant 0 : i32
      %dma_start3A_341 = tpu.memref_slice %arg9[%run_scoped3A_260, %run_scoped3A_261, %dma_start3A_340] : memref<2x5x80xi32, #tpu.memory_space<vmem>> -> memref<1x1x80xi32, #tpu.memory_space<vmem>>
      %dma_start3A_342 = tpu.memref_squeeze %dma_start3A_341 : memref<1x1x80xi32, #tpu.memory_space<vmem>> -> memref<80xi32, #tpu.memory_space<vmem>>
      %dma_start3A_343 = arith.constant 0 : i32
      %dma_start3A_344 = arith.constant 0 : i32
      %dma_start3A_345 = tpu.memref_slice %arg7[%dma_start3A_343, %dma_start3A_344] : memref<10240x64xf32, #tpu.memory_space<vmem_shared>> -> memref<10240x64xf32, #tpu.memory_space<vmem_shared>>
      tpu.enqueue_indirect_dma source(%dma_start3A_339 : memref<80x64xf32, #tpu.memory_space<vmem>>) target(%dma_start3A_345 : memref<10240x64xf32, #tpu.memory_space<vmem_shared>>) offsets(%dma_start3A_342 : memref<80xi32, #tpu.memory_space<vmem>>) semaphore(%run_scoped3A_335 : memref<!tpu.dma_semaphore, #tpu.memory_space<semaphore_mem>>) {add = true}
      %dma_wait3A_346 = arith.constant 0 : i32
      %dma_wait3A_347 = arith.constant 0 : i32
      %dma_wait3A_348 = tpu.memref_slice %arg10[%run_scoped3A_258, %run_scoped3A_259, %dma_wait3A_346, %dma_wait3A_347] : memref<2x5x80x64xf32, #tpu.memory_space<vmem>> -> memref<1x1x80x64xf32, #tpu.memory_space<vmem>>
      %dma_wait3A_349 = tpu.memref_squeeze %dma_wait3A_348 : memref<1x1x80x64xf32, #tpu.memory_space<vmem>> -> memref<80x64xf32, #tpu.memory_space<vmem>>
      %dma_wait3A_350 = arith.constant 0 : i32
      %dma_wait3A_351 = tpu.memref_slice %arg9[%run_scoped3A_260, %run_scoped3A_261, %dma_wait3A_350] : memref<2x5x80xi32, #tpu.memory_space<vmem>> -> memref<1x1x80xi32, #tpu.memory_space<vmem>>
      %dma_wait3A_352 = tpu.memref_squeeze %dma_wait3A_351 : memref<1x1x80xi32, #tpu.memory_space<vmem>> -> memref<80xi32, #tpu.memory_space<vmem>>
      %dma_wait3A_353 = arith.constant 0 : i32
      %dma_wait3A_354 = arith.constant 0 : i32
      %dma_wait3A_355 = tpu.memref_slice %arg7[%dma_wait3A_353, %dma_wait3A_354] : memref<10240x64xf32, #tpu.memory_space<vmem_shared>> -> memref<10240x64xf32, #tpu.memory_space<vmem_shared>>
      tpu.wait_indirect_dma semaphore(%run_scoped3A_335 : memref<!tpu.dma_semaphore, #tpu.memory_space<semaphore_mem>>) src(%dma_wait3A_349 : memref<80x64xf32, #tpu.memory_space<vmem>>) dst(%dma_wait3A_355 : memref<10240x64xf32, #tpu.memory_space<vmem_shared>>)
      tpu.yield
    }) : () -> ()
    %dma_wait3A_262 = arith.constant 1 : i32
    %dma_wait3A_263 = arith.constant 1 : i32
    %dma_wait3A_264 = arith.constant 1 : i32
    %dma_wait3A_265 = arith.constant 1 : i32
    %dma_wait3A_266 = arith.constant 0 : i32
    %dma_wait3A_267 = arith.constant 0 : i32
    %dma_wait3A_268 = tpu.memref_slice %arg10[%dma_wait3A_264, %dma_wait3A_265, %dma_wait3A_266, %dma_wait3A_267] : memref<2x5x80x64xf32, #tpu.memory_space<vmem>> -> memref<1x1x80x64xf32, #tpu.memory_space<vmem>>
    %dma_wait3A_269 = tpu.memref_squeeze %dma_wait3A_268 : memref<1x1x80x64xf32, #tpu.memory_space<vmem>> -> memref<80x64xf32, #tpu.memory_space<vmem>>
    %dma_wait3A_270 = arith.constant 0 : i32
    %dma_wait3A_271 = tpu.memref_slice %arg8[%dma_wait3A_262, %dma_wait3A_263, %dma_wait3A_270] : memref<2x5x80xi32, #tpu.memory_space<vmem>> -> memref<1x1x80xi32, #tpu.memory_space<vmem>>
    %dma_wait3A_272 = tpu.memref_squeeze %dma_wait3A_271 : memref<1x1x80xi32, #tpu.memory_space<vmem>> -> memref<80xi32, #tpu.memory_space<vmem>>
    %dma_wait3A_273 = arith.constant 0 : i32
    %dma_wait3A_274 = arith.constant 0 : i32
    %dma_wait3A_275 = tpu.memref_slice %arg2[%dma_wait3A_273, %dma_wait3A_274] : memref<10000x64xf32, #tpu.memory_space<hbm>> -> memref<10000x64xf32, #tpu.memory_space<hbm>>
    tpu.wait_indirect_dma semaphore(%arg12 : memref<!tpu.dma_semaphore, #tpu.memory_space<semaphore_mem>>) src(%dma_wait3A_275 : memref<10000x64xf32, #tpu.memory_space<hbm>>) dst(%dma_wait3A_269 : memref<80x64xf32, #tpu.memory_space<vmem>>)
    %run_scoped3A_276 = arith.constant 1 : i32
    %run_scoped3A_277 = arith.constant 1 : i32
    %run_scoped3A_278 = arith.constant 1 : i32
    %run_scoped3A_279 = arith.constant 1 : i32
    "tpu.region"() ({
      %run_scoped3A_335 = tpu.sem_alloc : memref<!tpu.dma_semaphore, #tpu.memory_space<semaphore_mem>>
      %dma_start3A_336 = arith.constant 0 : i32
      %dma_start3A_337 = arith.constant 0 : i32
      %dma_start3A_338 = tpu.memref_slice %arg10[%run_scoped3A_276, %run_scoped3A_277, %dma_start3A_336, %dma_start3A_337] : memref<2x5x80x64xf32, #tpu.memory_space<vmem>> -> memref<1x1x80x64xf32, #tpu.memory_space<vmem>>
      %dma_start3A_339 = tpu.memref_squeeze %dma_start3A_338 : memref<1x1x80x64xf32, #tpu.memory_space<vmem>> -> memref<80x64xf32, #tpu.memory_space<vmem>>
      %dma_start3A_340 = arith.constant 0 : i32
      %dma_start3A_341 = tpu.memref_slice %arg9[%run_scoped3A_278, %run_scoped3A_279, %dma_start3A_340] : memref<2x5x80xi32, #tpu.memory_space<vmem>> -> memref<1x1x80xi32, #tpu.memory_space<vmem>>
      %dma_start3A_342 = tpu.memref_squeeze %dma_start3A_341 : memref<1x1x80xi32, #tpu.memory_space<vmem>> -> memref<80xi32, #tpu.memory_space<vmem>>
      %dma_start3A_343 = arith.constant 0 : i32
      %dma_start3A_344 = arith.constant 0 : i32
      %dma_start3A_345 = tpu.memref_slice %arg7[%dma_start3A_343, %dma_start3A_344] : memref<10240x64xf32, #tpu.memory_space<vmem_shared>> -> memref<10240x64xf32, #tpu.memory_space<vmem_shared>>
      tpu.enqueue_indirect_dma source(%dma_start3A_339 : memref<80x64xf32, #tpu.memory_space<vmem>>) target(%dma_start3A_345 : memref<10240x64xf32, #tpu.memory_space<vmem_shared>>) offsets(%dma_start3A_342 : memref<80xi32, #tpu.memory_space<vmem>>) semaphore(%run_scoped3A_335 : memref<!tpu.dma_semaphore, #tpu.memory_space<semaphore_mem>>) {add = true}
      %dma_wait3A_346 = arith.constant 0 : i32
      %dma_wait3A_347 = arith.constant 0 : i32
      %dma_wait3A_348 = tpu.memref_slice %arg10[%run_scoped3A_276, %run_scoped3A_277, %dma_wait3A_346, %dma_wait3A_347] : memref<2x5x80x64xf32, #tpu.memory_space<vmem>> -> memref<1x1x80x64xf32, #tpu.memory_space<vmem>>
      %dma_wait3A_349 = tpu.memref_squeeze %dma_wait3A_348 : memref<1x1x80x64xf32, #tpu.memory_space<vmem>> -> memref<80x64xf32, #tpu.memory_space<vmem>>
      %dma_wait3A_350 = arith.constant 0 : i32
      %dma_wait3A_351 = tpu.memref_slice %arg9[%run_scoped3A_278, %run_scoped3A_279, %dma_wait3A_350] : memref<2x5x80xi32, #tpu.memory_space<vmem>> -> memref<1x1x80xi32, #tpu.memory_space<vmem>>
      %dma_wait3A_352 = tpu.memref_squeeze %dma_wait3A_351 : memref<1x1x80xi32, #tpu.memory_space<vmem>> -> memref<80xi32, #tpu.memory_space<vmem>>
      %dma_wait3A_353 = arith.constant 0 : i32
      %dma_wait3A_354 = arith.constant 0 : i32
      %dma_wait3A_355 = tpu.memref_slice %arg7[%dma_wait3A_353, %dma_wait3A_354] : memref<10240x64xf32, #tpu.memory_space<vmem_shared>> -> memref<10240x64xf32, #tpu.memory_space<vmem_shared>>
      tpu.wait_indirect_dma semaphore(%run_scoped3A_335 : memref<!tpu.dma_semaphore, #tpu.memory_space<semaphore_mem>>) src(%dma_wait3A_349 : memref<80x64xf32, #tpu.memory_space<vmem>>) dst(%dma_wait3A_355 : memref<10240x64xf32, #tpu.memory_space<vmem_shared>>)
      tpu.yield
    }) : () -> ()
    %dma_wait3A_280 = arith.constant 1 : i32
    %dma_wait3A_281 = arith.constant 2 : i32
    %dma_wait3A_282 = arith.constant 1 : i32
    %dma_wait3A_283 = arith.constant 2 : i32
    %dma_wait3A_284 = arith.constant 0 : i32
    %dma_wait3A_285 = arith.constant 0 : i32
    %dma_wait3A_286 = tpu.memref_slice %arg10[%dma_wait3A_282, %dma_wait3A_283, %dma_wait3A_284, %dma_wait3A_285] : memref<2x5x80x64xf32, #tpu.memory_space<vmem>> -> memref<1x1x80x64xf32, #tpu.memory_space<vmem>>
    %dma_wait3A_287 = tpu.memref_squeeze %dma_wait3A_286 : memref<1x1x80x64xf32, #tpu.memory_space<vmem>> -> memref<80x64xf32, #tpu.memory_space<vmem>>
    %dma_wait3A_288 = arith.constant 0 : i32
    %dma_wait3A_289 = tpu.memref_slice %arg8[%dma_wait3A_280, %dma_wait3A_281, %dma_wait3A_288] : memref<2x5x80xi32, #tpu.memory_space<vmem>> -> memref<1x1x80xi32, #tpu.memory_space<vmem>>
    %dma_wait3A_290 = tpu.memref_squeeze %dma_wait3A_289 : memref<1x1x80xi32, #tpu.memory_space<vmem>> -> memref<80xi32, #tpu.memory_space<vmem>>
    %dma_wait3A_291 = arith.constant 0 : i32
    %dma_wait3A_292 = arith.constant 0 : i32
    %dma_wait3A_293 = tpu.memref_slice %arg2[%dma_wait3A_291, %dma_wait3A_292] : memref<10000x64xf32, #tpu.memory_space<hbm>> -> memref<10000x64xf32, #tpu.memory_space<hbm>>
    tpu.wait_indirect_dma semaphore(%arg12 : memref<!tpu.dma_semaphore, #tpu.memory_space<semaphore_mem>>) src(%dma_wait3A_293 : memref<10000x64xf32, #tpu.memory_space<hbm>>) dst(%dma_wait3A_287 : memref<80x64xf32, #tpu.memory_space<vmem>>)
    %run_scoped3A_294 = arith.constant 1 : i32
    %run_scoped3A_295 = arith.constant 2 : i32
    %run_scoped3A_296 = arith.constant 1 : i32
    %run_scoped3A_297 = arith.constant 2 : i32
    "tpu.region"() ({
      %run_scoped3A_335 = tpu.sem_alloc : memref<!tpu.dma_semaphore, #tpu.memory_space<semaphore_mem>>
      %dma_start3A_336 = arith.constant 0 : i32
      %dma_start3A_337 = arith.constant 0 : i32
      %dma_start3A_338 = tpu.memref_slice %arg10[%run_scoped3A_294, %run_scoped3A_295, %dma_start3A_336, %dma_start3A_337] : memref<2x5x80x64xf32, #tpu.memory_space<vmem>> -> memref<1x1x80x64xf32, #tpu.memory_space<vmem>>
      %dma_start3A_339 = tpu.memref_squeeze %dma_start3A_338 : memref<1x1x80x64xf32, #tpu.memory_space<vmem>> -> memref<80x64xf32, #tpu.memory_space<vmem>>
      %dma_start3A_340 = arith.constant 0 : i32
      %dma_start3A_341 = tpu.memref_slice %arg9[%run_scoped3A_296, %run_scoped3A_297, %dma_start3A_340] : memref<2x5x80xi32, #tpu.memory_space<vmem>> -> memref<1x1x80xi32, #tpu.memory_space<vmem>>
      %dma_start3A_342 = tpu.memref_squeeze %dma_start3A_341 : memref<1x1x80xi32, #tpu.memory_space<vmem>> -> memref<80xi32, #tpu.memory_space<vmem>>
      %dma_start3A_343 = arith.constant 0 : i32
      %dma_start3A_344 = arith.constant 0 : i32
      %dma_start3A_345 = tpu.memref_slice %arg7[%dma_start3A_343, %dma_start3A_344] : memref<10240x64xf32, #tpu.memory_space<vmem_shared>> -> memref<10240x64xf32, #tpu.memory_space<vmem_shared>>
      tpu.enqueue_indirect_dma source(%dma_start3A_339 : memref<80x64xf32, #tpu.memory_space<vmem>>) target(%dma_start3A_345 : memref<10240x64xf32, #tpu.memory_space<vmem_shared>>) offsets(%dma_start3A_342 : memref<80xi32, #tpu.memory_space<vmem>>) semaphore(%run_scoped3A_335 : memref<!tpu.dma_semaphore, #tpu.memory_space<semaphore_mem>>) {add = true}
      %dma_wait3A_346 = arith.constant 0 : i32
      %dma_wait3A_347 = arith.constant 0 : i32
      %dma_wait3A_348 = tpu.memref_slice %arg10[%run_scoped3A_294, %run_scoped3A_295, %dma_wait3A_346, %dma_wait3A_347] : memref<2x5x80x64xf32, #tpu.memory_space<vmem>> -> memref<1x1x80x64xf32, #tpu.memory_space<vmem>>
      %dma_wait3A_349 = tpu.memref_squeeze %dma_wait3A_348 : memref<1x1x80x64xf32, #tpu.memory_space<vmem>> -> memref<80x64xf32, #tpu.memory_space<vmem>>
      %dma_wait3A_350 = arith.constant 0 : i32
      %dma_wait3A_351 = tpu.memref_slice %arg9[%run_scoped3A_296, %run_scoped3A_297, %dma_wait3A_350] : memref<2x5x80xi32, #tpu.memory_space<vmem>> -> memref<1x1x80xi32, #tpu.memory_space<vmem>>
      %dma_wait3A_352 = tpu.memref_squeeze %dma_wait3A_351 : memref<1x1x80xi32, #tpu.memory_space<vmem>> -> memref<80xi32, #tpu.memory_space<vmem>>
      %dma_wait3A_353 = arith.constant 0 : i32
      %dma_wait3A_354 = arith.constant 0 : i32
      %dma_wait3A_355 = tpu.memref_slice %arg7[%dma_wait3A_353, %dma_wait3A_354] : memref<10240x64xf32, #tpu.memory_space<vmem_shared>> -> memref<10240x64xf32, #tpu.memory_space<vmem_shared>>
      tpu.wait_indirect_dma semaphore(%run_scoped3A_335 : memref<!tpu.dma_semaphore, #tpu.memory_space<semaphore_mem>>) src(%dma_wait3A_349 : memref<80x64xf32, #tpu.memory_space<vmem>>) dst(%dma_wait3A_355 : memref<10240x64xf32, #tpu.memory_space<vmem_shared>>)
      tpu.yield
    }) : () -> ()
    %dma_wait3A_298 = arith.constant 1 : i32
    %dma_wait3A_299 = arith.constant 3 : i32
    %dma_wait3A_300 = arith.constant 1 : i32
    %dma_wait3A_301 = arith.constant 3 : i32
    %dma_wait3A_302 = arith.constant 0 : i32
    %dma_wait3A_303 = arith.constant 0 : i32
    %dma_wait3A_304 = tpu.memref_slice %arg10[%dma_wait3A_300, %dma_wait3A_301, %dma_wait3A_302, %dma_wait3A_303] : memref<2x5x80x64xf32, #tpu.memory_space<vmem>> -> memref<1x1x80x64xf32, #tpu.memory_space<vmem>>
    %dma_wait3A_305 = tpu.memref_squeeze %dma_wait3A_304 : memref<1x1x80x64xf32, #tpu.memory_space<vmem>> -> memref<80x64xf32, #tpu.memory_space<vmem>>
    %dma_wait3A_306 = arith.constant 0 : i32
    %dma_wait3A_307 = tpu.memref_slice %arg8[%dma_wait3A_298, %dma_wait3A_299, %dma_wait3A_306] : memref<2x5x80xi32, #tpu.memory_space<vmem>> -> memref<1x1x80xi32, #tpu.memory_space<vmem>>
    %dma_wait3A_308 = tpu.memref_squeeze %dma_wait3A_307 : memref<1x1x80xi32, #tpu.memory_space<vmem>> -> memref<80xi32, #tpu.memory_space<vmem>>
    %dma_wait3A_309 = arith.constant 0 : i32
    %dma_wait3A_310 = arith.constant 0 : i32
    %dma_wait3A_311 = tpu.memref_slice %arg2[%dma_wait3A_309, %dma_wait3A_310] : memref<10000x64xf32, #tpu.memory_space<hbm>> -> memref<10000x64xf32, #tpu.memory_space<hbm>>
    tpu.wait_indirect_dma semaphore(%arg12 : memref<!tpu.dma_semaphore, #tpu.memory_space<semaphore_mem>>) src(%dma_wait3A_311 : memref<10000x64xf32, #tpu.memory_space<hbm>>) dst(%dma_wait3A_305 : memref<80x64xf32, #tpu.memory_space<vmem>>)
    %run_scoped3A_312 = arith.constant 1 : i32
    %run_scoped3A_313 = arith.constant 3 : i32
    %run_scoped3A_314 = arith.constant 1 : i32
    %run_scoped3A_315 = arith.constant 3 : i32
    "tpu.region"() ({
      %run_scoped3A_335 = tpu.sem_alloc : memref<!tpu.dma_semaphore, #tpu.memory_space<semaphore_mem>>
      %dma_start3A_336 = arith.constant 0 : i32
      %dma_start3A_337 = arith.constant 0 : i32
      %dma_start3A_338 = tpu.memref_slice %arg10[%run_scoped3A_312, %run_scoped3A_313, %dma_start3A_336, %dma_start3A_337] : memref<2x5x80x64xf32, #tpu.memory_space<vmem>> -> memref<1x1x80x64xf32, #tpu.memory_space<vmem>>
      %dma_start3A_339 = tpu.memref_squeeze %dma_start3A_338 : memref<1x1x80x64xf32, #tpu.memory_space<vmem>> -> memref<80x64xf32, #tpu.memory_space<vmem>>
      %dma_start3A_340 = arith.constant 0 : i32
      %dma_start3A_341 = tpu.memref_slice %arg9[%run_scoped3A_314, %run_scoped3A_315, %dma_start3A_340] : memref<2x5x80xi32, #tpu.memory_space<vmem>> -> memref<1x1x80xi32, #tpu.memory_space<vmem>>
      %dma_start3A_342 = tpu.memref_squeeze %dma_start3A_341 : memref<1x1x80xi32, #tpu.memory_space<vmem>> -> memref<80xi32, #tpu.memory_space<vmem>>
      %dma_start3A_343 = arith.constant 0 : i32
      %dma_start3A_344 = arith.constant 0 : i32
      %dma_start3A_345 = tpu.memref_slice %arg7[%dma_start3A_343, %dma_start3A_344] : memref<10240x64xf32, #tpu.memory_space<vmem_shared>> -> memref<10240x64xf32, #tpu.memory_space<vmem_shared>>
      tpu.enqueue_indirect_dma source(%dma_start3A_339 : memref<80x64xf32, #tpu.memory_space<vmem>>) target(%dma_start3A_345 : memref<10240x64xf32, #tpu.memory_space<vmem_shared>>) offsets(%dma_start3A_342 : memref<80xi32, #tpu.memory_space<vmem>>) semaphore(%run_scoped3A_335 : memref<!tpu.dma_semaphore, #tpu.memory_space<semaphore_mem>>) {add = true}
      %dma_wait3A_346 = arith.constant 0 : i32
      %dma_wait3A_347 = arith.constant 0 : i32
      %dma_wait3A_348 = tpu.memref_slice %arg10[%run_scoped3A_312, %run_scoped3A_313, %dma_wait3A_346, %dma_wait3A_347] : memref<2x5x80x64xf32, #tpu.memory_space<vmem>> -> memref<1x1x80x64xf32, #tpu.memory_space<vmem>>
      %dma_wait3A_349 = tpu.memref_squeeze %dma_wait3A_348 : memref<1x1x80x64xf32, #tpu.memory_space<vmem>> -> memref<80x64xf32, #tpu.memory_space<vmem>>
      %dma_wait3A_350 = arith.constant 0 : i32
      %dma_wait3A_351 = tpu.memref_slice %arg9[%run_scoped3A_314, %run_scoped3A_315, %dma_wait3A_350] : memref<2x5x80xi32, #tpu.memory_space<vmem>> -> memref<1x1x80xi32, #tpu.memory_space<vmem>>
      %dma_wait3A_352 = tpu.memref_squeeze %dma_wait3A_351 : memref<1x1x80xi32, #tpu.memory_space<vmem>> -> memref<80xi32, #tpu.memory_space<vmem>>
      %dma_wait3A_353 = arith.constant 0 : i32
      %dma_wait3A_354 = arith.constant 0 : i32
      %dma_wait3A_355 = tpu.memref_slice %arg7[%dma_wait3A_353, %dma_wait3A_354] : memref<10240x64xf32, #tpu.memory_space<vmem_shared>> -> memref<10240x64xf32, #tpu.memory_space<vmem_shared>>
      tpu.wait_indirect_dma semaphore(%run_scoped3A_335 : memref<!tpu.dma_semaphore, #tpu.memory_space<semaphore_mem>>) src(%dma_wait3A_349 : memref<80x64xf32, #tpu.memory_space<vmem>>) dst(%dma_wait3A_355 : memref<10240x64xf32, #tpu.memory_space<vmem_shared>>)
      tpu.yield
    }) : () -> ()
    %dma_wait3A_316 = arith.constant 1 : i32
    %dma_wait3A_317 = arith.constant 4 : i32
    %dma_wait3A_318 = arith.constant 1 : i32
    %dma_wait3A_319 = arith.constant 4 : i32
    %dma_wait3A_320 = arith.constant 0 : i32
    %dma_wait3A_321 = arith.constant 0 : i32
    %dma_wait3A_322 = tpu.memref_slice %arg10[%dma_wait3A_318, %dma_wait3A_319, %dma_wait3A_320, %dma_wait3A_321] : memref<2x5x80x64xf32, #tpu.memory_space<vmem>> -> memref<1x1x80x64xf32, #tpu.memory_space<vmem>>
    %dma_wait3A_323 = tpu.memref_squeeze %dma_wait3A_322 : memref<1x1x80x64xf32, #tpu.memory_space<vmem>> -> memref<80x64xf32, #tpu.memory_space<vmem>>
    %dma_wait3A_324 = arith.constant 0 : i32
    %dma_wait3A_325 = tpu.memref_slice %arg8[%dma_wait3A_316, %dma_wait3A_317, %dma_wait3A_324] : memref<2x5x80xi32, #tpu.memory_space<vmem>> -> memref<1x1x80xi32, #tpu.memory_space<vmem>>
    %dma_wait3A_326 = tpu.memref_squeeze %dma_wait3A_325 : memref<1x1x80xi32, #tpu.memory_space<vmem>> -> memref<80xi32, #tpu.memory_space<vmem>>
    %dma_wait3A_327 = arith.constant 0 : i32
    %dma_wait3A_328 = arith.constant 0 : i32
    %dma_wait3A_329 = tpu.memref_slice %arg2[%dma_wait3A_327, %dma_wait3A_328] : memref<10000x64xf32, #tpu.memory_space<hbm>> -> memref<10000x64xf32, #tpu.memory_space<hbm>>
    tpu.wait_indirect_dma semaphore(%arg12 : memref<!tpu.dma_semaphore, #tpu.memory_space<semaphore_mem>>) src(%dma_wait3A_329 : memref<10000x64xf32, #tpu.memory_space<hbm>>) dst(%dma_wait3A_323 : memref<80x64xf32, #tpu.memory_space<vmem>>)
    %run_scoped3A_330 = arith.constant 1 : i32
    %run_scoped3A_331 = arith.constant 4 : i32
    %run_scoped3A_332 = arith.constant 1 : i32
    %run_scoped3A_333 = arith.constant 4 : i32
    "tpu.region"() ({
      %run_scoped3A_335 = tpu.sem_alloc : memref<!tpu.dma_semaphore, #tpu.memory_space<semaphore_mem>>
      %dma_start3A_336 = arith.constant 0 : i32
      %dma_start3A_337 = arith.constant 0 : i32
      %dma_start3A_338 = tpu.memref_slice %arg10[%run_scoped3A_330, %run_scoped3A_331, %dma_start3A_336, %dma_start3A_337] : memref<2x5x80x64xf32, #tpu.memory_space<vmem>> -> memref<1x1x80x64xf32, #tpu.memory_space<vmem>>
      %dma_start3A_339 = tpu.memref_squeeze %dma_start3A_338 : memref<1x1x80x64xf32, #tpu.memory_space<vmem>> -> memref<80x64xf32, #tpu.memory_space<vmem>>
      %dma_start3A_340 = arith.constant 0 : i32
      %dma_start3A_341 = tpu.memref_slice %arg9[%run_scoped3A_332, %run_scoped3A_333, %dma_start3A_340] : memref<2x5x80xi32, #tpu.memory_space<vmem>> -> memref<1x1x80xi32, #tpu.memory_space<vmem>>
      %dma_start3A_342 = tpu.memref_squeeze %dma_start3A_341 : memref<1x1x80xi32, #tpu.memory_space<vmem>> -> memref<80xi32, #tpu.memory_space<vmem>>
      %dma_start3A_343 = arith.constant 0 : i32
      %dma_start3A_344 = arith.constant 0 : i32
      %dma_start3A_345 = tpu.memref_slice %arg7[%dma_start3A_343, %dma_start3A_344] : memref<10240x64xf32, #tpu.memory_space<vmem_shared>> -> memref<10240x64xf32, #tpu.memory_space<vmem_shared>>
      tpu.enqueue_indirect_dma source(%dma_start3A_339 : memref<80x64xf32, #tpu.memory_space<vmem>>) target(%dma_start3A_345 : memref<10240x64xf32, #tpu.memory_space<vmem_shared>>) offsets(%dma_start3A_342 : memref<80xi32, #tpu.memory_space<vmem>>) semaphore(%run_scoped3A_335 : memref<!tpu.dma_semaphore, #tpu.memory_space<semaphore_mem>>) {add = true}
      %dma_wait3A_346 = arith.constant 0 : i32
      %dma_wait3A_347 = arith.constant 0 : i32
      %dma_wait3A_348 = tpu.memref_slice %arg10[%run_scoped3A_330, %run_scoped3A_331, %dma_wait3A_346, %dma_wait3A_347] : memref<2x5x80x64xf32, #tpu.memory_space<vmem>> -> memref<1x1x80x64xf32, #tpu.memory_space<vmem>>
      %dma_wait3A_349 = tpu.memref_squeeze %dma_wait3A_348 : memref<1x1x80x64xf32, #tpu.memory_space<vmem>> -> memref<80x64xf32, #tpu.memory_space<vmem>>
      %dma_wait3A_350 = arith.constant 0 : i32
      %dma_wait3A_351 = tpu.memref_slice %arg9[%run_scoped3A_332, %run_scoped3A_333, %dma_wait3A_350] : memref<2x5x80xi32, #tpu.memory_space<vmem>> -> memref<1x1x80xi32, #tpu.memory_space<vmem>>
      %dma_wait3A_352 = tpu.memref_squeeze %dma_wait3A_351 : memref<1x1x80xi32, #tpu.memory_space<vmem>> -> memref<80xi32, #tpu.memory_space<vmem>>
      %dma_wait3A_353 = arith.constant 0 : i32
      %dma_wait3A_354 = arith.constant 0 : i32
      %dma_wait3A_355 = tpu.memref_slice %arg7[%dma_wait3A_353, %dma_wait3A_354] : memref<10240x64xf32, #tpu.memory_space<vmem_shared>> -> memref<10240x64xf32, #tpu.memory_space<vmem_shared>>
      tpu.wait_indirect_dma semaphore(%run_scoped3A_335 : memref<!tpu.dma_semaphore, #tpu.memory_space<semaphore_mem>>) src(%dma_wait3A_349 : memref<80x64xf32, #tpu.memory_space<vmem>>) dst(%dma_wait3A_355 : memref<10240x64xf32, #tpu.memory_space<vmem_shared>>)
      tpu.yield
    }) : () -> ()
    %barrier3A_334 = arith.constant 0 : index
    tpu.barrier barrier_id(%barrier3A_334)
    "tpu.region"() ({
      %run_scoped3A_335 = tpu.sem_alloc : memref<!tpu.dma_semaphore, #tpu.memory_space<semaphore_mem>>
      %dma_start3A_336 = arith.constant 0 : i32
      %dma_start3A_337 = tpu.memref_slice %arg6[%arg0, %mul3A_2, %dma_start3A_336] : memref<2x10240x64xf32, #tpu.memory_space<hbm>> -> memref<1x640x64xf32, #tpu.memory_space<hbm>>
      %dma_start3A_338 = tpu.memref_squeeze %dma_start3A_337 : memref<1x640x64xf32, #tpu.memory_space<hbm>> -> memref<640x64xf32, #tpu.memory_space<hbm>>
      %dma_start3A_339 = arith.constant 0 : i32
      %dma_start3A_340 = tpu.memref_slice %arg7[%mul3A_2, %dma_start3A_339] : memref<10240x64xf32, #tpu.memory_space<vmem_shared>> -> memref<640x64xf32, #tpu.memory_space<vmem_shared>>
      tpu.enqueue_dma source(%dma_start3A_340 : memref<640x64xf32, #tpu.memory_space<vmem_shared>>) target(%dma_start3A_338 : memref<640x64xf32, #tpu.memory_space<hbm>>) target_semaphore(%run_scoped3A_335 : memref<!tpu.dma_semaphore, #tpu.memory_space<semaphore_mem>>)
      %dma_wait3A_341 = arith.constant 0 : i32
      %dma_wait3A_342 = tpu.memref_slice %arg6[%arg0, %mul3A_2, %dma_wait3A_341] : memref<2x10240x64xf32, #tpu.memory_space<hbm>> -> memref<1x640x64xf32, #tpu.memory_space<hbm>>
      %dma_wait3A_343 = tpu.memref_squeeze %dma_wait3A_342 : memref<1x640x64xf32, #tpu.memory_space<hbm>> -> memref<640x64xf32, #tpu.memory_space<hbm>>
      %dma_wait3A_344 = arith.constant 0 : i32
      %dma_wait3A_345 = tpu.memref_slice %arg7[%mul3A_2, %dma_wait3A_344] : memref<10240x64xf32, #tpu.memory_space<vmem_shared>> -> memref<640x64xf32, #tpu.memory_space<vmem_shared>>
      tpu.wait_dma2 semaphore(%run_scoped3A_335 : memref<!tpu.dma_semaphore, #tpu.memory_space<semaphore_mem>>) src(%dma_wait3A_345 : memref<640x64xf32, #tpu.memory_space<vmem_shared>>) dst(%dma_wait3A_343 : memref<640x64xf32, #tpu.memory_space<hbm>>)
      tpu.yield
    }) : () -> ()
    return
  }
}

module attributes {stable_mosaic.version = 14 : i64} {
  func.func @body(%arg0: memref<10000x128xf32, #tpu.memory_space<vmem>>, %arg1: memref<128x32xf32, #tpu.memory_space<vmem>>, %arg2: memref<1x32xf32, #tpu.memory_space<vmem>>, %arg3: memref<32x64xf32, #tpu.memory_space<vmem>>, %arg4: memref<1x64xf32, #tpu.memory_space<vmem>>, %arg5: memref<10000x80xf32, #tpu.memory_space<vmem>>) attributes {dimension_semantics = [], scalar_prefetch = 0 : i64, scratch_operands = 0 : i64, tpu.core_type = #tpu.core_type<tc>} {
    %get3A = arith.constant 0 : index
    %get3A_0 = arith.constant 0 : index
    %get3A_1 = vector.load %arg0[%get3A, %get3A_0] : memref<10000x128xf32, #tpu.memory_space<vmem>>, vector<10000x128xf32>
    %get3A_2 = arith.constant 0 : index
    %get3A_3 = arith.constant 0 : index
    %get3A_4 = vector.load %arg1[%get3A_2, %get3A_3] : memref<128x32xf32, #tpu.memory_space<vmem>>, vector<128x32xf32>
    %dot_general3A = arith.constant dense<0.000000e+00> : vector<10000x32xf32>
    %dot_general3A_5 = tpu.matmul %get3A_1, %get3A_4, %dot_general3A {dimension_numbers = #tpu.dot_dimension_numbers<[1], [0], [0], [1], [0, 0, 1, 1], [], []>, transpose_lhs_hint = false} : vector<10000x128xf32>, vector<128x32xf32>, vector<10000x32xf32> -> vector<10000x32xf32>
    %get3A_6 = arith.constant 0 : index
    %get3A_7 = arith.constant 0 : index
    %get3A_8 = vector.load %arg2[%get3A_6, %get3A_7] : memref<1x32xf32, #tpu.memory_space<vmem>>, vector<1x32xf32>
    %add3A = vector.broadcast %get3A_8 : vector<1x32xf32> to vector<10000x32xf32>
    %add3A_9 = arith.addf %dot_general3A_5, %add3A : vector<10000x32xf32>
    %max3A = arith.constant 0.000000e+00 : f32
    %max3A_10 = vector.broadcast %max3A : f32 to vector<10000x32xf32>
    %max3A_11 = arith.maximumf %add3A_9, %max3A_10 : vector<10000x32xf32>
    %get3A_12 = arith.constant 0 : index
    %get3A_13 = arith.constant 0 : index
    %get3A_14 = vector.load %arg3[%get3A_12, %get3A_13] : memref<32x64xf32, #tpu.memory_space<vmem>>, vector<32x64xf32>
    %dot_general3A_15 = arith.constant dense<0.000000e+00> : vector<10000x64xf32>
    %dot_general3A_16 = tpu.matmul %max3A_11, %get3A_14, %dot_general3A_15 {dimension_numbers = #tpu.dot_dimension_numbers<[1], [0], [0], [1], [0, 0, 1, 1], [], []>, transpose_lhs_hint = false} : vector<10000x32xf32>, vector<32x64xf32>, vector<10000x64xf32> -> vector<10000x64xf32>
    %get3A_17 = arith.constant 0 : index
    %get3A_18 = arith.constant 0 : index
    %get3A_19 = vector.load %arg4[%get3A_17, %get3A_18] : memref<1x64xf32, #tpu.memory_space<vmem>>, vector<1x64xf32>
    %add3A_20 = vector.broadcast %get3A_19 : vector<1x64xf32> to vector<10000x64xf32>
    %add3A_21 = arith.addf %dot_general3A_16, %add3A_20 : vector<10000x64xf32>
    %gt3A = arith.constant 0.000000e+00 : f32
    %gt3A_22 = vector.broadcast %gt3A : f32 to vector<10000x64xf32>
    %gt3A_23 = arith.cmpf ogt, %add3A_21, %gt3A_22 : vector<10000x64xf32>
    %mul3A = arith.constant 0.00999999977 : f32
    %mul3A_24 = vector.broadcast %mul3A : f32 to vector<10000x64xf32>
    %mul3A_25 = arith.mulf %mul3A_24, %add3A_21 : vector<10000x64xf32>
    %select_n3A = arith.select %gt3A_23, %add3A_21, %mul3A_25 : vector<10000x64xi1>, vector<10000x64xf32>
    %broadcast_in_dim3A = arith.constant 1.000000e+00 : f32
    %broadcast_in_dim3A_26 = vector.broadcast %broadcast_in_dim3A : f32 to vector<10000x16xf32>
    %concatenate3A = tpu.concatenate %select_n3A, %broadcast_in_dim3A_26 in 1 : vector<10000x64xf32>, vector<10000x16xf32> -> vector<10000x80xf32>
    %swap3A = arith.constant 0 : index
    %swap3A_27 = arith.constant 0 : index
    %swap3A_28 = vector.load %arg5[%swap3A, %swap3A_27] : memref<10000x80xf32, #tpu.memory_space<vmem>>, vector<10000x80xf32>
    tpu.vector_store %arg5[%swap3A, %swap3A_27], %concatenate3A {strides = array<i32>} : memref<10000x80xf32, #tpu.memory_space<vmem>>, vector<10000x80xf32>,
    return
  }
}

module attributes {stable_mosaic.version = 14 : i64} {
  func.func @body(%arg0: memref<2x10240x80xf32, #tpu.memory_space<vmem>>, %arg1: memref<10000x80xf32, #tpu.memory_space<vmem>>, %arg2: memref<64x128xf32, #tpu.memory_space<vmem>>, %arg3: memref<1x128xf32, #tpu.memory_space<vmem>>, %arg4: memref<64x128xf32, #tpu.memory_space<vmem>>, %arg5: memref<128x64xf32, #tpu.memory_space<vmem>>, %arg6: memref<10000x128xf32, #tpu.memory_space<vmem>>, %arg7: memref<10000x64xf32, #tpu.memory_space<vmem>>, %arg8: memref<10000x1xf32, #tpu.memory_space<vmem>>) attributes {dimension_semantics = [], scalar_prefetch = 0 : i64, scratch_operands = 0 : i64, tpu.core_type = #tpu.core_type<tc>} {
    %get3A = arith.constant 0 : index
    %get3A_0 = arith.constant 0 : index
    %get3A_1 = arith.constant 64 : index
    %get3A_2 = vector.load %arg0[%get3A, %get3A_0, %get3A_1] : memref<2x10240x80xf32, #tpu.memory_space<vmem>>, vector<1x10000x1xf32>
    %get3A_3 = vector.shape_cast %get3A_2 : vector<1x10000x1xf32> to vector<10000x1xf32>
    %get3A_4 = arith.constant 1 : index
    %get3A_5 = arith.constant 0 : index
    %get3A_6 = arith.constant 64 : index
    %get3A_7 = vector.load %arg0[%get3A_4, %get3A_5, %get3A_6] : memref<2x10240x80xf32, #tpu.memory_space<vmem>>, vector<1x10000x1xf32>
    %get3A_8 = vector.shape_cast %get3A_7 : vector<1x10000x1xf32> to vector<10000x1xf32>
    %add3A = arith.addf %get3A_3, %get3A_8 : vector<10000x1xf32>
    %max3A = arith.constant 1.000000e+00 : f32
    %max3A_9 = vector.broadcast %max3A : f32 to vector<10000x1xf32>
    %max3A_10 = arith.maximumf %add3A, %max3A_9 : vector<10000x1xf32>
    %div3A = arith.constant 1.000000e+00 : f32
    %div3A_11 = vector.broadcast %div3A : f32 to vector<10000x1xf32>
    %div3A_12 = arith.divf %div3A_11, %max3A_10 : vector<10000x1xf32>
    %swap3A = arith.constant 0 : index
    %swap3A_13 = arith.constant 0 : index
    %swap3A_14 = vector.load %arg8[%swap3A, %swap3A_13] : memref<10000x1xf32, #tpu.memory_space<vmem>>, vector<10000x1xf32>
    tpu.vector_store %arg8[%swap3A, %swap3A_13], %div3A_12 {strides = array<i32>} : memref<10000x1xf32, #tpu.memory_space<vmem>>, vector<10000x1xf32>,
    %get3A_15 = arith.constant 0 : index
    %get3A_16 = arith.constant 0 : index
    %get3A_17 = arith.constant 0 : index
    %get3A_18 = vector.load %arg0[%get3A_15, %get3A_16, %get3A_17] : memref<2x10240x80xf32, #tpu.memory_space<vmem>>, vector<1x10000x64xf32>
    %get3A_19 = vector.shape_cast %get3A_18 : vector<1x10000x64xf32> to vector<10000x64xf32>
    %get3A_20 = arith.constant 1 : index
    %get3A_21 = arith.constant 0 : index
    %get3A_22 = arith.constant 0 : index
    %get3A_23 = vector.load %arg0[%get3A_20, %get3A_21, %get3A_22] : memref<2x10240x80xf32, #tpu.memory_space<vmem>>, vector<1x10000x64xf32>
    %get3A_24 = vector.shape_cast %get3A_23 : vector<1x10000x64xf32> to vector<10000x64xf32>
    %add3A_25 = arith.addf %get3A_19, %get3A_24 : vector<10000x64xf32>
    %mul3A = vector.broadcast %div3A_12 : vector<10000x1xf32> to vector<10000x64xf32>
    %mul3A_26 = arith.mulf %add3A_25, %mul3A : vector<10000x64xf32>
    %get3A_27 = arith.constant 0 : index
    %get3A_28 = arith.constant 0 : index
    %get3A_29 = vector.load %arg2[%get3A_27, %get3A_28] : memref<64x128xf32, #tpu.memory_space<vmem>>, vector<64x128xf32>
    %dot_general3A = arith.constant dense<0.000000e+00> : vector<10000x128xf32>
    %dot_general3A_30 = tpu.matmul %mul3A_26, %get3A_29, %dot_general3A {dimension_numbers = #tpu.dot_dimension_numbers<[1], [0], [0], [1], [0, 0, 1, 1], [], []>, transpose_lhs_hint = false} : vector<10000x64xf32>, vector<64x128xf32>, vector<10000x128xf32> -> vector<10000x128xf32>
    %get3A_31 = arith.constant 0 : index
    %get3A_32 = arith.constant 0 : index
    %get3A_33 = vector.load %arg3[%get3A_31, %get3A_32] : memref<1x128xf32, #tpu.memory_space<vmem>>, vector<1x128xf32>
    %add3A_34 = vector.broadcast %get3A_33 : vector<1x128xf32> to vector<10000x128xf32>
    %add3A_35 = arith.addf %dot_general3A_30, %add3A_34 : vector<10000x128xf32>
    %get3A_36 = arith.constant 0 : index
    %get3A_37 = arith.constant 0 : index
    %get3A_38 = vector.load %arg1[%get3A_36, %get3A_37] : memref<10000x80xf32, #tpu.memory_space<vmem>>, vector<10000x64xf32>
    %get3A_39 = arith.constant 0 : index
    %get3A_40 = arith.constant 0 : index
    %get3A_41 = vector.load %arg4[%get3A_39, %get3A_40] : memref<64x128xf32, #tpu.memory_space<vmem>>, vector<64x128xf32>
    %dot_general3A_42 = arith.constant dense<0.000000e+00> : vector<10000x128xf32>
    %dot_general3A_43 = tpu.matmul %get3A_38, %get3A_41, %dot_general3A_42 {dimension_numbers = #tpu.dot_dimension_numbers<[1], [0], [0], [1], [0, 0, 1, 1], [], []>, transpose_lhs_hint = false} : vector<10000x64xf32>, vector<64x128xf32>, vector<10000x128xf32> -> vector<10000x128xf32>
    %add3A_44 = arith.addf %add3A_35, %dot_general3A_43 : vector<10000x128xf32>
    %gt3A = arith.constant 0.000000e+00 : f32
    %gt3A_45 = vector.broadcast %gt3A : f32 to vector<10000x128xf32>
    %gt3A_46 = arith.cmpf ogt, %add3A_44, %gt3A_45 : vector<10000x128xf32>
    %mul3A_47 = arith.constant 0.00999999977 : f32
    %mul3A_48 = vector.broadcast %mul3A_47 : f32 to vector<10000x128xf32>
    %mul3A_49 = arith.mulf %mul3A_48, %add3A_44 : vector<10000x128xf32>
    %select_n3A = arith.select %gt3A_46, %add3A_44, %mul3A_49 : vector<10000x128xi1>, vector<10000x128xf32>
    %swap3A_50 = arith.constant 0 : index
    %swap3A_51 = arith.constant 0 : index
    %swap3A_52 = vector.load %arg6[%swap3A_50, %swap3A_51] : memref<10000x128xf32, #tpu.memory_space<vmem>>, vector<10000x128xf32>
    tpu.vector_store %arg6[%swap3A_50, %swap3A_51], %select_n3A {strides = array<i32>} : memref<10000x128xf32, #tpu.memory_space<vmem>>, vector<10000x128xf32>,
    %get3A_53 = arith.constant 0 : index
    %get3A_54 = arith.constant 0 : index
    %get3A_55 = vector.load %arg5[%get3A_53, %get3A_54] : memref<128x64xf32, #tpu.memory_space<vmem>>, vector<128x64xf32>
    %dot_general3A_56 = arith.constant dense<0.000000e+00> : vector<10000x64xf32>
    %dot_general3A_57 = tpu.matmul %select_n3A, %get3A_55, %dot_general3A_56 {dimension_numbers = #tpu.dot_dimension_numbers<[1], [0], [0], [1], [0, 0, 1, 1], [], []>, transpose_lhs_hint = false} : vector<10000x128xf32>, vector<128x64xf32>, vector<10000x64xf32> -> vector<10000x64xf32>
    %swap3A_58 = arith.constant 0 : index
    %swap3A_59 = arith.constant 0 : index
    %swap3A_60 = vector.load %arg7[%swap3A_58, %swap3A_59] : memref<10000x64xf32, #tpu.memory_space<vmem>>, vector<10000x64xf32>
    tpu.vector_store %arg7[%swap3A_58, %swap3A_59], %dot_general3A_57 {strides = array<i32>} : memref<10000x64xf32, #tpu.memory_space<vmem>>, vector<10000x64xf32>,
    return
  }
}

module attributes {stable_mosaic.version = 14 : i64} {
  func.func @body(%arg0: memref<2x10240x64xf32, #tpu.memory_space<vmem>>, %arg1: memref<10000x1xf32, #tpu.memory_space<vmem>>, %arg2: memref<10000x128xf32, #tpu.memory_space<vmem>>, %arg3: memref<1x64xf32, #tpu.memory_space<vmem>>, %arg4: memref<128x64xf32, #tpu.memory_space<vmem>>, %arg5: memref<64x32xf32, #tpu.memory_space<vmem>>, %arg6: memref<1x32xf32, #tpu.memory_space<vmem>>, %arg7: memref<32x10xf32, #tpu.memory_space<vmem>>, %arg8: memref<1x10xf32, #tpu.memory_space<vmem>>, %arg9: memref<1x10000xi32, #tpu.memory_space<vmem>>, %arg10: memref<64x10xf32, #tpu.memory_space<vmem>>) attributes {dimension_semantics = [], scalar_prefetch = 0 : i64, scratch_operands = 0 : i64, tpu.core_type = #tpu.core_type<tc>} {
    %get3A = arith.constant 0 : index
    %get3A_0 = arith.constant 0 : index
    %get3A_1 = arith.constant 0 : index
    %get3A_2 = vector.load %arg0[%get3A, %get3A_0, %get3A_1] : memref<2x10240x64xf32, #tpu.memory_space<vmem>>, vector<1x10000x64xf32>
    %get3A_3 = vector.shape_cast %get3A_2 : vector<1x10000x64xf32> to vector<10000x64xf32>
    %get3A_4 = arith.constant 1 : index
    %get3A_5 = arith.constant 0 : index
    %get3A_6 = arith.constant 0 : index
    %get3A_7 = vector.load %arg0[%get3A_4, %get3A_5, %get3A_6] : memref<2x10240x64xf32, #tpu.memory_space<vmem>>, vector<1x10000x64xf32>
    %get3A_8 = vector.shape_cast %get3A_7 : vector<1x10000x64xf32> to vector<10000x64xf32>
    %add3A = arith.addf %get3A_3, %get3A_8 : vector<10000x64xf32>
    %get3A_9 = arith.constant 0 : index
    %get3A_10 = arith.constant 0 : index
    %get3A_11 = vector.load %arg1[%get3A_9, %get3A_10] : memref<10000x1xf32, #tpu.memory_space<vmem>>, vector<10000x1xf32>
    %mul3A = vector.broadcast %get3A_11 : vector<10000x1xf32> to vector<10000x64xf32>
    %mul3A_12 = arith.mulf %add3A, %mul3A : vector<10000x64xf32>
    %get3A_13 = arith.constant 0 : index
    %get3A_14 = arith.constant 0 : index
    %get3A_15 = vector.load %arg3[%get3A_13, %get3A_14] : memref<1x64xf32, #tpu.memory_space<vmem>>, vector<1x64xf32>
    %add3A_16 = vector.broadcast %get3A_15 : vector<1x64xf32> to vector<10000x64xf32>
    %add3A_17 = arith.addf %mul3A_12, %add3A_16 : vector<10000x64xf32>
    %get3A_18 = arith.constant 0 : index
    %get3A_19 = arith.constant 0 : index
    %get3A_20 = vector.load %arg2[%get3A_18, %get3A_19] : memref<10000x128xf32, #tpu.memory_space<vmem>>, vector<10000x128xf32>
    %get3A_21 = arith.constant 0 : index
    %get3A_22 = arith.constant 0 : index
    %get3A_23 = vector.load %arg4[%get3A_21, %get3A_22] : memref<128x64xf32, #tpu.memory_space<vmem>>, vector<128x64xf32>
    %dot_general3A = arith.constant dense<0.000000e+00> : vector<10000x64xf32>
    %dot_general3A_24 = tpu.matmul %get3A_20, %get3A_23, %dot_general3A {dimension_numbers = #tpu.dot_dimension_numbers<[1], [0], [0], [1], [0, 0, 1, 1], [], []>, transpose_lhs_hint = false} : vector<10000x128xf32>, vector<128x64xf32>, vector<10000x64xf32> -> vector<10000x64xf32>
    %add3A_25 = arith.addf %add3A_17, %dot_general3A_24 : vector<10000x64xf32>
    %gt3A = arith.constant 0.000000e+00 : f32
    %gt3A_26 = vector.broadcast %gt3A : f32 to vector<10000x64xf32>
    %gt3A_27 = arith.cmpf ogt, %add3A_25, %gt3A_26 : vector<10000x64xf32>
    %mul3A_28 = arith.constant 0.00999999977 : f32
    %mul3A_29 = vector.broadcast %mul3A_28 : f32 to vector<10000x64xf32>
    %mul3A_30 = arith.mulf %mul3A_29, %add3A_25 : vector<10000x64xf32>
    %select_n3A = arith.select %gt3A_27, %add3A_25, %mul3A_30 : vector<10000x64xi1>, vector<10000x64xf32>
    %get3A_31 = arith.constant 0 : index
    %get3A_32 = arith.constant 0 : index
    %get3A_33 = vector.load %arg5[%get3A_31, %get3A_32] : memref<64x32xf32, #tpu.memory_space<vmem>>, vector<64x32xf32>
    %dot_general3A_34 = arith.constant dense<0.000000e+00> : vector<10000x32xf32>
    %dot_general3A_35 = tpu.matmul %select_n3A, %get3A_33, %dot_general3A_34 {dimension_numbers = #tpu.dot_dimension_numbers<[1], [0], [0], [1], [0, 0, 1, 1], [], []>, transpose_lhs_hint = false} : vector<10000x64xf32>, vector<64x32xf32>, vector<10000x32xf32> -> vector<10000x32xf32>
    %get3A_36 = arith.constant 0 : index
    %get3A_37 = arith.constant 0 : index
    %get3A_38 = vector.load %arg6[%get3A_36, %get3A_37] : memref<1x32xf32, #tpu.memory_space<vmem>>, vector<1x32xf32>
    %add3A_39 = vector.broadcast %get3A_38 : vector<1x32xf32> to vector<10000x32xf32>
    %add3A_40 = arith.addf %dot_general3A_35, %add3A_39 : vector<10000x32xf32>
    %max3A = arith.constant 0.000000e+00 : f32
    %max3A_41 = vector.broadcast %max3A : f32 to vector<10000x32xf32>
    %max3A_42 = arith.maximumf %add3A_40, %max3A_41 : vector<10000x32xf32>
    %get3A_43 = arith.constant 0 : index
    %get3A_44 = arith.constant 0 : index
    %get3A_45 = vector.load %arg7[%get3A_43, %get3A_44] : memref<32x10xf32, #tpu.memory_space<vmem>>, vector<32x10xf32>
    %dot_general3A_46 = arith.constant dense<0.000000e+00> : vector<10000x10xf32>
    %dot_general3A_47 = tpu.matmul %max3A_42, %get3A_45, %dot_general3A_46 {dimension_numbers = #tpu.dot_dimension_numbers<[1], [0], [0], [1], [0, 0, 1, 1], [], []>, transpose_lhs_hint = false} : vector<10000x32xf32>, vector<32x10xf32>, vector<10000x10xf32> -> vector<10000x10xf32>
    %get3A_48 = arith.constant 0 : index
    %get3A_49 = arith.constant 0 : index
    %get3A_50 = vector.load %arg8[%get3A_48, %get3A_49] : memref<1x10xf32, #tpu.memory_space<vmem>>, vector<1x10xf32>
    %add3A_51 = vector.broadcast %get3A_50 : vector<1x10xf32> to vector<10000x10xf32>
    %add3A_52 = arith.addf %dot_general3A_47, %add3A_51 : vector<10000x10xf32>
    %iota3A = tpu.iota {dimensions = array<i32: 0>} : vector<64x10000xi32>
    %get3A_53 = arith.constant 0 : index
    %get3A_54 = arith.constant 0 : index
    %get3A_55 = vector.load %arg9[%get3A_53, %get3A_54] : memref<1x10000xi32, #tpu.memory_space<vmem>>, vector<1x10000xi32>
    %eq3A = vector.broadcast %get3A_55 : vector<1x10000xi32> to vector<64x10000xi32>
    %eq3A_56 = arith.cmpi eq, %iota3A, %eq3A : vector<64x10000xi32>
    %convert_element_type3A = arith.extui %eq3A_56 : vector<64x10000xi1> to vector<64x10000xi32>
    %convert_element_type3A_57 = arith.sitofp %convert_element_type3A : vector<64x10000xi32> to vector<64x10000xf32>
    %dot_general3A_58 = arith.constant dense<0.000000e+00> : vector<64x10xf32>
    %dot_general3A_59 = tpu.matmul %convert_element_type3A_57, %add3A_52, %dot_general3A_58 {dimension_numbers = #tpu.dot_dimension_numbers<[1], [0], [0], [1], [0, 0, 1, 1], [], []>, transpose_lhs_hint = false} : vector<64x10000xf32>, vector<10000x10xf32>, vector<64x10xf32> -> vector<64x10xf32>
    %swap3A = arith.constant 0 : index
    %swap3A_60 = arith.constant 0 : index
    %swap3A_61 = vector.load %arg10[%swap3A, %swap3A_60] : memref<64x10xf32, #tpu.memory_space<vmem>>, vector<64x10xf32>
    tpu.vector_store %arg10[%swap3A, %swap3A_60], %dot_general3A_59 {strides = array<i32>} : memref<64x10xf32, #tpu.memory_space<vmem>>, vector<64x10xf32>,
    return
  }
}

</mosaic_0001>

<sc_bundles>
// kernel: kernel.10.cloned.1.call-start
scs
__scs_entry_jumppad:
0x0: {  	(pc) =	sbr.rel $0x88, $3  }
0x1: {  	(tag) =	ssettag $0x0;
	lr =	simm.s32 $0x1  }
0x2: {  	[smem:$0x3F90] =	sst lr;
	_ =	strace $0xD0000000  }
0x3: {  	_ = 	snop  }
0x4: {  	_ = 	snop  }
0x5: {  	_ = 	snop  }
0x6: {  	_ = 	snop  }
0x7: {  	_ = 	snop  }
__scs_overlays_trampoline_lowered:
0x8: {  	[smem:$0x3F9F] =	sst s0  }
0x9: {  	[smem:$0x3FA0] =	sst s1  }
0xa: {  	[smem:$0x3FA1] =	sst s2  }
0xb: {  	[smem:$0x3FA2] =	sst s3  }
0xc: {  	[smem:$0x3FA3] =	sst s4  }
0xd: {  	[smem:$0x3FA4] =	sst s5  }
0xe: {  	[smem:$0x3FA5] =	sst s6  }
0xf: {  	[smem:$0x3FA6] =	sst s7  }
0x10: {  	[smem:$0x3FA7] =	sst s8  }
0x11: {  	[smem:$0x3FA8] =	sst s9;
	s0 =	simm.s32 @!p0 $0x0  }
0x12: {  	s1 =	sld [smem:$0x3F8E];
	s0 =	simm.s32 @p0 $0x1  }
0x13: {  	[smem:$0x3FA9] =	sst s0;
	s0 =	simm.s32 @!p1 $0x0  }
0x14: {  	s2 =	sld [smem:$0x3F8D];
	s0 =	simm.s32 @p1 $0x1  }
0x15: {  	[smem:$0x3FAA] =	sst s0;
	s0 =	simm.s32 @!p2 $0x0  }
0x16: {  	s3 =	sld [smem:$0x3FDB];
	s0 =	simm.s32 @p2 $0x1  }
0x17: {  	s4 =	simm.s32 $0x1BF5;
	[smem:$0x3FAC] =	sst s0  }
0x18: {  	s0 =	sld [smem:$0x3F8F];
	_ =	swait.ge [sflag:s4], $0x0  }
0x19: {  	s7 =	sld [smem:$0x3F90]  }
0x1a: {  	s8 =	sadd.s32 $0xFFFFE003, lr  }
0x1b: {  	s9 =	sadd.s32 $0xFFFFFEF7, lr;
	s5 =	simm.s32 $0xFFFFFFFF;
	p2 =	slt.u32 s8, $0xFFFFF086  }
0x1c: {  	p1 =	slt.u32 s9, $0xF7A;
	s5 =	simm.s32 @!p2 $0x0  }
0x1d: {  	s5 =	simm.s32 @p1 $0x1;
	p0 =	seq.s32 s7, s2  }
0x1e: {  	s7 =	smul.u32 @!p0 $0xF7A, s2;
	p2 =	seq.s32 @!p0 s5, $0x0  }
0x1f: {  	s9 =	smul.u32 $0xF7A, s1;
	s8 =	simm.s32 @!p0 $0x1BF5;
	p2 =	por !p2, p0  }
0x20: {  	[sflag:s8] =	ssyncset.s32 @!p0 $0xFFFFF086;
	s6 =	sadd.s32 @!p0 s3, s7;
	s7 =	simm.s32 @!p0 $0x108  }
0x21: {  	s3 =	sadd.s32 s3, s9;
	s6 =	sadd.s32 @!p0 $0x88, s6;
	s7 =	simm.s32 @p2 $0x1082  }
0x22: {  	[simem:s7], [sflag:s8] =	dma.local @!p0 [hbm:s6], $0xF7A  }
0x23: {  	s9 =	sor.u32 $0xD0000000, s2;
	s6 =	simm.s32 $0x108;
	_ =	swait.ge @!p0 [sflag:s8], $0x0  }
0x24: {  	s3 =	sadd.s32 $0x88, s3;
	s6 =	simm.s32 @!p1 $0x1082;
	[sflag:s4] =	ssyncset.s32 $0xFFFFF086  }
0x25: {  	[simem:s6], [sflag:s4] =	dma.local [hbm:s3], $0xF7A  }
0x26: {  	[smem:$0x3F90] =	sst s1;
	(tag) =	ssettag s2;
	_ =	strace s9  }
0x27: {  	s1 =	sld [smem:$0x3FA0]  }
0x28: {  	s2 =	sld [smem:$0x3FA1]  }
0x29: {  	s4 =	sld [smem:$0x3FA3]  }
0x2a: {  	p0 =	seq.s32 s5, $0x0;
	s5 =	sld [smem:$0x3FA4]  }
0x2b: {  	s6 =	sld [smem:$0x3FA5]  }
0x2c: {  	s7 =	sld [smem:$0x3FA6]  }
0x2d: {  	s3 =	simm.s32 $0x108;
	s8 =	sld [smem:$0x3FA7]  }
0x2e: {  	s3 =	simm.s32 @!p0 $0x1082;
	s9 =	sld [smem:$0x3FA8]  }
0x2f: {  	lr =	sadd.s32 s0, s3;
	s0 =	sld [smem:$0x3F9F]  }
0x30: {  	s3 =	sld [smem:$0x3FA2]  }
0x31: {  	[smem:$0x3FAB] =	sst s10  }
0x32: {  	s10 =	sld [smem:$0x3FA9];
	_ =	sdelay $0x3  }
0x33: {  	p0 =	seq.s32 s10, $0x1;
	s10 =	sld [smem:$0x3FAB];
	_ =	sdelay $0x3  }
0x34: {  	[smem:$0x3FAB] =	sst s10  }
0x35: {  	s10 =	sld [smem:$0x3FAA];
	_ =	sdelay $0x3  }
0x36: {  	p1 =	seq.s32 s10, $0x1;
	s10 =	sld [smem:$0x3FAB];
	_ =	sdelay $0x3  }
0x37: {  	[smem:$0x3FAB] =	sst s10  }
0x38: {  	s10 =	sld [smem:$0x3FAC]  }
0x39: {  	_ = 	snop;
	(pc) =	sbr.ind lr, $3  }
0x3a: {  	_ = 	snop  }
0x3b: {  	_ = 	snop  }
0x3c: {  	p2 =	seq.s32 s10, $0x1;
	s10 =	sld [smem:$0x3FAB]  }
0x3d: {  	_ =	shalt  }
0x3e: {  	_ =	shalt  }
0x3f: {  	_ =	shalt  }
0x40: {  	_ =	shalt  }
0x41: {  	_ =	shalt  }
0x42: {  	_ =	shalt  }
0x43: {  	_ =	shalt  }
0x44: {  	_ =	shalt  }
0x45: {  	_ =	shalt  }
0x46: {  	_ =	shalt  }
0x47: {  	_ =	shalt  }
0x48: {  	_ =	shalt  }
0x49: {  	_ =	shalt  }
0x4a: {  	_ =	shalt  }
0x4b: {  	_ =	shalt  }
0x4c: {  	_ =	shalt  }
0x4d: {  	_ =	shalt  }
0x4e: {  	_ =	shalt  }
0x4f: {  	_ =	shalt  }
0x50: {  	_ =	shalt  }
0x51: {  	_ =	shalt  }
0x52: {  	_ =	shalt  }
0x53: {  	_ =	shalt  }
0x54: {  	_ =	shalt  }
0x55: {  	_ =	shalt  }
0x56: {  	_ =	shalt  }
0x57: {  	_ =	shalt  }
0x58: {  	_ =	shalt  }
0x59: {  	_ =	shalt  }
0x5a: {  	_ =	shalt  }
0x5b: {  	_ =	shalt  }
0x5c: {  	_ =	shalt  }
0x5d: {  	_ =	shalt  }
0x5e: {  	_ =	shalt  }
0x5f: {  	_ =	shalt  }
0x60: {  	_ =	shalt  }
0x61: {  	_ =	shalt  }
0x62: {  	_ =	shalt  }
0x63: {  	_ =	shalt  }
0x64: {  	_ =	shalt  }
0x65: {  	_ =	shalt  }
0x66: {  	_ =	shalt  }
0x67: {  	_ =	shalt  }
0x68: {  	_ =	shalt  }
0x69: {  	_ =	shalt  }
0x6a: {  	_ =	shalt  }
0x6b: {  	_ =	shalt  }
0x6c: {  	_ =	shalt  }
0x6d: {  	_ =	shalt  }
0x6e: {  	_ =	shalt  }
0x6f: {  	_ =	shalt  }
0x70: {  	_ =	shalt  }
0x71: {  	_ =	shalt  }
0x72: {  	_ =	shalt  }
0x73: {  	_ =	shalt  }
0x74: {  	_ =	shalt  }
0x75: {  	_ =	shalt  }
0x76: {  	_ =	shalt  }
0x77: {  	_ =	shalt  }
0x78: {  	_ =	shalt  }
0x79: {  	_ =	shalt  }
0x7a: {  	_ =	shalt  }
0x7b: {  	_ =	shalt  }
0x7c: {  	_ =	shalt  }
0x7d: {  	_ =	shalt  }
0x7e: {  	_ =	shalt  }
0x7f: {  	_ =	shalt  }
0x80: {  	_ =	shalt  }
0x81: {  	_ =	shalt  }
0x82: {  	_ =	shalt  }
0x83: {  	_ =	shalt  }
0x84: {  	_ =	shalt  }
0x85: {  	_ =	shalt  }
0x86: {  	_ =	shalt  }
0x87: {  	_ =	shalt  }
.Lfunc_end0:
.L_simem_size_0:
called_computation.1_lowered:
.L_overlay_start_0:
0x88: {  	s2 =	sld [smem:$0x3FD9]  }
0x89: {  	s3 =	sld [smem:$0x3FFE];
	_ =	sdelay $0x1  }
0x8a: {  	s1 =	srdreg.scid  }
0x8b: {  	s0 =	sand.u32 $0x1, s1  }
0x8c: {  	s16 =	sshll.u32 s0, $0xA;
	s2 =	sadd.s32 s3, s2  }
0x8d: {  	s2 =	sadd.s32 s2, s16  }
0x8e: {  	[smem:$0x3FB7] =	sst s2  }
0x8f: {  	_ = 	snop  }
0x90: {  	(tm) =	ssettm $0x1  }
0x91: {  	s17 =	sld [smem:$0x3FFB];
	_ =	sdelay $0x3  }
0x92: {  	_ =	strace s17  }
0x93: {  	s2 =	sld [smem:$0x3FFC];
	_ =	sdelay $0x3  }
0x94: {  	_ =	strace s2  }
0x95: {  	s2 =	sld [smem:$0x3FFD];
	_ =	sdelay $0x3  }
0x96: {  	_ =	strace s2  }
0x97: {  	_ =	strace $0x8FFFFFFF  }
0x98: {  	s18 =	sld [smem:$0x3FDB];
	_ =	sdelay $0x1  }
0x99: {  	s19 =	simm.s32 $_scs_section_size  }
0x9a: {  	s4 =	simm.s32 $_size__tile_overlayer_lowered;
	s5 =	simm.s32 $_tile_overlayer_lowered  }
0x9b: {  	s22 =	simm.s32 $0x1BFF;
	s21 =	sshll.u32 s5, $0x1;
	s2 =	sadd.s32 s19, s18  }
0x9c: {  	s6 =	simm.s32 $0x0;
	s20 =	sshll.u32 s4, $0x1;
	s4 =	sadd.s32 s21, s2  }
0x9d: {  	[timem:s6], [sflag:s22] =	dma.local [hbm:s4], s20  }
0x9e: {  	_ =	swait.ge [sflag:s22], s20  }
0x9f: {  	s3 =	ssub.s32 $0x0, s20;
	[sflag:s22] =	ssyncset.done $0x0  }
0xa0: {  	[sflag:s22] =	ssyncadd.s32 s3;
	_ =	sdelay $0x1  }
0xa1: {  	s23 =	simm.s32 $0x1B8B  }
0xa2: {  	_ =	swait.ge [sflag:s23], $0x1  }
0xa3: {  	[sflag:s23] =	ssyncset.done $0x0  }
0xa4: {  	s25 =	simm.s32 $0x1B8E;
	s24 =	sld [smem:$0x3FFE];
	[sflag:s23] =	ssyncadd.s32 $0xFFFFFFFF  }
0xa5: {  	s26 =	simm.s32 $execute0_lowered;
	[smem:$0x3FD2] =	sst s25  }
0xa6: {  	s4 =	sshll.u32 s26, $0x1;
	_ =	strace $0x80000049;
	[dreg:$0x1] =	wrdreg $0xFFFFFFFF  }
0xa7: {  	s28 =	simm.s32 $_size_execute0_lowered;
	s2 =	sadd.s32 s2, s4;
	[dreg:$0x0] =	wrdreg $0x0  }
0xa8: {  	s4 =	sshll.u32 s28, $0x1;
	[dreg:$0x2] =	wrdreg s2  }
0xa9: {  	[dreg:$0x3] =	wrdreg s4  }
0xaa: {  	[dreg:$0x4] =	wrdreg $0xC0  }
0xab: {  	_ =	task [dreg:s6], $0x5FFFF  }
0xac: {  	[dreg:$0x1] =	wrdreg $0xFFFFFFFF  }
0xad: {  	[dreg:$0x0] =	wrdreg $0x60  }
0xae: {  	[dreg:$0x2] =	wrdreg s24  }
0xaf: {  	[dreg:$0x3] =	wrdreg $0x0  }
0xb0: {  	[dreg:$0x4] =	wrdreg $0x9  }
0xb1: {  	_ =	task.clear_ibuf [dreg:s6], $0x5FFFF;
	_ =	strace $0x90000049  }
0xb2: {  	s29 =	simm.s32 $0x9;
	_ =	strace $0x8000004B  }
0xb3: {  	_ =	swait.ge [sflag:s29], $0x1  }
0xb4: {  	[sflag:s29] =	ssyncadd.s32 $0xFFFFFFFF  }
0xb5: {  	_ =	strace $0x9000004B  }
0xb6: {  	_ =	sfence  }
0xb7: {  	s30 =	sld [smem:$0x0];
	_ =	sdelay $0x2  }
0xb8: {  	s31 =	sshll.u32 s1, $0xD;
	s1 =	sshrl.u32 s1, $0x2  }
0xb9: {  	s3 =	sand.u32 $0x4000, s31;
	s1 =	sadd.s32 s1, s30  }
0xba: {  	s0 =	sor.u32 s3, s0;
	s1 =	sshll.u32 s1, $0x11  }
0xbb: {  	s0 =	sor.u32 s1, s0  }
0xbc: {  	s0 =	sadd.s32 $0x8F2B, s0  }
0xbd: {  	[sflag:s0] =	ssyncadd.remote.s32 $0x1  }
0xbe: {  	_ =	sfence.sel $0xFFFF  }
0xbf: {  	[dreg:$0x0] =	wrdreg $0xFFFFFFFF;
	(pc) =	sbr.abs _section_cstart, $3  }
0xc0: {  	[dreg:$0x1] =	wrdreg $0xFFFFFFFF  }
0xc1: {  	_ =	task.clear_ibuf [dreg:s6], $0x2FFFF;
	_ =	strace $0x9FFFFFFF  }
0xc2: {  	(tm) =	ssettm $0x7FFFFFFF  }
0xc3: {  	_ =	shalt  }
tec
execute0_lowered:
.L_overlay_start_1:
0x0: {  	(tag) =	ssettag $0x1  }
0x1: {  	s0 =	rddreg [dreg:$0x0]  }
0x2: {  	s2 =	rddreg [dreg:$0x1];
	s3 =	simm.s32 $0x0;
	s13 =	stileid.u32  }
0x3: {  	s4 =	srdreg.scid;
	s14 =	simm.s32 $0x3;
	s15 =	simm.s32 $0xA000  }
0x4: {  	s16 =	simm.s32 $0xA320;
	s17 =	simm.s32 $0x50;
	s28 =	simm.s32 $0xA190  }
0x5: {  	s29 =	simm.s32 $0xA4B0;
	s30 =	simm.s32 $0x10A40;
	s31 =	simm.s32 $0xA280  }
0x6: {  	[smem:$0x7FF] =	sst s3;
	s1 =	smul.u32 $0xA000, s13;
	s5 =	sand.u32 $0x1, s4  }
0x7: {  	s4 =	sadd.s32 $0x2A000, s0;
	s8 =	sadd.s32 $0x16600, s0;
	s9 =	sadd.s32 $0x2C00, s0  }
0x8: {  	s11 =	sshll.u32 s13, $0x1;
	s20 =	sshll.u32 s13, $0x6;
	s21 =	smul.u32 $0x1388, s13  }
0x9: {  	s13 =	simm.s32 $0xA0A0;
	_ =	strace $0x8000004A;
	s7 =	smul.u32 $0xA0000, s5  }
0xa: {  	s10 =	ssub.s32 $0x2, s5;
	s11 =	sor.u32 s5, s11;
	s5 =	smul.u32 $0x9C4, s5  }
0xb: {  	s6 =	sshrl.u32 s1, $0x3;
	s12 =	sshrl.u32 s10, $0x1;
	s19 =	smul.u32 $0x9C4, s11  }
0xc: {  	s11 =	smul.u32 $0x4E20, s11;
	s24 =	sadd.s32 s21, s8;
	s6 =	sadd.s32 s6, s0  }
0xd: {  	s7 =	sadd.s32 s1, s7;
	s18 =	ssub.s32 s10, s12;
	s1 =	sadd.s32 s1, s2  }
0xe: {  	s12 =	sor.u32 $0x1C03, s20;
	s25 =	sadd.s32 s5, s24;
	s20 =	simm.s32 $0xBA40  }
0xf: {  	s24 =	simm.s32 $0xE240;
	s7 =	sshrl.u32 s7, $0x3;
	s6 =	sadd.s32 $0x3DA00, s6  }
0x10: {  	s22 =	sadd.s32 s8, s19;
	s11 =	sshrl.u32 s11, $0x3;
	[dreg:$0x3] =	wrdreg s25  }
0x11: {  	s10 =	sadd.s32 s9, s19;
	s26 =	smax.u32 s18, $0x1;
	[dreg:$0x6] =	wrdreg s12  }
0x12: {  	s18 =	simm.s32 $0xA640;
	s19 =	simm.s32 $0xA0F0;
	[dreg:$0x5] =	wrdreg s6  }
0x13: {  	s25 =	simm.s32 $0xA1E0;
	s0 =	sadd.s32 s7, s0;
	[dreg:$0x7] =	wrdreg s22  }
0x14: {  	[dreg:$0x8] =	wrdreg s10;
	s23 =	sadd.s32 $0x32, s11;
	s6 =	sadd.s32 s21, s9  }
0x15: {  	[dreg:$0xc] =	wrdreg s26;
	s7 =	sshrl.u32 s1, $0x3;
	s22 =	simm.s32 $0xCE40  }
0x16: {  	s26 =	simm.s32 $0xF640;
	s1 =	simm.s32 $0xA230;
	s10 =	simm.s32 $0x15A40  }
0x17: {  	s11 =	simm.s32 $0x1;
	s8 =	sadd.s32 s8, s23;
	[dreg:$0xd] =	wrdreg s7  }
0x18: {  	s21 =	simm.s32 $0x2;
	s9 =	sadd.s32 s9, s23;
	[dreg:$0x9] =	wrdreg s8  }
0x19: {  	s5 =	sadd.s32 s5, s6;
	s0 =	sadd.s32 $0x51A00, s0;
	[dreg:$0xa] =	wrdreg s9  }
0x1a: {  	s23 =	simm.s32 $0xA140;
	s6 =	simm.s32 $0x0;
	[dreg:$0xb] =	wrdreg s0  }
0x1b: {  	[dreg:$0x4] =	wrdreg s5;
	s9 =	simm.s32 $0xA050;
	s0 =	simm.s32 $0x11E40  }
0x1c: {  	s5 =	simm.s32 $0x13240;
	s8 =	simm.s32 $0x14640;
	[dreg:$0xe] =	wrdreg s6  }
.LBB2_1:
0x1d: {  	s6 =	rddreg [dreg:$0x5]  }
0x1e: {  	[spmem:s7], [sflag:s12] =	dma.local [hbm:s6], $0x1400  }
0x1f: {  	_ =	swait.ge [sflag:s14], $0x1400  }
0x20: {  	[sflag:s14] =	ssyncset.done $0x0  }
0x21: {  	[sflag:s14] =	ssyncadd.s32 $0xFFFFEC00  }
0x22: {  	[bflag:$0x0] =	sbarrier.arrive $0xFFFF  }
0x23: {  	s7 =	rddreg [dreg:$0x7]  }
0x24: {  	[tilespmem:s15], [sflag:$0x3] =	stream.linear.gather [hbm4b:s7+s3], $0x190, $0x38;
	[tilespmem:$0x16E40] =	vst v63  }
0x25: {  	_ =	swait.ge [sflag:s14], $0x190  }
0x26: {  	[sflag:s14] =	ssyncset.done $0x0  }
0x27: {  	s12 =	rddreg [dreg:$0x8];
	[sflag:s14] =	ssyncadd.s32 $0xFFFFFE70  }
0x28: {  	[tilespmem:s16], [sflag:$0x3] =	stream.linear.gather [hbm4b:s12+s3], $0x190, $0x38;
	[tilespmem:$0x16E40] =	vst v63  }
0x29: {  	_ =	swait.ge [sflag:s14], $0x190  }
0x2a: {  	[sflag:s14] =	ssyncset.done $0x0  }
0x2b: {  	[sflag:s14] =	ssyncadd.s32 $0xFFFFFE70  }
0x2c: {  	[tilespmem:s18], [sflag:$0x1] =	stream.indirect.gather [hbm4b:s4+s17], $0x40, s15, s17, $0xb8;
	[tilespmem:$0x16E40] =	vst v63  }
0x2d: {  	_ = 	snop  }
0x2e: {  	[tilespmem:s20], [sflag:$0x1] =	stream.indirect.gather [hbm4b:s4+s17], $0x40, s9, s17, $0xb8;
	[tilespmem:$0x16E40] =	vst v63  }
0x2f: {  	_ = 	snop  }
0x30: {  	[tilespmem:s22], [sflag:$0x1] =	stream.indirect.gather [hbm4b:s4+s17], $0x40, s13, s17, $0xb8;
	[tilespmem:$0x16E40] =	vst v63  }
0x31: {  	_ = 	snop  }
0x32: {  	[tilespmem:s24], [sflag:$0x1] =	stream.indirect.gather [hbm4b:s4+s17], $0x40, s19, s17, $0xb8;
	[tilespmem:$0x16E40] =	vst v63  }
0x33: {  	_ = 	snop  }
0x34: {  	[tilespmem:s26], [sflag:$0x1] =	stream.indirect.gather [hbm4b:s4+s17], $0x40, s23, s17, $0xb8;
	[tilespmem:$0x16E40] =	vst v63  }
0x35: {  	s19 =	rddreg [dreg:$0x9]  }
0x36: {  	[tilespmem:s28], [sflag:$0x3] =	stream.linear.gather [hbm4b:s19+s3], $0x190, $0x38;
	[tilespmem:$0x16E40] =	vst v63  }
0x37: {  	_ =	swait.ge [sflag:s14], $0x190  }
0x38: {  	[sflag:s14] =	ssyncset.done $0x0  }
0x39: {  	s23 =	rddreg [dreg:$0xa];
	[sflag:s14] =	ssyncadd.s32 $0xFFFFFE70  }
0x3a: {  	[tilespmem:s29], [sflag:$0x3] =	stream.linear.gather [hbm4b:s23+s3], $0x190, $0x38;
	[tilespmem:$0x16E40] =	vst v63  }
0x3b: {  	_ =	swait.ge [sflag:s14], $0x190  }
0x3c: {  	[sflag:s14] =	ssyncset.done $0x0  }
0x3d: {  	[sflag:s14] =	ssyncadd.s32 $0xFFFFFE70  }
0x3e: {  	[tilespmem:s30], [sflag:$0x2] =	stream.indirect.gather [hbm4b:s4+s17], $0x40, s28, s17, $0xb8;
	[tilespmem:$0x16E40] =	vst v63  }
0x3f: {  	_ = 	snop  }
0x40: {  	[tilespmem:s0], [sflag:$0x2] =	stream.indirect.gather [hbm4b:s4+s17], $0x40, s25, s17, $0xb8;
	[tilespmem:$0x16E40] =	vst v63  }
0x41: {  	_ = 	snop  }
0x42: {  	[tilespmem:s5], [sflag:$0x2] =	stream.indirect.gather [hbm4b:s4+s17], $0x40, s1, s17, $0xb8;
	[tilespmem:$0x16E40] =	vst v63  }
0x43: {  	_ = 	snop  }
0x44: {  	[tilespmem:s8], [sflag:$0x2] =	stream.indirect.gather [hbm4b:s4+s17], $0x40, s31, s17, $0xb8;
	[tilespmem:$0x16E40] =	vst v63  }
0x45: {  	s7 =	simm.s32 $0xA2D0  }
0x46: {  	[tilespmem:s10], [sflag:$0x2] =	stream.indirect.gather [hbm4b:s4+s17], $0x40, s7, s17, $0xb8;
	[tilespmem:$0x16E40] =	vst v63  }
0x47: {  	_ =	swait.ge [sflag:s11], $0x1400  }
0x48: {  	[sflag:s11] =	ssyncset.done $0x0  }
0x49: {  	[sflag:s11] =	ssyncadd.s32 $0xFFFFEC00  }
0x4a: {  	[spmem:s2] =	stream.indirect.scatter.add.f32 [tilespmem:s18], [sflag:$0x3], $0x40, s16, s17, $0xb8;
	[tilespmem:$0x16E40] =	vst v63  }
0x4b: {  	_ =	swait.ge [sflag:s14], $0x1400  }
0x4c: {  	[sflag:s14] =	ssyncset.done $0x0  }
0x4d: {  	[sflag:s14] =	ssyncadd.s32 $0xFFFFEC00  }
0x4e: {  	_ =	swait.ge [sflag:s11], $0x1400  }
0x4f: {  	[sflag:s11] =	ssyncset.done $0x0  }
0x50: {  	s9 =	simm.s32 $0xA370;
	[sflag:s11] =	ssyncadd.s32 $0xFFFFEC00  }
0x51: {  	[spmem:s2] =	stream.indirect.scatter.add.f32 [tilespmem:s20], [sflag:$0x3], $0x40, s9, s17, $0xb8;
	[tilespmem:$0x16E40] =	vst v63  }
0x52: {  	_ =	swait.ge [sflag:s14], $0x1400  }
0x53: {  	[sflag:s14] =	ssyncset.done $0x0  }
0x54: {  	[sflag:s14] =	ssyncadd.s32 $0xFFFFEC00  }
0x55: {  	_ =	swait.ge [sflag:s11], $0x1400  }
0x56: {  	[sflag:s11] =	ssyncset.done $0x0  }
0x57: {  	s12 =	simm.s32 $0xA3C0;
	[sflag:s11] =	ssyncadd.s32 $0xFFFFEC00  }
0x58: {  	[spmem:s2] =	stream.indirect.scatter.add.f32 [tilespmem:s22], [sflag:$0x3], $0x40, s12, s17, $0xb8;
	[tilespmem:$0x16E40] =	vst v63  }
0x59: {  	_ =	swait.ge [sflag:s14], $0x1400  }
0x5a: {  	[sflag:s14] =	ssyncset.done $0x0  }
0x5b: {  	[sflag:s14] =	ssyncadd.s32 $0xFFFFEC00  }
0x5c: {  	_ =	swait.ge [sflag:s11], $0x1400  }
0x5d: {  	[sflag:s11] =	ssyncset.done $0x0  }
0x5e: {  	s13 =	simm.s32 $0xA410;
	[sflag:s11] =	ssyncadd.s32 $0xFFFFEC00  }
0x5f: {  	[spmem:s2] =	stream.indirect.scatter.add.f32 [tilespmem:s24], [sflag:$0x3], $0x40, s13, s17, $0xb8;
	[tilespmem:$0x16E40] =	vst v63  }
0x60: {  	_ =	swait.ge [sflag:s14], $0x1400  }
0x61: {  	[sflag:s14] =	ssyncset.done $0x0  }
0x62: {  	[sflag:s14] =	ssyncadd.s32 $0xFFFFEC00  }
0x63: {  	_ =	swait.ge [sflag:s11], $0x1400  }
0x64: {  	[sflag:s11] =	ssyncset.done $0x0  }
0x65: {  	s19 =	simm.s32 $0xA460;
	[sflag:s11] =	ssyncadd.s32 $0xFFFFEC00  }
0x66: {  	[spmem:s2] =	stream.indirect.scatter.add.f32 [tilespmem:s26], [sflag:$0x3], $0x40, s19, s17, $0xb8;
	[tilespmem:$0x16E40] =	vst v63  }
0x67: {  	_ =	swait.ge [sflag:s14], $0x1400  }
0x68: {  	s23 =	rddreg [dreg:$0x3]  }
0x69: {  	[sflag:s14] =	ssyncset.done $0x0;
	s7 =	sadd.s32 $0x0, s23  }
0x6a: {  	[sflag:s14] =	ssyncadd.s32 $0xFFFFEC00;
	s25 =	sadd.s32 $0x64, s7  }
0x6b: {  	[tilespmem:s15], [sflag:$0x3] =	stream.linear.gather [hbm4b:s25+s3], $0x190, $0x38;
	[tilespmem:$0x16E40] =	vst v63  }
0x6c: {  	_ =	swait.ge [sflag:s14], $0x190  }
0x6d: {  	s12 =	rddreg [dreg:$0x4]  }
0x6e: {  	[sflag:s14] =	ssyncset.done $0x0;
	s9 =	sadd.s32 $0x0, s12  }
0x6f: {  	[sflag:s14] =	ssyncadd.s32 $0xFFFFFE70;
	s25 =	sadd.s32 $0x64, s9  }
0x70: {  	[tilespmem:s16], [sflag:$0x3] =	stream.linear.gather [hbm4b:s25+s3], $0x190, $0x38;
	[tilespmem:$0x16E40] =	vst v63  }
0x71: {  	_ =	swait.ge [sflag:s14], $0x190  }
0x72: {  	[sflag:s14] =	ssyncset.done $0x0  }
0x73: {  	[sflag:s14] =	ssyncadd.s32 $0xFFFFFE70  }
0x74: {  	[tilespmem:s18], [sflag:$0x1] =	stream.indirect.gather [hbm4b:s4+s17], $0x40, s15, s17, $0xb8;
	[tilespmem:$0x16E40] =	vst v63  }
0x75: {  	s13 =	simm.s32 $0xA050  }
0x76: {  	[tilespmem:s20], [sflag:$0x1] =	stream.indirect.gather [hbm4b:s4+s17], $0x40, s13, s17, $0xb8;
	[tilespmem:$0x16E40] =	vst v63  }
0x77: {  	s6 =	simm.s32 $0xA0A0  }
0x78: {  	[tilespmem:s22], [sflag:$0x1] =	stream.indirect.gather [hbm4b:s4+s17], $0x40, s6, s17, $0xb8;
	[tilespmem:$0x16E40] =	vst v63  }
0x79: {  	s19 =	simm.s32 $0xA0F0  }
0x7a: {  	[tilespmem:s24], [sflag:$0x1] =	stream.indirect.gather [hbm4b:s4+s17], $0x40, s19, s17, $0xb8;
	[tilespmem:$0x16E40] =	vst v63  }
0x7b: {  	s1 =	simm.s32 $0xA140  }
0x7c: {  	[tilespmem:s26], [sflag:$0x1] =	stream.indirect.gather [hbm4b:s4+s17], $0x40, s1, s17, $0xb8;
	[tilespmem:$0x16E40] =	vst v63  }
0x7d: {  	_ =	swait.ge [sflag:s21], $0x1400  }
0x7e: {  	[sflag:s21] =	ssyncset.done $0x0  }
0x7f: {  	[sflag:s21] =	ssyncadd.s32 $0xFFFFEC00  }
0x80: {  	[spmem:s2] =	stream.indirect.scatter.add.f32 [tilespmem:s30], [sflag:$0x3], $0x40, s29, s17, $0xb8;
	[tilespmem:$0x16E40] =	vst v63  }
0x81: {  	_ =	swait.ge [sflag:s14], $0x1400  }
0x82: {  	[sflag:s14] =	ssyncset.done $0x0  }
0x83: {  	[sflag:s14] =	ssyncadd.s32 $0xFFFFEC00  }
0x84: {  	_ =	swait.ge [sflag:s21], $0x1400  }
0x85: {  	[sflag:s21] =	ssyncset.done $0x0  }
0x86: {  	s1 =	simm.s32 $0xA500;
	[sflag:s21] =	ssyncadd.s32 $0xFFFFEC00  }
0x87: {  	[spmem:s2] =	stream.indirect.scatter.add.f32 [tilespmem:s0], [sflag:$0x3], $0x40, s1, s17, $0xb8;
	[tilespmem:$0x16E40] =	vst v63  }
0x88: {  	_ =	swait.ge [sflag:s14], $0x1400  }
0x89: {  	[sflag:s14] =	ssyncset.done $0x0  }
0x8a: {  	[sflag:s14] =	ssyncadd.s32 $0xFFFFEC00  }
0x8b: {  	_ =	swait.ge [sflag:s21], $0x1400  }
0x8c: {  	[sflag:s21] =	ssyncset.done $0x0  }
0x8d: {  	s12 =	simm.s32 $0xA550;
	[sflag:s21] =	ssyncadd.s32 $0xFFFFEC00  }
0x8e: {  	[spmem:s2] =	stream.indirect.scatter.add.f32 [tilespmem:s5], [sflag:$0x3], $0x40, s12, s17, $0xb8;
	[tilespmem:$0x16E40] =	vst v63  }
0x8f: {  	_ =	swait.ge [sflag:s14], $0x1400  }
0x90: {  	[sflag:s14] =	ssyncset.done $0x0  }
0x91: {  	[sflag:s14] =	ssyncadd.s32 $0xFFFFEC00  }
0x92: {  	_ =	swait.ge [sflag:s21], $0x1400  }
0x93: {  	[sflag:s21] =	ssyncset.done $0x0  }
0x94: {  	s19 =	simm.s32 $0xA5A0;
	[sflag:s21] =	ssyncadd.s32 $0xFFFFEC00  }
0x95: {  	[spmem:s2] =	stream.indirect.scatter.add.f32 [tilespmem:s8], [sflag:$0x3], $0x40, s19, s17, $0xb8;
	[tilespmem:$0x16E40] =	vst v63  }
0x96: {  	_ =	swait.ge [sflag:s14], $0x1400  }
0x97: {  	[sflag:s14] =	ssyncset.done $0x0  }
0x98: {  	[sflag:s14] =	ssyncadd.s32 $0xFFFFEC00  }
0x99: {  	_ =	swait.ge [sflag:s21], $0x1400  }
0x9a: {  	[sflag:s21] =	ssyncset.done $0x0  }
0x9b: {  	s1 =	simm.s32 $0xA5F0;
	[sflag:s21] =	ssyncadd.s32 $0xFFFFEC00  }
0x9c: {  	[spmem:s2] =	stream.indirect.scatter.add.f32 [tilespmem:s10], [sflag:$0x3], $0x40, s1, s17, $0xb8;
	[tilespmem:$0x16E40] =	vst v63  }
0x9d: {  	_ =	swait.ge [sflag:s14], $0x1400  }
0x9e: {  	[sflag:s14] =	ssyncset.done $0x0  }
0x9f: {  	s7 =	sadd.s32 $0x96, s7;
	[sflag:s14] =	ssyncadd.s32 $0xFFFFEC00  }
0xa0: {  	[tilespmem:s28], [sflag:$0x3] =	stream.linear.gather [hbm4b:s7+s3], $0x190, $0x38;
	[tilespmem:$0x16E40] =	vst v63  }
0xa1: {  	_ =	swait.ge [sflag:s14], $0x190  }
0xa2: {  	[sflag:s14] =	ssyncset.done $0x0  }
0xa3: {  	s6 =	sadd.s32 $0x96, s9;
	[sflag:s14] =	ssyncadd.s32 $0xFFFFFE70  }
0xa4: {  	[tilespmem:s29], [sflag:$0x3] =	stream.linear.gather [hbm4b:s6+s3], $0x190, $0x38;
	[tilespmem:$0x16E40] =	vst v63  }
0xa5: {  	_ =	swait.ge [sflag:s14], $0x190  }
0xa6: {  	[sflag:s14] =	ssyncset.done $0x0  }
0xa7: {  	s31 =	simm.s32 $0xA0F0;
	[sflag:s14] =	ssyncadd.s32 $0xFFFFFE70  }
0xa8: {  	[tilespmem:s30], [sflag:$0x2] =	stream.indirect.gather [hbm4b:s4+s17], $0x40, s28, s17, $0xb8;
	[tilespmem:$0x16E40] =	vst v63  }
0xa9: {  	s23 =	simm.s32 $0xA230;
	s25 =	simm.s32 $0xA0A0;
	s9 =	simm.s32 $0xA1E0  }
0xaa: {  	[tilespmem:s0], [sflag:$0x2] =	stream.indirect.gather [hbm4b:s4+s17], $0x40, s9, s17, $0xb8;
	[tilespmem:$0x16E40] =	vst v63  }
0xab: {  	s13 =	simm.s32 $0xA140;
	s12 =	simm.s32 $0xA280;
	s19 =	simm.s32 $0xA230  }
0xac: {  	[tilespmem:s5], [sflag:$0x2] =	stream.indirect.gather [hbm4b:s4+s17], $0x40, s23, s17, $0xb8;
	[tilespmem:$0x16E40] =	vst v63  }
0xad: {  	s1 =	simm.s32 $0xA1E0;
	s7 =	simm.s32 $0x64;
	s23 =	simm.s32 $0xA280  }
0xae: {  	[tilespmem:s8], [sflag:$0x2] =	stream.indirect.gather [hbm4b:s4+s17], $0x40, s12, s17, $0xb8;
	[tilespmem:$0x16E40] =	vst v63  }
.LBB2_2:
0xaf: {  	s6 =	simm.s32 $0xA2D0  }
0xb0: {  	[tilespmem:s10], [sflag:$0x2] =	stream.indirect.gather [hbm4b:s4+s17], $0x40, s6, s17, $0xb8;
	[tilespmem:$0x16E40] =	vst v63  }
0xb1: {  	_ =	swait.ge [sflag:s11], $0x1400  }
0xb2: {  	[sflag:s11] =	ssyncset.done $0x0  }
0xb3: {  	[sflag:s11] =	ssyncadd.s32 $0xFFFFEC00  }
0xb4: {  	[spmem:s2] =	stream.indirect.scatter.add.f32 [tilespmem:s18], [sflag:$0x3], $0x40, s16, s17, $0xb8;
	[tilespmem:$0x16E40] =	vst v63  }
0xb5: {  	_ =	swait.ge [sflag:s14], $0x1400  }
0xb6: {  	[sflag:s14] =	ssyncset.done $0x0  }
0xb7: {  	[sflag:s14] =	ssyncadd.s32 $0xFFFFEC00  }
0xb8: {  	_ =	swait.ge [sflag:s11], $0x1400  }
0xb9: {  	[sflag:s11] =	ssyncset.done $0x0  }
0xba: {  	s9 =	simm.s32 $0xA370;
	[sflag:s11] =	ssyncadd.s32 $0xFFFFEC00  }
0xbb: {  	[spmem:s2] =	stream.indirect.scatter.add.f32 [tilespmem:s20], [sflag:$0x3], $0x40, s9, s17, $0xb8;
	[tilespmem:$0x16E40] =	vst v63  }
0xbc: {  	_ =	swait.ge [sflag:s14], $0x1400  }
0xbd: {  	[sflag:s14] =	ssyncset.done $0x0  }
0xbe: {  	[sflag:s14] =	ssyncadd.s32 $0xFFFFEC00  }
0xbf: {  	_ =	swait.ge [sflag:s11], $0x1400  }
0xc0: {  	[sflag:s11] =	ssyncset.done $0x0  }
0xc1: {  	s9 =	simm.s32 $0xA3C0;
	[sflag:s11] =	ssyncadd.s32 $0xFFFFEC00  }
0xc2: {  	[spmem:s2] =	stream.indirect.scatter.add.f32 [tilespmem:s22], [sflag:$0x3], $0x40, s9, s17, $0xb8;
	[tilespmem:$0x16E40] =	vst v63  }
0xc3: {  	_ =	swait.ge [sflag:s14], $0x1400  }
0xc4: {  	[sflag:s14] =	ssyncset.done $0x0  }
0xc5: {  	[sflag:s14] =	ssyncadd.s32 $0xFFFFEC00  }
0xc6: {  	_ =	swait.ge [sflag:s11], $0x1400  }
0xc7: {  	[sflag:s11] =	ssyncset.done $0x0  }
0xc8: {  	s9 =	simm.s32 $0xA410;
	[sflag:s11] =	ssyncadd.s32 $0xFFFFEC00  }
0xc9: {  	[spmem:s2] =	stream.indirect.scatter.add.f32 [tilespmem:s24], [sflag:$0x3], $0x40, s9, s17, $0xb8;
	[tilespmem:$0x16E40] =	vst v63  }
0xca: {  	_ =	swait.ge [sflag:s14], $0x1400  }
0xcb: {  	[sflag:s14] =	ssyncset.done $0x0  }
0xcc: {  	[sflag:s14] =	ssyncadd.s32 $0xFFFFEC00  }
0xcd: {  	_ =	swait.ge [sflag:s11], $0x1400  }
0xce: {  	[sflag:s11] =	ssyncset.done $0x0  }
0xcf: {  	s9 =	simm.s32 $0xA460;
	[sflag:s11] =	ssyncadd.s32 $0xFFFFEC00  }
0xd0: {  	[spmem:s2] =	stream.indirect.scatter.add.f32 [tilespmem:s26], [sflag:$0x3], $0x40, s9, s17, $0xb8;
	[tilespmem:$0x16E40] =	vst v63  }
0xd1: {  	_ =	swait.ge [sflag:s14], $0x1400  }
0xd2: {  	s12 =	smov.u32 s7;
	s9 =	rddreg [dreg:$0x3]  }
0xd3: {  	[sflag:s14] =	ssyncset.done $0x0;
	s9 =	sadd.s32 s12, s9  }
0xd4: {  	[sflag:s14] =	ssyncadd.s32 $0xFFFFEC00;
	s6 =	sadd.s32 $0x64, s9  }
0xd5: {  	[tilespmem:s15], [sflag:$0x3] =	stream.linear.gather [hbm4b:s6+s3], $0x190, $0x38;
	[tilespmem:$0x16E40] =	vst v63  }
0xd6: {  	_ =	swait.ge [sflag:s14], $0x190  }
0xd7: {  	s6 =	rddreg [dreg:$0x4]  }
0xd8: {  	[sflag:s14] =	ssyncset.done $0x0;
	s12 =	sadd.s32 s12, s6  }
0xd9: {  	[sflag:s14] =	ssyncadd.s32 $0xFFFFFE70;
	s6 =	sadd.s32 $0x64, s12  }
0xda: {  	[tilespmem:s16], [sflag:$0x3] =	stream.linear.gather [hbm4b:s6+s3], $0x190, $0x38;
	[tilespmem:$0x16E40] =	vst v63  }
0xdb: {  	_ =	swait.ge [sflag:s14], $0x190  }
0xdc: {  	[sflag:s14] =	ssyncset.done $0x0  }
0xdd: {  	[sflag:s14] =	ssyncadd.s32 $0xFFFFFE70  }
0xde: {  	[tilespmem:s18], [sflag:$0x1] =	stream.indirect.gather [hbm4b:s4+s17], $0x40, s15, s17, $0xb8;
	[tilespmem:$0x16E40] =	vst v63  }
0xdf: {  	s6 =	simm.s32 $0xA050  }
0xe0: {  	[tilespmem:s20], [sflag:$0x1] =	stream.indirect.gather [hbm4b:s4+s17], $0x40, s6, s17, $0xb8;
	[tilespmem:$0x16E40] =	vst v63  }
0xe1: {  	_ = 	snop  }
0xe2: {  	[tilespmem:s22], [sflag:$0x1] =	stream.indirect.gather [hbm4b:s4+s17], $0x40, s25, s17, $0xb8;
	[tilespmem:$0x16E40] =	vst v63  }
0xe3: {  	_ = 	snop  }
0xe4: {  	[tilespmem:s24], [sflag:$0x1] =	stream.indirect.gather [hbm4b:s4+s17], $0x40, s31, s17, $0xb8;
	[tilespmem:$0x16E40] =	vst v63  }
0xe5: {  	_ = 	snop  }
0xe6: {  	[tilespmem:s26], [sflag:$0x1] =	stream.indirect.gather [hbm4b:s4+s17], $0x40, s13, s17, $0xb8;
	[tilespmem:$0x16E40] =	vst v63  }
0xe7: {  	_ =	swait.ge [sflag:s21], $0x1400  }
0xe8: {  	[sflag:s21] =	ssyncset.done $0x0  }
0xe9: {  	[sflag:s21] =	ssyncadd.s32 $0xFFFFEC00  }
0xea: {  	[spmem:s2] =	stream.indirect.scatter.add.f32 [tilespmem:s30], [sflag:$0x3], $0x40, s29, s17, $0xb8;
	[tilespmem:$0x16E40] =	vst v63  }
0xeb: {  	_ =	swait.ge [sflag:s14], $0x1400  }
0xec: {  	[sflag:s14] =	ssyncset.done $0x0  }
0xed: {  	[sflag:s14] =	ssyncadd.s32 $0xFFFFEC00  }
0xee: {  	_ =	swait.ge [sflag:s21], $0x1400  }
0xef: {  	[sflag:s21] =	ssyncset.done $0x0  }
0xf0: {  	s6 =	simm.s32 $0xA500;
	[sflag:s21] =	ssyncadd.s32 $0xFFFFEC00  }
0xf1: {  	[spmem:s2] =	stream.indirect.scatter.add.f32 [tilespmem:s0], [sflag:$0x3], $0x40, s6, s17, $0xb8;
	[tilespmem:$0x16E40] =	vst v63  }
0xf2: {  	_ =	swait.ge [sflag:s14], $0x1400  }
0xf3: {  	[sflag:s14] =	ssyncset.done $0x0  }
0xf4: {  	[sflag:s14] =	ssyncadd.s32 $0xFFFFEC00  }
0xf5: {  	_ =	swait.ge [sflag:s21], $0x1400  }
0xf6: {  	[sflag:s21] =	ssyncset.done $0x0  }
0xf7: {  	s6 =	simm.s32 $0xA550;
	[sflag:s21] =	ssyncadd.s32 $0xFFFFEC00  }
0xf8: {  	[spmem:s2] =	stream.indirect.scatter.add.f32 [tilespmem:s5], [sflag:$0x3], $0x40, s6, s17, $0xb8;
	[tilespmem:$0x16E40] =	vst v63  }
0xf9: {  	_ =	swait.ge [sflag:s14], $0x1400  }
0xfa: {  	[sflag:s14] =	ssyncset.done $0x0  }
0xfb: {  	[sflag:s14] =	ssyncadd.s32 $0xFFFFEC00  }
0xfc: {  	_ =	swait.ge [sflag:s21], $0x1400  }
0xfd: {  	[sflag:s21] =	ssyncset.done $0x0  }
0xfe: {  	s6 =	simm.s32 $0xA5A0;
	[sflag:s21] =	ssyncadd.s32 $0xFFFFEC00  }
0xff: {  	[spmem:s2] =	stream.indirect.scatter.add.f32 [tilespmem:s8], [sflag:$0x3], $0x40, s6, s17, $0xb8;
	[tilespmem:$0x16E40] =	vst v63  }
0x100: {  	_ =	swait.ge [sflag:s14], $0x1400  }
0x101: {  	[sflag:s14] =	ssyncset.done $0x0  }
0x102: {  	[sflag:s14] =	ssyncadd.s32 $0xFFFFEC00  }
0x103: {  	_ =	swait.ge [sflag:s21], $0x1400  }
0x104: {  	[sflag:s21] =	ssyncset.done $0x0  }
0x105: {  	s6 =	simm.s32 $0xA5F0;
	[sflag:s21] =	ssyncadd.s32 $0xFFFFEC00  }
0x106: {  	[spmem:s2] =	stream.indirect.scatter.add.f32 [tilespmem:s10], [sflag:$0x3], $0x40, s6, s17, $0xb8;
	[tilespmem:$0x16E40] =	vst v63  }
0x107: {  	_ =	swait.ge [sflag:s14], $0x1400  }
0x108: {  	[sflag:s14] =	ssyncset.done $0x0  }
0x109: {  	s9 =	sadd.s32 $0x96, s9;
	[sflag:s14] =	ssyncadd.s32 $0xFFFFEC00  }
0x10a: {  	[tilespmem:s28], [sflag:$0x3] =	stream.linear.gather [hbm4b:s9+s3], $0x190, $0x38;
	[tilespmem:$0x16E40] =	vst v63  }
0x10b: {  	_ =	swait.ge [sflag:s14], $0x190  }
0x10c: {  	[sflag:s14] =	ssyncset.done $0x0  }
0x10d: {  	s12 =	sadd.s32 $0x96, s12;
	[sflag:s14] =	ssyncadd.s32 $0xFFFFFE70  }
0x10e: {  	[tilespmem:s29], [sflag:$0x3] =	stream.linear.gather [hbm4b:s12+s3], $0x190, $0x38;
	[tilespmem:$0x16E40] =	vst v63  }
0x10f: {  	_ =	swait.ge [sflag:s14], $0x190  }
0x110: {  	[sflag:s14] =	ssyncset.done $0x0  }
0x111: {  	[sflag:s14] =	ssyncadd.s32 $0xFFFFFE70  }
0x112: {  	[tilespmem:s30], [sflag:$0x2] =	stream.indirect.gather [hbm4b:s4+s17], $0x40, s28, s17, $0xb8;
	[tilespmem:$0x16E40] =	vst v63  }
0x113: {  	p0 =	sne.s32 s7, $0x8FC  }
0x114: {  	[tilespmem:s0], [sflag:$0x2] =	stream.indirect.gather [hbm4b:s4+s17], $0x40, s1, s17, $0xb8;
	[tilespmem:$0x16E40] =	vst v63  }
.Ltmp0:
0x115: {  	_ = 	snop;
	(pc) =	sbr.rel @p0 .LBB2_2-.Ltmp0, $4  }
0x116: {  	_ = 	snop  }
0x117: {  	[tilespmem:s5], [sflag:$0x2] =	stream.indirect.gather [hbm4b:s4+s17], $0x40, s19, s17, $0xb8;
	[tilespmem:$0x16E40] =	vst v63  }
0x118: {  	s7 =	sadd.s32 $0x64, s7  }
0x119: {  	[tilespmem:s8], [sflag:$0x2] =	stream.indirect.gather [hbm4b:s4+s17], $0x40, s23, s17, $0xb8;
	[tilespmem:$0x16E40] =	vst v63  }
0x11a: {  	s1 =	simm.s32 $0xA2D0  }
0x11b: {  	[tilespmem:s10], [sflag:$0x2] =	stream.indirect.gather [hbm4b:s4+s17], $0x40, s1, s17, $0xb8;
	[tilespmem:$0x16E40] =	vst v63  }
0x11c: {  	_ =	swait.ge [sflag:s11], $0x1400  }
0x11d: {  	[sflag:s11] =	ssyncset.done $0x0  }
0x11e: {  	[sflag:s11] =	ssyncadd.s32 $0xFFFFEC00  }
0x11f: {  	[spmem:s2] =	stream.indirect.scatter.add.f32 [tilespmem:s18], [sflag:$0x3], $0x40, s16, s17, $0xb8;
	[tilespmem:$0x16E40] =	vst v63  }
0x120: {  	_ =	swait.ge [sflag:s14], $0x1400  }
0x121: {  	[sflag:s14] =	ssyncset.done $0x0  }
0x122: {  	[sflag:s14] =	ssyncadd.s32 $0xFFFFEC00  }
0x123: {  	_ =	swait.ge [sflag:s11], $0x1400  }
0x124: {  	[sflag:s11] =	ssyncset.done $0x0  }
0x125: {  	s23 =	simm.s32 $0xA370;
	[sflag:s11] =	ssyncadd.s32 $0xFFFFEC00  }
0x126: {  	[spmem:s2] =	stream.indirect.scatter.add.f32 [tilespmem:s20], [sflag:$0x3], $0x40, s23, s17, $0xb8;
	[tilespmem:$0x16E40] =	vst v63  }
0x127: {  	_ =	swait.ge [sflag:s14], $0x1400  }
0x128: {  	[sflag:s14] =	ssyncset.done $0x0  }
0x129: {  	[sflag:s14] =	ssyncadd.s32 $0xFFFFEC00  }
0x12a: {  	_ =	swait.ge [sflag:s11], $0x1400  }
0x12b: {  	[sflag:s11] =	ssyncset.done $0x0  }
0x12c: {  	s25 =	simm.s32 $0xA3C0;
	[sflag:s11] =	ssyncadd.s32 $0xFFFFEC00  }
0x12d: {  	[spmem:s2] =	stream.indirect.scatter.add.f32 [tilespmem:s22], [sflag:$0x3], $0x40, s25, s17, $0xb8;
	[tilespmem:$0x16E40] =	vst v63  }
0x12e: {  	_ =	swait.ge [sflag:s14], $0x1400  }
0x12f: {  	[sflag:s14] =	ssyncset.done $0x0  }
0x130: {  	[sflag:s14] =	ssyncadd.s32 $0xFFFFEC00  }
0x131: {  	_ =	swait.ge [sflag:s11], $0x1400  }
0x132: {  	[sflag:s11] =	ssyncset.done $0x0  }
0x133: {  	s6 =	simm.s32 $0xA410;
	[sflag:s11] =	ssyncadd.s32 $0xFFFFEC00  }
0x134: {  	[spmem:s2] =	stream.indirect.scatter.add.f32 [tilespmem:s24], [sflag:$0x3], $0x40, s6, s17, $0xb8;
	[tilespmem:$0x16E40] =	vst v63  }
0x135: {  	_ =	swait.ge [sflag:s14], $0x1400  }
0x136: {  	[sflag:s14] =	ssyncset.done $0x0  }
0x137: {  	[sflag:s14] =	ssyncadd.s32 $0xFFFFEC00  }
0x138: {  	_ =	swait.ge [sflag:s11], $0x1400  }
0x139: {  	[sflag:s11] =	ssyncset.done $0x0  }
0x13a: {  	s7 =	simm.s32 $0xA460;
	[sflag:s11] =	ssyncadd.s32 $0xFFFFEC00  }
0x13b: {  	[spmem:s2] =	stream.indirect.scatter.add.f32 [tilespmem:s26], [sflag:$0x3], $0x40, s7, s17, $0xb8;
	[tilespmem:$0x16E40] =	vst v63  }
0x13c: {  	_ =	swait.ge [sflag:s14], $0x1400  }
0x13d: {  	[sflag:s14] =	ssyncset.done $0x0  }
0x13e: {  	[sflag:s14] =	ssyncadd.s32 $0xFFFFEC00  }
0x13f: {  	_ =	swait.ge [sflag:s21], $0x1400  }
0x140: {  	[sflag:s21] =	ssyncset.done $0x0  }
0x141: {  	[sflag:s21] =	ssyncadd.s32 $0xFFFFEC00  }
0x142: {  	[spmem:s2] =	stream.indirect.scatter.add.f32 [tilespmem:s30], [sflag:$0x3], $0x40, s29, s17, $0xb8;
	[tilespmem:$0x16E40] =	vst v63  }
0x143: {  	_ =	swait.ge [sflag:s14], $0x1400  }
0x144: {  	[sflag:s14] =	ssyncset.done $0x0  }
0x145: {  	[sflag:s14] =	ssyncadd.s32 $0xFFFFEC00  }
0x146: {  	_ =	swait.ge [sflag:s21], $0x1400  }
0x147: {  	[sflag:s21] =	ssyncset.done $0x0  }
0x148: {  	s9 =	simm.s32 $0xA500;
	[sflag:s21] =	ssyncadd.s32 $0xFFFFEC00  }
0x149: {  	[spmem:s2] =	stream.indirect.scatter.add.f32 [tilespmem:s0], [sflag:$0x3], $0x40, s9, s17, $0xb8;
	[tilespmem:$0x16E40] =	vst v63  }
0x14a: {  	_ =	swait.ge [sflag:s14], $0x1400  }
0x14b: {  	[sflag:s14] =	ssyncset.done $0x0  }
0x14c: {  	[sflag:s14] =	ssyncadd.s32 $0xFFFFEC00  }
0x14d: {  	_ =	swait.ge [sflag:s21], $0x1400  }
0x14e: {  	[sflag:s21] =	ssyncset.done $0x0  }
0x14f: {  	s12 =	simm.s32 $0xA550;
	[sflag:s21] =	ssyncadd.s32 $0xFFFFEC00  }
0x150: {  	[spmem:s2] =	stream.indirect.scatter.add.f32 [tilespmem:s5], [sflag:$0x3], $0x40, s12, s17, $0xb8;
	[tilespmem:$0x16E40] =	vst v63  }
0x151: {  	_ =	swait.ge [sflag:s14], $0x1400  }
0x152: {  	[sflag:s14] =	ssyncset.done $0x0  }
0x153: {  	[sflag:s14] =	ssyncadd.s32 $0xFFFFEC00  }
0x154: {  	_ =	swait.ge [sflag:s21], $0x1400  }
0x155: {  	[sflag:s21] =	ssyncset.done $0x0  }
0x156: {  	s13 =	simm.s32 $0xA5A0;
	[sflag:s21] =	ssyncadd.s32 $0xFFFFEC00  }
0x157: {  	[spmem:s2] =	stream.indirect.scatter.add.f32 [tilespmem:s8], [sflag:$0x3], $0x40, s13, s17, $0xb8;
	[tilespmem:$0x16E40] =	vst v63  }
0x158: {  	_ =	swait.ge [sflag:s14], $0x1400  }
0x159: {  	[sflag:s14] =	ssyncset.done $0x0  }
0x15a: {  	[sflag:s14] =	ssyncadd.s32 $0xFFFFEC00  }
0x15b: {  	_ =	swait.ge [sflag:s21], $0x1400  }
0x15c: {  	[sflag:s21] =	ssyncset.done $0x0  }
0x15d: {  	s19 =	simm.s32 $0xA5F0;
	[sflag:s21] =	ssyncadd.s32 $0xFFFFEC00  }
0x15e: {  	[spmem:s2] =	stream.indirect.scatter.add.f32 [tilespmem:s10], [sflag:$0x3], $0x40, s19, s17, $0xb8;
	[tilespmem:$0x16E40] =	vst v63  }
0x15f: {  	_ =	swait.ge [sflag:s14], $0x1400  }
0x160: {  	[sflag:s14] =	ssyncset.done $0x0  }
0x161: {  	[sflag:s14] =	ssyncadd.s32 $0xFFFFEC00  }
0x162: {  	[bflag:$0x0] =	sbarrier.arrive $0xFFFF  }
0x163: {  	s12 =	rddreg [dreg:$0x6]  }
0x164: {  	s6 =	rddreg [dreg:$0xb]  }
0x165: {  	s7 =	rddreg [dreg:$0xd]  }
0x166: {  	[hbm:s6], [sflag:s12] =	dma.local [spmem:s7], $0x1400  }
0x167: {  	_ =	swait.ge [sflag:s14], $0x1400  }
0x168: {  	s23 =	rddreg [dreg:$0xe]  }
0x169: {  	s25 =	rddreg [dreg:$0xc];
	s1 =	sadd.s32 $0x1, s23  }
0x16a: {  	p0 =	sne.s32 s1, s25  }
.Ltmp1:
0x16b: {  	_ = 	snop;
	(pc) =	sbr.rel @p0 .LBB2_1-.Ltmp1, $4  }
0x16c: {  	s31 =	simm.s32 $0xA280  }
0x16d: {  	s9 =	simm.s32 $0xA050;
	s13 =	simm.s32 $0xA0A0;
	[sflag:s14] =	ssyncset.done $0x0  }
0x16e: {  	s19 =	simm.s32 $0xA0F0;
	[sflag:s14] =	ssyncadd.s32 $0xFFFFEC00;
	s23 =	simm.s32 $0xA140  }
0x16f: {  	[dreg:$0xe] =	wrdreg s1;
	s25 =	simm.s32 $0xA1E0;
	s1 =	simm.s32 $0xA230  }
0x170: {  	_ =	sfence.sel $0x180000  }
0x171: {  	[bflag:$0x0] =	sbarrier.arrive $0xFFFF  }
0x172: {  	_ =	strace $0x9000004A  }
0x173: {  	s0 =	stileid.u32;
	[bflag:$0x2] =	sbarrier.arrive $0xFFFF  }
0x174: {  	p0 =	sne.s32 s0, $0x0;
	s0 =	rddreg [dreg:$0x2]  }
0x175: {  	s0 =	sadd.s32 @!p0 $0x100000, s0  }
0x176: {  	[sflag:s0] =	ssyncadd.tile.s32 @!p0 $0x1;
	_ =	shalt  }
.Lfunc_end2:
_tile_overlayer_lowered:
.L_overlay_start_2:
0x177: {  	(tag) =	ssettag $0x2  }
0x178: {  	s0 =	rddreg [dreg:$0x0];
	s2 =	stileid.u32  }
0x179: {  	s1 =	rddreg [dreg:$0x1];
	p0 =	sne.s32 s2, $0x0  }
0x17a: {  	s3 =	rddreg [dreg:$0x2];
	[bflag:$0x3] =	sbarrier.arrive $0xFFFF;
	s2 =	simm.s32 @!p0 $0x1C03  }
0x17b: {  	[timem:s3], [sflag:s2] =	dma.local @!p0 [hbm:s0], s1  }
0x17c: {  	s0 =	simm.s32 @!p0 $0x3  }
0x17d: {  	_ =	swait.ge @!p0 [sflag:s0], s1  }
0x17e: {  	s1 =	ssub.s32 @!p0 $0x0, s1;
	[sflag:s0] =	ssyncset.done @!p0 $0x0  }
0x17f: {  	[sflag:s0] =	ssyncadd.s32 @!p0 s1  }
0x180: {  	[bflag:$0x3] =	sbarrier.arrive $0xFFFF  }
0x181: {  	_ =	shalt  }

// kernel: kernel.7.cloned.1.call-start
scs
__scs_entry_jumppad:
0x0: {  	(pc) =	sbr.rel $0x88, $3  }
0x1: {  	(tag) =	ssettag $0x0;
	lr =	simm.s32 $0x1  }
0x2: {  	[smem:$0x3F90] =	sst lr;
	_ =	strace $0xD0000000  }
0x3: {  	_ = 	snop  }
0x4: {  	_ = 	snop  }
0x5: {  	_ = 	snop  }
0x6: {  	_ = 	snop  }
0x7: {  	_ = 	snop  }
__scs_overlays_trampoline_lowered:
0x8: {  	[smem:$0x3F9F] =	sst s0  }
0x9: {  	[smem:$0x3FA0] =	sst s1  }
0xa: {  	[smem:$0x3FA1] =	sst s2  }
0xb: {  	[smem:$0x3FA2] =	sst s3  }
0xc: {  	[smem:$0x3FA3] =	sst s4  }
0xd: {  	[smem:$0x3FA4] =	sst s5  }
0xe: {  	[smem:$0x3FA5] =	sst s6  }
0xf: {  	[smem:$0x3FA6] =	sst s7  }
0x10: {  	[smem:$0x3FA7] =	sst s8  }
0x11: {  	[smem:$0x3FA8] =	sst s9;
	s0 =	simm.s32 @!p0 $0x0  }
0x12: {  	s1 =	sld [smem:$0x3F8E];
	s0 =	simm.s32 @p0 $0x1  }
0x13: {  	[smem:$0x3FA9] =	sst s0;
	s0 =	simm.s32 @!p1 $0x0  }
0x14: {  	s2 =	sld [smem:$0x3F8D];
	s0 =	simm.s32 @p1 $0x1  }
0x15: {  	[smem:$0x3FAA] =	sst s0;
	s0 =	simm.s32 @!p2 $0x0  }
0x16: {  	s3 =	sld [smem:$0x3FDB];
	s0 =	simm.s32 @p2 $0x1  }
0x17: {  	s4 =	simm.s32 $0x1BF5;
	[smem:$0x3FAC] =	sst s0  }
0x18: {  	s0 =	sld [smem:$0x3F8F];
	_ =	swait.ge [sflag:s4], $0x0  }
0x19: {  	s7 =	sld [smem:$0x3F90]  }
0x1a: {  	s8 =	sadd.s32 $0xFFFFE003, lr  }
0x1b: {  	s9 =	sadd.s32 $0xFFFFFEF7, lr;
	s5 =	simm.s32 $0xFFFFFFFF;
	p2 =	slt.u32 s8, $0xFFFFF086  }
0x1c: {  	p1 =	slt.u32 s9, $0xF7A;
	s5 =	simm.s32 @!p2 $0x0  }
0x1d: {  	s5 =	simm.s32 @p1 $0x1;
	p0 =	seq.s32 s7, s2  }
0x1e: {  	s7 =	smul.u32 @!p0 $0xF7A, s2;
	p2 =	seq.s32 @!p0 s5, $0x0  }
0x1f: {  	s9 =	smul.u32 $0xF7A, s1;
	s8 =	simm.s32 @!p0 $0x1BF5;
	p2 =	por !p2, p0  }
0x20: {  	[sflag:s8] =	ssyncset.s32 @!p0 $0xFFFFF086;
	s6 =	sadd.s32 @!p0 s3, s7;
	s7 =	simm.s32 @!p0 $0x108  }
0x21: {  	s3 =	sadd.s32 s3, s9;
	s6 =	sadd.s32 @!p0 $0x88, s6;
	s7 =	simm.s32 @p2 $0x1082  }
0x22: {  	[simem:s7], [sflag:s8] =	dma.local @!p0 [hbm:s6], $0xF7A  }
0x23: {  	s9 =	sor.u32 $0xD0000000, s2;
	s6 =	simm.s32 $0x108;
	_ =	swait.ge @!p0 [sflag:s8], $0x0  }
0x24: {  	s3 =	sadd.s32 $0x88, s3;
	s6 =	simm.s32 @!p1 $0x1082;
	[sflag:s4] =	ssyncset.s32 $0xFFFFF086  }
0x25: {  	[simem:s6], [sflag:s4] =	dma.local [hbm:s3], $0xF7A  }
0x26: {  	[smem:$0x3F90] =	sst s1;
	(tag) =	ssettag s2;
	_ =	strace s9  }
0x27: {  	s1 =	sld [smem:$0x3FA0]  }
0x28: {  	s2 =	sld [smem:$0x3FA1]  }
0x29: {  	s4 =	sld [smem:$0x3FA3]  }
0x2a: {  	p0 =	seq.s32 s5, $0x0;
	s5 =	sld [smem:$0x3FA4]  }
0x2b: {  	s6 =	sld [smem:$0x3FA5]  }
0x2c: {  	s7 =	sld [smem:$0x3FA6]  }
0x2d: {  	s3 =	simm.s32 $0x108;
	s8 =	sld [smem:$0x3FA7]  }
0x2e: {  	s3 =	simm.s32 @!p0 $0x1082;
	s9 =	sld [smem:$0x3FA8]  }
0x2f: {  	lr =	sadd.s32 s0, s3;
	s0 =	sld [smem:$0x3F9F]  }
0x30: {  	s3 =	sld [smem:$0x3FA2]  }
0x31: {  	[smem:$0x3FAB] =	sst s10  }
0x32: {  	s10 =	sld [smem:$0x3FA9];
	_ =	sdelay $0x3  }
0x33: {  	p0 =	seq.s32 s10, $0x1;
	s10 =	sld [smem:$0x3FAB];
	_ =	sdelay $0x3  }
0x34: {  	[smem:$0x3FAB] =	sst s10  }
0x35: {  	s10 =	sld [smem:$0x3FAA];
	_ =	sdelay $0x3  }
0x36: {  	p1 =	seq.s32 s10, $0x1;
	s10 =	sld [smem:$0x3FAB];
	_ =	sdelay $0x3  }
0x37: {  	[smem:$0x3FAB] =	sst s10  }
0x38: {  	s10 =	sld [smem:$0x3FAC]  }
0x39: {  	_ = 	snop;
	(pc) =	sbr.ind lr, $3  }
0x3a: {  	_ = 	snop  }
0x3b: {  	_ = 	snop  }
0x3c: {  	p2 =	seq.s32 s10, $0x1;
	s10 =	sld [smem:$0x3FAB]  }
0x3d: {  	_ =	shalt  }
0x3e: {  	_ =	shalt  }
0x3f: {  	_ =	shalt  }
0x40: {  	_ =	shalt  }
0x41: {  	_ =	shalt  }
0x42: {  	_ =	shalt  }
0x43: {  	_ =	shalt  }
0x44: {  	_ =	shalt  }
0x45: {  	_ =	shalt  }
0x46: {  	_ =	shalt  }
0x47: {  	_ =	shalt  }
0x48: {  	_ =	shalt  }
0x49: {  	_ =	shalt  }
0x4a: {  	_ =	shalt  }
0x4b: {  	_ =	shalt  }
0x4c: {  	_ =	shalt  }
0x4d: {  	_ =	shalt  }
0x4e: {  	_ =	shalt  }
0x4f: {  	_ =	shalt  }
0x50: {  	_ =	shalt  }
0x51: {  	_ =	shalt  }
0x52: {  	_ =	shalt  }
0x53: {  	_ =	shalt  }
0x54: {  	_ =	shalt  }
0x55: {  	_ =	shalt  }
0x56: {  	_ =	shalt  }
0x57: {  	_ =	shalt  }
0x58: {  	_ =	shalt  }
0x59: {  	_ =	shalt  }
0x5a: {  	_ =	shalt  }
0x5b: {  	_ =	shalt  }
0x5c: {  	_ =	shalt  }
0x5d: {  	_ =	shalt  }
0x5e: {  	_ =	shalt  }
0x5f: {  	_ =	shalt  }
0x60: {  	_ =	shalt  }
0x61: {  	_ =	shalt  }
0x62: {  	_ =	shalt  }
0x63: {  	_ =	shalt  }
0x64: {  	_ =	shalt  }
0x65: {  	_ =	shalt  }
0x66: {  	_ =	shalt  }
0x67: {  	_ =	shalt  }
0x68: {  	_ =	shalt  }
0x69: {  	_ =	shalt  }
0x6a: {  	_ =	shalt  }
0x6b: {  	_ =	shalt  }
0x6c: {  	_ =	shalt  }
0x6d: {  	_ =	shalt  }
0x6e: {  	_ =	shalt  }
0x6f: {  	_ =	shalt  }
0x70: {  	_ =	shalt  }
0x71: {  	_ =	shalt  }
0x72: {  	_ =	shalt  }
0x73: {  	_ =	shalt  }
0x74: {  	_ =	shalt  }
0x75: {  	_ =	shalt  }
0x76: {  	_ =	shalt  }
0x77: {  	_ =	shalt  }
0x78: {  	_ =	shalt  }
0x79: {  	_ =	shalt  }
0x7a: {  	_ =	shalt  }
0x7b: {  	_ =	shalt  }
0x7c: {  	_ =	shalt  }
0x7d: {  	_ =	shalt  }
0x7e: {  	_ =	shalt  }
0x7f: {  	_ =	shalt  }
0x80: {  	_ =	shalt  }
0x81: {  	_ =	shalt  }
0x82: {  	_ =	shalt  }
0x83: {  	_ =	shalt  }
0x84: {  	_ =	shalt  }
0x85: {  	_ =	shalt  }
0x86: {  	_ =	shalt  }
0x87: {  	_ =	shalt  }
.Lfunc_end0:
.L_simem_size_0:
called_computation_lowered:
.L_overlay_start_0:
0x88: {  	s2 =	sld [smem:$0x3FD9]  }
0x89: {  	s3 =	sld [smem:$0x3FFE];
	_ =	sdelay $0x1  }
0x8a: {  	s1 =	srdreg.scid  }
0x8b: {  	s0 =	sand.u32 $0x1, s1  }
0x8c: {  	s16 =	sshll.u32 s0, $0xA;
	s2 =	sadd.s32 s3, s2  }
0x8d: {  	s2 =	sadd.s32 s2, s16  }
0x8e: {  	[smem:$0x3FB7] =	sst s2  }
0x8f: {  	_ = 	snop  }
0x90: {  	(tm) =	ssettm $0x1  }
0x91: {  	s17 =	sld [smem:$0x3FFB];
	_ =	sdelay $0x3  }
0x92: {  	_ =	strace s17  }
0x93: {  	s2 =	sld [smem:$0x3FFC];
	_ =	sdelay $0x3  }
0x94: {  	_ =	strace s2  }
0x95: {  	s2 =	sld [smem:$0x3FFD];
	_ =	sdelay $0x3  }
0x96: {  	_ =	strace s2  }
0x97: {  	_ =	strace $0x8FFFFFFF  }
0x98: {  	s18 =	sld [smem:$0x3FDB];
	_ =	sdelay $0x1  }
0x99: {  	s19 =	simm.s32 $_scs_section_size  }
0x9a: {  	s4 =	simm.s32 $_size__tile_overlayer_lowered;
	s5 =	simm.s32 $_tile_overlayer_lowered  }
0x9b: {  	s22 =	simm.s32 $0x1BFF;
	s21 =	sshll.u32 s5, $0x1;
	s2 =	sadd.s32 s19, s18  }
0x9c: {  	s6 =	simm.s32 $0x0;
	s20 =	sshll.u32 s4, $0x1;
	s4 =	sadd.s32 s21, s2  }
0x9d: {  	[timem:s6], [sflag:s22] =	dma.local [hbm:s4], s20  }
0x9e: {  	_ =	swait.ge [sflag:s22], s20  }
0x9f: {  	s3 =	ssub.s32 $0x0, s20;
	[sflag:s22] =	ssyncset.done $0x0  }
0xa0: {  	[sflag:s22] =	ssyncadd.s32 s3;
	_ =	sdelay $0x1  }
0xa1: {  	s23 =	simm.s32 $0x1B8B  }
0xa2: {  	_ =	swait.ge [sflag:s23], $0x1  }
0xa3: {  	[sflag:s23] =	ssyncset.done $0x0  }
0xa4: {  	s25 =	simm.s32 $0x1B8E;
	s24 =	sld [smem:$0x3FFE];
	[sflag:s23] =	ssyncadd.s32 $0xFFFFFFFF  }
0xa5: {  	s26 =	simm.s32 $execute0_lowered;
	[smem:$0x3FD2] =	sst s25  }
0xa6: {  	s4 =	sshll.u32 s26, $0x1;
	_ =	strace $0x80000046;
	[dreg:$0x1] =	wrdreg $0xFFFFFFFF  }
0xa7: {  	s28 =	simm.s32 $_size_execute0_lowered;
	s2 =	sadd.s32 s2, s4;
	[dreg:$0x0] =	wrdreg $0x0  }
0xa8: {  	s4 =	sshll.u32 s28, $0x1;
	[dreg:$0x2] =	wrdreg s2  }
0xa9: {  	[dreg:$0x3] =	wrdreg s4  }
0xaa: {  	[dreg:$0x4] =	wrdreg $0xC0  }
0xab: {  	_ =	task [dreg:s6], $0x5FFFF  }
0xac: {  	[dreg:$0x1] =	wrdreg $0xFFFFFFFF  }
0xad: {  	[dreg:$0x0] =	wrdreg $0x60  }
0xae: {  	[dreg:$0x2] =	wrdreg s24  }
0xaf: {  	[dreg:$0x3] =	wrdreg $0x0  }
0xb0: {  	[dreg:$0x4] =	wrdreg $0x9  }
0xb1: {  	_ =	task.clear_ibuf [dreg:s6], $0x5FFFF;
	_ =	strace $0x90000046  }
0xb2: {  	s29 =	simm.s32 $0x9;
	_ =	strace $0x80000048  }
0xb3: {  	_ =	swait.ge [sflag:s29], $0x1  }
0xb4: {  	[sflag:s29] =	ssyncadd.s32 $0xFFFFFFFF  }
0xb5: {  	_ =	strace $0x90000048  }
0xb6: {  	_ =	sfence  }
0xb7: {  	s30 =	sld [smem:$0x0];
	_ =	sdelay $0x2  }
0xb8: {  	s31 =	sshll.u32 s1, $0xD;
	s1 =	sshrl.u32 s1, $0x2  }
0xb9: {  	s3 =	sand.u32 $0x4000, s31;
	s1 =	sadd.s32 s1, s30  }
0xba: {  	s0 =	sor.u32 s3, s0;
	s1 =	sshll.u32 s1, $0x11  }
0xbb: {  	s0 =	sor.u32 s1, s0  }
0xbc: {  	s0 =	sadd.s32 $0x8F2B, s0  }
0xbd: {  	[sflag:s0] =	ssyncadd.remote.s32 $0x1  }
0xbe: {  	_ =	sfence.sel $0xFFFF  }
0xbf: {  	[dreg:$0x0] =	wrdreg $0xFFFFFFFF;
	(pc) =	sbr.abs _section_cstart, $3  }
0xc0: {  	[dreg:$0x1] =	wrdreg $0xFFFFFFFF  }
0xc1: {  	_ =	task.clear_ibuf [dreg:s6], $0x2FFFF;
	_ =	strace $0x9FFFFFFF  }
0xc2: {  	(tm) =	ssettm $0x7FFFFFFF  }
0xc3: {  	_ =	shalt  }
tec
execute0_lowered:
.L_overlay_start_1:
0x0: {  	(tag) =	ssettag $0x1  }
0x1: {  	s0 =	rddreg [dreg:$0x0]  }
0x2: {  	s2 =	rddreg [dreg:$0x1];
	s3 =	simm.s32 $0x0;
	s13 =	stileid.u32  }
0x3: {  	s4 =	srdreg.scid;
	s14 =	simm.s32 $0x3;
	s15 =	simm.s32 $0xC800  }
0x4: {  	s16 =	simm.s32 $0xCB20;
	s17 =	simm.s32 $0x50;
	s28 =	simm.s32 $0xC990  }
0x5: {  	s29 =	simm.s32 $0xCCB0;
	s30 =	simm.s32 $0x14B40;
	s31 =	simm.s32 $0xCA80  }
0x6: {  	[smem:$0x7FF] =	sst s3;
	s1 =	smul.u32 $0xC800, s13;
	s5 =	sand.u32 $0x1, s4  }
0x7: {  	s4 =	sadd.s32 $0x2A000, s0;
	s8 =	sadd.s32 $0x16600, s0;
	s9 =	sadd.s32 $0x2C00, s0  }
0x8: {  	s11 =	sshll.u32 s13, $0x1;
	s20 =	sshll.u32 s13, $0x6;
	s21 =	smul.u32 $0x1388, s13  }
0x9: {  	s13 =	simm.s32 $0xC8A0;
	_ =	strace $0x80000047;
	s7 =	smul.u32 $0xC8000, s5  }
0xa: {  	s10 =	ssub.s32 $0x2, s5;
	s11 =	sor.u32 s5, s11;
	s5 =	smul.u32 $0x9C4, s5  }
0xb: {  	s6 =	sshrl.u32 s1, $0x3;
	s12 =	sshrl.u32 s10, $0x1;
	s19 =	smul.u32 $0x9C4, s11  }
0xc: {  	s11 =	smul.u32 $0x4E20, s11;
	s24 =	sadd.s32 s21, s8;
	s6 =	sadd.s32 s6, s0  }
0xd: {  	s7 =	sadd.s32 s1, s7;
	s18 =	ssub.s32 s10, s12;
	s1 =	sadd.s32 s1, s2  }
0xe: {  	s12 =	sor.u32 $0x1C03, s20;
	s25 =	sadd.s32 s5, s24;
	s20 =	simm.s32 $0xE740  }
0xf: {  	s24 =	simm.s32 $0x11940;
	s7 =	sshrl.u32 s7, $0x3;
	s6 =	sadd.s32 $0x42800, s6  }
0x10: {  	s22 =	sadd.s32 s8, s19;
	s11 =	sshrl.u32 s11, $0x3;
	[dreg:$0x3] =	wrdreg s25  }
0x11: {  	s10 =	sadd.s32 s9, s19;
	s26 =	smax.u32 s18, $0x1;
	[dreg:$0x6] =	wrdreg s12  }
0x12: {  	s18 =	simm.s32 $0xCE40;
	s19 =	simm.s32 $0xC8F0;
	[dreg:$0x5] =	wrdreg s6  }
0x13: {  	s25 =	simm.s32 $0xC9E0;
	s0 =	sadd.s32 s7, s0;
	[dreg:$0x7] =	wrdreg s22  }
0x14: {  	[dreg:$0x8] =	wrdreg s10;
	s23 =	sadd.s32 $0x32, s11;
	s6 =	sadd.s32 s21, s9  }
0x15: {  	[dreg:$0xc] =	wrdreg s26;
	s7 =	sshrl.u32 s1, $0x3;
	s22 =	simm.s32 $0x10040  }
0x16: {  	s26 =	simm.s32 $0x13240;
	s1 =	simm.s32 $0xCA30;
	s10 =	simm.s32 $0x1AF40  }
0x17: {  	s11 =	simm.s32 $0x1;
	s8 =	sadd.s32 s8, s23;
	[dreg:$0xd] =	wrdreg s7  }
0x18: {  	s21 =	simm.s32 $0x2;
	s9 =	sadd.s32 s9, s23;
	[dreg:$0x9] =	wrdreg s8  }
0x19: {  	s5 =	sadd.s32 s5, s6;
	s0 =	sadd.s32 $0x5B800, s0;
	[dreg:$0xa] =	wrdreg s9  }
0x1a: {  	s23 =	simm.s32 $0xC940;
	s6 =	simm.s32 $0x0;
	[dreg:$0xb] =	wrdreg s0  }
0x1b: {  	[dreg:$0x4] =	wrdreg s5;
	s9 =	simm.s32 $0xC850;
	s0 =	simm.s32 $0x16440  }
0x1c: {  	s5 =	simm.s32 $0x17D40;
	s8 =	simm.s32 $0x19640;
	[dreg:$0xe] =	wrdreg s6  }
.LBB2_1:
0x1d: {  	s6 =	rddreg [dreg:$0x5]  }
0x1e: {  	[spmem:s7], [sflag:s12] =	dma.local [hbm:s6], $0x1900  }
0x1f: {  	_ =	swait.ge [sflag:s14], $0x1900  }
0x20: {  	[sflag:s14] =	ssyncset.done $0x0  }
0x21: {  	[sflag:s14] =	ssyncadd.s32 $0xFFFFE700  }
0x22: {  	[bflag:$0x0] =	sbarrier.arrive $0xFFFF  }
0x23: {  	s7 =	rddreg [dreg:$0x7]  }
0x24: {  	[tilespmem:s15], [sflag:$0x3] =	stream.linear.gather [hbm4b:s7+s3], $0x190, $0x38;
	[tilespmem:$0x1C840] =	vst v63  }
0x25: {  	_ =	swait.ge [sflag:s14], $0x190  }
0x26: {  	[sflag:s14] =	ssyncset.done $0x0  }
0x27: {  	s12 =	rddreg [dreg:$0x8];
	[sflag:s14] =	ssyncadd.s32 $0xFFFFFE70  }
0x28: {  	[tilespmem:s16], [sflag:$0x3] =	stream.linear.gather [hbm4b:s12+s3], $0x190, $0x38;
	[tilespmem:$0x1C840] =	vst v63  }
0x29: {  	_ =	swait.ge [sflag:s14], $0x190  }
0x2a: {  	[sflag:s14] =	ssyncset.done $0x0  }
0x2b: {  	[sflag:s14] =	ssyncadd.s32 $0xFFFFFE70  }
0x2c: {  	[tilespmem:s18], [sflag:$0x1] =	stream.indirect.gather [hbm4b:s4+s17], $0x50, s15, s17, $0xb8;
	[tilespmem:$0x1C840] =	vst v63  }
0x2d: {  	_ = 	snop  }
0x2e: {  	[tilespmem:s20], [sflag:$0x1] =	stream.indirect.gather [hbm4b:s4+s17], $0x50, s9, s17, $0xb8;
	[tilespmem:$0x1C840] =	vst v63  }
0x2f: {  	_ = 	snop  }
0x30: {  	[tilespmem:s22], [sflag:$0x1] =	stream.indirect.gather [hbm4b:s4+s17], $0x50, s13, s17, $0xb8;
	[tilespmem:$0x1C840] =	vst v63  }
0x31: {  	_ = 	snop  }
0x32: {  	[tilespmem:s24], [sflag:$0x1] =	stream.indirect.gather [hbm4b:s4+s17], $0x50, s19, s17, $0xb8;
	[tilespmem:$0x1C840] =	vst v63  }
0x33: {  	_ = 	snop  }
0x34: {  	[tilespmem:s26], [sflag:$0x1] =	stream.indirect.gather [hbm4b:s4+s17], $0x50, s23, s17, $0xb8;
	[tilespmem:$0x1C840] =	vst v63  }
0x35: {  	s19 =	rddreg [dreg:$0x9]  }
0x36: {  	[tilespmem:s28], [sflag:$0x3] =	stream.linear.gather [hbm4b:s19+s3], $0x190, $0x38;
	[tilespmem:$0x1C840] =	vst v63  }
0x37: {  	_ =	swait.ge [sflag:s14], $0x190  }
0x38: {  	[sflag:s14] =	ssyncset.done $0x0  }
0x39: {  	s23 =	rddreg [dreg:$0xa];
	[sflag:s14] =	ssyncadd.s32 $0xFFFFFE70  }
0x3a: {  	[tilespmem:s29], [sflag:$0x3] =	stream.linear.gather [hbm4b:s23+s3], $0x190, $0x38;
	[tilespmem:$0x1C840] =	vst v63  }
0x3b: {  	_ =	swait.ge [sflag:s14], $0x190  }
0x3c: {  	[sflag:s14] =	ssyncset.done $0x0  }
0x3d: {  	[sflag:s14] =	ssyncadd.s32 $0xFFFFFE70  }
0x3e: {  	[tilespmem:s30], [sflag:$0x2] =	stream.indirect.gather [hbm4b:s4+s17], $0x50, s28, s17, $0xb8;
	[tilespmem:$0x1C840] =	vst v63  }
0x3f: {  	_ = 	snop  }
0x40: {  	[tilespmem:s0], [sflag:$0x2] =	stream.indirect.gather [hbm4b:s4+s17], $0x50, s25, s17, $0xb8;
	[tilespmem:$0x1C840] =	vst v63  }
0x41: {  	_ = 	snop  }
0x42: {  	[tilespmem:s5], [sflag:$0x2] =	stream.indirect.gather [hbm4b:s4+s17], $0x50, s1, s17, $0xb8;
	[tilespmem:$0x1C840] =	vst v63  }
0x43: {  	_ = 	snop  }
0x44: {  	[tilespmem:s8], [sflag:$0x2] =	stream.indirect.gather [hbm4b:s4+s17], $0x50, s31, s17, $0xb8;
	[tilespmem:$0x1C840] =	vst v63  }
0x45: {  	s7 =	simm.s32 $0xCAD0  }
0x46: {  	[tilespmem:s10], [sflag:$0x2] =	stream.indirect.gather [hbm4b:s4+s17], $0x50, s7, s17, $0xb8;
	[tilespmem:$0x1C840] =	vst v63  }
0x47: {  	_ =	swait.ge [sflag:s11], $0x1900  }
0x48: {  	[sflag:s11] =	ssyncset.done $0x0  }
0x49: {  	[sflag:s11] =	ssyncadd.s32 $0xFFFFE700  }
0x4a: {  	[spmem:s2] =	stream.indirect.scatter.add.f32 [tilespmem:s18], [sflag:$0x3], $0x50, s16, s17, $0xb8;
	[tilespmem:$0x1C840] =	vst v63  }
0x4b: {  	_ =	swait.ge [sflag:s14], $0x1900  }
0x4c: {  	[sflag:s14] =	ssyncset.done $0x0  }
0x4d: {  	[sflag:s14] =	ssyncadd.s32 $0xFFFFE700  }
0x4e: {  	_ =	swait.ge [sflag:s11], $0x1900  }
0x4f: {  	[sflag:s11] =	ssyncset.done $0x0  }
0x50: {  	s9 =	simm.s32 $0xCB70;
	[sflag:s11] =	ssyncadd.s32 $0xFFFFE700  }
0x51: {  	[spmem:s2] =	stream.indirect.scatter.add.f32 [tilespmem:s20], [sflag:$0x3], $0x50, s9, s17, $0xb8;
	[tilespmem:$0x1C840] =	vst v63  }
0x52: {  	_ =	swait.ge [sflag:s14], $0x1900  }
0x53: {  	[sflag:s14] =	ssyncset.done $0x0  }
0x54: {  	[sflag:s14] =	ssyncadd.s32 $0xFFFFE700  }
0x55: {  	_ =	swait.ge [sflag:s11], $0x1900  }
0x56: {  	[sflag:s11] =	ssyncset.done $0x0  }
0x57: {  	s12 =	simm.s32 $0xCBC0;
	[sflag:s11] =	ssyncadd.s32 $0xFFFFE700  }
0x58: {  	[spmem:s2] =	stream.indirect.scatter.add.f32 [tilespmem:s22], [sflag:$0x3], $0x50, s12, s17, $0xb8;
	[tilespmem:$0x1C840] =	vst v63  }
0x59: {  	_ =	swait.ge [sflag:s14], $0x1900  }
0x5a: {  	[sflag:s14] =	ssyncset.done $0x0  }
0x5b: {  	[sflag:s14] =	ssyncadd.s32 $0xFFFFE700  }
0x5c: {  	_ =	swait.ge [sflag:s11], $0x1900  }
0x5d: {  	[sflag:s11] =	ssyncset.done $0x0  }
0x5e: {  	s13 =	simm.s32 $0xCC10;
	[sflag:s11] =	ssyncadd.s32 $0xFFFFE700  }
0x5f: {  	[spmem:s2] =	stream.indirect.scatter.add.f32 [tilespmem:s24], [sflag:$0x3], $0x50, s13, s17, $0xb8;
	[tilespmem:$0x1C840] =	vst v63  }
0x60: {  	_ =	swait.ge [sflag:s14], $0x1900  }
0x61: {  	[sflag:s14] =	ssyncset.done $0x0  }
0x62: {  	[sflag:s14] =	ssyncadd.s32 $0xFFFFE700  }
0x63: {  	_ =	swait.ge [sflag:s11], $0x1900  }
0x64: {  	[sflag:s11] =	ssyncset.done $0x0  }
0x65: {  	s19 =	simm.s32 $0xCC60;
	[sflag:s11] =	ssyncadd.s32 $0xFFFFE700  }
0x66: {  	[spmem:s2] =	stream.indirect.scatter.add.f32 [tilespmem:s26], [sflag:$0x3], $0x50, s19, s17, $0xb8;
	[tilespmem:$0x1C840] =	vst v63  }
0x67: {  	_ =	swait.ge [sflag:s14], $0x1900  }
0x68: {  	s23 =	rddreg [dreg:$0x3]  }
0x69: {  	[sflag:s14] =	ssyncset.done $0x0;
	s7 =	sadd.s32 $0x0, s23  }
0x6a: {  	[sflag:s14] =	ssyncadd.s32 $0xFFFFE700;
	s25 =	sadd.s32 $0x64, s7  }
0x6b: {  	[tilespmem:s15], [sflag:$0x3] =	stream.linear.gather [hbm4b:s25+s3], $0x190, $0x38;
	[tilespmem:$0x1C840] =	vst v63  }
0x6c: {  	_ =	swait.ge [sflag:s14], $0x190  }
0x6d: {  	s12 =	rddreg [dreg:$0x4]  }
0x6e: {  	[sflag:s14] =	ssyncset.done $0x0;
	s9 =	sadd.s32 $0x0, s12  }
0x6f: {  	[sflag:s14] =	ssyncadd.s32 $0xFFFFFE70;
	s25 =	sadd.s32 $0x64, s9  }
0x70: {  	[tilespmem:s16], [sflag:$0x3] =	stream.linear.gather [hbm4b:s25+s3], $0x190, $0x38;
	[tilespmem:$0x1C840] =	vst v63  }
0x71: {  	_ =	swait.ge [sflag:s14], $0x190  }
0x72: {  	[sflag:s14] =	ssyncset.done $0x0  }
0x73: {  	[sflag:s14] =	ssyncadd.s32 $0xFFFFFE70  }
0x74: {  	[tilespmem:s18], [sflag:$0x1] =	stream.indirect.gather [hbm4b:s4+s17], $0x50, s15, s17, $0xb8;
	[tilespmem:$0x1C840] =	vst v63  }
0x75: {  	s13 =	simm.s32 $0xC850  }
0x76: {  	[tilespmem:s20], [sflag:$0x1] =	stream.indirect.gather [hbm4b:s4+s17], $0x50, s13, s17, $0xb8;
	[tilespmem:$0x1C840] =	vst v63  }
0x77: {  	s6 =	simm.s32 $0xC8A0  }
0x78: {  	[tilespmem:s22], [sflag:$0x1] =	stream.indirect.gather [hbm4b:s4+s17], $0x50, s6, s17, $0xb8;
	[tilespmem:$0x1C840] =	vst v63  }
0x79: {  	s19 =	simm.s32 $0xC8F0  }
0x7a: {  	[tilespmem:s24], [sflag:$0x1] =	stream.indirect.gather [hbm4b:s4+s17], $0x50, s19, s17, $0xb8;
	[tilespmem:$0x1C840] =	vst v63  }
0x7b: {  	s1 =	simm.s32 $0xC940  }
0x7c: {  	[tilespmem:s26], [sflag:$0x1] =	stream.indirect.gather [hbm4b:s4+s17], $0x50, s1, s17, $0xb8;
	[tilespmem:$0x1C840] =	vst v63  }
0x7d: {  	_ =	swait.ge [sflag:s21], $0x1900  }
0x7e: {  	[sflag:s21] =	ssyncset.done $0x0  }
0x7f: {  	[sflag:s21] =	ssyncadd.s32 $0xFFFFE700  }
0x80: {  	[spmem:s2] =	stream.indirect.scatter.add.f32 [tilespmem:s30], [sflag:$0x3], $0x50, s29, s17, $0xb8;
	[tilespmem:$0x1C840] =	vst v63  }
0x81: {  	_ =	swait.ge [sflag:s14], $0x1900  }
0x82: {  	[sflag:s14] =	ssyncset.done $0x0  }
0x83: {  	[sflag:s14] =	ssyncadd.s32 $0xFFFFE700  }
0x84: {  	_ =	swait.ge [sflag:s21], $0x1900  }
0x85: {  	[sflag:s21] =	ssyncset.done $0x0  }
0x86: {  	s1 =	simm.s32 $0xCD00;
	[sflag:s21] =	ssyncadd.s32 $0xFFFFE700  }
0x87: {  	[spmem:s2] =	stream.indirect.scatter.add.f32 [tilespmem:s0], [sflag:$0x3], $0x50, s1, s17, $0xb8;
	[tilespmem:$0x1C840] =	vst v63  }
0x88: {  	_ =	swait.ge [sflag:s14], $0x1900  }
0x89: {  	[sflag:s14] =	ssyncset.done $0x0  }
0x8a: {  	[sflag:s14] =	ssyncadd.s32 $0xFFFFE700  }
0x8b: {  	_ =	swait.ge [sflag:s21], $0x1900  }
0x8c: {  	[sflag:s21] =	ssyncset.done $0x0  }
0x8d: {  	s12 =	simm.s32 $0xCD50;
	[sflag:s21] =	ssyncadd.s32 $0xFFFFE700  }
0x8e: {  	[spmem:s2] =	stream.indirect.scatter.add.f32 [tilespmem:s5], [sflag:$0x3], $0x50, s12, s17, $0xb8;
	[tilespmem:$0x1C840] =	vst v63  }
0x8f: {  	_ =	swait.ge [sflag:s14], $0x1900  }
0x90: {  	[sflag:s14] =	ssyncset.done $0x0  }
0x91: {  	[sflag:s14] =	ssyncadd.s32 $0xFFFFE700  }
0x92: {  	_ =	swait.ge [sflag:s21], $0x1900  }
0x93: {  	[sflag:s21] =	ssyncset.done $0x0  }
0x94: {  	s19 =	simm.s32 $0xCDA0;
	[sflag:s21] =	ssyncadd.s32 $0xFFFFE700  }
0x95: {  	[spmem:s2] =	stream.indirect.scatter.add.f32 [tilespmem:s8], [sflag:$0x3], $0x50, s19, s17, $0xb8;
	[tilespmem:$0x1C840] =	vst v63  }
0x96: {  	_ =	swait.ge [sflag:s14], $0x1900  }
0x97: {  	[sflag:s14] =	ssyncset.done $0x0  }
0x98: {  	[sflag:s14] =	ssyncadd.s32 $0xFFFFE700  }
0x99: {  	_ =	swait.ge [sflag:s21], $0x1900  }
0x9a: {  	[sflag:s21] =	ssyncset.done $0x0  }
0x9b: {  	s1 =	simm.s32 $0xCDF0;
	[sflag:s21] =	ssyncadd.s32 $0xFFFFE700  }
0x9c: {  	[spmem:s2] =	stream.indirect.scatter.add.f32 [tilespmem:s10], [sflag:$0x3], $0x50, s1, s17, $0xb8;
	[tilespmem:$0x1C840] =	vst v63  }
0x9d: {  	_ =	swait.ge [sflag:s14], $0x1900  }
0x9e: {  	[sflag:s14] =	ssyncset.done $0x0  }
0x9f: {  	s7 =	sadd.s32 $0x96, s7;
	[sflag:s14] =	ssyncadd.s32 $0xFFFFE700  }
0xa0: {  	[tilespmem:s28], [sflag:$0x3] =	stream.linear.gather [hbm4b:s7+s3], $0x190, $0x38;
	[tilespmem:$0x1C840] =	vst v63  }
0xa1: {  	_ =	swait.ge [sflag:s14], $0x190  }
0xa2: {  	[sflag:s14] =	ssyncset.done $0x0  }
0xa3: {  	s6 =	sadd.s32 $0x96, s9;
	[sflag:s14] =	ssyncadd.s32 $0xFFFFFE70  }
0xa4: {  	[tilespmem:s29], [sflag:$0x3] =	stream.linear.gather [hbm4b:s6+s3], $0x190, $0x38;
	[tilespmem:$0x1C840] =	vst v63  }
0xa5: {  	_ =	swait.ge [sflag:s14], $0x190  }
0xa6: {  	[sflag:s14] =	ssyncset.done $0x0  }
0xa7: {  	s31 =	simm.s32 $0xC8F0;
	[sflag:s14] =	ssyncadd.s32 $0xFFFFFE70  }
0xa8: {  	[tilespmem:s30], [sflag:$0x2] =	stream.indirect.gather [hbm4b:s4+s17], $0x50, s28, s17, $0xb8;
	[tilespmem:$0x1C840] =	vst v63  }
0xa9: {  	s23 =	simm.s32 $0xCA30;
	s25 =	simm.s32 $0xC8A0;
	s9 =	simm.s32 $0xC9E0  }
0xaa: {  	[tilespmem:s0], [sflag:$0x2] =	stream.indirect.gather [hbm4b:s4+s17], $0x50, s9, s17, $0xb8;
	[tilespmem:$0x1C840] =	vst v63  }
0xab: {  	s13 =	simm.s32 $0xC940;
	s12 =	simm.s32 $0xCA80;
	s19 =	simm.s32 $0xCA30  }
0xac: {  	[tilespmem:s5], [sflag:$0x2] =	stream.indirect.gather [hbm4b:s4+s17], $0x50, s23, s17, $0xb8;
	[tilespmem:$0x1C840] =	vst v63  }
0xad: {  	s1 =	simm.s32 $0xC9E0;
	s7 =	simm.s32 $0x64;
	s23 =	simm.s32 $0xCA80  }
0xae: {  	[tilespmem:s8], [sflag:$0x2] =	stream.indirect.gather [hbm4b:s4+s17], $0x50, s12, s17, $0xb8;
	[tilespmem:$0x1C840] =	vst v63  }
.LBB2_2:
0xaf: {  	s6 =	simm.s32 $0xCAD0  }
0xb0: {  	[tilespmem:s10], [sflag:$0x2] =	stream.indirect.gather [hbm4b:s4+s17], $0x50, s6, s17, $0xb8;
	[tilespmem:$0x1C840] =	vst v63  }
0xb1: {  	_ =	swait.ge [sflag:s11], $0x1900  }
0xb2: {  	[sflag:s11] =	ssyncset.done $0x0  }
0xb3: {  	[sflag:s11] =	ssyncadd.s32 $0xFFFFE700  }
0xb4: {  	[spmem:s2] =	stream.indirect.scatter.add.f32 [tilespmem:s18], [sflag:$0x3], $0x50, s16, s17, $0xb8;
	[tilespmem:$0x1C840] =	vst v63  }
0xb5: {  	_ =	swait.ge [sflag:s14], $0x1900  }
0xb6: {  	[sflag:s14] =	ssyncset.done $0x0  }
0xb7: {  	[sflag:s14] =	ssyncadd.s32 $0xFFFFE700  }
0xb8: {  	_ =	swait.ge [sflag:s11], $0x1900  }
0xb9: {  	[sflag:s11] =	ssyncset.done $0x0  }
0xba: {  	s9 =	simm.s32 $0xCB70;
	[sflag:s11] =	ssyncadd.s32 $0xFFFFE700  }
0xbb: {  	[spmem:s2] =	stream.indirect.scatter.add.f32 [tilespmem:s20], [sflag:$0x3], $0x50, s9, s17, $0xb8;
	[tilespmem:$0x1C840] =	vst v63  }
0xbc: {  	_ =	swait.ge [sflag:s14], $0x1900  }
0xbd: {  	[sflag:s14] =	ssyncset.done $0x0  }
0xbe: {  	[sflag:s14] =	ssyncadd.s32 $0xFFFFE700  }
0xbf: {  	_ =	swait.ge [sflag:s11], $0x1900  }
0xc0: {  	[sflag:s11] =	ssyncset.done $0x0  }
0xc1: {  	s9 =	simm.s32 $0xCBC0;
	[sflag:s11] =	ssyncadd.s32 $0xFFFFE700  }
0xc2: {  	[spmem:s2] =	stream.indirect.scatter.add.f32 [tilespmem:s22], [sflag:$0x3], $0x50, s9, s17, $0xb8;
	[tilespmem:$0x1C840] =	vst v63  }
0xc3: {  	_ =	swait.ge [sflag:s14], $0x1900  }
0xc4: {  	[sflag:s14] =	ssyncset.done $0x0  }
0xc5: {  	[sflag:s14] =	ssyncadd.s32 $0xFFFFE700  }
0xc6: {  	_ =	swait.ge [sflag:s11], $0x1900  }
0xc7: {  	[sflag:s11] =	ssyncset.done $0x0  }
0xc8: {  	s9 =	simm.s32 $0xCC10;
	[sflag:s11] =	ssyncadd.s32 $0xFFFFE700  }
0xc9: {  	[spmem:s2] =	stream.indirect.scatter.add.f32 [tilespmem:s24], [sflag:$0x3], $0x50, s9, s17, $0xb8;
	[tilespmem:$0x1C840] =	vst v63  }
0xca: {  	_ =	swait.ge [sflag:s14], $0x1900  }
0xcb: {  	[sflag:s14] =	ssyncset.done $0x0  }
0xcc: {  	[sflag:s14] =	ssyncadd.s32 $0xFFFFE700  }
0xcd: {  	_ =	swait.ge [sflag:s11], $0x1900  }
0xce: {  	[sflag:s11] =	ssyncset.done $0x0  }
0xcf: {  	s9 =	simm.s32 $0xCC60;
	[sflag:s11] =	ssyncadd.s32 $0xFFFFE700  }
0xd0: {  	[spmem:s2] =	stream.indirect.scatter.add.f32 [tilespmem:s26], [sflag:$0x3], $0x50, s9, s17, $0xb8;
	[tilespmem:$0x1C840] =	vst v63  }
0xd1: {  	_ =	swait.ge [sflag:s14], $0x1900  }
0xd2: {  	s12 =	smov.u32 s7;
	s9 =	rddreg [dreg:$0x3]  }
0xd3: {  	[sflag:s14] =	ssyncset.done $0x0;
	s9 =	sadd.s32 s12, s9  }
0xd4: {  	[sflag:s14] =	ssyncadd.s32 $0xFFFFE700;
	s6 =	sadd.s32 $0x64, s9  }
0xd5: {  	[tilespmem:s15], [sflag:$0x3] =	stream.linear.gather [hbm4b:s6+s3], $0x190, $0x38;
	[tilespmem:$0x1C840] =	vst v63  }
0xd6: {  	_ =	swait.ge [sflag:s14], $0x190  }
0xd7: {  	s6 =	rddreg [dreg:$0x4]  }
0xd8: {  	[sflag:s14] =	ssyncset.done $0x0;
	s12 =	sadd.s32 s12, s6  }
0xd9: {  	[sflag:s14] =	ssyncadd.s32 $0xFFFFFE70;
	s6 =	sadd.s32 $0x64, s12  }
0xda: {  	[tilespmem:s16], [sflag:$0x3] =	stream.linear.gather [hbm4b:s6+s3], $0x190, $0x38;
	[tilespmem:$0x1C840] =	vst v63  }
0xdb: {  	_ =	swait.ge [sflag:s14], $0x190  }
0xdc: {  	[sflag:s14] =	ssyncset.done $0x0  }
0xdd: {  	[sflag:s14] =	ssyncadd.s32 $0xFFFFFE70  }
0xde: {  	[tilespmem:s18], [sflag:$0x1] =	stream.indirect.gather [hbm4b:s4+s17], $0x50, s15, s17, $0xb8;
	[tilespmem:$0x1C840] =	vst v63  }
0xdf: {  	s6 =	simm.s32 $0xC850  }
0xe0: {  	[tilespmem:s20], [sflag:$0x1] =	stream.indirect.gather [hbm4b:s4+s17], $0x50, s6, s17, $0xb8;
	[tilespmem:$0x1C840] =	vst v63  }
0xe1: {  	_ = 	snop  }
0xe2: {  	[tilespmem:s22], [sflag:$0x1] =	stream.indirect.gather [hbm4b:s4+s17], $0x50, s25, s17, $0xb8;
	[tilespmem:$0x1C840] =	vst v63  }
0xe3: {  	_ = 	snop  }
0xe4: {  	[tilespmem:s24], [sflag:$0x1] =	stream.indirect.gather [hbm4b:s4+s17], $0x50, s31, s17, $0xb8;
	[tilespmem:$0x1C840] =	vst v63  }
0xe5: {  	_ = 	snop  }
0xe6: {  	[tilespmem:s26], [sflag:$0x1] =	stream.indirect.gather [hbm4b:s4+s17], $0x50, s13, s17, $0xb8;
	[tilespmem:$0x1C840] =	vst v63  }
0xe7: {  	_ =	swait.ge [sflag:s21], $0x1900  }
0xe8: {  	[sflag:s21] =	ssyncset.done $0x0  }
0xe9: {  	[sflag:s21] =	ssyncadd.s32 $0xFFFFE700  }
0xea: {  	[spmem:s2] =	stream.indirect.scatter.add.f32 [tilespmem:s30], [sflag:$0x3], $0x50, s29, s17, $0xb8;
	[tilespmem:$0x1C840] =	vst v63  }
0xeb: {  	_ =	swait.ge [sflag:s14], $0x1900  }
0xec: {  	[sflag:s14] =	ssyncset.done $0x0  }
0xed: {  	[sflag:s14] =	ssyncadd.s32 $0xFFFFE700  }
0xee: {  	_ =	swait.ge [sflag:s21], $0x1900  }
0xef: {  	[sflag:s21] =	ssyncset.done $0x0  }
0xf0: {  	s6 =	simm.s32 $0xCD00;
	[sflag:s21] =	ssyncadd.s32 $0xFFFFE700  }
0xf1: {  	[spmem:s2] =	stream.indirect.scatter.add.f32 [tilespmem:s0], [sflag:$0x3], $0x50, s6, s17, $0xb8;
	[tilespmem:$0x1C840] =	vst v63  }
0xf2: {  	_ =	swait.ge [sflag:s14], $0x1900  }
0xf3: {  	[sflag:s14] =	ssyncset.done $0x0  }
0xf4: {  	[sflag:s14] =	ssyncadd.s32 $0xFFFFE700  }
0xf5: {  	_ =	swait.ge [sflag:s21], $0x1900  }
0xf6: {  	[sflag:s21] =	ssyncset.done $0x0  }
0xf7: {  	s6 =	simm.s32 $0xCD50;
	[sflag:s21] =	ssyncadd.s32 $0xFFFFE700  }
0xf8: {  	[spmem:s2] =	stream.indirect.scatter.add.f32 [tilespmem:s5], [sflag:$0x3], $0x50, s6, s17, $0xb8;
	[tilespmem:$0x1C840] =	vst v63  }
0xf9: {  	_ =	swait.ge [sflag:s14], $0x1900  }
0xfa: {  	[sflag:s14] =	ssyncset.done $0x0  }
0xfb: {  	[sflag:s14] =	ssyncadd.s32 $0xFFFFE700  }
0xfc: {  	_ =	swait.ge [sflag:s21], $0x1900  }
0xfd: {  	[sflag:s21] =	ssyncset.done $0x0  }
0xfe: {  	s6 =	simm.s32 $0xCDA0;
	[sflag:s21] =	ssyncadd.s32 $0xFFFFE700  }
0xff: {  	[spmem:s2] =	stream.indirect.scatter.add.f32 [tilespmem:s8], [sflag:$0x3], $0x50, s6, s17, $0xb8;
	[tilespmem:$0x1C840] =	vst v63  }
0x100: {  	_ =	swait.ge [sflag:s14], $0x1900  }
0x101: {  	[sflag:s14] =	ssyncset.done $0x0  }
0x102: {  	[sflag:s14] =	ssyncadd.s32 $0xFFFFE700  }
0x103: {  	_ =	swait.ge [sflag:s21], $0x1900  }
0x104: {  	[sflag:s21] =	ssyncset.done $0x0  }
0x105: {  	s6 =	simm.s32 $0xCDF0;
	[sflag:s21] =	ssyncadd.s32 $0xFFFFE700  }
0x106: {  	[spmem:s2] =	stream.indirect.scatter.add.f32 [tilespmem:s10], [sflag:$0x3], $0x50, s6, s17, $0xb8;
	[tilespmem:$0x1C840] =	vst v63  }
0x107: {  	_ =	swait.ge [sflag:s14], $0x1900  }
0x108: {  	[sflag:s14] =	ssyncset.done $0x0  }
0x109: {  	s9 =	sadd.s32 $0x96, s9;
	[sflag:s14] =	ssyncadd.s32 $0xFFFFE700  }
0x10a: {  	[tilespmem:s28], [sflag:$0x3] =	stream.linear.gather [hbm4b:s9+s3], $0x190, $0x38;
	[tilespmem:$0x1C840] =	vst v63  }
0x10b: {  	_ =	swait.ge [sflag:s14], $0x190  }
0x10c: {  	[sflag:s14] =	ssyncset.done $0x0  }
0x10d: {  	s12 =	sadd.s32 $0x96, s12;
	[sflag:s14] =	ssyncadd.s32 $0xFFFFFE70  }
0x10e: {  	[tilespmem:s29], [sflag:$0x3] =	stream.linear.gather [hbm4b:s12+s3], $0x190, $0x38;
	[tilespmem:$0x1C840] =	vst v63  }
0x10f: {  	_ =	swait.ge [sflag:s14], $0x190  }
0x110: {  	[sflag:s14] =	ssyncset.done $0x0  }
0x111: {  	[sflag:s14] =	ssyncadd.s32 $0xFFFFFE70  }
0x112: {  	[tilespmem:s30], [sflag:$0x2] =	stream.indirect.gather [hbm4b:s4+s17], $0x50, s28, s17, $0xb8;
	[tilespmem:$0x1C840] =	vst v63  }
0x113: {  	p0 =	sne.s32 s7, $0x8FC  }
0x114: {  	[tilespmem:s0], [sflag:$0x2] =	stream.indirect.gather [hbm4b:s4+s17], $0x50, s1, s17, $0xb8;
	[tilespmem:$0x1C840] =	vst v63  }
.Ltmp0:
0x115: {  	_ = 	snop;
	(pc) =	sbr.rel @p0 .LBB2_2-.Ltmp0, $4  }
0x116: {  	_ = 	snop  }
0x117: {  	[tilespmem:s5], [sflag:$0x2] =	stream.indirect.gather [hbm4b:s4+s17], $0x50, s19, s17, $0xb8;
	[tilespmem:$0x1C840] =	vst v63  }
0x118: {  	s7 =	sadd.s32 $0x64, s7  }
0x119: {  	[tilespmem:s8], [sflag:$0x2] =	stream.indirect.gather [hbm4b:s4+s17], $0x50, s23, s17, $0xb8;
	[tilespmem:$0x1C840] =	vst v63  }
0x11a: {  	s1 =	simm.s32 $0xCAD0  }
0x11b: {  	[tilespmem:s10], [sflag:$0x2] =	stream.indirect.gather [hbm4b:s4+s17], $0x50, s1, s17, $0xb8;
	[tilespmem:$0x1C840] =	vst v63  }
0x11c: {  	_ =	swait.ge [sflag:s11], $0x1900  }
0x11d: {  	[sflag:s11] =	ssyncset.done $0x0  }
0x11e: {  	[sflag:s11] =	ssyncadd.s32 $0xFFFFE700  }
0x11f: {  	[spmem:s2] =	stream.indirect.scatter.add.f32 [tilespmem:s18], [sflag:$0x3], $0x50, s16, s17, $0xb8;
	[tilespmem:$0x1C840] =	vst v63  }
0x120: {  	_ =	swait.ge [sflag:s14], $0x1900  }
0x121: {  	[sflag:s14] =	ssyncset.done $0x0  }
0x122: {  	[sflag:s14] =	ssyncadd.s32 $0xFFFFE700  }
0x123: {  	_ =	swait.ge [sflag:s11], $0x1900  }
0x124: {  	[sflag:s11] =	ssyncset.done $0x0  }
0x125: {  	s23 =	simm.s32 $0xCB70;
	[sflag:s11] =	ssyncadd.s32 $0xFFFFE700  }
0x126: {  	[spmem:s2] =	stream.indirect.scatter.add.f32 [tilespmem:s20], [sflag:$0x3], $0x50, s23, s17, $0xb8;
	[tilespmem:$0x1C840] =	vst v63  }
0x127: {  	_ =	swait.ge [sflag:s14], $0x1900  }
0x128: {  	[sflag:s14] =	ssyncset.done $0x0  }
0x129: {  	[sflag:s14] =	ssyncadd.s32 $0xFFFFE700  }
0x12a: {  	_ =	swait.ge [sflag:s11], $0x1900  }
0x12b: {  	[sflag:s11] =	ssyncset.done $0x0  }
0x12c: {  	s25 =	simm.s32 $0xCBC0;
	[sflag:s11] =	ssyncadd.s32 $0xFFFFE700  }
0x12d: {  	[spmem:s2] =	stream.indirect.scatter.add.f32 [tilespmem:s22], [sflag:$0x3], $0x50, s25, s17, $0xb8;
	[tilespmem:$0x1C840] =	vst v63  }
0x12e: {  	_ =	swait.ge [sflag:s14], $0x1900  }
0x12f: {  	[sflag:s14] =	ssyncset.done $0x0  }
0x130: {  	[sflag:s14] =	ssyncadd.s32 $0xFFFFE700  }
0x131: {  	_ =	swait.ge [sflag:s11], $0x1900  }
0x132: {  	[sflag:s11] =	ssyncset.done $0x0  }
0x133: {  	s6 =	simm.s32 $0xCC10;
	[sflag:s11] =	ssyncadd.s32 $0xFFFFE700  }
0x134: {  	[spmem:s2] =	stream.indirect.scatter.add.f32 [tilespmem:s24], [sflag:$0x3], $0x50, s6, s17, $0xb8;
	[tilespmem:$0x1C840] =	vst v63  }
0x135: {  	_ =	swait.ge [sflag:s14], $0x1900  }
0x136: {  	[sflag:s14] =	ssyncset.done $0x0  }
0x137: {  	[sflag:s14] =	ssyncadd.s32 $0xFFFFE700  }
0x138: {  	_ =	swait.ge [sflag:s11], $0x1900  }
0x139: {  	[sflag:s11] =	ssyncset.done $0x0  }
0x13a: {  	s7 =	simm.s32 $0xCC60;
	[sflag:s11] =	ssyncadd.s32 $0xFFFFE700  }
0x13b: {  	[spmem:s2] =	stream.indirect.scatter.add.f32 [tilespmem:s26], [sflag:$0x3], $0x50, s7, s17, $0xb8;
	[tilespmem:$0x1C840] =	vst v63  }
0x13c: {  	_ =	swait.ge [sflag:s14], $0x1900  }
0x13d: {  	[sflag:s14] =	ssyncset.done $0x0  }
0x13e: {  	[sflag:s14] =	ssyncadd.s32 $0xFFFFE700  }
0x13f: {  	_ =	swait.ge [sflag:s21], $0x1900  }
0x140: {  	[sflag:s21] =	ssyncset.done $0x0  }
0x141: {  	[sflag:s21] =	ssyncadd.s32 $0xFFFFE700  }
0x142: {  	[spmem:s2] =	stream.indirect.scatter.add.f32 [tilespmem:s30], [sflag:$0x3], $0x50, s29, s17, $0xb8;
	[tilespmem:$0x1C840] =	vst v63  }
0x143: {  	_ =	swait.ge [sflag:s14], $0x1900  }
0x144: {  	[sflag:s14] =	ssyncset.done $0x0  }
0x145: {  	[sflag:s14] =	ssyncadd.s32 $0xFFFFE700  }
0x146: {  	_ =	swait.ge [sflag:s21], $0x1900  }
0x147: {  	[sflag:s21] =	ssyncset.done $0x0  }
0x148: {  	s9 =	simm.s32 $0xCD00;
	[sflag:s21] =	ssyncadd.s32 $0xFFFFE700  }
0x149: {  	[spmem:s2] =	stream.indirect.scatter.add.f32 [tilespmem:s0], [sflag:$0x3], $0x50, s9, s17, $0xb8;
	[tilespmem:$0x1C840] =	vst v63  }
0x14a: {  	_ =	swait.ge [sflag:s14], $0x1900  }
0x14b: {  	[sflag:s14] =	ssyncset.done $0x0  }
0x14c: {  	[sflag:s14] =	ssyncadd.s32 $0xFFFFE700  }
0x14d: {  	_ =	swait.ge [sflag:s21], $0x1900  }
0x14e: {  	[sflag:s21] =	ssyncset.done $0x0  }
0x14f: {  	s12 =	simm.s32 $0xCD50;
	[sflag:s21] =	ssyncadd.s32 $0xFFFFE700  }
0x150: {  	[spmem:s2] =	stream.indirect.scatter.add.f32 [tilespmem:s5], [sflag:$0x3], $0x50, s12, s17, $0xb8;
	[tilespmem:$0x1C840] =	vst v63  }
0x151: {  	_ =	swait.ge [sflag:s14], $0x1900  }
0x152: {  	[sflag:s14] =	ssyncset.done $0x0  }
0x153: {  	[sflag:s14] =	ssyncadd.s32 $0xFFFFE700  }
0x154: {  	_ =	swait.ge [sflag:s21], $0x1900  }
0x155: {  	[sflag:s21] =	ssyncset.done $0x0  }
0x156: {  	s13 =	simm.s32 $0xCDA0;
	[sflag:s21] =	ssyncadd.s32 $0xFFFFE700  }
0x157: {  	[spmem:s2] =	stream.indirect.scatter.add.f32 [tilespmem:s8], [sflag:$0x3], $0x50, s13, s17, $0xb8;
	[tilespmem:$0x1C840] =	vst v63  }
0x158: {  	_ =	swait.ge [sflag:s14], $0x1900  }
0x159: {  	[sflag:s14] =	ssyncset.done $0x0  }
0x15a: {  	[sflag:s14] =	ssyncadd.s32 $0xFFFFE700  }
0x15b: {  	_ =	swait.ge [sflag:s21], $0x1900  }
0x15c: {  	[sflag:s21] =	ssyncset.done $0x0  }
0x15d: {  	s19 =	simm.s32 $0xCDF0;
	[sflag:s21] =	ssyncadd.s32 $0xFFFFE700  }
0x15e: {  	[spmem:s2] =	stream.indirect.scatter.add.f32 [tilespmem:s10], [sflag:$0x3], $0x50, s19, s17, $0xb8;
	[tilespmem:$0x1C840] =	vst v63  }
0x15f: {  	_ =	swait.ge [sflag:s14], $0x1900  }
0x160: {  	[sflag:s14] =	ssyncset.done $0x0  }
0x161: {  	[sflag:s14] =	ssyncadd.s32 $0xFFFFE700  }
0x162: {  	[bflag:$0x0] =	sbarrier.arrive $0xFFFF  }
0x163: {  	s12 =	rddreg [dreg:$0x6]  }
0x164: {  	s6 =	rddreg [dreg:$0xb]  }
0x165: {  	s7 =	rddreg [dreg:$0xd]  }
0x166: {  	[hbm:s6], [sflag:s12] =	dma.local [spmem:s7], $0x1900  }
0x167: {  	_ =	swait.ge [sflag:s14], $0x1900  }
0x168: {  	s23 =	rddreg [dreg:$0xe]  }
0x169: {  	s25 =	rddreg [dreg:$0xc];
	s1 =	sadd.s32 $0x1, s23  }
0x16a: {  	p0 =	sne.s32 s1, s25  }
.Ltmp1:
0x16b: {  	_ = 	snop;
	(pc) =	sbr.rel @p0 .LBB2_1-.Ltmp1, $4  }
0x16c: {  	s31 =	simm.s32 $0xCA80  }
0x16d: {  	s9 =	simm.s32 $0xC850;
	s13 =	simm.s32 $0xC8A0;
	[sflag:s14] =	ssyncset.done $0x0  }
0x16e: {  	s19 =	simm.s32 $0xC8F0;
	[sflag:s14] =	ssyncadd.s32 $0xFFFFE700;
	s23 =	simm.s32 $0xC940  }
0x16f: {  	[dreg:$0xe] =	wrdreg s1;
	s25 =	simm.s32 $0xC9E0;
	s1 =	simm.s32 $0xCA30  }
0x170: {  	_ =	sfence.sel $0x180000  }
0x171: {  	[bflag:$0x0] =	sbarrier.arrive $0xFFFF  }
0x172: {  	_ =	strace $0x90000047  }
0x173: {  	s0 =	stileid.u32;
	[bflag:$0x2] =	sbarrier.arrive $0xFFFF  }
0x174: {  	p0 =	sne.s32 s0, $0x0;
	s0 =	rddreg [dreg:$0x2]  }
0x175: {  	s0 =	sadd.s32 @!p0 $0x100000, s0  }
0x176: {  	[sflag:s0] =	ssyncadd.tile.s32 @!p0 $0x1;
	_ =	shalt  }
.Lfunc_end2:
_tile_overlayer_lowered:
.L_overlay_start_2:
0x177: {  	(tag) =	ssettag $0x2  }
0x178: {  	s0 =	rddreg [dreg:$0x0];
	s2 =	stileid.u32  }
0x179: {  	s1 =	rddreg [dreg:$0x1];
	p0 =	sne.s32 s2, $0x0  }
0x17a: {  	s3 =	rddreg [dreg:$0x2];
	[bflag:$0x3] =	sbarrier.arrive $0xFFFF;
	s2 =	simm.s32 @!p0 $0x1C03  }
0x17b: {  	[timem:s3], [sflag:s2] =	dma.local @!p0 [hbm:s0], s1  }
0x17c: {  	s0 =	simm.s32 @!p0 $0x3  }
0x17d: {  	_ =	swait.ge @!p0 [sflag:s0], s1  }
0x17e: {  	s1 =	ssub.s32 @!p0 $0x0, s1;
	[sflag:s0] =	ssyncset.done @!p0 $0x0  }
0x17f: {  	[sflag:s0] =	ssyncadd.s32 @!p0 s1  }
0x180: {  	[bflag:$0x3] =	sbarrier.arrive $0xFFFF  }
0x181: {  	_ =	shalt  }

</sc_bundles>
